<compile_context>
chip_gen: v7x
topology: tpu7x:2x2x1
jax: 0.10.2.dev20260603
libtpu: 0.0.44.dev20260713+nightly
codegen_flags: <defaults>
</compile_context>

<pallas_src>
import jax
import jax.numpy as jnp
from jax import lax
from jax.experimental import pallas as pl
from jax.experimental.pallas import tpu as pltpu
from jax.experimental.pallas import tpu_sc as plsc

N = 10000
K = 4
E = 320000
ITERS = 10
NS = 16
NPT = 640
N2 = NS * NPT
CH = 2048
LANES = 16

_LOG_C = (0.9999942730825785, -0.4998385694205269, 0.33154865896808255,
          -0.2398262845376411, 0.16582295421804527, -0.09325222046757188,
          0.03484979586898768, -0.006151485803420071)
_LN2 = 0.6931471805599453


def _log_onep(y):
    bits = lax.bitcast_convert_type(y, jnp.int32)
    e = (bits >> 23) - 127
    m = lax.bitcast_convert_type(
        jnp.bitwise_or(jnp.bitwise_and(bits, 0x007FFFFF), 0x3F800000),
        jnp.float32)
    r = m - 1.0
    p = jnp.float32(_LOG_C[7])
    for c in _LOG_C[6::-1]:
        p = p * r + jnp.float32(c)
    p = p * r
    return e.astype(jnp.float32) * jnp.float32(_LN2) + p


def _take(v, idx):
    return jnp.take_along_axis(v, idx, axis=0)


def _body(src_h, dst_h, w_h, b0_h, est_h, een_h, beta_h,
          sp_out, q_out, spart, sred,
          b_loc, src_c, dst_c, w_c, agg, deg,
          est_v, een_v, beta_vr, tmp16, part):
    wid = lax.axis_index("s")
    iota = lax.iota(jnp.int32, LANES)
    zeros16 = jnp.zeros((LANES,), jnp.float32)

    pltpu.sync_copy(est_h, est_v)
    pltpu.sync_copy(een_h, een_v)
    pltpu.sync_copy(beta_h, beta_vr)
    pltpu.sync_copy(b0_h, b_loc)
    beta = beta_vr[...]
    lo_e = est_v[pl.ds(wid, LANES)][0]
    hi_e = een_v[pl.ds(wid, LANES)][0]
    lo_n = wid * NPT
    c_lo = lo_e >> 11
    c_hi = (hi_e + (CH - 1)) >> 11

    def edge_sweep(need_src, win_fn, carry0):
        def chunk_body(c, carry):
            cbase = c * CH
            if need_src:
                pltpu.sync_copy(src_h.at[pl.ds(cbase, CH)], src_c)
            pltpu.sync_copy(dst_h.at[pl.ds(cbase, CH)], dst_c)
            pltpu.sync_copy(w_h.at[pl.ds(cbase, CH)], w_c)
            wlo = (jnp.maximum(lo_e, cbase) - cbase) >> 4
            whi = (jnp.minimum(hi_e, cbase + CH) - cbase + (LANES - 1)) >> 4

            def win_body(wi, carry):
                base = wi * LANES
                dvec = dst_c[pl.ds(base, LANES)]
                wvec = w_c[pl.ds(base, LANES)]
                eid = cbase + base + iota
                valid = (eid >= lo_e) & (eid < hi_e)
                return win_fn(base, dvec, wvec, valid, carry)

            return lax.fori_loop(wlo, whi, win_body, carry)

        return lax.fori_loop(c_lo, c_hi, chunk_body, carry0)

    def seg_parts(dvec):
        dprev = _take(dvec, jnp.maximum(iota - 1, 0))
        bm = (iota == 0) | (dvec != dprev)
        lastb_f = plsc.cummax(jnp.where(bm, iota.astype(jnp.float32), 0.0))
        dnext = _take(dvec, jnp.minimum(iota + 1, LANES - 1))
        endm = (iota == LANES - 1) | (dvec != dnext)
        lastb = lastb_f.astype(jnp.int32)
        previ = jnp.maximum(lastb - 1, 0)
        has_prev = lastb > 0
        return previ, has_prev, endm

    def seg_sum(vals, previ, has_prev):
        cs = plsc.cumsum(vals)
        cprev = _take(cs, previ)
        return cs - jnp.where(has_prev, cprev, 0.0)

    def zero_deg(j, _):
        deg[pl.ds(j * LANES, LANES)] = zeros16
        return 0

    lax.fori_loop(0, NPT // LANES, zero_deg, jnp.int32(0))

    def deg_win(base, dvec, wvec, valid, acc):
        val = jnp.where(valid, wvec, 0.0)
        previ, has_prev, endm = seg_parts(dvec)
        seg = seg_sum(val, previ, has_prev)
        wm = endm & valid
        drel = jnp.where(wm, dvec - lo_n, 0)
        plsc.addupdate_scatter(deg, [drel], seg, mask=wm)
        return acc + val

    acc2m = edge_sweep(False, deg_win, zeros16)
    tmp16[...] = acc2m
    pltpu.sync_copy(tmp16, sred.at[wid])
    plsc.subcore_barrier()
    pltpu.sync_copy(sred, part)
    tot = zeros16
    for j in range(NS):
        tot = tot + part[j]
    two_m = jnp.full((LANES,), jnp.sum(tot), jnp.float32)
    inv2m = 1.0 / two_m
    nbeta_inv = -beta * inv2m

    def iter_body(it, _):
        def pf_body(j, pf):
            dv = deg[pl.ds(j * LANES, LANES)]
            return tuple(
                pf[k] + dv * b_loc[pl.ds(k * N2 + lo_n + j * LANES, LANES)]
                for k in range(K))

        pf = lax.fori_loop(0, NPT // LANES, pf_body, (zeros16,) * K)
        fv = zeros16
        for k in range(K):
            fv = jnp.where(iota == k,
                           jnp.full((LANES,), jnp.sum(pf[k]), jnp.float32), fv)
        tmp16[...] = fv
        pltpu.sync_copy(tmp16, spart.at[wid])

        def zero_agg(j, _):
            for k in range(K):
                agg[pl.ds(k * NPT + j * LANES, LANES)] = zeros16
            return 0

        lax.fori_loop(0, NPT // LANES, zero_agg, jnp.int32(0))

        def msg_win(base, dvec, wvec, valid, carry):
            srcv = src_c[pl.ds(base, LANES)]
            ew = jnp.exp(beta * wvec) - 1.0
            previ, has_prev, endm = seg_parts(dvec)
            wm = endm & valid
            drel = jnp.where(wm, dvec - lo_n, 0)
            for k in range(K):
                bs = plsc.load_gather(b_loc, [srcv + (k * N2)])
                msg = _log_onep(1.0 + ew * bs)
                msg = jnp.where(valid, msg, 0.0)
                seg = seg_sum(msg, previ, has_prev)
                plsc.addupdate_scatter(agg, [drel + (k * NPT)], seg, mask=wm)
            return carry

        edge_sweep(True, msg_win, jnp.int32(0))
        plsc.subcore_barrier()

        pltpu.sync_copy(spart, part)
        ptot = zeros16
        for j in range(NS):
            ptot = ptot + part[j]
        fieldk = []
        for k in range(K):
            fk = jnp.full((LANES,), jnp.sum(jnp.where(iota == k, ptot, 0.0)),
                          jnp.float32)
            fieldk.append(nbeta_inv * fk)

        def node_body(j, _):
            dv = deg[pl.ds(j * LANES, LANES)]
            ls = [agg[pl.ds(k * NPT + j * LANES, LANES)] + dv * fieldk[k]
                  for k in range(K)]
            mx = jnp.maximum(jnp.maximum(ls[0], ls[1]),
                             jnp.maximum(ls[2], ls[3]))
            es = [jnp.exp(l - mx) for l in ls]
            inv = 1.0 / ((es[0] + es[1]) + (es[2] + es[3]))
            for k in range(K):
                bo = b_loc[pl.ds(k * N2 + lo_n + j * LANES, LANES)]
                agg[pl.ds(k * NPT + j * LANES, LANES)] = (
                    0.5 * bo + 0.5 * es[k] * inv)
            return 0

        lax.fori_loop(0, NPT // LANES, node_body, jnp.int32(0))

        for k in range(K):
            pltpu.sync_copy(agg.at[pl.ds(k * NPT, NPT)],
                            sp_out.at[pl.ds(k * N2 + lo_n, NPT)])
        plsc.subcore_barrier()
        pltpu.sync_copy(sp_out, b_loc)
        return 0

    lax.fori_loop(0, ITERS, iter_body, jnp.int32(0))

    def q_win(base, dvec, wvec, valid, acc):
        srcv = src_c[pl.ds(base, LANES)]
        dot = zeros16
        for k in range(K):
            ss = plsc.load_gather(b_loc, [srcv + (k * N2)])
            sd = plsc.load_gather(b_loc, [dvec + (k * N2)])
            dot = dot + ss * sd
        return acc + jnp.where(valid, wvec * dot, 0.0)

    qacc = edge_sweep(True, q_win, zeros16)

    def cd_body(j, pf):
        dv = deg[pl.ds(j * LANES, LANES)]
        return tuple(
            pf[k] + dv * b_loc[pl.ds(k * N2 + lo_n + j * LANES, LANES)]
            for k in range(K))

    cds = lax.fori_loop(0, NPT // LANES, cd_body, (zeros16,) * K)
    row = jnp.where(iota == 0,
                    jnp.full((LANES,), jnp.sum(qacc), jnp.float32), zeros16)
    for k in range(K):
        row = jnp.where(iota == k + 1,
                        jnp.full((LANES,), jnp.sum(cds[k]), jnp.float32), row)
    tmp16[...] = row
    pltpu.sync_copy(tmp16, sred.at[wid])
    plsc.subcore_barrier()

    @pl.when(wid == 0)
    def _():
        pltpu.sync_copy(sred, part)
        t2 = zeros16
        for j in range(NS):
            t2 = t2 + part[j]
        qe = jnp.full((LANES,), jnp.sum(jnp.where(iota == 0, t2, 0.0)),
                      jnp.float32)
        qv = qe * inv2m
        for k in range(K):
            cdk = jnp.full((LANES,),
                           jnp.sum(jnp.where(iota == k + 1, t2, 0.0)),
                           jnp.float32) * inv2m
            qv = qv - cdk * cdk
        tmp16[...] = qv
        pltpu.sync_copy(tmp16, q_out)


def kernel(x, edge_index, edge_attr, beta):
    del x
    src = edge_index[0]
    dst = edge_index[1]
    w = edge_attr[:, 0].astype(jnp.float32)
    order = jnp.argsort(dst)
    srcs = src[order].astype(jnp.int32)
    dsts = dst[order].astype(jnp.int32)
    ws = w[order]
    ep = ((E + CH - 1) // CH) * CH
    pad = ep - E
    srcs = jnp.concatenate([srcs, jnp.zeros((pad,), jnp.int32)])
    dsts = jnp.concatenate([dsts, jnp.full((pad,), N2 - 1, jnp.int32)])
    ws = jnp.concatenate([ws, jnp.zeros((pad,), jnp.float32)])
    bnd = jnp.searchsorted(
        dsts, (jnp.arange(17, dtype=jnp.int32) * NPT).astype(jnp.int32)
    ).astype(jnp.int32)
    est = jnp.zeros((2 * LANES,), jnp.int32).at[:16].set(bnd[:16])
    een = jnp.zeros((2 * LANES,), jnp.int32).at[:16].set(bnd[1:])

    init_logits = 0.1 * jnp.sin(
        jnp.arange(N * K, dtype=jnp.float32).reshape(N, K) * 0.37)
    b0 = jax.nn.softmax(init_logits, axis=-1)
    b0p = jnp.full((K, N2), 0.25, jnp.float32).at[:, :N].set(b0.T).reshape(-1)
    beta_v = jnp.full((LANES,), beta, jnp.float32)

    mesh = plsc.VectorSubcoreMesh(
        core_axis_name="c", subcore_axis_name="s", num_cores=1)
    f = pl.kernel(
        _body,
        out_type=[jax.ShapeDtypeStruct((K * N2,), jnp.float32),
                  jax.ShapeDtypeStruct((LANES,), jnp.float32),
                  jax.ShapeDtypeStruct((NS, LANES), jnp.float32),
                  jax.ShapeDtypeStruct((NS, LANES), jnp.float32)],
        mesh=mesh,
        compiler_params=pltpu.CompilerParams(needs_layout_passes=False),
        scratch_types=[
            pltpu.VMEM((K * N2,), jnp.float32),
            pltpu.VMEM((CH,), jnp.int32),
            pltpu.VMEM((CH,), jnp.int32),
            pltpu.VMEM((CH,), jnp.float32),
            pltpu.VMEM((K * NPT,), jnp.float32),
            pltpu.VMEM((NPT,), jnp.float32),
            pltpu.VMEM((2 * LANES,), jnp.int32),
            pltpu.VMEM((2 * LANES,), jnp.int32),
            pltpu.VMEM((LANES,), jnp.float32),
            pltpu.VMEM((LANES,), jnp.float32),
            pltpu.VMEM((NS, LANES), jnp.float32),
        ],
    )
    sp, qv, _, _ = f(srcs, dsts, ws, b0p, est, een, beta_v)
    s = sp.reshape(K, N2)[:, :N].T
    return (s, qv[0])

# --- scband reference (transcript-rebuilt; emitter-appended) ---
"""Pipeline reference for scband-cd-bp-net-21663815041317 (READ-ONLY COPY).

The authoritative reference and input builder live on the scoring server;
editing this copy changes nothing except your own understanding.
"""

import jax, jax.numpy as jnp
import numpy as np

N = 10000
E = 320000
K = 4
MAX_NUM_ITER = 10


def setup_inputs(seed: int = 0) -> dict:
    key = jax.random.key(seed)
    k1, k2, k3 = jax.random.split(key, 3)
    x = jax.random.normal(k1, (N, 128), dtype=jnp.float32)
    edge_index = jax.random.randint(k2, (2, E), 0, N, dtype=jnp.int32)
    edge_attr = jax.random.uniform(k3, (E, 1), dtype=jnp.float32)
    # learned parameter of BeliefPropagation (inverse temperature)
    beta = jnp.float32(1.2)
    return {"x": x, "edge_index": edge_index, "edge_attr": edge_attr, "beta": beta}


def _bp_and_modularity(edge_index, edge_attr, beta):
    src = edge_index[0]
    dst = edge_index[1]
    w = edge_attr[:, 0]
    two_m = jnp.sum(w)
    deg = jax.ops.segment_sum(w, dst, num_segments=N)
    # deterministic symmetry-breaking init of beliefs
    init_logits = 0.1 * jnp.sin(jnp.arange(N * K, dtype=jnp.float32).reshape(N, K) * 0.37)
    b = jax.nn.softmax(init_logits, axis=-1)
    ew = jnp.exp(beta * w) - 1.0  # [E]
    for _ in range(MAX_NUM_ITER):
        # external field (modularity null-model term)
        field = -beta * jnp.sum(deg[:, None] * b, axis=0) / two_m  # [K]
        # edge messages: log(1 + (e^{beta w}-1) * b_src)
        msg = jnp.log1p(ew[:, None] * b[src])  # [E, K]
        agg = jax.ops.segment_sum(msg, dst, num_segments=N)  # [N, K]
        logits = agg + deg[:, None] * field[None, :]
        b_new = jax.nn.softmax(logits, axis=-1)
        # damping in lieu of bp_max_diff-controlled updates
        b = 0.5 * b + 0.5 * b_new
    s = b
    # real_modularity(s, edge_index, edge_attr)
    q_edges = jnp.sum(w * jnp.sum(s[src] * s[dst], axis=-1)) / two_m
    comm_deg = jnp.sum(deg[:, None] * s, axis=0) / two_m
    q = q_edges - jnp.sum(comm_deg ** 2)
    return s, q


def reference(x, edge_index, edge_attr, beta):
    # x is carried in the batch but the BP layer only consumes edge_index,
    # num_nodes and edge_attr (faithful to CD_BP_Net.forward)
    s, q = _bp_and_modularity(edge_index, edge_attr, beta)
    return (s, q)

if __name__ == "__main__":
    import jax
    _d = setup_inputs()
    print(jax.jit(kernel)(*tuple(_d.values())))

</pallas_src>

<mosaic_0001>
#map = affine_map<(d0, d1) -> (0)>
#map1 = affine_map<(d0, d1) -> (0, 0)>
module attributes {stable_mosaic.version = 14 : i64} {
  func.func @_body(%arg0: i32, %arg1: i32, %arg2: memref<321536xi32, #tpu.memory_space<hbm>>, %arg3: memref<321536xi32, #tpu.memory_space<hbm>>, %arg4: memref<321536xf32, #tpu.memory_space<hbm>>, %arg5: memref<40960xf32, #tpu.memory_space<hbm>>, %arg6: memref<32xi32, #tpu.memory_space<hbm>>, %arg7: memref<32xi32, #tpu.memory_space<hbm>>, %arg8: memref<16xf32, #tpu.memory_space<hbm>>, %arg9: memref<40960xf32, #tpu.memory_space<hbm>>, %arg10: memref<16xf32, #tpu.memory_space<hbm>>, %arg11: memref<16x16xf32, #tpu.memory_space<hbm>>, %arg12: memref<16x16xf32, #tpu.memory_space<hbm>>, %arg13: memref<40960xf32, #tpu.memory_space<vmem>>, %arg14: memref<2048xi32, #tpu.memory_space<vmem>>, %arg15: memref<2048xi32, #tpu.memory_space<vmem>>, %arg16: memref<2048xf32, #tpu.memory_space<vmem>>, %arg17: memref<2560xf32, #tpu.memory_space<vmem>>, %arg18: memref<640xf32, #tpu.memory_space<vmem>>, %arg19: memref<32xi32, #tpu.memory_space<vmem>>, %arg20: memref<32xi32, #tpu.memory_space<vmem>>, %arg21: memref<16xf32, #tpu.memory_space<vmem>>, %arg22: memref<16xf32, #tpu.memory_space<vmem>>, %arg23: memref<16x16xf32, #tpu.memory_space<vmem>>) attributes {dimension_semantics = [#tpu.dimension_semantics<core_parallel>, #tpu.dimension_semantics<subcore_parallel>], iteration_bounds = array<i64: 1, 16>, scalar_prefetch = 0 : i64, scratch_operands = 11 : i64, tpu.core_type = #tpu.core_type<sc_vector_subcore>, window_params = [{transform_indices = #map}, {transform_indices = #map}, {transform_indices = #map}, {transform_indices = #map}, {transform_indices = #map}, {transform_indices = #map}, {transform_indices = #map}, {transform_indices = #map}, {transform_indices = #map}, {transform_indices = #map1}, {transform_indices = #map1}]} {
    %iota3A = tpu.iota {dimensions = array<i32: 0>} : vector<16xi32>
    %broadcast_in_dim3A = arith.constant 0.000000e+00 : f32
    %broadcast_in_dim3A_0 = vector.broadcast %broadcast_in_dim3A : f32 to vector<16xf32>
    "tpu.region"() ({
      %run_scoped3A = tpu.sem_alloc : memref<!tpu.dma_semaphore, #tpu.memory_space<semaphore_mem>>
      tpu.enqueue_dma source(%arg6 : memref<32xi32, #tpu.memory_space<hbm>>) target(%arg19 : memref<32xi32, #tpu.memory_space<vmem>>) target_semaphore(%run_scoped3A : memref<!tpu.dma_semaphore, #tpu.memory_space<semaphore_mem>>)
      tpu.wait_dma2 semaphore(%run_scoped3A : memref<!tpu.dma_semaphore, #tpu.memory_space<semaphore_mem>>) src(%arg6 : memref<32xi32, #tpu.memory_space<hbm>>) dst(%arg19 : memref<32xi32, #tpu.memory_space<vmem>>)
      tpu.yield
    }) : () -> ()
    "tpu.region"() ({
      %run_scoped3A = tpu.sem_alloc : memref<!tpu.dma_semaphore, #tpu.memory_space<semaphore_mem>>
      tpu.enqueue_dma source(%arg7 : memref<32xi32, #tpu.memory_space<hbm>>) target(%arg20 : memref<32xi32, #tpu.memory_space<vmem>>) target_semaphore(%run_scoped3A : memref<!tpu.dma_semaphore, #tpu.memory_space<semaphore_mem>>)
      tpu.wait_dma2 semaphore(%run_scoped3A : memref<!tpu.dma_semaphore, #tpu.memory_space<semaphore_mem>>) src(%arg7 : memref<32xi32, #tpu.memory_space<hbm>>) dst(%arg20 : memref<32xi32, #tpu.memory_space<vmem>>)
      tpu.yield
    }) : () -> ()
    "tpu.region"() ({
      %run_scoped3A = tpu.sem_alloc : memref<!tpu.dma_semaphore, #tpu.memory_space<semaphore_mem>>
      tpu.enqueue_dma source(%arg8 : memref<16xf32, #tpu.memory_space<hbm>>) target(%arg21 : memref<16xf32, #tpu.memory_space<vmem>>) target_semaphore(%run_scoped3A : memref<!tpu.dma_semaphore, #tpu.memory_space<semaphore_mem>>)
      tpu.wait_dma2 semaphore(%run_scoped3A : memref<!tpu.dma_semaphore, #tpu.memory_space<semaphore_mem>>) src(%arg8 : memref<16xf32, #tpu.memory_space<hbm>>) dst(%arg21 : memref<16xf32, #tpu.memory_space<vmem>>)
      tpu.yield
    }) : () -> ()
    "tpu.region"() ({
      %run_scoped3A = tpu.sem_alloc : memref<!tpu.dma_semaphore, #tpu.memory_space<semaphore_mem>>
      tpu.enqueue_dma source(%arg5 : memref<40960xf32, #tpu.memory_space<hbm>>) target(%arg13 : memref<40960xf32, #tpu.memory_space<vmem>>) target_semaphore(%run_scoped3A : memref<!tpu.dma_semaphore, #tpu.memory_space<semaphore_mem>>)
      tpu.wait_dma2 semaphore(%run_scoped3A : memref<!tpu.dma_semaphore, #tpu.memory_space<semaphore_mem>>) src(%arg5 : memref<40960xf32, #tpu.memory_space<hbm>>) dst(%arg13 : memref<40960xf32, #tpu.memory_space<vmem>>)
      tpu.yield
    }) : () -> ()
    %get3A = arith.constant 0 : index
    %get3A_1 = tpu.vector_load %arg21[%get3A] {strides = array<i32>} : memref<16xf32, #tpu.memory_space<vmem>>, vector<16xf32>,
    %get3A_2 = arith.index_cast %arg1 : i32 to index
    %get3A_3 = tpu.vector_load %arg19[%get3A_2] {strides = array<i32>} : memref<32xi32, #tpu.memory_space<vmem>>, vector<16xi32>,
    %slice3A = vector.extract_strided_slice %get3A_3 {offsets = [0], sizes = [1], strides = [1]} : vector<16xi32> to vector<1xi32>
    %squeeze3A = vector.extract %slice3A[0] : i32 from vector<1xi32>
    %get3A_4 = arith.index_cast %arg1 : i32 to index
    %get3A_5 = tpu.vector_load %arg20[%get3A_4] {strides = array<i32>} : memref<32xi32, #tpu.memory_space<vmem>>, vector<16xi32>,
    %slice3A_6 = vector.extract_strided_slice %get3A_5 {offsets = [0], sizes = [1], strides = [1]} : vector<16xi32> to vector<1xi32>
    %squeeze3A_7 = vector.extract %slice3A_6[0] : i32 from vector<1xi32>
    %mul3A = arith.constant 640 : i32
    %mul3A_8 = arith.muli %arg1, %mul3A : i32
    %shift_right_arithmetic3A = arith.constant 11 : i32
    %shift_right_arithmetic3A_9 = arith.shrsi %squeeze3A, %shift_right_arithmetic3A : i32
    %add3A = arith.constant 2047 : i32
    %add3A_10 = arith.addi %squeeze3A_7, %add3A : i32
    %shift_right_arithmetic3A_11 = arith.constant 11 : i32
    %shift_right_arithmetic3A_12 = arith.shrsi %add3A_10, %shift_right_arithmetic3A_11 : i32
    %scan3A = arith.constant 0 : i32
    %scan3A_13 = arith.constant 0 : i32
    %scan3A_14 = arith.constant 40 : i32
    %scan3A_15 = arith.addi %scan3A_13, %scan3A_14 : i32
    %scan3A_16 = arith.constant 1 : i32
    %scan3A_17 = scf.for %scan3A_190 = %scan3A_13 to %scan3A_15 step %scan3A_16 iter_args(%scan3A_191 = %scan3A) -> (i32)  : i32 {
      %mul3A_192 = arith.constant 16 : i32
      %mul3A_193 = arith.muli %scan3A_190, %mul3A_192 : i32
      %swap3A_194 = arith.index_cast %mul3A_193 : i32 to index
      %swap3A_195 = tpu.vector_load %arg18[%swap3A_194] {strides = array<i32>} : memref<640xf32, #tpu.memory_space<vmem>>, vector<16xf32>,
      tpu.vector_store %arg18[%swap3A_194], %broadcast_in_dim3A_0 {strides = array<i32>} : memref<640xf32, #tpu.memory_space<vmem>>, vector<16xf32>,
      %scan3A_196 = arith.constant 0 : i32
      scf.yield %scan3A_196 : i32
    }
    %scan3A_18 = arith.constant 40 : i32
    %while3A = arith.subi %shift_right_arithmetic3A_12, %shift_right_arithmetic3A_9 : i32
    %while3A_19 = arith.addi %shift_right_arithmetic3A_9, %while3A : i32
    %while3A_20 = arith.constant 1 : i32
    %while3A_21 = arith.divsi %while3A, %while3A_20 : i32
    %while3A_22 = arith.muli %while3A_21, %while3A_20 : i32
    %while3A_23 = arith.addi %shift_right_arithmetic3A_9, %while3A_22 : i32
    %while3A_24 = arith.constant 1 : i32
    %while3A_25 = scf.for %while3A_190 = %shift_right_arithmetic3A_9 to %while3A_23 step %while3A_24 iter_args(%while3A_191 = %broadcast_in_dim3A_0) -> (vector<16xf32>)  : i32 {
      %mul3A_192 = arith.constant 2048 : i32
      %mul3A_193 = arith.muli %while3A_190, %mul3A_192 : i32
      "tpu.region"() ({
        %run_scoped3A = tpu.sem_alloc : memref<!tpu.dma_semaphore, #tpu.memory_space<semaphore_mem>>
        %dma_start3A = tpu.memref_slice %arg3[%mul3A_193] : memref<321536xi32, #tpu.memory_space<hbm>> -> memref<2048xi32, #tpu.memory_space<hbm>>
        %dma_start3A_213 = tpu.memref_slice %arg3[%mul3A_193] : memref<321536xi32, #tpu.memory_space<hbm>> -> memref<2048xi32, #tpu.memory_space<hbm>>
        tpu.enqueue_dma source(%dma_start3A_213 : memref<2048xi32, #tpu.memory_space<hbm>>) target(%arg15 : memref<2048xi32, #tpu.memory_space<vmem>>) target_semaphore(%run_scoped3A : memref<!tpu.dma_semaphore, #tpu.memory_space<semaphore_mem>>)
        %dma_wait3A = tpu.memref_slice %arg3[%mul3A_193] : memref<321536xi32, #tpu.memory_space<hbm>> -> memref<2048xi32, #tpu.memory_space<hbm>>
        %dma_wait3A_214 = tpu.memref_slice %arg3[%mul3A_193] : memref<321536xi32, #tpu.memory_space<hbm>> -> memref<2048xi32, #tpu.memory_space<hbm>>
        tpu.wait_dma2 semaphore(%run_scoped3A : memref<!tpu.dma_semaphore, #tpu.memory_space<semaphore_mem>>) src(%dma_wait3A_214 : memref<2048xi32, #tpu.memory_space<hbm>>) dst(%arg15 : memref<2048xi32, #tpu.memory_space<vmem>>)
        tpu.yield
      }) : () -> ()
      "tpu.region"() ({
        %run_scoped3A = tpu.sem_alloc : memref<!tpu.dma_semaphore, #tpu.memory_space<semaphore_mem>>
        %dma_start3A = tpu.memref_slice %arg4[%mul3A_193] : memref<321536xf32, #tpu.memory_space<hbm>> -> memref<2048xf32, #tpu.memory_space<hbm>>
        %dma_start3A_213 = tpu.memref_slice %arg4[%mul3A_193] : memref<321536xf32, #tpu.memory_space<hbm>> -> memref<2048xf32, #tpu.memory_space<hbm>>
        tpu.enqueue_dma source(%dma_start3A_213 : memref<2048xf32, #tpu.memory_space<hbm>>) target(%arg16 : memref<2048xf32, #tpu.memory_space<vmem>>) target_semaphore(%run_scoped3A : memref<!tpu.dma_semaphore, #tpu.memory_space<semaphore_mem>>)
        %dma_wait3A = tpu.memref_slice %arg4[%mul3A_193] : memref<321536xf32, #tpu.memory_space<hbm>> -> memref<2048xf32, #tpu.memory_space<hbm>>
        %dma_wait3A_214 = tpu.memref_slice %arg4[%mul3A_193] : memref<321536xf32, #tpu.memory_space<hbm>> -> memref<2048xf32, #tpu.memory_space<hbm>>
        tpu.wait_dma2 semaphore(%run_scoped3A : memref<!tpu.dma_semaphore, #tpu.memory_space<semaphore_mem>>) src(%dma_wait3A_214 : memref<2048xf32, #tpu.memory_space<hbm>>) dst(%arg16 : memref<2048xf32, #tpu.memory_space<vmem>>)
        tpu.yield
      }) : () -> ()
      %max3A = arith.maxsi %squeeze3A, %mul3A_193 : i32
      %sub3A = arith.subi %max3A, %mul3A_193 : i32
      %shift_right_arithmetic3A_194 = arith.constant 4 : i32
      %shift_right_arithmetic3A_195 = arith.shrsi %sub3A, %shift_right_arithmetic3A_194 : i32
      %add3A_196 = arith.constant 2048 : i32
      %add3A_197 = arith.addi %mul3A_193, %add3A_196 : i32
      %min3A = arith.minsi %squeeze3A_7, %add3A_197 : i32
      %sub3A_198 = arith.subi %min3A, %mul3A_193 : i32
      %add3A_199 = arith.constant 15 : i32
      %add3A_200 = arith.addi %sub3A_198, %add3A_199 : i32
      %shift_right_arithmetic3A_201 = arith.constant 4 : i32
      %shift_right_arithmetic3A_202 = arith.shrsi %add3A_200, %shift_right_arithmetic3A_201 : i32
      %while3A_203 = arith.subi %shift_right_arithmetic3A_202, %shift_right_arithmetic3A_195 : i32
      %while3A_204 = arith.addi %shift_right_arithmetic3A_195, %while3A_203 : i32
      %while3A_205 = arith.constant 1 : i32
      %while3A_206 = arith.divsi %while3A_203, %while3A_205 : i32
      %while3A_207 = arith.muli %while3A_206, %while3A_205 : i32
      %while3A_208 = arith.addi %shift_right_arithmetic3A_195, %while3A_207 : i32
      %while3A_209 = arith.constant 1 : i32
      %while3A_210 = scf.for %while3A_213 = %shift_right_arithmetic3A_195 to %while3A_208 step %while3A_209 iter_args(%while3A_214 = %while3A_191) -> (vector<16xf32>)  : i32 {
        %mul3A_215 = arith.constant 16 : i32
        %mul3A_216 = arith.muli %while3A_213, %mul3A_215 : i32
        %get3A_217 = arith.index_cast %mul3A_216 : i32 to index
        %get3A_218 = tpu.vector_load %arg15[%get3A_217] {strides = array<i32>} : memref<2048xi32, #tpu.memory_space<vmem>>, vector<16xi32>,
        %get3A_219 = arith.index_cast %mul3A_216 : i32 to index
        %get3A_220 = tpu.vector_load %arg16[%get3A_219] {strides = array<i32>} : memref<2048xf32, #tpu.memory_space<vmem>>, vector<16xf32>,
        %add3A_221 = arith.addi %mul3A_193, %mul3A_216 : i32
        %add3A_222 = vector.broadcast %add3A_221 : i32 to vector<16xi32>
        %add3A_223 = arith.addi %add3A_222, %iota3A : vector<16xi32>
        %ge3A = vector.broadcast %squeeze3A : i32 to vector<16xi32>
        %ge3A_224 = arith.cmpi sge, %add3A_223, %ge3A : vector<16xi32>
        %lt3A = vector.broadcast %squeeze3A_7 : i32 to vector<16xi32>
        %lt3A_225 = arith.cmpi slt, %add3A_223, %lt3A : vector<16xi32>
        %and3A = arith.andi %ge3A_224, %lt3A_225 : vector<16xi1>
        %jit3A = arith.constant 0.000000e+00 : f32
        %broadcast_in_dim3A_226 = vector.broadcast %jit3A : f32 to vector<16xf32>
        %select_n3A_227 = arith.select %and3A, %get3A_220, %broadcast_in_dim3A_226 : vector<16xi1>, vector<16xf32>
        %sub3A_228 = arith.constant 1 : i32
        %sub3A_229 = vector.broadcast %sub3A_228 : i32 to vector<16xi32>
        %sub3A_230 = arith.subi %iota3A, %sub3A_229 : vector<16xi32>
        %max3A_231 = arith.constant 0 : i32
        %max3A_232 = vector.broadcast %max3A_231 : i32 to vector<16xi32>
        %max3A_233 = arith.maxsi %sub3A_230, %max3A_232 : vector<16xi32>
        %lt3A_234 = arith.constant 0 : i32
        %lt3A_235 = vector.broadcast %lt3A_234 : i32 to vector<16xi32>
        %lt3A_236 = arith.cmpi slt, %max3A_233, %lt3A_235 : vector<16xi32>
        %add3A_237 = arith.constant 16 : i32
        %add3A_238 = vector.broadcast %add3A_237 : i32 to vector<16xi32>
        %add3A_239 = arith.addi %max3A_233, %add3A_238 : vector<16xi32>
        %select_n3A_240 = arith.select %lt3A_236, %add3A_239, %max3A_233 : vector<16xi1>, vector<16xi32>
        %reshape3A = vector.shape_cast %select_n3A_240 : vector<16xi32> to vector<16x1xi32>
        %gather3A = vector.shape_cast %reshape3A : vector<16x1xi32> to vector<16xi32>
        %gather3A_241 = tpu.dynamic_gather %get3A_218[%gather3A] in [0] : vector<16xi32>, vector<16xi32> -> vector<16xi32>
        %eq3A_242 = arith.constant 0 : i32
        %eq3A_243 = vector.broadcast %eq3A_242 : i32 to vector<16xi32>
        %eq3A_244 = arith.cmpi eq, %iota3A, %eq3A_243 : vector<16xi32>
        %ne3A = arith.cmpi ne, %get3A_218, %gather3A_241 : vector<16xi32>
        %or3A = arith.ori %eq3A_244, %ne3A : vector<16xi1>
        %convert_element_type3A_245 = arith.sitofp %iota3A : vector<16xi32> to vector<16xf32>
        %jit3A_246 = arith.constant 0.000000e+00 : f32
        %broadcast_in_dim3A_247 = vector.broadcast %jit3A_246 : f32 to vector<16xf32>
        %select_n3A_248 = arith.select %or3A, %convert_element_type3A_245, %broadcast_in_dim3A_247 : vector<16xi1>, vector<16xf32>
        %broadcast_in_dim3A_249 = arith.constant true
        %broadcast_in_dim3A_250 = vector.broadcast %broadcast_in_dim3A_249 : i1 to vector<16xi1>
        %masked_cummax3A = tpu.scan <max>, %select_n3A_248 masked %broadcast_in_dim3A_250 : vector<16xf32>, vector<16xi1> -> vector<16xf32>
        %add3A_251 = arith.constant 1 : i32
        %add3A_252 = vector.broadcast %add3A_251 : i32 to vector<16xi32>
        %add3A_253 = arith.addi %iota3A, %add3A_252 : vector<16xi32>
        %min3A_254 = arith.constant 15 : i32
        %min3A_255 = vector.broadcast %min3A_254 : i32 to vector<16xi32>
        %min3A_256 = arith.minsi %add3A_253, %min3A_255 : vector<16xi32>
        %lt3A_257 = arith.constant 0 : i32
        %lt3A_258 = vector.broadcast %lt3A_257 : i32 to vector<16xi32>
        %lt3A_259 = arith.cmpi slt, %min3A_256, %lt3A_258 : vector<16xi32>
        %add3A_260 = arith.constant 16 : i32
        %add3A_261 = vector.broadcast %add3A_260 : i32 to vector<16xi32>
        %add3A_262 = arith.addi %min3A_256, %add3A_261 : vector<16xi32>
        %select_n3A_263 = arith.select %lt3A_259, %add3A_262, %min3A_256 : vector<16xi1>, vector<16xi32>
        %reshape3A_264 = vector.shape_cast %select_n3A_263 : vector<16xi32> to vector<16x1xi32>
        %gather3A_265 = vector.shape_cast %reshape3A_264 : vector<16x1xi32> to vector<16xi32>
        %gather3A_266 = tpu.dynamic_gather %get3A_218[%gather3A_265] in [0] : vector<16xi32>, vector<16xi32> -> vector<16xi32>
        %eq3A_267 = arith.constant 15 : i32
        %eq3A_268 = vector.broadcast %eq3A_267 : i32 to vector<16xi32>
        %eq3A_269 = arith.cmpi eq, %iota3A, %eq3A_268 : vector<16xi32>
        %ne3A_270 = arith.cmpi ne, %get3A_218, %gather3A_266 : vector<16xi32>
        %or3A_271 = arith.ori %eq3A_269, %ne3A_270 : vector<16xi1>
        %convert_element_type3A_272 = arith.fptosi %masked_cummax3A : vector<16xf32> to vector<16xi32>
        %sub3A_273 = arith.constant 1 : i32
        %sub3A_274 = vector.broadcast %sub3A_273 : i32 to vector<16xi32>
        %sub3A_275 = arith.subi %convert_element_type3A_272, %sub3A_274 : vector<16xi32>
        %max3A_276 = arith.constant 0 : i32
        %max3A_277 = vector.broadcast %max3A_276 : i32 to vector<16xi32>
        %max3A_278 = arith.maxsi %sub3A_275, %max3A_277 : vector<16xi32>
        %gt3A = arith.constant 0 : i32
        %gt3A_279 = vector.broadcast %gt3A : i32 to vector<16xi32>
        %gt3A_280 = arith.cmpi sgt, %convert_element_type3A_272, %gt3A_279 : vector<16xi32>
        %broadcast_in_dim3A_281 = arith.constant true
        %broadcast_in_dim3A_282 = vector.broadcast %broadcast_in_dim3A_281 : i1 to vector<16xi1>
        %masked_cumsum3A = tpu.scan <sum>, %select_n3A_227 masked %broadcast_in_dim3A_282 : vector<16xf32>, vector<16xi1> -> vector<16xf32>
        %lt3A_283 = arith.constant 0 : i32
        %lt3A_284 = vector.broadcast %lt3A_283 : i32 to vector<16xi32>
        %lt3A_285 = arith.cmpi slt, %max3A_278, %lt3A_284 : vector<16xi32>
        %add3A_286 = arith.constant 16 : i32
        %add3A_287 = vector.broadcast %add3A_286 : i32 to vector<16xi32>
        %add3A_288 = arith.addi %max3A_278, %add3A_287 : vector<16xi32>
        %select_n3A_289 = arith.select %lt3A_285, %add3A_288, %max3A_278 : vector<16xi1>, vector<16xi32>
        %reshape3A_290 = vector.shape_cast %select_n3A_289 : vector<16xi32> to vector<16x1xi32>
        %gather3A_291 = vector.shape_cast %reshape3A_290 : vector<16x1xi32> to vector<16xi32>
        %gather3A_292 = tpu.dynamic_gather %masked_cumsum3A[%gather3A_291] in [0] : vector<16xf32>, vector<16xi32> -> vector<16xf32>
        %jit3A_293 = arith.constant 0.000000e+00 : f32
        %broadcast_in_dim3A_294 = vector.broadcast %jit3A_293 : f32 to vector<16xf32>
        %select_n3A_295 = arith.select %gt3A_280, %gather3A_292, %broadcast_in_dim3A_294 : vector<16xi1>, vector<16xf32>
        %sub3A_296 = arith.subf %masked_cumsum3A, %select_n3A_295 : vector<16xf32>
        %and3A_297 = arith.andi %or3A_271, %and3A : vector<16xi1>
        %sub3A_298 = vector.broadcast %mul3A_8 : i32 to vector<16xi32>
        %sub3A_299 = arith.subi %get3A_218, %sub3A_298 : vector<16xi32>
        %jit3A_300 = arith.constant 0 : i32
        %broadcast_in_dim3A_301 = vector.broadcast %jit3A_300 : i32 to vector<16xi32>
        %select_n3A_302 = arith.select %and3A_297, %sub3A_299, %broadcast_in_dim3A_301 : vector<16xi1>, vector<16xi32>
        tpu.vector_store_idx %arg18[%select_n3A_302], %sub3A_296 masked %and3A_297 {add = true} : memref<640xf32, #tpu.memory_space<vmem>>[vector<16xi32>], vector<16xf32>, vector<16xi1>
        %add3A_303 = arith.addf %while3A_214, %select_n3A_227 : vector<16xf32>
        scf.yield %add3A_303 : vector<16xf32>
      }
      %while3A_211 = arith.constant 1 : i32
      %while3A_212 = scf.for %while3A_213 = %while3A_208 to %while3A_204 step %while3A_211 iter_args(%while3A_214 = %while3A_210) -> (vector<16xf32>)  : i32 {
        %mul3A_215 = arith.constant 16 : i32
        %mul3A_216 = arith.muli %while3A_213, %mul3A_215 : i32
        %get3A_217 = arith.index_cast %mul3A_216 : i32 to index
        %get3A_218 = tpu.vector_load %arg15[%get3A_217] {strides = array<i32>} : memref<2048xi32, #tpu.memory_space<vmem>>, vector<16xi32>,
        %get3A_219 = arith.index_cast %mul3A_216 : i32 to index
        %get3A_220 = tpu.vector_load %arg16[%get3A_219] {strides = array<i32>} : memref<2048xf32, #tpu.memory_space<vmem>>, vector<16xf32>,
        %add3A_221 = arith.addi %mul3A_193, %mul3A_216 : i32
        %add3A_222 = vector.broadcast %add3A_221 : i32 to vector<16xi32>
        %add3A_223 = arith.addi %add3A_222, %iota3A : vector<16xi32>
        %ge3A = vector.broadcast %squeeze3A : i32 to vector<16xi32>
        %ge3A_224 = arith.cmpi sge, %add3A_223, %ge3A : vector<16xi32>
        %lt3A = vector.broadcast %squeeze3A_7 : i32 to vector<16xi32>
        %lt3A_225 = arith.cmpi slt, %add3A_223, %lt3A : vector<16xi32>
        %and3A = arith.andi %ge3A_224, %lt3A_225 : vector<16xi1>
        %jit3A = arith.constant 0.000000e+00 : f32
        %broadcast_in_dim3A_226 = vector.broadcast %jit3A : f32 to vector<16xf32>
        %select_n3A_227 = arith.select %and3A, %get3A_220, %broadcast_in_dim3A_226 : vector<16xi1>, vector<16xf32>
        %sub3A_228 = arith.constant 1 : i32
        %sub3A_229 = vector.broadcast %sub3A_228 : i32 to vector<16xi32>
        %sub3A_230 = arith.subi %iota3A, %sub3A_229 : vector<16xi32>
        %max3A_231 = arith.constant 0 : i32
        %max3A_232 = vector.broadcast %max3A_231 : i32 to vector<16xi32>
        %max3A_233 = arith.maxsi %sub3A_230, %max3A_232 : vector<16xi32>
        %lt3A_234 = arith.constant 0 : i32
        %lt3A_235 = vector.broadcast %lt3A_234 : i32 to vector<16xi32>
        %lt3A_236 = arith.cmpi slt, %max3A_233, %lt3A_235 : vector<16xi32>
        %add3A_237 = arith.constant 16 : i32
        %add3A_238 = vector.broadcast %add3A_237 : i32 to vector<16xi32>
        %add3A_239 = arith.addi %max3A_233, %add3A_238 : vector<16xi32>
        %select_n3A_240 = arith.select %lt3A_236, %add3A_239, %max3A_233 : vector<16xi1>, vector<16xi32>
        %reshape3A = vector.shape_cast %select_n3A_240 : vector<16xi32> to vector<16x1xi32>
        %gather3A = vector.shape_cast %reshape3A : vector<16x1xi32> to vector<16xi32>
        %gather3A_241 = tpu.dynamic_gather %get3A_218[%gather3A] in [0] : vector<16xi32>, vector<16xi32> -> vector<16xi32>
        %eq3A_242 = arith.constant 0 : i32
        %eq3A_243 = vector.broadcast %eq3A_242 : i32 to vector<16xi32>
        %eq3A_244 = arith.cmpi eq, %iota3A, %eq3A_243 : vector<16xi32>
        %ne3A = arith.cmpi ne, %get3A_218, %gather3A_241 : vector<16xi32>
        %or3A = arith.ori %eq3A_244, %ne3A : vector<16xi1>
        %convert_element_type3A_245 = arith.sitofp %iota3A : vector<16xi32> to vector<16xf32>
        %jit3A_246 = arith.constant 0.000000e+00 : f32
        %broadcast_in_dim3A_247 = vector.broadcast %jit3A_246 : f32 to vector<16xf32>
        %select_n3A_248 = arith.select %or3A, %convert_element_type3A_245, %broadcast_in_dim3A_247 : vector<16xi1>, vector<16xf32>
        %broadcast_in_dim3A_249 = arith.constant true
        %broadcast_in_dim3A_250 = vector.broadcast %broadcast_in_dim3A_249 : i1 to vector<16xi1>
        %masked_cummax3A = tpu.scan <max>, %select_n3A_248 masked %broadcast_in_dim3A_250 : vector<16xf32>, vector<16xi1> -> vector<16xf32>
        %add3A_251 = arith.constant 1 : i32
        %add3A_252 = vector.broadcast %add3A_251 : i32 to vector<16xi32>
        %add3A_253 = arith.addi %iota3A, %add3A_252 : vector<16xi32>
        %min3A_254 = arith.constant 15 : i32
        %min3A_255 = vector.broadcast %min3A_254 : i32 to vector<16xi32>
        %min3A_256 = arith.minsi %add3A_253, %min3A_255 : vector<16xi32>
        %lt3A_257 = arith.constant 0 : i32
        %lt3A_258 = vector.broadcast %lt3A_257 : i32 to vector<16xi32>
        %lt3A_259 = arith.cmpi slt, %min3A_256, %lt3A_258 : vector<16xi32>
        %add3A_260 = arith.constant 16 : i32
        %add3A_261 = vector.broadcast %add3A_260 : i32 to vector<16xi32>
        %add3A_262 = arith.addi %min3A_256, %add3A_261 : vector<16xi32>
        %select_n3A_263 = arith.select %lt3A_259, %add3A_262, %min3A_256 : vector<16xi1>, vector<16xi32>
        %reshape3A_264 = vector.shape_cast %select_n3A_263 : vector<16xi32> to vector<16x1xi32>
        %gather3A_265 = vector.shape_cast %reshape3A_264 : vector<16x1xi32> to vector<16xi32>
        %gather3A_266 = tpu.dynamic_gather %get3A_218[%gather3A_265] in [0] : vector<16xi32>, vector<16xi32> -> vector<16xi32>
        %eq3A_267 = arith.constant 15 : i32
        %eq3A_268 = vector.broadcast %eq3A_267 : i32 to vector<16xi32>
        %eq3A_269 = arith.cmpi eq, %iota3A, %eq3A_268 : vector<16xi32>
        %ne3A_270 = arith.cmpi ne, %get3A_218, %gather3A_266 : vector<16xi32>
        %or3A_271 = arith.ori %eq3A_269, %ne3A_270 : vector<16xi1>
        %convert_element_type3A_272 = arith.fptosi %masked_cummax3A : vector<16xf32> to vector<16xi32>
        %sub3A_273 = arith.constant 1 : i32
        %sub3A_274 = vector.broadcast %sub3A_273 : i32 to vector<16xi32>
        %sub3A_275 = arith.subi %convert_element_type3A_272, %sub3A_274 : vector<16xi32>
        %max3A_276 = arith.constant 0 : i32
        %max3A_277 = vector.broadcast %max3A_276 : i32 to vector<16xi32>
        %max3A_278 = arith.maxsi %sub3A_275, %max3A_277 : vector<16xi32>
        %gt3A = arith.constant 0 : i32
        %gt3A_279 = vector.broadcast %gt3A : i32 to vector<16xi32>
        %gt3A_280 = arith.cmpi sgt, %convert_element_type3A_272, %gt3A_279 : vector<16xi32>
        %broadcast_in_dim3A_281 = arith.constant true
        %broadcast_in_dim3A_282 = vector.broadcast %broadcast_in_dim3A_281 : i1 to vector<16xi1>
        %masked_cumsum3A = tpu.scan <sum>, %select_n3A_227 masked %broadcast_in_dim3A_282 : vector<16xf32>, vector<16xi1> -> vector<16xf32>
        %lt3A_283 = arith.constant 0 : i32
        %lt3A_284 = vector.broadcast %lt3A_283 : i32 to vector<16xi32>
        %lt3A_285 = arith.cmpi slt, %max3A_278, %lt3A_284 : vector<16xi32>
        %add3A_286 = arith.constant 16 : i32
        %add3A_287 = vector.broadcast %add3A_286 : i32 to vector<16xi32>
        %add3A_288 = arith.addi %max3A_278, %add3A_287 : vector<16xi32>
        %select_n3A_289 = arith.select %lt3A_285, %add3A_288, %max3A_278 : vector<16xi1>, vector<16xi32>
        %reshape3A_290 = vector.shape_cast %select_n3A_289 : vector<16xi32> to vector<16x1xi32>
        %gather3A_291 = vector.shape_cast %reshape3A_290 : vector<16x1xi32> to vector<16xi32>
        %gather3A_292 = tpu.dynamic_gather %masked_cumsum3A[%gather3A_291] in [0] : vector<16xf32>, vector<16xi32> -> vector<16xf32>
        %jit3A_293 = arith.constant 0.000000e+00 : f32
        %broadcast_in_dim3A_294 = vector.broadcast %jit3A_293 : f32 to vector<16xf32>
        %select_n3A_295 = arith.select %gt3A_280, %gather3A_292, %broadcast_in_dim3A_294 : vector<16xi1>, vector<16xf32>
        %sub3A_296 = arith.subf %masked_cumsum3A, %select_n3A_295 : vector<16xf32>
        %and3A_297 = arith.andi %or3A_271, %and3A : vector<16xi1>
        %sub3A_298 = vector.broadcast %mul3A_8 : i32 to vector<16xi32>
        %sub3A_299 = arith.subi %get3A_218, %sub3A_298 : vector<16xi32>
        %jit3A_300 = arith.constant 0 : i32
        %broadcast_in_dim3A_301 = vector.broadcast %jit3A_300 : i32 to vector<16xi32>
        %select_n3A_302 = arith.select %and3A_297, %sub3A_299, %broadcast_in_dim3A_301 : vector<16xi1>, vector<16xi32>
        tpu.vector_store_idx %arg18[%select_n3A_302], %sub3A_296 masked %and3A_297 {add = true} : memref<640xf32, #tpu.memory_space<vmem>>[vector<16xi32>], vector<16xf32>, vector<16xi1>
        %add3A_303 = arith.addf %while3A_214, %select_n3A_227 : vector<16xf32>
        scf.yield %add3A_303 : vector<16xf32>
      }
      scf.yield %while3A_212 : vector<16xf32>
    }
    %while3A_26 = arith.constant 1 : i32
    %while3A_27 = scf.for %while3A_190 = %while3A_23 to %while3A_19 step %while3A_26 iter_args(%while3A_191 = %while3A_25) -> (vector<16xf32>)  : i32 {
      %mul3A_192 = arith.constant 2048 : i32
      %mul3A_193 = arith.muli %while3A_190, %mul3A_192 : i32
      "tpu.region"() ({
        %run_scoped3A = tpu.sem_alloc : memref<!tpu.dma_semaphore, #tpu.memory_space<semaphore_mem>>
        %dma_start3A = tpu.memref_slice %arg3[%mul3A_193] : memref<321536xi32, #tpu.memory_space<hbm>> -> memref<2048xi32, #tpu.memory_space<hbm>>
        %dma_start3A_213 = tpu.memref_slice %arg3[%mul3A_193] : memref<321536xi32, #tpu.memory_space<hbm>> -> memref<2048xi32, #tpu.memory_space<hbm>>
        tpu.enqueue_dma source(%dma_start3A_213 : memref<2048xi32, #tpu.memory_space<hbm>>) target(%arg15 : memref<2048xi32, #tpu.memory_space<vmem>>) target_semaphore(%run_scoped3A : memref<!tpu.dma_semaphore, #tpu.memory_space<semaphore_mem>>)
        %dma_wait3A = tpu.memref_slice %arg3[%mul3A_193] : memref<321536xi32, #tpu.memory_space<hbm>> -> memref<2048xi32, #tpu.memory_space<hbm>>
        %dma_wait3A_214 = tpu.memref_slice %arg3[%mul3A_193] : memref<321536xi32, #tpu.memory_space<hbm>> -> memref<2048xi32, #tpu.memory_space<hbm>>
        tpu.wait_dma2 semaphore(%run_scoped3A : memref<!tpu.dma_semaphore, #tpu.memory_space<semaphore_mem>>) src(%dma_wait3A_214 : memref<2048xi32, #tpu.memory_space<hbm>>) dst(%arg15 : memref<2048xi32, #tpu.memory_space<vmem>>)
        tpu.yield
      }) : () -> ()
      "tpu.region"() ({
        %run_scoped3A = tpu.sem_alloc : memref<!tpu.dma_semaphore, #tpu.memory_space<semaphore_mem>>
        %dma_start3A = tpu.memref_slice %arg4[%mul3A_193] : memref<321536xf32, #tpu.memory_space<hbm>> -> memref<2048xf32, #tpu.memory_space<hbm>>
        %dma_start3A_213 = tpu.memref_slice %arg4[%mul3A_193] : memref<321536xf32, #tpu.memory_space<hbm>> -> memref<2048xf32, #tpu.memory_space<hbm>>
        tpu.enqueue_dma source(%dma_start3A_213 : memref<2048xf32, #tpu.memory_space<hbm>>) target(%arg16 : memref<2048xf32, #tpu.memory_space<vmem>>) target_semaphore(%run_scoped3A : memref<!tpu.dma_semaphore, #tpu.memory_space<semaphore_mem>>)
        %dma_wait3A = tpu.memref_slice %arg4[%mul3A_193] : memref<321536xf32, #tpu.memory_space<hbm>> -> memref<2048xf32, #tpu.memory_space<hbm>>
        %dma_wait3A_214 = tpu.memref_slice %arg4[%mul3A_193] : memref<321536xf32, #tpu.memory_space<hbm>> -> memref<2048xf32, #tpu.memory_space<hbm>>
        tpu.wait_dma2 semaphore(%run_scoped3A : memref<!tpu.dma_semaphore, #tpu.memory_space<semaphore_mem>>) src(%dma_wait3A_214 : memref<2048xf32, #tpu.memory_space<hbm>>) dst(%arg16 : memref<2048xf32, #tpu.memory_space<vmem>>)
        tpu.yield
      }) : () -> ()
      %max3A = arith.maxsi %squeeze3A, %mul3A_193 : i32
      %sub3A = arith.subi %max3A, %mul3A_193 : i32
      %shift_right_arithmetic3A_194 = arith.constant 4 : i32
      %shift_right_arithmetic3A_195 = arith.shrsi %sub3A, %shift_right_arithmetic3A_194 : i32
      %add3A_196 = arith.constant 2048 : i32
      %add3A_197 = arith.addi %mul3A_193, %add3A_196 : i32
      %min3A = arith.minsi %squeeze3A_7, %add3A_197 : i32
      %sub3A_198 = arith.subi %min3A, %mul3A_193 : i32
      %add3A_199 = arith.constant 15 : i32
      %add3A_200 = arith.addi %sub3A_198, %add3A_199 : i32
      %shift_right_arithmetic3A_201 = arith.constant 4 : i32
      %shift_right_arithmetic3A_202 = arith.shrsi %add3A_200, %shift_right_arithmetic3A_201 : i32
      %while3A_203 = arith.subi %shift_right_arithmetic3A_202, %shift_right_arithmetic3A_195 : i32
      %while3A_204 = arith.addi %shift_right_arithmetic3A_195, %while3A_203 : i32
      %while3A_205 = arith.constant 1 : i32
      %while3A_206 = arith.divsi %while3A_203, %while3A_205 : i32
      %while3A_207 = arith.muli %while3A_206, %while3A_205 : i32
      %while3A_208 = arith.addi %shift_right_arithmetic3A_195, %while3A_207 : i32
      %while3A_209 = arith.constant 1 : i32
      %while3A_210 = scf.for %while3A_213 = %shift_right_arithmetic3A_195 to %while3A_208 step %while3A_209 iter_args(%while3A_214 = %while3A_191) -> (vector<16xf32>)  : i32 {
        %mul3A_215 = arith.constant 16 : i32
        %mul3A_216 = arith.muli %while3A_213, %mul3A_215 : i32
        %get3A_217 = arith.index_cast %mul3A_216 : i32 to index
        %get3A_218 = tpu.vector_load %arg15[%get3A_217] {strides = array<i32>} : memref<2048xi32, #tpu.memory_space<vmem>>, vector<16xi32>,
        %get3A_219 = arith.index_cast %mul3A_216 : i32 to index
        %get3A_220 = tpu.vector_load %arg16[%get3A_219] {strides = array<i32>} : memref<2048xf32, #tpu.memory_space<vmem>>, vector<16xf32>,
        %add3A_221 = arith.addi %mul3A_193, %mul3A_216 : i32
        %add3A_222 = vector.broadcast %add3A_221 : i32 to vector<16xi32>
        %add3A_223 = arith.addi %add3A_222, %iota3A : vector<16xi32>
        %ge3A = vector.broadcast %squeeze3A : i32 to vector<16xi32>
        %ge3A_224 = arith.cmpi sge, %add3A_223, %ge3A : vector<16xi32>
        %lt3A = vector.broadcast %squeeze3A_7 : i32 to vector<16xi32>
        %lt3A_225 = arith.cmpi slt, %add3A_223, %lt3A : vector<16xi32>
        %and3A = arith.andi %ge3A_224, %lt3A_225 : vector<16xi1>
        %jit3A = arith.constant 0.000000e+00 : f32
        %broadcast_in_dim3A_226 = vector.broadcast %jit3A : f32 to vector<16xf32>
        %select_n3A_227 = arith.select %and3A, %get3A_220, %broadcast_in_dim3A_226 : vector<16xi1>, vector<16xf32>
        %sub3A_228 = arith.constant 1 : i32
        %sub3A_229 = vector.broadcast %sub3A_228 : i32 to vector<16xi32>
        %sub3A_230 = arith.subi %iota3A, %sub3A_229 : vector<16xi32>
        %max3A_231 = arith.constant 0 : i32
        %max3A_232 = vector.broadcast %max3A_231 : i32 to vector<16xi32>
        %max3A_233 = arith.maxsi %sub3A_230, %max3A_232 : vector<16xi32>
        %lt3A_234 = arith.constant 0 : i32
        %lt3A_235 = vector.broadcast %lt3A_234 : i32 to vector<16xi32>
        %lt3A_236 = arith.cmpi slt, %max3A_233, %lt3A_235 : vector<16xi32>
        %add3A_237 = arith.constant 16 : i32
        %add3A_238 = vector.broadcast %add3A_237 : i32 to vector<16xi32>
        %add3A_239 = arith.addi %max3A_233, %add3A_238 : vector<16xi32>
        %select_n3A_240 = arith.select %lt3A_236, %add3A_239, %max3A_233 : vector<16xi1>, vector<16xi32>
        %reshape3A = vector.shape_cast %select_n3A_240 : vector<16xi32> to vector<16x1xi32>
        %gather3A = vector.shape_cast %reshape3A : vector<16x1xi32> to vector<16xi32>
        %gather3A_241 = tpu.dynamic_gather %get3A_218[%gather3A] in [0] : vector<16xi32>, vector<16xi32> -> vector<16xi32>
        %eq3A_242 = arith.constant 0 : i32
        %eq3A_243 = vector.broadcast %eq3A_242 : i32 to vector<16xi32>
        %eq3A_244 = arith.cmpi eq, %iota3A, %eq3A_243 : vector<16xi32>
        %ne3A = arith.cmpi ne, %get3A_218, %gather3A_241 : vector<16xi32>
        %or3A = arith.ori %eq3A_244, %ne3A : vector<16xi1>
        %convert_element_type3A_245 = arith.sitofp %iota3A : vector<16xi32> to vector<16xf32>
        %jit3A_246 = arith.constant 0.000000e+00 : f32
        %broadcast_in_dim3A_247 = vector.broadcast %jit3A_246 : f32 to vector<16xf32>
        %select_n3A_248 = arith.select %or3A, %convert_element_type3A_245, %broadcast_in_dim3A_247 : vector<16xi1>, vector<16xf32>
        %broadcast_in_dim3A_249 = arith.constant true
        %broadcast_in_dim3A_250 = vector.broadcast %broadcast_in_dim3A_249 : i1 to vector<16xi1>
        %masked_cummax3A = tpu.scan <max>, %select_n3A_248 masked %broadcast_in_dim3A_250 : vector<16xf32>, vector<16xi1> -> vector<16xf32>
        %add3A_251 = arith.constant 1 : i32
        %add3A_252 = vector.broadcast %add3A_251 : i32 to vector<16xi32>
        %add3A_253 = arith.addi %iota3A, %add3A_252 : vector<16xi32>
        %min3A_254 = arith.constant 15 : i32
        %min3A_255 = vector.broadcast %min3A_254 : i32 to vector<16xi32>
        %min3A_256 = arith.minsi %add3A_253, %min3A_255 : vector<16xi32>
        %lt3A_257 = arith.constant 0 : i32
        %lt3A_258 = vector.broadcast %lt3A_257 : i32 to vector<16xi32>
        %lt3A_259 = arith.cmpi slt, %min3A_256, %lt3A_258 : vector<16xi32>
        %add3A_260 = arith.constant 16 : i32
        %add3A_261 = vector.broadcast %add3A_260 : i32 to vector<16xi32>
        %add3A_262 = arith.addi %min3A_256, %add3A_261 : vector<16xi32>
        %select_n3A_263 = arith.select %lt3A_259, %add3A_262, %min3A_256 : vector<16xi1>, vector<16xi32>
        %reshape3A_264 = vector.shape_cast %select_n3A_263 : vector<16xi32> to vector<16x1xi32>
        %gather3A_265 = vector.shape_cast %reshape3A_264 : vector<16x1xi32> to vector<16xi32>
        %gather3A_266 = tpu.dynamic_gather %get3A_218[%gather3A_265] in [0] : vector<16xi32>, vector<16xi32> -> vector<16xi32>
        %eq3A_267 = arith.constant 15 : i32
        %eq3A_268 = vector.broadcast %eq3A_267 : i32 to vector<16xi32>
        %eq3A_269 = arith.cmpi eq, %iota3A, %eq3A_268 : vector<16xi32>
        %ne3A_270 = arith.cmpi ne, %get3A_218, %gather3A_266 : vector<16xi32>
        %or3A_271 = arith.ori %eq3A_269, %ne3A_270 : vector<16xi1>
        %convert_element_type3A_272 = arith.fptosi %masked_cummax3A : vector<16xf32> to vector<16xi32>
        %sub3A_273 = arith.constant 1 : i32
        %sub3A_274 = vector.broadcast %sub3A_273 : i32 to vector<16xi32>
        %sub3A_275 = arith.subi %convert_element_type3A_272, %sub3A_274 : vector<16xi32>
        %max3A_276 = arith.constant 0 : i32
        %max3A_277 = vector.broadcast %max3A_276 : i32 to vector<16xi32>
        %max3A_278 = arith.maxsi %sub3A_275, %max3A_277 : vector<16xi32>
        %gt3A = arith.constant 0 : i32
        %gt3A_279 = vector.broadcast %gt3A : i32 to vector<16xi32>
        %gt3A_280 = arith.cmpi sgt, %convert_element_type3A_272, %gt3A_279 : vector<16xi32>
        %broadcast_in_dim3A_281 = arith.constant true
        %broadcast_in_dim3A_282 = vector.broadcast %broadcast_in_dim3A_281 : i1 to vector<16xi1>
        %masked_cumsum3A = tpu.scan <sum>, %select_n3A_227 masked %broadcast_in_dim3A_282 : vector<16xf32>, vector<16xi1> -> vector<16xf32>
        %lt3A_283 = arith.constant 0 : i32
        %lt3A_284 = vector.broadcast %lt3A_283 : i32 to vector<16xi32>
        %lt3A_285 = arith.cmpi slt, %max3A_278, %lt3A_284 : vector<16xi32>
        %add3A_286 = arith.constant 16 : i32
        %add3A_287 = vector.broadcast %add3A_286 : i32 to vector<16xi32>
        %add3A_288 = arith.addi %max3A_278, %add3A_287 : vector<16xi32>
        %select_n3A_289 = arith.select %lt3A_285, %add3A_288, %max3A_278 : vector<16xi1>, vector<16xi32>
        %reshape3A_290 = vector.shape_cast %select_n3A_289 : vector<16xi32> to vector<16x1xi32>
        %gather3A_291 = vector.shape_cast %reshape3A_290 : vector<16x1xi32> to vector<16xi32>
        %gather3A_292 = tpu.dynamic_gather %masked_cumsum3A[%gather3A_291] in [0] : vector<16xf32>, vector<16xi32> -> vector<16xf32>
        %jit3A_293 = arith.constant 0.000000e+00 : f32
        %broadcast_in_dim3A_294 = vector.broadcast %jit3A_293 : f32 to vector<16xf32>
        %select_n3A_295 = arith.select %gt3A_280, %gather3A_292, %broadcast_in_dim3A_294 : vector<16xi1>, vector<16xf32>
        %sub3A_296 = arith.subf %masked_cumsum3A, %select_n3A_295 : vector<16xf32>
        %and3A_297 = arith.andi %or3A_271, %and3A : vector<16xi1>
        %sub3A_298 = vector.broadcast %mul3A_8 : i32 to vector<16xi32>
        %sub3A_299 = arith.subi %get3A_218, %sub3A_298 : vector<16xi32>
        %jit3A_300 = arith.constant 0 : i32
        %broadcast_in_dim3A_301 = vector.broadcast %jit3A_300 : i32 to vector<16xi32>
        %select_n3A_302 = arith.select %and3A_297, %sub3A_299, %broadcast_in_dim3A_301 : vector<16xi1>, vector<16xi32>
        tpu.vector_store_idx %arg18[%select_n3A_302], %sub3A_296 masked %and3A_297 {add = true} : memref<640xf32, #tpu.memory_space<vmem>>[vector<16xi32>], vector<16xf32>, vector<16xi1>
        %add3A_303 = arith.addf %while3A_214, %select_n3A_227 : vector<16xf32>
        scf.yield %add3A_303 : vector<16xf32>
      }
      %while3A_211 = arith.constant 1 : i32
      %while3A_212 = scf.for %while3A_213 = %while3A_208 to %while3A_204 step %while3A_211 iter_args(%while3A_214 = %while3A_210) -> (vector<16xf32>)  : i32 {
        %mul3A_215 = arith.constant 16 : i32
        %mul3A_216 = arith.muli %while3A_213, %mul3A_215 : i32
        %get3A_217 = arith.index_cast %mul3A_216 : i32 to index
        %get3A_218 = tpu.vector_load %arg15[%get3A_217] {strides = array<i32>} : memref<2048xi32, #tpu.memory_space<vmem>>, vector<16xi32>,
        %get3A_219 = arith.index_cast %mul3A_216 : i32 to index
        %get3A_220 = tpu.vector_load %arg16[%get3A_219] {strides = array<i32>} : memref<2048xf32, #tpu.memory_space<vmem>>, vector<16xf32>,
        %add3A_221 = arith.addi %mul3A_193, %mul3A_216 : i32
        %add3A_222 = vector.broadcast %add3A_221 : i32 to vector<16xi32>
        %add3A_223 = arith.addi %add3A_222, %iota3A : vector<16xi32>
        %ge3A = vector.broadcast %squeeze3A : i32 to vector<16xi32>
        %ge3A_224 = arith.cmpi sge, %add3A_223, %ge3A : vector<16xi32>
        %lt3A = vector.broadcast %squeeze3A_7 : i32 to vector<16xi32>
        %lt3A_225 = arith.cmpi slt, %add3A_223, %lt3A : vector<16xi32>
        %and3A = arith.andi %ge3A_224, %lt3A_225 : vector<16xi1>
        %jit3A = arith.constant 0.000000e+00 : f32
        %broadcast_in_dim3A_226 = vector.broadcast %jit3A : f32 to vector<16xf32>
        %select_n3A_227 = arith.select %and3A, %get3A_220, %broadcast_in_dim3A_226 : vector<16xi1>, vector<16xf32>
        %sub3A_228 = arith.constant 1 : i32
        %sub3A_229 = vector.broadcast %sub3A_228 : i32 to vector<16xi32>
        %sub3A_230 = arith.subi %iota3A, %sub3A_229 : vector<16xi32>
        %max3A_231 = arith.constant 0 : i32
        %max3A_232 = vector.broadcast %max3A_231 : i32 to vector<16xi32>
        %max3A_233 = arith.maxsi %sub3A_230, %max3A_232 : vector<16xi32>
        %lt3A_234 = arith.constant 0 : i32
        %lt3A_235 = vector.broadcast %lt3A_234 : i32 to vector<16xi32>
        %lt3A_236 = arith.cmpi slt, %max3A_233, %lt3A_235 : vector<16xi32>
        %add3A_237 = arith.constant 16 : i32
        %add3A_238 = vector.broadcast %add3A_237 : i32 to vector<16xi32>
        %add3A_239 = arith.addi %max3A_233, %add3A_238 : vector<16xi32>
        %select_n3A_240 = arith.select %lt3A_236, %add3A_239, %max3A_233 : vector<16xi1>, vector<16xi32>
        %reshape3A = vector.shape_cast %select_n3A_240 : vector<16xi32> to vector<16x1xi32>
        %gather3A = vector.shape_cast %reshape3A : vector<16x1xi32> to vector<16xi32>
        %gather3A_241 = tpu.dynamic_gather %get3A_218[%gather3A] in [0] : vector<16xi32>, vector<16xi32> -> vector<16xi32>
        %eq3A_242 = arith.constant 0 : i32
        %eq3A_243 = vector.broadcast %eq3A_242 : i32 to vector<16xi32>
        %eq3A_244 = arith.cmpi eq, %iota3A, %eq3A_243 : vector<16xi32>
        %ne3A = arith.cmpi ne, %get3A_218, %gather3A_241 : vector<16xi32>
        %or3A = arith.ori %eq3A_244, %ne3A : vector<16xi1>
        %convert_element_type3A_245 = arith.sitofp %iota3A : vector<16xi32> to vector<16xf32>
        %jit3A_246 = arith.constant 0.000000e+00 : f32
        %broadcast_in_dim3A_247 = vector.broadcast %jit3A_246 : f32 to vector<16xf32>
        %select_n3A_248 = arith.select %or3A, %convert_element_type3A_245, %broadcast_in_dim3A_247 : vector<16xi1>, vector<16xf32>
        %broadcast_in_dim3A_249 = arith.constant true
        %broadcast_in_dim3A_250 = vector.broadcast %broadcast_in_dim3A_249 : i1 to vector<16xi1>
        %masked_cummax3A = tpu.scan <max>, %select_n3A_248 masked %broadcast_in_dim3A_250 : vector<16xf32>, vector<16xi1> -> vector<16xf32>
        %add3A_251 = arith.constant 1 : i32
        %add3A_252 = vector.broadcast %add3A_251 : i32 to vector<16xi32>
        %add3A_253 = arith.addi %iota3A, %add3A_252 : vector<16xi32>
        %min3A_254 = arith.constant 15 : i32
        %min3A_255 = vector.broadcast %min3A_254 : i32 to vector<16xi32>
        %min3A_256 = arith.minsi %add3A_253, %min3A_255 : vector<16xi32>
        %lt3A_257 = arith.constant 0 : i32
        %lt3A_258 = vector.broadcast %lt3A_257 : i32 to vector<16xi32>
        %lt3A_259 = arith.cmpi slt, %min3A_256, %lt3A_258 : vector<16xi32>
        %add3A_260 = arith.constant 16 : i32
        %add3A_261 = vector.broadcast %add3A_260 : i32 to vector<16xi32>
        %add3A_262 = arith.addi %min3A_256, %add3A_261 : vector<16xi32>
        %select_n3A_263 = arith.select %lt3A_259, %add3A_262, %min3A_256 : vector<16xi1>, vector<16xi32>
        %reshape3A_264 = vector.shape_cast %select_n3A_263 : vector<16xi32> to vector<16x1xi32>
        %gather3A_265 = vector.shape_cast %reshape3A_264 : vector<16x1xi32> to vector<16xi32>
        %gather3A_266 = tpu.dynamic_gather %get3A_218[%gather3A_265] in [0] : vector<16xi32>, vector<16xi32> -> vector<16xi32>
        %eq3A_267 = arith.constant 15 : i32
        %eq3A_268 = vector.broadcast %eq3A_267 : i32 to vector<16xi32>
        %eq3A_269 = arith.cmpi eq, %iota3A, %eq3A_268 : vector<16xi32>
        %ne3A_270 = arith.cmpi ne, %get3A_218, %gather3A_266 : vector<16xi32>
        %or3A_271 = arith.ori %eq3A_269, %ne3A_270 : vector<16xi1>
        %convert_element_type3A_272 = arith.fptosi %masked_cummax3A : vector<16xf32> to vector<16xi32>
        %sub3A_273 = arith.constant 1 : i32
        %sub3A_274 = vector.broadcast %sub3A_273 : i32 to vector<16xi32>
        %sub3A_275 = arith.subi %convert_element_type3A_272, %sub3A_274 : vector<16xi32>
        %max3A_276 = arith.constant 0 : i32
        %max3A_277 = vector.broadcast %max3A_276 : i32 to vector<16xi32>
        %max3A_278 = arith.maxsi %sub3A_275, %max3A_277 : vector<16xi32>
        %gt3A = arith.constant 0 : i32
        %gt3A_279 = vector.broadcast %gt3A : i32 to vector<16xi32>
        %gt3A_280 = arith.cmpi sgt, %convert_element_type3A_272, %gt3A_279 : vector<16xi32>
        %broadcast_in_dim3A_281 = arith.constant true
        %broadcast_in_dim3A_282 = vector.broadcast %broadcast_in_dim3A_281 : i1 to vector<16xi1>
        %masked_cumsum3A = tpu.scan <sum>, %select_n3A_227 masked %broadcast_in_dim3A_282 : vector<16xf32>, vector<16xi1> -> vector<16xf32>
        %lt3A_283 = arith.constant 0 : i32
        %lt3A_284 = vector.broadcast %lt3A_283 : i32 to vector<16xi32>
        %lt3A_285 = arith.cmpi slt, %max3A_278, %lt3A_284 : vector<16xi32>
        %add3A_286 = arith.constant 16 : i32
        %add3A_287 = vector.broadcast %add3A_286 : i32 to vector<16xi32>
        %add3A_288 = arith.addi %max3A_278, %add3A_287 : vector<16xi32>
        %select_n3A_289 = arith.select %lt3A_285, %add3A_288, %max3A_278 : vector<16xi1>, vector<16xi32>
        %reshape3A_290 = vector.shape_cast %select_n3A_289 : vector<16xi32> to vector<16x1xi32>
        %gather3A_291 = vector.shape_cast %reshape3A_290 : vector<16x1xi32> to vector<16xi32>
        %gather3A_292 = tpu.dynamic_gather %masked_cumsum3A[%gather3A_291] in [0] : vector<16xf32>, vector<16xi32> -> vector<16xf32>
        %jit3A_293 = arith.constant 0.000000e+00 : f32
        %broadcast_in_dim3A_294 = vector.broadcast %jit3A_293 : f32 to vector<16xf32>
        %select_n3A_295 = arith.select %gt3A_280, %gather3A_292, %broadcast_in_dim3A_294 : vector<16xi1>, vector<16xf32>
        %sub3A_296 = arith.subf %masked_cumsum3A, %select_n3A_295 : vector<16xf32>
        %and3A_297 = arith.andi %or3A_271, %and3A : vector<16xi1>
        %sub3A_298 = vector.broadcast %mul3A_8 : i32 to vector<16xi32>
        %sub3A_299 = arith.subi %get3A_218, %sub3A_298 : vector<16xi32>
        %jit3A_300 = arith.constant 0 : i32
        %broadcast_in_dim3A_301 = vector.broadcast %jit3A_300 : i32 to vector<16xi32>
        %select_n3A_302 = arith.select %and3A_297, %sub3A_299, %broadcast_in_dim3A_301 : vector<16xi1>, vector<16xi32>
        tpu.vector_store_idx %arg18[%select_n3A_302], %sub3A_296 masked %and3A_297 {add = true} : memref<640xf32, #tpu.memory_space<vmem>>[vector<16xi32>], vector<16xf32>, vector<16xi1>
        %add3A_303 = arith.addf %while3A_214, %select_n3A_227 : vector<16xf32>
        scf.yield %add3A_303 : vector<16xf32>
      }
      scf.yield %while3A_212 : vector<16xf32>
    }
    %swap3A = arith.constant 0 : index
    %swap3A_28 = tpu.vector_load %arg22[%swap3A] {strides = array<i32>} : memref<16xf32, #tpu.memory_space<vmem>>, vector<16xf32>,
    tpu.vector_store %arg22[%swap3A], %while3A_27 {strides = array<i32>} : memref<16xf32, #tpu.memory_space<vmem>>, vector<16xf32>,
    "tpu.region"() ({
      %run_scoped3A = tpu.sem_alloc : memref<!tpu.dma_semaphore, #tpu.memory_space<semaphore_mem>>
      %dma_start3A = arith.constant 0 : i32
      %dma_start3A_190 = tpu.memref_slice %arg12[%arg1, %dma_start3A] : memref<16x16xf32, #tpu.memory_space<hbm>> -> memref<1x16xf32, #tpu.memory_space<hbm>>
      %dma_start3A_191 = tpu.memref_squeeze %dma_start3A_190 : memref<1x16xf32, #tpu.memory_space<hbm>> -> memref<16xf32, #tpu.memory_space<hbm>>
      %dma_start3A_192 = arith.constant 0 : i32
      %dma_start3A_193 = tpu.memref_slice %arg12[%arg1, %dma_start3A_192] : memref<16x16xf32, #tpu.memory_space<hbm>> -> memref<1x16xf32, #tpu.memory_space<hbm>>
      %dma_start3A_194 = tpu.memref_squeeze %dma_start3A_193 : memref<1x16xf32, #tpu.memory_space<hbm>> -> memref<16xf32, #tpu.memory_space<hbm>>
      tpu.enqueue_dma source(%arg22 : memref<16xf32, #tpu.memory_space<vmem>>) target(%dma_start3A_194 : memref<16xf32, #tpu.memory_space<hbm>>) target_semaphore(%run_scoped3A : memref<!tpu.dma_semaphore, #tpu.memory_space<semaphore_mem>>)
      %dma_wait3A = arith.constant 0 : i32
      %dma_wait3A_195 = tpu.memref_slice %arg12[%arg1, %dma_wait3A] : memref<16x16xf32, #tpu.memory_space<hbm>> -> memref<1x16xf32, #tpu.memory_space<hbm>>
      %dma_wait3A_196 = tpu.memref_squeeze %dma_wait3A_195 : memref<1x16xf32, #tpu.memory_space<hbm>> -> memref<16xf32, #tpu.memory_space<hbm>>
      %dma_wait3A_197 = arith.constant 0 : i32
      %dma_wait3A_198 = tpu.memref_slice %arg12[%arg1, %dma_wait3A_197] : memref<16x16xf32, #tpu.memory_space<hbm>> -> memref<1x16xf32, #tpu.memory_space<hbm>>
      %dma_wait3A_199 = tpu.memref_squeeze %dma_wait3A_198 : memref<1x16xf32, #tpu.memory_space<hbm>> -> memref<16xf32, #tpu.memory_space<hbm>>
      tpu.wait_dma2 semaphore(%run_scoped3A : memref<!tpu.dma_semaphore, #tpu.memory_space<semaphore_mem>>) src(%arg22 : memref<16xf32, #tpu.memory_space<vmem>>) dst(%dma_wait3A_199 : memref<16xf32, #tpu.memory_space<hbm>>)
      tpu.yield
    }) : () -> ()
    %barrier3A = arith.constant 0 : index
    tpu.barrier barrier_id(%barrier3A)
    "tpu.region"() ({
      %run_scoped3A = tpu.sem_alloc : memref<!tpu.dma_semaphore, #tpu.memory_space<semaphore_mem>>
      tpu.enqueue_dma source(%arg12 : memref<16x16xf32, #tpu.memory_space<hbm>>) target(%arg23 : memref<16x16xf32, #tpu.memory_space<vmem>>) target_semaphore(%run_scoped3A : memref<!tpu.dma_semaphore, #tpu.memory_space<semaphore_mem>>)
      tpu.wait_dma2 semaphore(%run_scoped3A : memref<!tpu.dma_semaphore, #tpu.memory_space<semaphore_mem>>) src(%arg12 : memref<16x16xf32, #tpu.memory_space<hbm>>) dst(%arg23 : memref<16x16xf32, #tpu.memory_space<vmem>>)
      tpu.yield
    }) : () -> ()
    %get3A_29 = arith.constant 0 : i32
    %get3A_30 = arith.index_cast %get3A_29 : i32 to index
    %get3A_31 = arith.constant 0 : index
    %get3A_32 = tpu.vector_load %arg23[%get3A_30, %get3A_31] {strides = array<i32>} : memref<16x16xf32, #tpu.memory_space<vmem>>, vector<16xf32>,
    %add3A_33 = arith.addf %broadcast_in_dim3A_0, %get3A_32 : vector<16xf32>
    %get3A_34 = arith.constant 1 : i32
    %get3A_35 = arith.index_cast %get3A_34 : i32 to index
    %get3A_36 = arith.constant 0 : index
    %get3A_37 = tpu.vector_load %arg23[%get3A_35, %get3A_36] {strides = array<i32>} : memref<16x16xf32, #tpu.memory_space<vmem>>, vector<16xf32>,
    %add3A_38 = arith.addf %add3A_33, %get3A_37 : vector<16xf32>
    %get3A_39 = arith.constant 2 : i32
    %get3A_40 = arith.index_cast %get3A_39 : i32 to index
    %get3A_41 = arith.constant 0 : index
    %get3A_42 = tpu.vector_load %arg23[%get3A_40, %get3A_41] {strides = array<i32>} : memref<16x16xf32, #tpu.memory_space<vmem>>, vector<16xf32>,
    %add3A_43 = arith.addf %add3A_38, %get3A_42 : vector<16xf32>
    %get3A_44 = arith.constant 3 : i32
    %get3A_45 = arith.index_cast %get3A_44 : i32 to index
    %get3A_46 = arith.constant 0 : index
    %get3A_47 = tpu.vector_load %arg23[%get3A_45, %get3A_46] {strides = array<i32>} : memref<16x16xf32, #tpu.memory_space<vmem>>, vector<16xf32>,
    %add3A_48 = arith.addf %add3A_43, %get3A_47 : vector<16xf32>
    %get3A_49 = arith.constant 4 : i32
    %get3A_50 = arith.index_cast %get3A_49 : i32 to index
    %get3A_51 = arith.constant 0 : index
    %get3A_52 = tpu.vector_load %arg23[%get3A_50, %get3A_51] {strides = array<i32>} : memref<16x16xf32, #tpu.memory_space<vmem>>, vector<16xf32>,
    %add3A_53 = arith.addf %add3A_48, %get3A_52 : vector<16xf32>
    %get3A_54 = arith.constant 5 : i32
    %get3A_55 = arith.index_cast %get3A_54 : i32 to index
    %get3A_56 = arith.constant 0 : index
    %get3A_57 = tpu.vector_load %arg23[%get3A_55, %get3A_56] {strides = array<i32>} : memref<16x16xf32, #tpu.memory_space<vmem>>, vector<16xf32>,
    %add3A_58 = arith.addf %add3A_53, %get3A_57 : vector<16xf32>
    %get3A_59 = arith.constant 6 : i32
    %get3A_60 = arith.index_cast %get3A_59 : i32 to index
    %get3A_61 = arith.constant 0 : index
    %get3A_62 = tpu.vector_load %arg23[%get3A_60, %get3A_61] {strides = array<i32>} : memref<16x16xf32, #tpu.memory_space<vmem>>, vector<16xf32>,
    %add3A_63 = arith.addf %add3A_58, %get3A_62 : vector<16xf32>
    %get3A_64 = arith.constant 7 : i32
    %get3A_65 = arith.index_cast %get3A_64 : i32 to index
    %get3A_66 = arith.constant 0 : index
    %get3A_67 = tpu.vector_load %arg23[%get3A_65, %get3A_66] {strides = array<i32>} : memref<16x16xf32, #tpu.memory_space<vmem>>, vector<16xf32>,
    %add3A_68 = arith.addf %add3A_63, %get3A_67 : vector<16xf32>
    %get3A_69 = arith.constant 8 : i32
    %get3A_70 = arith.index_cast %get3A_69 : i32 to index
    %get3A_71 = arith.constant 0 : index
    %get3A_72 = tpu.vector_load %arg23[%get3A_70, %get3A_71] {strides = array<i32>} : memref<16x16xf32, #tpu.memory_space<vmem>>, vector<16xf32>,
    %add3A_73 = arith.addf %add3A_68, %get3A_72 : vector<16xf32>
    %get3A_74 = arith.constant 9 : i32
    %get3A_75 = arith.index_cast %get3A_74 : i32 to index
    %get3A_76 = arith.constant 0 : index
    %get3A_77 = tpu.vector_load %arg23[%get3A_75, %get3A_76] {strides = array<i32>} : memref<16x16xf32, #tpu.memory_space<vmem>>, vector<16xf32>,
    %add3A_78 = arith.addf %add3A_73, %get3A_77 : vector<16xf32>
    %get3A_79 = arith.constant 10 : i32
    %get3A_80 = arith.index_cast %get3A_79 : i32 to index
    %get3A_81 = arith.constant 0 : index
    %get3A_82 = tpu.vector_load %arg23[%get3A_80, %get3A_81] {strides = array<i32>} : memref<16x16xf32, #tpu.memory_space<vmem>>, vector<16xf32>,
    %add3A_83 = arith.addf %add3A_78, %get3A_82 : vector<16xf32>
    %get3A_84 = arith.constant 11 : i32
    %get3A_85 = arith.index_cast %get3A_84 : i32 to index
    %get3A_86 = arith.constant 0 : index
    %get3A_87 = tpu.vector_load %arg23[%get3A_85, %get3A_86] {strides = array<i32>} : memref<16x16xf32, #tpu.memory_space<vmem>>, vector<16xf32>,
    %add3A_88 = arith.addf %add3A_83, %get3A_87 : vector<16xf32>
    %get3A_89 = arith.constant 12 : i32
    %get3A_90 = arith.index_cast %get3A_89 : i32 to index
    %get3A_91 = arith.constant 0 : index
    %get3A_92 = tpu.vector_load %arg23[%get3A_90, %get3A_91] {strides = array<i32>} : memref<16x16xf32, #tpu.memory_space<vmem>>, vector<16xf32>,
    %add3A_93 = arith.addf %add3A_88, %get3A_92 : vector<16xf32>
    %get3A_94 = arith.constant 13 : i32
    %get3A_95 = arith.index_cast %get3A_94 : i32 to index
    %get3A_96 = arith.constant 0 : index
    %get3A_97 = tpu.vector_load %arg23[%get3A_95, %get3A_96] {strides = array<i32>} : memref<16x16xf32, #tpu.memory_space<vmem>>, vector<16xf32>,
    %add3A_98 = arith.addf %add3A_93, %get3A_97 : vector<16xf32>
    %get3A_99 = arith.constant 14 : i32
    %get3A_100 = arith.index_cast %get3A_99 : i32 to index
    %get3A_101 = arith.constant 0 : index
    %get3A_102 = tpu.vector_load %arg23[%get3A_100, %get3A_101] {strides = array<i32>} : memref<16x16xf32, #tpu.memory_space<vmem>>, vector<16xf32>,
    %add3A_103 = arith.addf %add3A_98, %get3A_102 : vector<16xf32>
    %get3A_104 = arith.constant 15 : i32
    %get3A_105 = arith.index_cast %get3A_104 : i32 to index
    %get3A_106 = arith.constant 0 : index
    %get3A_107 = tpu.vector_load %arg23[%get3A_105, %get3A_106] {strides = array<i32>} : memref<16x16xf32, #tpu.memory_space<vmem>>, vector<16xf32>,
    %add3A_108 = arith.addf %add3A_103, %get3A_107 : vector<16xf32>
    %reduce_sum3A = arith.constant true
    %reduce_sum3A_109 = vector.broadcast %reduce_sum3A : i1 to vector<16xi1>
    %reduce_sum3A_110 = tpu.scan <sum>, %add3A_108 masked %reduce_sum3A_109 : vector<16xf32>, vector<16xi1> -> vector<16xf32>
    %reduce_sum3A_111 = vector.extract %reduce_sum3A_110[15] : f32 from vector<16xf32>
    %broadcast_in_dim3A_112 = vector.broadcast %reduce_sum3A_111 : f32 to vector<16xf32>
    %div3A = arith.constant 1.000000e+00 : f32
    %div3A_113 = vector.broadcast %div3A : f32 to vector<16xf32>
    %div3A_114 = arith.divf %div3A_113, %broadcast_in_dim3A_112 : vector<16xf32>
    %neg3A = arith.constant 0.000000e+00 : f32
    %neg3A_115 = vector.broadcast %neg3A : f32 to vector<16xf32>
    %neg3A_116 = arith.subf %neg3A_115, %get3A_1 : vector<16xf32>
    %mul3A_117 = arith.mulf %neg3A_116, %div3A_114 : vector<16xf32>
    %scan3A_118 = arith.constant 0 : i32
    %scan3A_119 = arith.constant 0 : i32
    %scan3A_120 = arith.constant 10 : i32
    %scan3A_121 = arith.addi %scan3A_119, %scan3A_120 : i32
    %scan3A_122 = arith.constant 1 : i32
    %scan3A_123 = scf.for %scan3A_190 = %scan3A_119 to %scan3A_121 step %scan3A_122 iter_args(%scan3A_191 = %scan3A_118) -> (i32)  : i32 {
      %scan3A_192 = arith.constant 0 : i32
      %scan3A_193 = arith.constant 40 : i32
      %scan3A_194 = arith.addi %scan3A_192, %scan3A_193 : i32
      %scan3A_195 = arith.constant 1 : i32
      %scan3A_196:4 = scf.for %scan3A_397 = %scan3A_192 to %scan3A_194 step %scan3A_195 iter_args(%scan3A_398 = %broadcast_in_dim3A_0, %scan3A_399 = %broadcast_in_dim3A_0, %scan3A_400 = %broadcast_in_dim3A_0, %scan3A_401 = %broadcast_in_dim3A_0) -> (vector<16xf32>, vector<16xf32>, vector<16xf32>, vector<16xf32>)  : i32 {
        %mul3A_402 = arith.constant 16 : i32
        %mul3A_403 = arith.muli %scan3A_397, %mul3A_402 : i32
        %get3A_404 = arith.index_cast %mul3A_403 : i32 to index
        %get3A_405 = tpu.vector_load %arg18[%get3A_404] {strides = array<i32>} : memref<640xf32, #tpu.memory_space<vmem>>, vector<16xf32>,
        %add3A_406 = arith.constant 0 : i32
        %add3A_407 = arith.addi %add3A_406, %mul3A_8 : i32
        %mul3A_408 = arith.constant 16 : i32
        %mul3A_409 = arith.muli %scan3A_397, %mul3A_408 : i32
        %add3A_410 = arith.addi %add3A_407, %mul3A_409 : i32
        %get3A_411 = arith.index_cast %add3A_410 : i32 to index
        %get3A_412 = tpu.vector_load %arg13[%get3A_411] {strides = array<i32>} : memref<40960xf32, #tpu.memory_space<vmem>>, vector<16xf32>,
        %mul3A_413 = arith.mulf %get3A_405, %get3A_412 : vector<16xf32>
        %add3A_414 = arith.addf %scan3A_398, %mul3A_413 : vector<16xf32>
        %add3A_415 = arith.constant 10240 : i32
        %add3A_416 = arith.addi %add3A_415, %mul3A_8 : i32
        %mul3A_417 = arith.constant 16 : i32
        %mul3A_418 = arith.muli %scan3A_397, %mul3A_417 : i32
        %add3A_419 = arith.addi %add3A_416, %mul3A_418 : i32
        %get3A_420 = arith.index_cast %add3A_419 : i32 to index
        %get3A_421 = tpu.vector_load %arg13[%get3A_420] {strides = array<i32>} : memref<40960xf32, #tpu.memory_space<vmem>>, vector<16xf32>,
        %mul3A_422 = arith.mulf %get3A_405, %get3A_421 : vector<16xf32>
        %add3A_423 = arith.addf %scan3A_399, %mul3A_422 : vector<16xf32>
        %add3A_424 = arith.constant 20480 : i32
        %add3A_425 = arith.addi %add3A_424, %mul3A_8 : i32
        %mul3A_426 = arith.constant 16 : i32
        %mul3A_427 = arith.muli %scan3A_397, %mul3A_426 : i32
        %add3A_428 = arith.addi %add3A_425, %mul3A_427 : i32
        %get3A_429 = arith.index_cast %add3A_428 : i32 to index
        %get3A_430 = tpu.vector_load %arg13[%get3A_429] {strides = array<i32>} : memref<40960xf32, #tpu.memory_space<vmem>>, vector<16xf32>,
        %mul3A_431 = arith.mulf %get3A_405, %get3A_430 : vector<16xf32>
        %add3A_432 = arith.addf %scan3A_400, %mul3A_431 : vector<16xf32>
        %add3A_433 = arith.constant 30720 : i32
        %add3A_434 = arith.addi %add3A_433, %mul3A_8 : i32
        %mul3A_435 = arith.constant 16 : i32
        %mul3A_436 = arith.muli %scan3A_397, %mul3A_435 : i32
        %add3A_437 = arith.addi %add3A_434, %mul3A_436 : i32
        %get3A_438 = arith.index_cast %add3A_437 : i32 to index
        %get3A_439 = tpu.vector_load %arg13[%get3A_438] {strides = array<i32>} : memref<40960xf32, #tpu.memory_space<vmem>>, vector<16xf32>,
        %mul3A_440 = arith.mulf %get3A_405, %get3A_439 : vector<16xf32>
        %add3A_441 = arith.addf %scan3A_401, %mul3A_440 : vector<16xf32>
        scf.yield %add3A_414, %add3A_423, %add3A_432, %add3A_441 : vector<16xf32>, vector<16xf32>, vector<16xf32>, vector<16xf32>
      }
      %scan3A_197 = arith.constant 40 : i32
      %eq3A_198 = arith.constant 0 : i32
      %eq3A_199 = vector.broadcast %eq3A_198 : i32 to vector<16xi32>
      %eq3A_200 = arith.cmpi eq, %iota3A, %eq3A_199 : vector<16xi32>
      %reduce_sum3A_201 = arith.constant true
      %reduce_sum3A_202 = vector.broadcast %reduce_sum3A_201 : i1 to vector<16xi1>
      %reduce_sum3A_203 = tpu.scan <sum>, %scan3A_196#0 masked %reduce_sum3A_202 : vector<16xf32>, vector<16xi1> -> vector<16xf32>
      %reduce_sum3A_204 = vector.extract %reduce_sum3A_203[15] : f32 from vector<16xf32>
      %broadcast_in_dim3A_205 = vector.broadcast %reduce_sum3A_204 : f32 to vector<16xf32>
      %select_n3A_206 = arith.select %eq3A_200, %broadcast_in_dim3A_205, %broadcast_in_dim3A_0 : vector<16xi1>, vector<16xf32>
      %eq3A_207 = arith.constant 1 : i32
      %eq3A_208 = vector.broadcast %eq3A_207 : i32 to vector<16xi32>
      %eq3A_209 = arith.cmpi eq, %iota3A, %eq3A_208 : vector<16xi32>
      %reduce_sum3A_210 = arith.constant true
      %reduce_sum3A_211 = vector.broadcast %reduce_sum3A_210 : i1 to vector<16xi1>
      %reduce_sum3A_212 = tpu.scan <sum>, %scan3A_196#1 masked %reduce_sum3A_211 : vector<16xf32>, vector<16xi1> -> vector<16xf32>
      %reduce_sum3A_213 = vector.extract %reduce_sum3A_212[15] : f32 from vector<16xf32>
      %broadcast_in_dim3A_214 = vector.broadcast %reduce_sum3A_213 : f32 to vector<16xf32>
      %select_n3A_215 = arith.select %eq3A_209, %broadcast_in_dim3A_214, %select_n3A_206 : vector<16xi1>, vector<16xf32>
      %eq3A_216 = arith.constant 2 : i32
      %eq3A_217 = vector.broadcast %eq3A_216 : i32 to vector<16xi32>
      %eq3A_218 = arith.cmpi eq, %iota3A, %eq3A_217 : vector<16xi32>
      %reduce_sum3A_219 = arith.constant true
      %reduce_sum3A_220 = vector.broadcast %reduce_sum3A_219 : i1 to vector<16xi1>
      %reduce_sum3A_221 = tpu.scan <sum>, %scan3A_196#2 masked %reduce_sum3A_220 : vector<16xf32>, vector<16xi1> -> vector<16xf32>
      %reduce_sum3A_222 = vector.extract %reduce_sum3A_221[15] : f32 from vector<16xf32>
      %broadcast_in_dim3A_223 = vector.broadcast %reduce_sum3A_222 : f32 to vector<16xf32>
      %select_n3A_224 = arith.select %eq3A_218, %broadcast_in_dim3A_223, %select_n3A_215 : vector<16xi1>, vector<16xf32>
      %eq3A_225 = arith.constant 3 : i32
      %eq3A_226 = vector.broadcast %eq3A_225 : i32 to vector<16xi32>
      %eq3A_227 = arith.cmpi eq, %iota3A, %eq3A_226 : vector<16xi32>
      %reduce_sum3A_228 = arith.constant true
      %reduce_sum3A_229 = vector.broadcast %reduce_sum3A_228 : i1 to vector<16xi1>
      %reduce_sum3A_230 = tpu.scan <sum>, %scan3A_196#3 masked %reduce_sum3A_229 : vector<16xf32>, vector<16xi1> -> vector<16xf32>
      %reduce_sum3A_231 = vector.extract %reduce_sum3A_230[15] : f32 from vector<16xf32>
      %broadcast_in_dim3A_232 = vector.broadcast %reduce_sum3A_231 : f32 to vector<16xf32>
      %select_n3A_233 = arith.select %eq3A_227, %broadcast_in_dim3A_232, %select_n3A_224 : vector<16xi1>, vector<16xf32>
      %swap3A_234 = arith.constant 0 : index
      %swap3A_235 = tpu.vector_load %arg22[%swap3A_234] {strides = array<i32>} : memref<16xf32, #tpu.memory_space<vmem>>, vector<16xf32>,
      tpu.vector_store %arg22[%swap3A_234], %select_n3A_233 {strides = array<i32>} : memref<16xf32, #tpu.memory_space<vmem>>, vector<16xf32>,
      "tpu.region"() ({
        %run_scoped3A = tpu.sem_alloc : memref<!tpu.dma_semaphore, #tpu.memory_space<semaphore_mem>>
        %dma_start3A = arith.constant 0 : i32
        %dma_start3A_397 = tpu.memref_slice %arg11[%arg1, %dma_start3A] : memref<16x16xf32, #tpu.memory_space<hbm>> -> memref<1x16xf32, #tpu.memory_space<hbm>>
        %dma_start3A_398 = tpu.memref_squeeze %dma_start3A_397 : memref<1x16xf32, #tpu.memory_space<hbm>> -> memref<16xf32, #tpu.memory_space<hbm>>
        %dma_start3A_399 = arith.constant 0 : i32
        %dma_start3A_400 = tpu.memref_slice %arg11[%arg1, %dma_start3A_399] : memref<16x16xf32, #tpu.memory_space<hbm>> -> memref<1x16xf32, #tpu.memory_space<hbm>>
        %dma_start3A_401 = tpu.memref_squeeze %dma_start3A_400 : memref<1x16xf32, #tpu.memory_space<hbm>> -> memref<16xf32, #tpu.memory_space<hbm>>
        tpu.enqueue_dma source(%arg22 : memref<16xf32, #tpu.memory_space<vmem>>) target(%dma_start3A_401 : memref<16xf32, #tpu.memory_space<hbm>>) target_semaphore(%run_scoped3A : memref<!tpu.dma_semaphore, #tpu.memory_space<semaphore_mem>>)
        %dma_wait3A = arith.constant 0 : i32
        %dma_wait3A_402 = tpu.memref_slice %arg11[%arg1, %dma_wait3A] : memref<16x16xf32, #tpu.memory_space<hbm>> -> memref<1x16xf32, #tpu.memory_space<hbm>>
        %dma_wait3A_403 = tpu.memref_squeeze %dma_wait3A_402 : memref<1x16xf32, #tpu.memory_space<hbm>> -> memref<16xf32, #tpu.memory_space<hbm>>
        %dma_wait3A_404 = arith.constant 0 : i32
        %dma_wait3A_405 = tpu.memref_slice %arg11[%arg1, %dma_wait3A_404] : memref<16x16xf32, #tpu.memory_space<hbm>> -> memref<1x16xf32, #tpu.memory_space<hbm>>
        %dma_wait3A_406 = tpu.memref_squeeze %dma_wait3A_405 : memref<1x16xf32, #tpu.memory_space<hbm>> -> memref<16xf32, #tpu.memory_space<hbm>>
        tpu.wait_dma2 semaphore(%run_scoped3A : memref<!tpu.dma_semaphore, #tpu.memory_space<semaphore_mem>>) src(%arg22 : memref<16xf32, #tpu.memory_space<vmem>>) dst(%dma_wait3A_406 : memref<16xf32, #tpu.memory_space<hbm>>)
        tpu.yield
      }) : () -> ()
      %scan3A_236 = arith.constant 0 : i32
      %scan3A_237 = arith.constant 0 : i32
      %scan3A_238 = arith.constant 40 : i32
      %scan3A_239 = arith.addi %scan3A_237, %scan3A_238 : i32
      %scan3A_240 = arith.constant 1 : i32
      %scan3A_241 = scf.for %scan3A_397 = %scan3A_237 to %scan3A_239 step %scan3A_240 iter_args(%scan3A_398 = %scan3A_236) -> (i32)  : i32 {
        %mul3A_399 = arith.constant 16 : i32
        %mul3A_400 = arith.muli %scan3A_397, %mul3A_399 : i32
        %add3A_401 = arith.constant 0 : i32
        %add3A_402 = arith.addi %add3A_401, %mul3A_400 : i32
        %swap3A_403 = arith.index_cast %add3A_402 : i32 to index
        %swap3A_404 = tpu.vector_load %arg17[%swap3A_403] {strides = array<i32>} : memref<2560xf32, #tpu.memory_space<vmem>>, vector<16xf32>,
        tpu.vector_store %arg17[%swap3A_403], %broadcast_in_dim3A_0 {strides = array<i32>} : memref<2560xf32, #tpu.memory_space<vmem>>, vector<16xf32>,
        %mul3A_405 = arith.constant 16 : i32
        %mul3A_406 = arith.muli %scan3A_397, %mul3A_405 : i32
        %add3A_407 = arith.constant 640 : i32
        %add3A_408 = arith.addi %add3A_407, %mul3A_406 : i32
        %swap3A_409 = arith.index_cast %add3A_408 : i32 to index
        %swap3A_410 = tpu.vector_load %arg17[%swap3A_409] {strides = array<i32>} : memref<2560xf32, #tpu.memory_space<vmem>>, vector<16xf32>,
        tpu.vector_store %arg17[%swap3A_409], %broadcast_in_dim3A_0 {strides = array<i32>} : memref<2560xf32, #tpu.memory_space<vmem>>, vector<16xf32>,
        %mul3A_411 = arith.constant 16 : i32
        %mul3A_412 = arith.muli %scan3A_397, %mul3A_411 : i32
        %add3A_413 = arith.constant 1280 : i32
        %add3A_414 = arith.addi %add3A_413, %mul3A_412 : i32
        %swap3A_415 = arith.index_cast %add3A_414 : i32 to index
        %swap3A_416 = tpu.vector_load %arg17[%swap3A_415] {strides = array<i32>} : memref<2560xf32, #tpu.memory_space<vmem>>, vector<16xf32>,
        tpu.vector_store %arg17[%swap3A_415], %broadcast_in_dim3A_0 {strides = array<i32>} : memref<2560xf32, #tpu.memory_space<vmem>>, vector<16xf32>,
        %mul3A_417 = arith.constant 16 : i32
        %mul3A_418 = arith.muli %scan3A_397, %mul3A_417 : i32
        %add3A_419 = arith.constant 1920 : i32
        %add3A_420 = arith.addi %add3A_419, %mul3A_418 : i32
        %swap3A_421 = arith.index_cast %add3A_420 : i32 to index
        %swap3A_422 = tpu.vector_load %arg17[%swap3A_421] {strides = array<i32>} : memref<2560xf32, #tpu.memory_space<vmem>>, vector<16xf32>,
        tpu.vector_store %arg17[%swap3A_421], %broadcast_in_dim3A_0 {strides = array<i32>} : memref<2560xf32, #tpu.memory_space<vmem>>, vector<16xf32>,
        %scan3A_423 = arith.constant 0 : i32
        scf.yield %scan3A_423 : i32
      }
      %scan3A_242 = arith.constant 40 : i32
      %while3A_243 = arith.constant 0 : i32
      %while3A_244 = arith.subi %shift_right_arithmetic3A_12, %shift_right_arithmetic3A_9 : i32
      %while3A_245 = arith.addi %shift_right_arithmetic3A_9, %while3A_244 : i32
      %while3A_246 = arith.constant 1 : i32
      %while3A_247 = arith.divsi %while3A_244, %while3A_246 : i32
      %while3A_248 = arith.muli %while3A_247, %while3A_246 : i32
      %while3A_249 = arith.addi %shift_right_arithmetic3A_9, %while3A_248 : i32
      %while3A_250 = arith.constant 1 : i32
      scf.for %while3A_397 = %shift_right_arithmetic3A_9 to %while3A_249 step %while3A_250  : i32 {
        %mul3A_398 = arith.constant 2048 : i32
        %mul3A_399 = arith.muli %while3A_397, %mul3A_398 : i32
        "tpu.region"() ({
          %run_scoped3A = tpu.sem_alloc : memref<!tpu.dma_semaphore, #tpu.memory_space<semaphore_mem>>
          %dma_start3A = tpu.memref_slice %arg2[%mul3A_399] : memref<321536xi32, #tpu.memory_space<hbm>> -> memref<2048xi32, #tpu.memory_space<hbm>>
          %dma_start3A_417 = tpu.memref_slice %arg2[%mul3A_399] : memref<321536xi32, #tpu.memory_space<hbm>> -> memref<2048xi32, #tpu.memory_space<hbm>>
          tpu.enqueue_dma source(%dma_start3A_417 : memref<2048xi32, #tpu.memory_space<hbm>>) target(%arg14 : memref<2048xi32, #tpu.memory_space<vmem>>) target_semaphore(%run_scoped3A : memref<!tpu.dma_semaphore, #tpu.memory_space<semaphore_mem>>)
          %dma_wait3A = tpu.memref_slice %arg2[%mul3A_399] : memref<321536xi32, #tpu.memory_space<hbm>> -> memref<2048xi32, #tpu.memory_space<hbm>>
          %dma_wait3A_418 = tpu.memref_slice %arg2[%mul3A_399] : memref<321536xi32, #tpu.memory_space<hbm>> -> memref<2048xi32, #tpu.memory_space<hbm>>
          tpu.wait_dma2 semaphore(%run_scoped3A : memref<!tpu.dma_semaphore, #tpu.memory_space<semaphore_mem>>) src(%dma_wait3A_418 : memref<2048xi32, #tpu.memory_space<hbm>>) dst(%arg14 : memref<2048xi32, #tpu.memory_space<vmem>>)
          tpu.yield
        }) : () -> ()
        "tpu.region"() ({
          %run_scoped3A = tpu.sem_alloc : memref<!tpu.dma_semaphore, #tpu.memory_space<semaphore_mem>>
          %dma_start3A = tpu.memref_slice %arg3[%mul3A_399] : memref<321536xi32, #tpu.memory_space<hbm>> -> memref<2048xi32, #tpu.memory_space<hbm>>
          %dma_start3A_417 = tpu.memref_slice %arg3[%mul3A_399] : memref<321536xi32, #tpu.memory_space<hbm>> -> memref<2048xi32, #tpu.memory_space<hbm>>
          tpu.enqueue_dma source(%dma_start3A_417 : memref<2048xi32, #tpu.memory_space<hbm>>) target(%arg15 : memref<2048xi32, #tpu.memory_space<vmem>>) target_semaphore(%run_scoped3A : memref<!tpu.dma_semaphore, #tpu.memory_space<semaphore_mem>>)
          %dma_wait3A = tpu.memref_slice %arg3[%mul3A_399] : memref<321536xi32, #tpu.memory_space<hbm>> -> memref<2048xi32, #tpu.memory_space<hbm>>
          %dma_wait3A_418 = tpu.memref_slice %arg3[%mul3A_399] : memref<321536xi32, #tpu.memory_space<hbm>> -> memref<2048xi32, #tpu.memory_space<hbm>>
          tpu.wait_dma2 semaphore(%run_scoped3A : memref<!tpu.dma_semaphore, #tpu.memory_space<semaphore_mem>>) src(%dma_wait3A_418 : memref<2048xi32, #tpu.memory_space<hbm>>) dst(%arg15 : memref<2048xi32, #tpu.memory_space<vmem>>)
          tpu.yield
        }) : () -> ()
        "tpu.region"() ({
          %run_scoped3A = tpu.sem_alloc : memref<!tpu.dma_semaphore, #tpu.memory_space<semaphore_mem>>
          %dma_start3A = tpu.memref_slice %arg4[%mul3A_399] : memref<321536xf32, #tpu.memory_space<hbm>> -> memref<2048xf32, #tpu.memory_space<hbm>>
          %dma_start3A_417 = tpu.memref_slice %arg4[%mul3A_399] : memref<321536xf32, #tpu.memory_space<hbm>> -> memref<2048xf32, #tpu.memory_space<hbm>>
          tpu.enqueue_dma source(%dma_start3A_417 : memref<2048xf32, #tpu.memory_space<hbm>>) target(%arg16 : memref<2048xf32, #tpu.memory_space<vmem>>) target_semaphore(%run_scoped3A : memref<!tpu.dma_semaphore, #tpu.memory_space<semaphore_mem>>)
          %dma_wait3A = tpu.memref_slice %arg4[%mul3A_399] : memref<321536xf32, #tpu.memory_space<hbm>> -> memref<2048xf32, #tpu.memory_space<hbm>>
          %dma_wait3A_418 = tpu.memref_slice %arg4[%mul3A_399] : memref<321536xf32, #tpu.memory_space<hbm>> -> memref<2048xf32, #tpu.memory_space<hbm>>
          tpu.wait_dma2 semaphore(%run_scoped3A : memref<!tpu.dma_semaphore, #tpu.memory_space<semaphore_mem>>) src(%dma_wait3A_418 : memref<2048xf32, #tpu.memory_space<hbm>>) dst(%arg16 : memref<2048xf32, #tpu.memory_space<vmem>>)
          tpu.yield
        }) : () -> ()
        %max3A = arith.maxsi %squeeze3A, %mul3A_399 : i32
        %sub3A = arith.subi %max3A, %mul3A_399 : i32
        %shift_right_arithmetic3A_400 = arith.constant 4 : i32
        %shift_right_arithmetic3A_401 = arith.shrsi %sub3A, %shift_right_arithmetic3A_400 : i32
        %add3A_402 = arith.constant 2048 : i32
        %add3A_403 = arith.addi %mul3A_399, %add3A_402 : i32
        %min3A = arith.minsi %squeeze3A_7, %add3A_403 : i32
        %sub3A_404 = arith.subi %min3A, %mul3A_399 : i32
        %add3A_405 = arith.constant 15 : i32
        %add3A_406 = arith.addi %sub3A_404, %add3A_405 : i32
        %shift_right_arithmetic3A_407 = arith.constant 4 : i32
        %shift_right_arithmetic3A_408 = arith.shrsi %add3A_406, %shift_right_arithmetic3A_407 : i32
        %while3A_409 = arith.subi %shift_right_arithmetic3A_408, %shift_right_arithmetic3A_401 : i32
        %while3A_410 = arith.addi %shift_right_arithmetic3A_401, %while3A_409 : i32
        %while3A_411 = arith.constant 1 : i32
        %while3A_412 = arith.divsi %while3A_409, %while3A_411 : i32
        %while3A_413 = arith.muli %while3A_412, %while3A_411 : i32
        %while3A_414 = arith.addi %shift_right_arithmetic3A_401, %while3A_413 : i32
        %while3A_415 = arith.constant 1 : i32
        scf.for %while3A_417 = %shift_right_arithmetic3A_401 to %while3A_414 step %while3A_415  : i32 {
          %mul3A_418 = arith.constant 16 : i32
          %mul3A_419 = arith.muli %while3A_417, %mul3A_418 : i32
          %get3A_420 = arith.index_cast %mul3A_419 : i32 to index
          %get3A_421 = tpu.vector_load %arg15[%get3A_420] {strides = array<i32>} : memref<2048xi32, #tpu.memory_space<vmem>>, vector<16xi32>,
          %get3A_422 = arith.index_cast %mul3A_419 : i32 to index
          %get3A_423 = tpu.vector_load %arg16[%get3A_422] {strides = array<i32>} : memref<2048xf32, #tpu.memory_space<vmem>>, vector<16xf32>,
          %add3A_424 = arith.addi %mul3A_399, %mul3A_419 : i32
          %add3A_425 = vector.broadcast %add3A_424 : i32 to vector<16xi32>
          %add3A_426 = arith.addi %add3A_425, %iota3A : vector<16xi32>
          %ge3A = vector.broadcast %squeeze3A : i32 to vector<16xi32>
          %ge3A_427 = arith.cmpi sge, %add3A_426, %ge3A : vector<16xi32>
          %lt3A = vector.broadcast %squeeze3A_7 : i32 to vector<16xi32>
          %lt3A_428 = arith.cmpi slt, %add3A_426, %lt3A : vector<16xi32>
          %and3A = arith.andi %ge3A_427, %lt3A_428 : vector<16xi1>
          %get3A_429 = arith.index_cast %mul3A_419 : i32 to index
          %get3A_430 = tpu.vector_load %arg14[%get3A_429] {strides = array<i32>} : memref<2048xi32, #tpu.memory_space<vmem>>, vector<16xi32>,
          %mul3A_431 = arith.mulf %get3A_1, %get3A_423 : vector<16xf32>
          %exp3A = math.exp %mul3A_431 : vector<16xf32>
          %sub3A_432 = arith.constant 1.000000e+00 : f32
          %sub3A_433 = vector.broadcast %sub3A_432 : f32 to vector<16xf32>
          %sub3A_434 = arith.subf %exp3A, %sub3A_433 : vector<16xf32>
          %sub3A_435 = arith.constant 1 : i32
          %sub3A_436 = vector.broadcast %sub3A_435 : i32 to vector<16xi32>
          %sub3A_437 = arith.subi %iota3A, %sub3A_436 : vector<16xi32>
          %max3A_438 = arith.constant 0 : i32
          %max3A_439 = vector.broadcast %max3A_438 : i32 to vector<16xi32>
          %max3A_440 = arith.maxsi %sub3A_437, %max3A_439 : vector<16xi32>
          %lt3A_441 = arith.constant 0 : i32
          %lt3A_442 = vector.broadcast %lt3A_441 : i32 to vector<16xi32>
          %lt3A_443 = arith.cmpi slt, %max3A_440, %lt3A_442 : vector<16xi32>
          %add3A_444 = arith.constant 16 : i32
          %add3A_445 = vector.broadcast %add3A_444 : i32 to vector<16xi32>
          %add3A_446 = arith.addi %max3A_440, %add3A_445 : vector<16xi32>
          %select_n3A_447 = arith.select %lt3A_443, %add3A_446, %max3A_440 : vector<16xi1>, vector<16xi32>
          %reshape3A = vector.shape_cast %select_n3A_447 : vector<16xi32> to vector<16x1xi32>
          %gather3A = vector.shape_cast %reshape3A : vector<16x1xi32> to vector<16xi32>
          %gather3A_448 = tpu.dynamic_gather %get3A_421[%gather3A] in [0] : vector<16xi32>, vector<16xi32> -> vector<16xi32>
          %eq3A_449 = arith.constant 0 : i32
          %eq3A_450 = vector.broadcast %eq3A_449 : i32 to vector<16xi32>
          %eq3A_451 = arith.cmpi eq, %iota3A, %eq3A_450 : vector<16xi32>
          %ne3A = arith.cmpi ne, %get3A_421, %gather3A_448 : vector<16xi32>
          %or3A = arith.ori %eq3A_451, %ne3A : vector<16xi1>
          %convert_element_type3A_452 = arith.sitofp %iota3A : vector<16xi32> to vector<16xf32>
          %jit3A_453 = arith.constant 0.000000e+00 : f32
          %broadcast_in_dim3A_454 = vector.broadcast %jit3A_453 : f32 to vector<16xf32>
          %select_n3A_455 = arith.select %or3A, %convert_element_type3A_452, %broadcast_in_dim3A_454 : vector<16xi1>, vector<16xf32>
          %broadcast_in_dim3A_456 = arith.constant true
          %broadcast_in_dim3A_457 = vector.broadcast %broadcast_in_dim3A_456 : i1 to vector<16xi1>
          %masked_cummax3A = tpu.scan <max>, %select_n3A_455 masked %broadcast_in_dim3A_457 : vector<16xf32>, vector<16xi1> -> vector<16xf32>
          %add3A_458 = arith.constant 1 : i32
          %add3A_459 = vector.broadcast %add3A_458 : i32 to vector<16xi32>
          %add3A_460 = arith.addi %iota3A, %add3A_459 : vector<16xi32>
          %min3A_461 = arith.constant 15 : i32
          %min3A_462 = vector.broadcast %min3A_461 : i32 to vector<16xi32>
          %min3A_463 = arith.minsi %add3A_460, %min3A_462 : vector<16xi32>
          %lt3A_464 = arith.constant 0 : i32
          %lt3A_465 = vector.broadcast %lt3A_464 : i32 to vector<16xi32>
          %lt3A_466 = arith.cmpi slt, %min3A_463, %lt3A_465 : vector<16xi32>
          %add3A_467 = arith.constant 16 : i32
          %add3A_468 = vector.broadcast %add3A_467 : i32 to vector<16xi32>
          %add3A_469 = arith.addi %min3A_463, %add3A_468 : vector<16xi32>
          %select_n3A_470 = arith.select %lt3A_466, %add3A_469, %min3A_463 : vector<16xi1>, vector<16xi32>
          %reshape3A_471 = vector.shape_cast %select_n3A_470 : vector<16xi32> to vector<16x1xi32>
          %gather3A_472 = vector.shape_cast %reshape3A_471 : vector<16x1xi32> to vector<16xi32>
          %gather3A_473 = tpu.dynamic_gather %get3A_421[%gather3A_472] in [0] : vector<16xi32>, vector<16xi32> -> vector<16xi32>
          %eq3A_474 = arith.constant 15 : i32
          %eq3A_475 = vector.broadcast %eq3A_474 : i32 to vector<16xi32>
          %eq3A_476 = arith.cmpi eq, %iota3A, %eq3A_475 : vector<16xi32>
          %ne3A_477 = arith.cmpi ne, %get3A_421, %gather3A_473 : vector<16xi32>
          %or3A_478 = arith.ori %eq3A_476, %ne3A_477 : vector<16xi1>
          %convert_element_type3A_479 = arith.fptosi %masked_cummax3A : vector<16xf32> to vector<16xi32>
          %sub3A_480 = arith.constant 1 : i32
          %sub3A_481 = vector.broadcast %sub3A_480 : i32 to vector<16xi32>
          %sub3A_482 = arith.subi %convert_element_type3A_479, %sub3A_481 : vector<16xi32>
          %max3A_483 = arith.constant 0 : i32
          %max3A_484 = vector.broadcast %max3A_483 : i32 to vector<16xi32>
          %max3A_485 = arith.maxsi %sub3A_482, %max3A_484 : vector<16xi32>
          %gt3A = arith.constant 0 : i32
          %gt3A_486 = vector.broadcast %gt3A : i32 to vector<16xi32>
          %gt3A_487 = arith.cmpi sgt, %convert_element_type3A_479, %gt3A_486 : vector<16xi32>
          %and3A_488 = arith.andi %or3A_478, %and3A : vector<16xi1>
          %sub3A_489 = vector.broadcast %mul3A_8 : i32 to vector<16xi32>
          %sub3A_490 = arith.subi %get3A_421, %sub3A_489 : vector<16xi32>
          %jit3A_491 = arith.constant 0 : i32
          %broadcast_in_dim3A_492 = vector.broadcast %jit3A_491 : i32 to vector<16xi32>
          %select_n3A_493 = arith.select %and3A_488, %sub3A_490, %broadcast_in_dim3A_492 : vector<16xi1>, vector<16xi32>
          %add3A_494 = arith.constant 0 : i32
          %add3A_495 = vector.broadcast %add3A_494 : i32 to vector<16xi32>
          %add3A_496 = arith.addi %get3A_430, %add3A_495 : vector<16xi32>
          %gather3A_497 = tpu.vector_load_idx %arg13[%add3A_496] : memref<40960xf32, #tpu.memory_space<vmem>>[vector<16xi32>], vector<16xf32>,
          %mul3A_498 = arith.mulf %sub3A_434, %gather3A_497 : vector<16xf32>
          %add3A_499 = arith.constant 1.000000e+00 : f32
          %add3A_500 = vector.broadcast %add3A_499 : f32 to vector<16xf32>
          %add3A_501 = arith.addf %add3A_500, %mul3A_498 : vector<16xf32>
          %bitcast_convert_type3A = tpu.bitcast %add3A_501 : vector<16xf32> -> vector<16xi32>
          %shift_right_arithmetic3A_502 = arith.constant 23 : i32
          %shift_right_arithmetic3A_503 = vector.broadcast %shift_right_arithmetic3A_502 : i32 to vector<16xi32>
          %shift_right_arithmetic3A_504 = arith.shrsi %bitcast_convert_type3A, %shift_right_arithmetic3A_503 : vector<16xi32>
          %sub3A_505 = arith.constant 127 : i32
          %sub3A_506 = vector.broadcast %sub3A_505 : i32 to vector<16xi32>
          %sub3A_507 = arith.subi %shift_right_arithmetic3A_504, %sub3A_506 : vector<16xi32>
          %and3A_508 = arith.constant 8388607 : i32
          %and3A_509 = vector.broadcast %and3A_508 : i32 to vector<16xi32>
          %and3A_510 = arith.andi %bitcast_convert_type3A, %and3A_509 : vector<16xi32>
          %or3A_511 = arith.constant 1065353216 : i32
          %or3A_512 = vector.broadcast %or3A_511 : i32 to vector<16xi32>
          %or3A_513 = arith.ori %and3A_510, %or3A_512 : vector<16xi32>
          %bitcast_convert_type3A_514 = tpu.bitcast %or3A_513 : vector<16xi32> -> vector<16xf32>
          %sub3A_515 = arith.constant 1.000000e+00 : f32
          %sub3A_516 = vector.broadcast %sub3A_515 : f32 to vector<16xf32>
          %sub3A_517 = arith.subf %bitcast_convert_type3A_514, %sub3A_516 : vector<16xf32>
          %mul3A_518 = arith.constant -0.00615148572 : f32
          %mul3A_519 = vector.broadcast %mul3A_518 : f32 to vector<16xf32>
          %mul3A_520 = arith.mulf %mul3A_519, %sub3A_517 : vector<16xf32>
          %add3A_521 = arith.constant 0.0348497964 : f32
          %add3A_522 = vector.broadcast %add3A_521 : f32 to vector<16xf32>
          %add3A_523 = arith.addf %mul3A_520, %add3A_522 : vector<16xf32>
          %mul3A_524 = arith.mulf %add3A_523, %sub3A_517 : vector<16xf32>
          %add3A_525 = arith.constant -0.0932522192 : f32
          %add3A_526 = vector.broadcast %add3A_525 : f32 to vector<16xf32>
          %add3A_527 = arith.addf %mul3A_524, %add3A_526 : vector<16xf32>
          %mul3A_528 = arith.mulf %add3A_527, %sub3A_517 : vector<16xf32>
          %add3A_529 = arith.constant 0.165822953 : f32
          %add3A_530 = vector.broadcast %add3A_529 : f32 to vector<16xf32>
          %add3A_531 = arith.addf %mul3A_528, %add3A_530 : vector<16xf32>
          %mul3A_532 = arith.mulf %add3A_531, %sub3A_517 : vector<16xf32>
          %add3A_533 = arith.constant -0.239826292 : f32
          %add3A_534 = vector.broadcast %add3A_533 : f32 to vector<16xf32>
          %add3A_535 = arith.addf %mul3A_532, %add3A_534 : vector<16xf32>
          %mul3A_536 = arith.mulf %add3A_535, %sub3A_517 : vector<16xf32>
          %add3A_537 = arith.constant 0.331548661 : f32
          %add3A_538 = vector.broadcast %add3A_537 : f32 to vector<16xf32>
          %add3A_539 = arith.addf %mul3A_536, %add3A_538 : vector<16xf32>
          %mul3A_540 = arith.mulf %add3A_539, %sub3A_517 : vector<16xf32>
          %add3A_541 = arith.constant -0.499838561 : f32
          %add3A_542 = vector.broadcast %add3A_541 : f32 to vector<16xf32>
          %add3A_543 = arith.addf %mul3A_540, %add3A_542 : vector<16xf32>
          %mul3A_544 = arith.mulf %add3A_543, %sub3A_517 : vector<16xf32>
          %add3A_545 = arith.constant 0.999994277 : f32
          %add3A_546 = vector.broadcast %add3A_545 : f32 to vector<16xf32>
          %add3A_547 = arith.addf %mul3A_544, %add3A_546 : vector<16xf32>
          %mul3A_548 = arith.mulf %add3A_547, %sub3A_517 : vector<16xf32>
          %convert_element_type3A_549 = arith.sitofp %sub3A_507 : vector<16xi32> to vector<16xf32>
          %mul3A_550 = arith.constant 0.693147182 : f32
          %mul3A_551 = vector.broadcast %mul3A_550 : f32 to vector<16xf32>
          %mul3A_552 = arith.mulf %convert_element_type3A_549, %mul3A_551 : vector<16xf32>
          %add3A_553 = arith.addf %mul3A_552, %mul3A_548 : vector<16xf32>
          %jit3A_554 = arith.constant 0.000000e+00 : f32
          %broadcast_in_dim3A_555 = vector.broadcast %jit3A_554 : f32 to vector<16xf32>
          %select_n3A_556 = arith.select %and3A, %add3A_553, %broadcast_in_dim3A_555 : vector<16xi1>, vector<16xf32>
          %broadcast_in_dim3A_557 = arith.constant true
          %broadcast_in_dim3A_558 = vector.broadcast %broadcast_in_dim3A_557 : i1 to vector<16xi1>
          %masked_cumsum3A = tpu.scan <sum>, %select_n3A_556 masked %broadcast_in_dim3A_558 : vector<16xf32>, vector<16xi1> -> vector<16xf32>
          %lt3A_559 = arith.constant 0 : i32
          %lt3A_560 = vector.broadcast %lt3A_559 : i32 to vector<16xi32>
          %lt3A_561 = arith.cmpi slt, %max3A_485, %lt3A_560 : vector<16xi32>
          %add3A_562 = arith.constant 16 : i32
          %add3A_563 = vector.broadcast %add3A_562 : i32 to vector<16xi32>
          %add3A_564 = arith.addi %max3A_485, %add3A_563 : vector<16xi32>
          %select_n3A_565 = arith.select %lt3A_561, %add3A_564, %max3A_485 : vector<16xi1>, vector<16xi32>
          %reshape3A_566 = vector.shape_cast %select_n3A_565 : vector<16xi32> to vector<16x1xi32>
          %gather3A_567 = vector.shape_cast %reshape3A_566 : vector<16x1xi32> to vector<16xi32>
          %gather3A_568 = tpu.dynamic_gather %masked_cumsum3A[%gather3A_567] in [0] : vector<16xf32>, vector<16xi32> -> vector<16xf32>
          %jit3A_569 = arith.constant 0.000000e+00 : f32
          %broadcast_in_dim3A_570 = vector.broadcast %jit3A_569 : f32 to vector<16xf32>
          %select_n3A_571 = arith.select %gt3A_487, %gather3A_568, %broadcast_in_dim3A_570 : vector<16xi1>, vector<16xf32>
          %sub3A_572 = arith.subf %masked_cumsum3A, %select_n3A_571 : vector<16xf32>
          %add3A_573 = arith.constant 0 : i32
          %add3A_574 = vector.broadcast %add3A_573 : i32 to vector<16xi32>
          %add3A_575 = arith.addi %select_n3A_493, %add3A_574 : vector<16xi32>
          tpu.vector_store_idx %arg17[%add3A_575], %sub3A_572 masked %and3A_488 {add = true} : memref<2560xf32, #tpu.memory_space<vmem>>[vector<16xi32>], vector<16xf32>, vector<16xi1>
          %add3A_576 = arith.constant 10240 : i32
          %add3A_577 = vector.broadcast %add3A_576 : i32 to vector<16xi32>
          %add3A_578 = arith.addi %get3A_430, %add3A_577 : vector<16xi32>
          %gather3A_579 = tpu.vector_load_idx %arg13[%add3A_578] : memref<40960xf32, #tpu.memory_space<vmem>>[vector<16xi32>], vector<16xf32>,
          %mul3A_580 = arith.mulf %sub3A_434, %gather3A_579 : vector<16xf32>
          %add3A_581 = arith.constant 1.000000e+00 : f32
          %add3A_582 = vector.broadcast %add3A_581 : f32 to vector<16xf32>
          %add3A_583 = arith.addf %add3A_582, %mul3A_580 : vector<16xf32>
          %bitcast_convert_type3A_584 = tpu.bitcast %add3A_583 : vector<16xf32> -> vector<16xi32>
          %shift_right_arithmetic3A_585 = arith.constant 23 : i32
          %shift_right_arithmetic3A_586 = vector.broadcast %shift_right_arithmetic3A_585 : i32 to vector<16xi32>
          %shift_right_arithmetic3A_587 = arith.shrsi %bitcast_convert_type3A_584, %shift_right_arithmetic3A_586 : vector<16xi32>
          %sub3A_588 = arith.constant 127 : i32
          %sub3A_589 = vector.broadcast %sub3A_588 : i32 to vector<16xi32>
          %sub3A_590 = arith.subi %shift_right_arithmetic3A_587, %sub3A_589 : vector<16xi32>
          %and3A_591 = arith.constant 8388607 : i32
          %and3A_592 = vector.broadcast %and3A_591 : i32 to vector<16xi32>
          %and3A_593 = arith.andi %bitcast_convert_type3A_584, %and3A_592 : vector<16xi32>
          %or3A_594 = arith.constant 1065353216 : i32
          %or3A_595 = vector.broadcast %or3A_594 : i32 to vector<16xi32>
          %or3A_596 = arith.ori %and3A_593, %or3A_595 : vector<16xi32>
          %bitcast_convert_type3A_597 = tpu.bitcast %or3A_596 : vector<16xi32> -> vector<16xf32>
          %sub3A_598 = arith.constant 1.000000e+00 : f32
          %sub3A_599 = vector.broadcast %sub3A_598 : f32 to vector<16xf32>
          %sub3A_600 = arith.subf %bitcast_convert_type3A_597, %sub3A_599 : vector<16xf32>
          %mul3A_601 = arith.constant -0.00615148572 : f32
          %mul3A_602 = vector.broadcast %mul3A_601 : f32 to vector<16xf32>
          %mul3A_603 = arith.mulf %mul3A_602, %sub3A_600 : vector<16xf32>
          %add3A_604 = arith.constant 0.0348497964 : f32
          %add3A_605 = vector.broadcast %add3A_604 : f32 to vector<16xf32>
          %add3A_606 = arith.addf %mul3A_603, %add3A_605 : vector<16xf32>
          %mul3A_607 = arith.mulf %add3A_606, %sub3A_600 : vector<16xf32>
          %add3A_608 = arith.constant -0.0932522192 : f32
          %add3A_609 = vector.broadcast %add3A_608 : f32 to vector<16xf32>
          %add3A_610 = arith.addf %mul3A_607, %add3A_609 : vector<16xf32>
          %mul3A_611 = arith.mulf %add3A_610, %sub3A_600 : vector<16xf32>
          %add3A_612 = arith.constant 0.165822953 : f32
          %add3A_613 = vector.broadcast %add3A_612 : f32 to vector<16xf32>
          %add3A_614 = arith.addf %mul3A_611, %add3A_613 : vector<16xf32>
          %mul3A_615 = arith.mulf %add3A_614, %sub3A_600 : vector<16xf32>
          %add3A_616 = arith.constant -0.239826292 : f32
          %add3A_617 = vector.broadcast %add3A_616 : f32 to vector<16xf32>
          %add3A_618 = arith.addf %mul3A_615, %add3A_617 : vector<16xf32>
          %mul3A_619 = arith.mulf %add3A_618, %sub3A_600 : vector<16xf32>
          %add3A_620 = arith.constant 0.331548661 : f32
          %add3A_621 = vector.broadcast %add3A_620 : f32 to vector<16xf32>
          %add3A_622 = arith.addf %mul3A_619, %add3A_621 : vector<16xf32>
          %mul3A_623 = arith.mulf %add3A_622, %sub3A_600 : vector<16xf32>
          %add3A_624 = arith.constant -0.499838561 : f32
          %add3A_625 = vector.broadcast %add3A_624 : f32 to vector<16xf32>
          %add3A_626 = arith.addf %mul3A_623, %add3A_625 : vector<16xf32>
          %mul3A_627 = arith.mulf %add3A_626, %sub3A_600 : vector<16xf32>
          %add3A_628 = arith.constant 0.999994277 : f32
          %add3A_629 = vector.broadcast %add3A_628 : f32 to vector<16xf32>
          %add3A_630 = arith.addf %mul3A_627, %add3A_629 : vector<16xf32>
          %mul3A_631 = arith.mulf %add3A_630, %sub3A_600 : vector<16xf32>
          %convert_element_type3A_632 = arith.sitofp %sub3A_590 : vector<16xi32> to vector<16xf32>
          %mul3A_633 = arith.constant 0.693147182 : f32
          %mul3A_634 = vector.broadcast %mul3A_633 : f32 to vector<16xf32>
          %mul3A_635 = arith.mulf %convert_element_type3A_632, %mul3A_634 : vector<16xf32>
          %add3A_636 = arith.addf %mul3A_635, %mul3A_631 : vector<16xf32>
          %jit3A_637 = arith.constant 0.000000e+00 : f32
          %broadcast_in_dim3A_638 = vector.broadcast %jit3A_637 : f32 to vector<16xf32>
          %select_n3A_639 = arith.select %and3A, %add3A_636, %broadcast_in_dim3A_638 : vector<16xi1>, vector<16xf32>
          %broadcast_in_dim3A_640 = arith.constant true
          %broadcast_in_dim3A_641 = vector.broadcast %broadcast_in_dim3A_640 : i1 to vector<16xi1>
          %masked_cumsum3A_642 = tpu.scan <sum>, %select_n3A_639 masked %broadcast_in_dim3A_641 : vector<16xf32>, vector<16xi1> -> vector<16xf32>
          %lt3A_643 = arith.constant 0 : i32
          %lt3A_644 = vector.broadcast %lt3A_643 : i32 to vector<16xi32>
          %lt3A_645 = arith.cmpi slt, %max3A_485, %lt3A_644 : vector<16xi32>
          %add3A_646 = arith.constant 16 : i32
          %add3A_647 = vector.broadcast %add3A_646 : i32 to vector<16xi32>
          %add3A_648 = arith.addi %max3A_485, %add3A_647 : vector<16xi32>
          %select_n3A_649 = arith.select %lt3A_645, %add3A_648, %max3A_485 : vector<16xi1>, vector<16xi32>
          %reshape3A_650 = vector.shape_cast %select_n3A_649 : vector<16xi32> to vector<16x1xi32>
          %gather3A_651 = vector.shape_cast %reshape3A_650 : vector<16x1xi32> to vector<16xi32>
          %gather3A_652 = tpu.dynamic_gather %masked_cumsum3A_642[%gather3A_651] in [0] : vector<16xf32>, vector<16xi32> -> vector<16xf32>
          %jit3A_653 = arith.constant 0.000000e+00 : f32
          %broadcast_in_dim3A_654 = vector.broadcast %jit3A_653 : f32 to vector<16xf32>
          %select_n3A_655 = arith.select %gt3A_487, %gather3A_652, %broadcast_in_dim3A_654 : vector<16xi1>, vector<16xf32>
          %sub3A_656 = arith.subf %masked_cumsum3A_642, %select_n3A_655 : vector<16xf32>
          %add3A_657 = arith.constant 640 : i32
          %add3A_658 = vector.broadcast %add3A_657 : i32 to vector<16xi32>
          %add3A_659 = arith.addi %select_n3A_493, %add3A_658 : vector<16xi32>
          tpu.vector_store_idx %arg17[%add3A_659], %sub3A_656 masked %and3A_488 {add = true} : memref<2560xf32, #tpu.memory_space<vmem>>[vector<16xi32>], vector<16xf32>, vector<16xi1>
          %add3A_660 = arith.constant 20480 : i32
          %add3A_661 = vector.broadcast %add3A_660 : i32 to vector<16xi32>
          %add3A_662 = arith.addi %get3A_430, %add3A_661 : vector<16xi32>
          %gather3A_663 = tpu.vector_load_idx %arg13[%add3A_662] : memref<40960xf32, #tpu.memory_space<vmem>>[vector<16xi32>], vector<16xf32>,
          %mul3A_664 = arith.mulf %sub3A_434, %gather3A_663 : vector<16xf32>
          %add3A_665 = arith.constant 1.000000e+00 : f32
          %add3A_666 = vector.broadcast %add3A_665 : f32 to vector<16xf32>
          %add3A_667 = arith.addf %add3A_666, %mul3A_664 : vector<16xf32>
          %bitcast_convert_type3A_668 = tpu.bitcast %add3A_667 : vector<16xf32> -> vector<16xi32>
          %shift_right_arithmetic3A_669 = arith.constant 23 : i32
          %shift_right_arithmetic3A_670 = vector.broadcast %shift_right_arithmetic3A_669 : i32 to vector<16xi32>
          %shift_right_arithmetic3A_671 = arith.shrsi %bitcast_convert_type3A_668, %shift_right_arithmetic3A_670 : vector<16xi32>
          %sub3A_672 = arith.constant 127 : i32
          %sub3A_673 = vector.broadcast %sub3A_672 : i32 to vector<16xi32>
          %sub3A_674 = arith.subi %shift_right_arithmetic3A_671, %sub3A_673 : vector<16xi32>
          %and3A_675 = arith.constant 8388607 : i32
          %and3A_676 = vector.broadcast %and3A_675 : i32 to vector<16xi32>
          %and3A_677 = arith.andi %bitcast_convert_type3A_668, %and3A_676 : vector<16xi32>
          %or3A_678 = arith.constant 1065353216 : i32
          %or3A_679 = vector.broadcast %or3A_678 : i32 to vector<16xi32>
          %or3A_680 = arith.ori %and3A_677, %or3A_679 : vector<16xi32>
          %bitcast_convert_type3A_681 = tpu.bitcast %or3A_680 : vector<16xi32> -> vector<16xf32>
          %sub3A_682 = arith.constant 1.000000e+00 : f32
          %sub3A_683 = vector.broadcast %sub3A_682 : f32 to vector<16xf32>
          %sub3A_684 = arith.subf %bitcast_convert_type3A_681, %sub3A_683 : vector<16xf32>
          %mul3A_685 = arith.constant -0.00615148572 : f32
          %mul3A_686 = vector.broadcast %mul3A_685 : f32 to vector<16xf32>
          %mul3A_687 = arith.mulf %mul3A_686, %sub3A_684 : vector<16xf32>
          %add3A_688 = arith.constant 0.0348497964 : f32
          %add3A_689 = vector.broadcast %add3A_688 : f32 to vector<16xf32>
          %add3A_690 = arith.addf %mul3A_687, %add3A_689 : vector<16xf32>
          %mul3A_691 = arith.mulf %add3A_690, %sub3A_684 : vector<16xf32>
          %add3A_692 = arith.constant -0.0932522192 : f32
          %add3A_693 = vector.broadcast %add3A_692 : f32 to vector<16xf32>
          %add3A_694 = arith.addf %mul3A_691, %add3A_693 : vector<16xf32>
          %mul3A_695 = arith.mulf %add3A_694, %sub3A_684 : vector<16xf32>
          %add3A_696 = arith.constant 0.165822953 : f32
          %add3A_697 = vector.broadcast %add3A_696 : f32 to vector<16xf32>
          %add3A_698 = arith.addf %mul3A_695, %add3A_697 : vector<16xf32>
          %mul3A_699 = arith.mulf %add3A_698, %sub3A_684 : vector<16xf32>
          %add3A_700 = arith.constant -0.239826292 : f32
          %add3A_701 = vector.broadcast %add3A_700 : f32 to vector<16xf32>
          %add3A_702 = arith.addf %mul3A_699, %add3A_701 : vector<16xf32>
          %mul3A_703 = arith.mulf %add3A_702, %sub3A_684 : vector<16xf32>
          %add3A_704 = arith.constant 0.331548661 : f32
          %add3A_705 = vector.broadcast %add3A_704 : f32 to vector<16xf32>
          %add3A_706 = arith.addf %mul3A_703, %add3A_705 : vector<16xf32>
          %mul3A_707 = arith.mulf %add3A_706, %sub3A_684 : vector<16xf32>
          %add3A_708 = arith.constant -0.499838561 : f32
          %add3A_709 = vector.broadcast %add3A_708 : f32 to vector<16xf32>
          %add3A_710 = arith.addf %mul3A_707, %add3A_709 : vector<16xf32>
          %mul3A_711 = arith.mulf %add3A_710, %sub3A_684 : vector<16xf32>
          %add3A_712 = arith.constant 0.999994277 : f32
          %add3A_713 = vector.broadcast %add3A_712 : f32 to vector<16xf32>
          %add3A_714 = arith.addf %mul3A_711, %add3A_713 : vector<16xf32>
          %mul3A_715 = arith.mulf %add3A_714, %sub3A_684 : vector<16xf32>
          %convert_element_type3A_716 = arith.sitofp %sub3A_674 : vector<16xi32> to vector<16xf32>
          %mul3A_717 = arith.constant 0.693147182 : f32
          %mul3A_718 = vector.broadcast %mul3A_717 : f32 to vector<16xf32>
          %mul3A_719 = arith.mulf %convert_element_type3A_716, %mul3A_718 : vector<16xf32>
          %add3A_720 = arith.addf %mul3A_719, %mul3A_715 : vector<16xf32>
          %jit3A_721 = arith.constant 0.000000e+00 : f32
          %broadcast_in_dim3A_722 = vector.broadcast %jit3A_721 : f32 to vector<16xf32>
          %select_n3A_723 = arith.select %and3A, %add3A_720, %broadcast_in_dim3A_722 : vector<16xi1>, vector<16xf32>
          %broadcast_in_dim3A_724 = arith.constant true
          %broadcast_in_dim3A_725 = vector.broadcast %broadcast_in_dim3A_724 : i1 to vector<16xi1>
          %masked_cumsum3A_726 = tpu.scan <sum>, %select_n3A_723 masked %broadcast_in_dim3A_725 : vector<16xf32>, vector<16xi1> -> vector<16xf32>
          %lt3A_727 = arith.constant 0 : i32
          %lt3A_728 = vector.broadcast %lt3A_727 : i32 to vector<16xi32>
          %lt3A_729 = arith.cmpi slt, %max3A_485, %lt3A_728 : vector<16xi32>
          %add3A_730 = arith.constant 16 : i32
          %add3A_731 = vector.broadcast %add3A_730 : i32 to vector<16xi32>
          %add3A_732 = arith.addi %max3A_485, %add3A_731 : vector<16xi32>
          %select_n3A_733 = arith.select %lt3A_729, %add3A_732, %max3A_485 : vector<16xi1>, vector<16xi32>
          %reshape3A_734 = vector.shape_cast %select_n3A_733 : vector<16xi32> to vector<16x1xi32>
          %gather3A_735 = vector.shape_cast %reshape3A_734 : vector<16x1xi32> to vector<16xi32>
          %gather3A_736 = tpu.dynamic_gather %masked_cumsum3A_726[%gather3A_735] in [0] : vector<16xf32>, vector<16xi32> -> vector<16xf32>
          %jit3A_737 = arith.constant 0.000000e+00 : f32
          %broadcast_in_dim3A_738 = vector.broadcast %jit3A_737 : f32 to vector<16xf32>
          %select_n3A_739 = arith.select %gt3A_487, %gather3A_736, %broadcast_in_dim3A_738 : vector<16xi1>, vector<16xf32>
          %sub3A_740 = arith.subf %masked_cumsum3A_726, %select_n3A_739 : vector<16xf32>
          %add3A_741 = arith.constant 1280 : i32
          %add3A_742 = vector.broadcast %add3A_741 : i32 to vector<16xi32>
          %add3A_743 = arith.addi %select_n3A_493, %add3A_742 : vector<16xi32>
          tpu.vector_store_idx %arg17[%add3A_743], %sub3A_740 masked %and3A_488 {add = true} : memref<2560xf32, #tpu.memory_space<vmem>>[vector<16xi32>], vector<16xf32>, vector<16xi1>
          %add3A_744 = arith.constant 30720 : i32
          %add3A_745 = vector.broadcast %add3A_744 : i32 to vector<16xi32>
          %add3A_746 = arith.addi %get3A_430, %add3A_745 : vector<16xi32>
          %gather3A_747 = tpu.vector_load_idx %arg13[%add3A_746] : memref<40960xf32, #tpu.memory_space<vmem>>[vector<16xi32>], vector<16xf32>,
          %mul3A_748 = arith.mulf %sub3A_434, %gather3A_747 : vector<16xf32>
          %add3A_749 = arith.constant 1.000000e+00 : f32
          %add3A_750 = vector.broadcast %add3A_749 : f32 to vector<16xf32>
          %add3A_751 = arith.addf %add3A_750, %mul3A_748 : vector<16xf32>
          %bitcast_convert_type3A_752 = tpu.bitcast %add3A_751 : vector<16xf32> -> vector<16xi32>
          %shift_right_arithmetic3A_753 = arith.constant 23 : i32
          %shift_right_arithmetic3A_754 = vector.broadcast %shift_right_arithmetic3A_753 : i32 to vector<16xi32>
          %shift_right_arithmetic3A_755 = arith.shrsi %bitcast_convert_type3A_752, %shift_right_arithmetic3A_754 : vector<16xi32>
          %sub3A_756 = arith.constant 127 : i32
          %sub3A_757 = vector.broadcast %sub3A_756 : i32 to vector<16xi32>
          %sub3A_758 = arith.subi %shift_right_arithmetic3A_755, %sub3A_757 : vector<16xi32>
          %and3A_759 = arith.constant 8388607 : i32
          %and3A_760 = vector.broadcast %and3A_759 : i32 to vector<16xi32>
          %and3A_761 = arith.andi %bitcast_convert_type3A_752, %and3A_760 : vector<16xi32>
          %or3A_762 = arith.constant 1065353216 : i32
          %or3A_763 = vector.broadcast %or3A_762 : i32 to vector<16xi32>
          %or3A_764 = arith.ori %and3A_761, %or3A_763 : vector<16xi32>
          %bitcast_convert_type3A_765 = tpu.bitcast %or3A_764 : vector<16xi32> -> vector<16xf32>
          %sub3A_766 = arith.constant 1.000000e+00 : f32
          %sub3A_767 = vector.broadcast %sub3A_766 : f32 to vector<16xf32>
          %sub3A_768 = arith.subf %bitcast_convert_type3A_765, %sub3A_767 : vector<16xf32>
          %mul3A_769 = arith.constant -0.00615148572 : f32
          %mul3A_770 = vector.broadcast %mul3A_769 : f32 to vector<16xf32>
          %mul3A_771 = arith.mulf %mul3A_770, %sub3A_768 : vector<16xf32>
          %add3A_772 = arith.constant 0.0348497964 : f32
          %add3A_773 = vector.broadcast %add3A_772 : f32 to vector<16xf32>
          %add3A_774 = arith.addf %mul3A_771, %add3A_773 : vector<16xf32>
          %mul3A_775 = arith.mulf %add3A_774, %sub3A_768 : vector<16xf32>
          %add3A_776 = arith.constant -0.0932522192 : f32
          %add3A_777 = vector.broadcast %add3A_776 : f32 to vector<16xf32>
          %add3A_778 = arith.addf %mul3A_775, %add3A_777 : vector<16xf32>
          %mul3A_779 = arith.mulf %add3A_778, %sub3A_768 : vector<16xf32>
          %add3A_780 = arith.constant 0.165822953 : f32
          %add3A_781 = vector.broadcast %add3A_780 : f32 to vector<16xf32>
          %add3A_782 = arith.addf %mul3A_779, %add3A_781 : vector<16xf32>
          %mul3A_783 = arith.mulf %add3A_782, %sub3A_768 : vector<16xf32>
          %add3A_784 = arith.constant -0.239826292 : f32
          %add3A_785 = vector.broadcast %add3A_784 : f32 to vector<16xf32>
          %add3A_786 = arith.addf %mul3A_783, %add3A_785 : vector<16xf32>
          %mul3A_787 = arith.mulf %add3A_786, %sub3A_768 : vector<16xf32>
          %add3A_788 = arith.constant 0.331548661 : f32
          %add3A_789 = vector.broadcast %add3A_788 : f32 to vector<16xf32>
          %add3A_790 = arith.addf %mul3A_787, %add3A_789 : vector<16xf32>
          %mul3A_791 = arith.mulf %add3A_790, %sub3A_768 : vector<16xf32>
          %add3A_792 = arith.constant -0.499838561 : f32
          %add3A_793 = vector.broadcast %add3A_792 : f32 to vector<16xf32>
          %add3A_794 = arith.addf %mul3A_791, %add3A_793 : vector<16xf32>
          %mul3A_795 = arith.mulf %add3A_794, %sub3A_768 : vector<16xf32>
          %add3A_796 = arith.constant 0.999994277 : f32
          %add3A_797 = vector.broadcast %add3A_796 : f32 to vector<16xf32>
          %add3A_798 = arith.addf %mul3A_795, %add3A_797 : vector<16xf32>
          %mul3A_799 = arith.mulf %add3A_798, %sub3A_768 : vector<16xf32>
          %convert_element_type3A_800 = arith.sitofp %sub3A_758 : vector<16xi32> to vector<16xf32>
          %mul3A_801 = arith.constant 0.693147182 : f32
          %mul3A_802 = vector.broadcast %mul3A_801 : f32 to vector<16xf32>
          %mul3A_803 = arith.mulf %convert_element_type3A_800, %mul3A_802 : vector<16xf32>
          %add3A_804 = arith.addf %mul3A_803, %mul3A_799 : vector<16xf32>
          %jit3A_805 = arith.constant 0.000000e+00 : f32
          %broadcast_in_dim3A_806 = vector.broadcast %jit3A_805 : f32 to vector<16xf32>
          %select_n3A_807 = arith.select %and3A, %add3A_804, %broadcast_in_dim3A_806 : vector<16xi1>, vector<16xf32>
          %broadcast_in_dim3A_808 = arith.constant true
          %broadcast_in_dim3A_809 = vector.broadcast %broadcast_in_dim3A_808 : i1 to vector<16xi1>
          %masked_cumsum3A_810 = tpu.scan <sum>, %select_n3A_807 masked %broadcast_in_dim3A_809 : vector<16xf32>, vector<16xi1> -> vector<16xf32>
          %lt3A_811 = arith.constant 0 : i32
          %lt3A_812 = vector.broadcast %lt3A_811 : i32 to vector<16xi32>
          %lt3A_813 = arith.cmpi slt, %max3A_485, %lt3A_812 : vector<16xi32>
          %add3A_814 = arith.constant 16 : i32
          %add3A_815 = vector.broadcast %add3A_814 : i32 to vector<16xi32>
          %add3A_816 = arith.addi %max3A_485, %add3A_815 : vector<16xi32>
          %select_n3A_817 = arith.select %lt3A_813, %add3A_816, %max3A_485 : vector<16xi1>, vector<16xi32>
          %reshape3A_818 = vector.shape_cast %select_n3A_817 : vector<16xi32> to vector<16x1xi32>
          %gather3A_819 = vector.shape_cast %reshape3A_818 : vector<16x1xi32> to vector<16xi32>
          %gather3A_820 = tpu.dynamic_gather %masked_cumsum3A_810[%gather3A_819] in [0] : vector<16xf32>, vector<16xi32> -> vector<16xf32>
          %jit3A_821 = arith.constant 0.000000e+00 : f32
          %broadcast_in_dim3A_822 = vector.broadcast %jit3A_821 : f32 to vector<16xf32>
          %select_n3A_823 = arith.select %gt3A_487, %gather3A_820, %broadcast_in_dim3A_822 : vector<16xi1>, vector<16xf32>
          %sub3A_824 = arith.subf %masked_cumsum3A_810, %select_n3A_823 : vector<16xf32>
          %add3A_825 = arith.constant 1920 : i32
          %add3A_826 = vector.broadcast %add3A_825 : i32 to vector<16xi32>
          %add3A_827 = arith.addi %select_n3A_493, %add3A_826 : vector<16xi32>
          tpu.vector_store_idx %arg17[%add3A_827], %sub3A_824 masked %and3A_488 {add = true} : memref<2560xf32, #tpu.memory_space<vmem>>[vector<16xi32>], vector<16xf32>, vector<16xi1>
        }
        %while3A_416 = arith.constant 1 : i32
        scf.for %while3A_417 = %while3A_414 to %while3A_410 step %while3A_416  : i32 {
          %mul3A_418 = arith.constant 16 : i32
          %mul3A_419 = arith.muli %while3A_417, %mul3A_418 : i32
          %get3A_420 = arith.index_cast %mul3A_419 : i32 to index
          %get3A_421 = tpu.vector_load %arg15[%get3A_420] {strides = array<i32>} : memref<2048xi32, #tpu.memory_space<vmem>>, vector<16xi32>,
          %get3A_422 = arith.index_cast %mul3A_419 : i32 to index
          %get3A_423 = tpu.vector_load %arg16[%get3A_422] {strides = array<i32>} : memref<2048xf32, #tpu.memory_space<vmem>>, vector<16xf32>,
          %add3A_424 = arith.addi %mul3A_399, %mul3A_419 : i32
          %add3A_425 = vector.broadcast %add3A_424 : i32 to vector<16xi32>
          %add3A_426 = arith.addi %add3A_425, %iota3A : vector<16xi32>
          %ge3A = vector.broadcast %squeeze3A : i32 to vector<16xi32>
          %ge3A_427 = arith.cmpi sge, %add3A_426, %ge3A : vector<16xi32>
          %lt3A = vector.broadcast %squeeze3A_7 : i32 to vector<16xi32>
          %lt3A_428 = arith.cmpi slt, %add3A_426, %lt3A : vector<16xi32>
          %and3A = arith.andi %ge3A_427, %lt3A_428 : vector<16xi1>
          %get3A_429 = arith.index_cast %mul3A_419 : i32 to index
          %get3A_430 = tpu.vector_load %arg14[%get3A_429] {strides = array<i32>} : memref<2048xi32, #tpu.memory_space<vmem>>, vector<16xi32>,
          %mul3A_431 = arith.mulf %get3A_1, %get3A_423 : vector<16xf32>
          %exp3A = math.exp %mul3A_431 : vector<16xf32>
          %sub3A_432 = arith.constant 1.000000e+00 : f32
          %sub3A_433 = vector.broadcast %sub3A_432 : f32 to vector<16xf32>
          %sub3A_434 = arith.subf %exp3A, %sub3A_433 : vector<16xf32>
          %sub3A_435 = arith.constant 1 : i32
          %sub3A_436 = vector.broadcast %sub3A_435 : i32 to vector<16xi32>
          %sub3A_437 = arith.subi %iota3A, %sub3A_436 : vector<16xi32>
          %max3A_438 = arith.constant 0 : i32
          %max3A_439 = vector.broadcast %max3A_438 : i32 to vector<16xi32>
          %max3A_440 = arith.maxsi %sub3A_437, %max3A_439 : vector<16xi32>
          %lt3A_441 = arith.constant 0 : i32
          %lt3A_442 = vector.broadcast %lt3A_441 : i32 to vector<16xi32>
          %lt3A_443 = arith.cmpi slt, %max3A_440, %lt3A_442 : vector<16xi32>
          %add3A_444 = arith.constant 16 : i32
          %add3A_445 = vector.broadcast %add3A_444 : i32 to vector<16xi32>
          %add3A_446 = arith.addi %max3A_440, %add3A_445 : vector<16xi32>
          %select_n3A_447 = arith.select %lt3A_443, %add3A_446, %max3A_440 : vector<16xi1>, vector<16xi32>
          %reshape3A = vector.shape_cast %select_n3A_447 : vector<16xi32> to vector<16x1xi32>
          %gather3A = vector.shape_cast %reshape3A : vector<16x1xi32> to vector<16xi32>
          %gather3A_448 = tpu.dynamic_gather %get3A_421[%gather3A] in [0] : vector<16xi32>, vector<16xi32> -> vector<16xi32>
          %eq3A_449 = arith.constant 0 : i32
          %eq3A_450 = vector.broadcast %eq3A_449 : i32 to vector<16xi32>
          %eq3A_451 = arith.cmpi eq, %iota3A, %eq3A_450 : vector<16xi32>
          %ne3A = arith.cmpi ne, %get3A_421, %gather3A_448 : vector<16xi32>
          %or3A = arith.ori %eq3A_451, %ne3A : vector<16xi1>
          %convert_element_type3A_452 = arith.sitofp %iota3A : vector<16xi32> to vector<16xf32>
          %jit3A_453 = arith.constant 0.000000e+00 : f32
          %broadcast_in_dim3A_454 = vector.broadcast %jit3A_453 : f32 to vector<16xf32>
          %select_n3A_455 = arith.select %or3A, %convert_element_type3A_452, %broadcast_in_dim3A_454 : vector<16xi1>, vector<16xf32>
          %broadcast_in_dim3A_456 = arith.constant true
          %broadcast_in_dim3A_457 = vector.broadcast %broadcast_in_dim3A_456 : i1 to vector<16xi1>
          %masked_cummax3A = tpu.scan <max>, %select_n3A_455 masked %broadcast_in_dim3A_457 : vector<16xf32>, vector<16xi1> -> vector<16xf32>
          %add3A_458 = arith.constant 1 : i32
          %add3A_459 = vector.broadcast %add3A_458 : i32 to vector<16xi32>
          %add3A_460 = arith.addi %iota3A, %add3A_459 : vector<16xi32>
          %min3A_461 = arith.constant 15 : i32
          %min3A_462 = vector.broadcast %min3A_461 : i32 to vector<16xi32>
          %min3A_463 = arith.minsi %add3A_460, %min3A_462 : vector<16xi32>
          %lt3A_464 = arith.constant 0 : i32
          %lt3A_465 = vector.broadcast %lt3A_464 : i32 to vector<16xi32>
          %lt3A_466 = arith.cmpi slt, %min3A_463, %lt3A_465 : vector<16xi32>
          %add3A_467 = arith.constant 16 : i32
          %add3A_468 = vector.broadcast %add3A_467 : i32 to vector<16xi32>
          %add3A_469 = arith.addi %min3A_463, %add3A_468 : vector<16xi32>
          %select_n3A_470 = arith.select %lt3A_466, %add3A_469, %min3A_463 : vector<16xi1>, vector<16xi32>
          %reshape3A_471 = vector.shape_cast %select_n3A_470 : vector<16xi32> to vector<16x1xi32>
          %gather3A_472 = vector.shape_cast %reshape3A_471 : vector<16x1xi32> to vector<16xi32>
          %gather3A_473 = tpu.dynamic_gather %get3A_421[%gather3A_472] in [0] : vector<16xi32>, vector<16xi32> -> vector<16xi32>
          %eq3A_474 = arith.constant 15 : i32
          %eq3A_475 = vector.broadcast %eq3A_474 : i32 to vector<16xi32>
          %eq3A_476 = arith.cmpi eq, %iota3A, %eq3A_475 : vector<16xi32>
          %ne3A_477 = arith.cmpi ne, %get3A_421, %gather3A_473 : vector<16xi32>
          %or3A_478 = arith.ori %eq3A_476, %ne3A_477 : vector<16xi1>
          %convert_element_type3A_479 = arith.fptosi %masked_cummax3A : vector<16xf32> to vector<16xi32>
          %sub3A_480 = arith.constant 1 : i32
          %sub3A_481 = vector.broadcast %sub3A_480 : i32 to vector<16xi32>
          %sub3A_482 = arith.subi %convert_element_type3A_479, %sub3A_481 : vector<16xi32>
          %max3A_483 = arith.constant 0 : i32
          %max3A_484 = vector.broadcast %max3A_483 : i32 to vector<16xi32>
          %max3A_485 = arith.maxsi %sub3A_482, %max3A_484 : vector<16xi32>
          %gt3A = arith.constant 0 : i32
          %gt3A_486 = vector.broadcast %gt3A : i32 to vector<16xi32>
          %gt3A_487 = arith.cmpi sgt, %convert_element_type3A_479, %gt3A_486 : vector<16xi32>
          %and3A_488 = arith.andi %or3A_478, %and3A : vector<16xi1>
          %sub3A_489 = vector.broadcast %mul3A_8 : i32 to vector<16xi32>
          %sub3A_490 = arith.subi %get3A_421, %sub3A_489 : vector<16xi32>
          %jit3A_491 = arith.constant 0 : i32
          %broadcast_in_dim3A_492 = vector.broadcast %jit3A_491 : i32 to vector<16xi32>
          %select_n3A_493 = arith.select %and3A_488, %sub3A_490, %broadcast_in_dim3A_492 : vector<16xi1>, vector<16xi32>
          %add3A_494 = arith.constant 0 : i32
          %add3A_495 = vector.broadcast %add3A_494 : i32 to vector<16xi32>
          %add3A_496 = arith.addi %get3A_430, %add3A_495 : vector<16xi32>
          %gather3A_497 = tpu.vector_load_idx %arg13[%add3A_496] : memref<40960xf32, #tpu.memory_space<vmem>>[vector<16xi32>], vector<16xf32>,
          %mul3A_498 = arith.mulf %sub3A_434, %gather3A_497 : vector<16xf32>
          %add3A_499 = arith.constant 1.000000e+00 : f32
          %add3A_500 = vector.broadcast %add3A_499 : f32 to vector<16xf32>
          %add3A_501 = arith.addf %add3A_500, %mul3A_498 : vector<16xf32>
          %bitcast_convert_type3A = tpu.bitcast %add3A_501 : vector<16xf32> -> vector<16xi32>
          %shift_right_arithmetic3A_502 = arith.constant 23 : i32
          %shift_right_arithmetic3A_503 = vector.broadcast %shift_right_arithmetic3A_502 : i32 to vector<16xi32>
          %shift_right_arithmetic3A_504 = arith.shrsi %bitcast_convert_type3A, %shift_right_arithmetic3A_503 : vector<16xi32>
          %sub3A_505 = arith.constant 127 : i32
          %sub3A_506 = vector.broadcast %sub3A_505 : i32 to vector<16xi32>
          %sub3A_507 = arith.subi %shift_right_arithmetic3A_504, %sub3A_506 : vector<16xi32>
          %and3A_508 = arith.constant 8388607 : i32
          %and3A_509 = vector.broadcast %and3A_508 : i32 to vector<16xi32>
          %and3A_510 = arith.andi %bitcast_convert_type3A, %and3A_509 : vector<16xi32>
          %or3A_511 = arith.constant 1065353216 : i32
          %or3A_512 = vector.broadcast %or3A_511 : i32 to vector<16xi32>
          %or3A_513 = arith.ori %and3A_510, %or3A_512 : vector<16xi32>
          %bitcast_convert_type3A_514 = tpu.bitcast %or3A_513 : vector<16xi32> -> vector<16xf32>
          %sub3A_515 = arith.constant 1.000000e+00 : f32
          %sub3A_516 = vector.broadcast %sub3A_515 : f32 to vector<16xf32>
          %sub3A_517 = arith.subf %bitcast_convert_type3A_514, %sub3A_516 : vector<16xf32>
          %mul3A_518 = arith.constant -0.00615148572 : f32
          %mul3A_519 = vector.broadcast %mul3A_518 : f32 to vector<16xf32>
          %mul3A_520 = arith.mulf %mul3A_519, %sub3A_517 : vector<16xf32>
          %add3A_521 = arith.constant 0.0348497964 : f32
          %add3A_522 = vector.broadcast %add3A_521 : f32 to vector<16xf32>
          %add3A_523 = arith.addf %mul3A_520, %add3A_522 : vector<16xf32>
          %mul3A_524 = arith.mulf %add3A_523, %sub3A_517 : vector<16xf32>
          %add3A_525 = arith.constant -0.0932522192 : f32
          %add3A_526 = vector.broadcast %add3A_525 : f32 to vector<16xf32>
          %add3A_527 = arith.addf %mul3A_524, %add3A_526 : vector<16xf32>
          %mul3A_528 = arith.mulf %add3A_527, %sub3A_517 : vector<16xf32>
          %add3A_529 = arith.constant 0.165822953 : f32
          %add3A_530 = vector.broadcast %add3A_529 : f32 to vector<16xf32>
          %add3A_531 = arith.addf %mul3A_528, %add3A_530 : vector<16xf32>
          %mul3A_532 = arith.mulf %add3A_531, %sub3A_517 : vector<16xf32>
          %add3A_533 = arith.constant -0.239826292 : f32
          %add3A_534 = vector.broadcast %add3A_533 : f32 to vector<16xf32>
          %add3A_535 = arith.addf %mul3A_532, %add3A_534 : vector<16xf32>
          %mul3A_536 = arith.mulf %add3A_535, %sub3A_517 : vector<16xf32>
          %add3A_537 = arith.constant 0.331548661 : f32
          %add3A_538 = vector.broadcast %add3A_537 : f32 to vector<16xf32>
          %add3A_539 = arith.addf %mul3A_536, %add3A_538 : vector<16xf32>
          %mul3A_540 = arith.mulf %add3A_539, %sub3A_517 : vector<16xf32>
          %add3A_541 = arith.constant -0.499838561 : f32
          %add3A_542 = vector.broadcast %add3A_541 : f32 to vector<16xf32>
          %add3A_543 = arith.addf %mul3A_540, %add3A_542 : vector<16xf32>
          %mul3A_544 = arith.mulf %add3A_543, %sub3A_517 : vector<16xf32>
          %add3A_545 = arith.constant 0.999994277 : f32
          %add3A_546 = vector.broadcast %add3A_545 : f32 to vector<16xf32>
          %add3A_547 = arith.addf %mul3A_544, %add3A_546 : vector<16xf32>
          %mul3A_548 = arith.mulf %add3A_547, %sub3A_517 : vector<16xf32>
          %convert_element_type3A_549 = arith.sitofp %sub3A_507 : vector<16xi32> to vector<16xf32>
          %mul3A_550 = arith.constant 0.693147182 : f32
          %mul3A_551 = vector.broadcast %mul3A_550 : f32 to vector<16xf32>
          %mul3A_552 = arith.mulf %convert_element_type3A_549, %mul3A_551 : vector<16xf32>
          %add3A_553 = arith.addf %mul3A_552, %mul3A_548 : vector<16xf32>
          %jit3A_554 = arith.constant 0.000000e+00 : f32
          %broadcast_in_dim3A_555 = vector.broadcast %jit3A_554 : f32 to vector<16xf32>
          %select_n3A_556 = arith.select %and3A, %add3A_553, %broadcast_in_dim3A_555 : vector<16xi1>, vector<16xf32>
          %broadcast_in_dim3A_557 = arith.constant true
          %broadcast_in_dim3A_558 = vector.broadcast %broadcast_in_dim3A_557 : i1 to vector<16xi1>
          %masked_cumsum3A = tpu.scan <sum>, %select_n3A_556 masked %broadcast_in_dim3A_558 : vector<16xf32>, vector<16xi1> -> vector<16xf32>
          %lt3A_559 = arith.constant 0 : i32
          %lt3A_560 = vector.broadcast %lt3A_559 : i32 to vector<16xi32>
          %lt3A_561 = arith.cmpi slt, %max3A_485, %lt3A_560 : vector<16xi32>
          %add3A_562 = arith.constant 16 : i32
          %add3A_563 = vector.broadcast %add3A_562 : i32 to vector<16xi32>
          %add3A_564 = arith.addi %max3A_485, %add3A_563 : vector<16xi32>
          %select_n3A_565 = arith.select %lt3A_561, %add3A_564, %max3A_485 : vector<16xi1>, vector<16xi32>
          %reshape3A_566 = vector.shape_cast %select_n3A_565 : vector<16xi32> to vector<16x1xi32>
          %gather3A_567 = vector.shape_cast %reshape3A_566 : vector<16x1xi32> to vector<16xi32>
          %gather3A_568 = tpu.dynamic_gather %masked_cumsum3A[%gather3A_567] in [0] : vector<16xf32>, vector<16xi32> -> vector<16xf32>
          %jit3A_569 = arith.constant 0.000000e+00 : f32
          %broadcast_in_dim3A_570 = vector.broadcast %jit3A_569 : f32 to vector<16xf32>
          %select_n3A_571 = arith.select %gt3A_487, %gather3A_568, %broadcast_in_dim3A_570 : vector<16xi1>, vector<16xf32>
          %sub3A_572 = arith.subf %masked_cumsum3A, %select_n3A_571 : vector<16xf32>
          %add3A_573 = arith.constant 0 : i32
          %add3A_574 = vector.broadcast %add3A_573 : i32 to vector<16xi32>
          %add3A_575 = arith.addi %select_n3A_493, %add3A_574 : vector<16xi32>
          tpu.vector_store_idx %arg17[%add3A_575], %sub3A_572 masked %and3A_488 {add = true} : memref<2560xf32, #tpu.memory_space<vmem>>[vector<16xi32>], vector<16xf32>, vector<16xi1>
          %add3A_576 = arith.constant 10240 : i32
          %add3A_577 = vector.broadcast %add3A_576 : i32 to vector<16xi32>
          %add3A_578 = arith.addi %get3A_430, %add3A_577 : vector<16xi32>
          %gather3A_579 = tpu.vector_load_idx %arg13[%add3A_578] : memref<40960xf32, #tpu.memory_space<vmem>>[vector<16xi32>], vector<16xf32>,
          %mul3A_580 = arith.mulf %sub3A_434, %gather3A_579 : vector<16xf32>
          %add3A_581 = arith.constant 1.000000e+00 : f32
          %add3A_582 = vector.broadcast %add3A_581 : f32 to vector<16xf32>
          %add3A_583 = arith.addf %add3A_582, %mul3A_580 : vector<16xf32>
          %bitcast_convert_type3A_584 = tpu.bitcast %add3A_583 : vector<16xf32> -> vector<16xi32>
          %shift_right_arithmetic3A_585 = arith.constant 23 : i32
          %shift_right_arithmetic3A_586 = vector.broadcast %shift_right_arithmetic3A_585 : i32 to vector<16xi32>
          %shift_right_arithmetic3A_587 = arith.shrsi %bitcast_convert_type3A_584, %shift_right_arithmetic3A_586 : vector<16xi32>
          %sub3A_588 = arith.constant 127 : i32
          %sub3A_589 = vector.broadcast %sub3A_588 : i32 to vector<16xi32>
          %sub3A_590 = arith.subi %shift_right_arithmetic3A_587, %sub3A_589 : vector<16xi32>
          %and3A_591 = arith.constant 8388607 : i32
          %and3A_592 = vector.broadcast %and3A_591 : i32 to vector<16xi32>
          %and3A_593 = arith.andi %bitcast_convert_type3A_584, %and3A_592 : vector<16xi32>
          %or3A_594 = arith.constant 1065353216 : i32
          %or3A_595 = vector.broadcast %or3A_594 : i32 to vector<16xi32>
          %or3A_596 = arith.ori %and3A_593, %or3A_595 : vector<16xi32>
          %bitcast_convert_type3A_597 = tpu.bitcast %or3A_596 : vector<16xi32> -> vector<16xf32>
          %sub3A_598 = arith.constant 1.000000e+00 : f32
          %sub3A_599 = vector.broadcast %sub3A_598 : f32 to vector<16xf32>
          %sub3A_600 = arith.subf %bitcast_convert_type3A_597, %sub3A_599 : vector<16xf32>
          %mul3A_601 = arith.constant -0.00615148572 : f32
          %mul3A_602 = vector.broadcast %mul3A_601 : f32 to vector<16xf32>
          %mul3A_603 = arith.mulf %mul3A_602, %sub3A_600 : vector<16xf32>
          %add3A_604 = arith.constant 0.0348497964 : f32
          %add3A_605 = vector.broadcast %add3A_604 : f32 to vector<16xf32>
          %add3A_606 = arith.addf %mul3A_603, %add3A_605 : vector<16xf32>
          %mul3A_607 = arith.mulf %add3A_606, %sub3A_600 : vector<16xf32>
          %add3A_608 = arith.constant -0.0932522192 : f32
          %add3A_609 = vector.broadcast %add3A_608 : f32 to vector<16xf32>
          %add3A_610 = arith.addf %mul3A_607, %add3A_609 : vector<16xf32>
          %mul3A_611 = arith.mulf %add3A_610, %sub3A_600 : vector<16xf32>
          %add3A_612 = arith.constant 0.165822953 : f32
          %add3A_613 = vector.broadcast %add3A_612 : f32 to vector<16xf32>
          %add3A_614 = arith.addf %mul3A_611, %add3A_613 : vector<16xf32>
          %mul3A_615 = arith.mulf %add3A_614, %sub3A_600 : vector<16xf32>
          %add3A_616 = arith.constant -0.239826292 : f32
          %add3A_617 = vector.broadcast %add3A_616 : f32 to vector<16xf32>
          %add3A_618 = arith.addf %mul3A_615, %add3A_617 : vector<16xf32>
          %mul3A_619 = arith.mulf %add3A_618, %sub3A_600 : vector<16xf32>
          %add3A_620 = arith.constant 0.331548661 : f32
          %add3A_621 = vector.broadcast %add3A_620 : f32 to vector<16xf32>
          %add3A_622 = arith.addf %mul3A_619, %add3A_621 : vector<16xf32>
          %mul3A_623 = arith.mulf %add3A_622, %sub3A_600 : vector<16xf32>
          %add3A_624 = arith.constant -0.499838561 : f32
          %add3A_625 = vector.broadcast %add3A_624 : f32 to vector<16xf32>
          %add3A_626 = arith.addf %mul3A_623, %add3A_625 : vector<16xf32>
          %mul3A_627 = arith.mulf %add3A_626, %sub3A_600 : vector<16xf32>
          %add3A_628 = arith.constant 0.999994277 : f32
          %add3A_629 = vector.broadcast %add3A_628 : f32 to vector<16xf32>
          %add3A_630 = arith.addf %mul3A_627, %add3A_629 : vector<16xf32>
          %mul3A_631 = arith.mulf %add3A_630, %sub3A_600 : vector<16xf32>
          %convert_element_type3A_632 = arith.sitofp %sub3A_590 : vector<16xi32> to vector<16xf32>
          %mul3A_633 = arith.constant 0.693147182 : f32
          %mul3A_634 = vector.broadcast %mul3A_633 : f32 to vector<16xf32>
          %mul3A_635 = arith.mulf %convert_element_type3A_632, %mul3A_634 : vector<16xf32>
          %add3A_636 = arith.addf %mul3A_635, %mul3A_631 : vector<16xf32>
          %jit3A_637 = arith.constant 0.000000e+00 : f32
          %broadcast_in_dim3A_638 = vector.broadcast %jit3A_637 : f32 to vector<16xf32>
          %select_n3A_639 = arith.select %and3A, %add3A_636, %broadcast_in_dim3A_638 : vector<16xi1>, vector<16xf32>
          %broadcast_in_dim3A_640 = arith.constant true
          %broadcast_in_dim3A_641 = vector.broadcast %broadcast_in_dim3A_640 : i1 to vector<16xi1>
          %masked_cumsum3A_642 = tpu.scan <sum>, %select_n3A_639 masked %broadcast_in_dim3A_641 : vector<16xf32>, vector<16xi1> -> vector<16xf32>
          %lt3A_643 = arith.constant 0 : i32
          %lt3A_644 = vector.broadcast %lt3A_643 : i32 to vector<16xi32>
          %lt3A_645 = arith.cmpi slt, %max3A_485, %lt3A_644 : vector<16xi32>
          %add3A_646 = arith.constant 16 : i32
          %add3A_647 = vector.broadcast %add3A_646 : i32 to vector<16xi32>
          %add3A_648 = arith.addi %max3A_485, %add3A_647 : vector<16xi32>
          %select_n3A_649 = arith.select %lt3A_645, %add3A_648, %max3A_485 : vector<16xi1>, vector<16xi32>
          %reshape3A_650 = vector.shape_cast %select_n3A_649 : vector<16xi32> to vector<16x1xi32>
          %gather3A_651 = vector.shape_cast %reshape3A_650 : vector<16x1xi32> to vector<16xi32>
          %gather3A_652 = tpu.dynamic_gather %masked_cumsum3A_642[%gather3A_651] in [0] : vector<16xf32>, vector<16xi32> -> vector<16xf32>
          %jit3A_653 = arith.constant 0.000000e+00 : f32
          %broadcast_in_dim3A_654 = vector.broadcast %jit3A_653 : f32 to vector<16xf32>
          %select_n3A_655 = arith.select %gt3A_487, %gather3A_652, %broadcast_in_dim3A_654 : vector<16xi1>, vector<16xf32>
          %sub3A_656 = arith.subf %masked_cumsum3A_642, %select_n3A_655 : vector<16xf32>
          %add3A_657 = arith.constant 640 : i32
          %add3A_658 = vector.broadcast %add3A_657 : i32 to vector<16xi32>
          %add3A_659 = arith.addi %select_n3A_493, %add3A_658 : vector<16xi32>
          tpu.vector_store_idx %arg17[%add3A_659], %sub3A_656 masked %and3A_488 {add = true} : memref<2560xf32, #tpu.memory_space<vmem>>[vector<16xi32>], vector<16xf32>, vector<16xi1>
          %add3A_660 = arith.constant 20480 : i32
          %add3A_661 = vector.broadcast %add3A_660 : i32 to vector<16xi32>
          %add3A_662 = arith.addi %get3A_430, %add3A_661 : vector<16xi32>
          %gather3A_663 = tpu.vector_load_idx %arg13[%add3A_662] : memref<40960xf32, #tpu.memory_space<vmem>>[vector<16xi32>], vector<16xf32>,
          %mul3A_664 = arith.mulf %sub3A_434, %gather3A_663 : vector<16xf32>
          %add3A_665 = arith.constant 1.000000e+00 : f32
          %add3A_666 = vector.broadcast %add3A_665 : f32 to vector<16xf32>
          %add3A_667 = arith.addf %add3A_666, %mul3A_664 : vector<16xf32>
          %bitcast_convert_type3A_668 = tpu.bitcast %add3A_667 : vector<16xf32> -> vector<16xi32>
          %shift_right_arithmetic3A_669 = arith.constant 23 : i32
          %shift_right_arithmetic3A_670 = vector.broadcast %shift_right_arithmetic3A_669 : i32 to vector<16xi32>
          %shift_right_arithmetic3A_671 = arith.shrsi %bitcast_convert_type3A_668, %shift_right_arithmetic3A_670 : vector<16xi32>
          %sub3A_672 = arith.constant 127 : i32
          %sub3A_673 = vector.broadcast %sub3A_672 : i32 to vector<16xi32>
          %sub3A_674 = arith.subi %shift_right_arithmetic3A_671, %sub3A_673 : vector<16xi32>
          %and3A_675 = arith.constant 8388607 : i32
          %and3A_676 = vector.broadcast %and3A_675 : i32 to vector<16xi32>
          %and3A_677 = arith.andi %bitcast_convert_type3A_668, %and3A_676 : vector<16xi32>
          %or3A_678 = arith.constant 1065353216 : i32
          %or3A_679 = vector.broadcast %or3A_678 : i32 to vector<16xi32>
          %or3A_680 = arith.ori %and3A_677, %or3A_679 : vector<16xi32>
          %bitcast_convert_type3A_681 = tpu.bitcast %or3A_680 : vector<16xi32> -> vector<16xf32>
          %sub3A_682 = arith.constant 1.000000e+00 : f32
          %sub3A_683 = vector.broadcast %sub3A_682 : f32 to vector<16xf32>
          %sub3A_684 = arith.subf %bitcast_convert_type3A_681, %sub3A_683 : vector<16xf32>
          %mul3A_685 = arith.constant -0.00615148572 : f32
          %mul3A_686 = vector.broadcast %mul3A_685 : f32 to vector<16xf32>
          %mul3A_687 = arith.mulf %mul3A_686, %sub3A_684 : vector<16xf32>
          %add3A_688 = arith.constant 0.0348497964 : f32
          %add3A_689 = vector.broadcast %add3A_688 : f32 to vector<16xf32>
          %add3A_690 = arith.addf %mul3A_687, %add3A_689 : vector<16xf32>
          %mul3A_691 = arith.mulf %add3A_690, %sub3A_684 : vector<16xf32>
          %add3A_692 = arith.constant -0.0932522192 : f32
          %add3A_693 = vector.broadcast %add3A_692 : f32 to vector<16xf32>
          %add3A_694 = arith.addf %mul3A_691, %add3A_693 : vector<16xf32>
          %mul3A_695 = arith.mulf %add3A_694, %sub3A_684 : vector<16xf32>
          %add3A_696 = arith.constant 0.165822953 : f32
          %add3A_697 = vector.broadcast %add3A_696 : f32 to vector<16xf32>
          %add3A_698 = arith.addf %mul3A_695, %add3A_697 : vector<16xf32>
          %mul3A_699 = arith.mulf %add3A_698, %sub3A_684 : vector<16xf32>
          %add3A_700 = arith.constant -0.239826292 : f32
          %add3A_701 = vector.broadcast %add3A_700 : f32 to vector<16xf32>
          %add3A_702 = arith.addf %mul3A_699, %add3A_701 : vector<16xf32>
          %mul3A_703 = arith.mulf %add3A_702, %sub3A_684 : vector<16xf32>
          %add3A_704 = arith.constant 0.331548661 : f32
          %add3A_705 = vector.broadcast %add3A_704 : f32 to vector<16xf32>
          %add3A_706 = arith.addf %mul3A_703, %add3A_705 : vector<16xf32>
          %mul3A_707 = arith.mulf %add3A_706, %sub3A_684 : vector<16xf32>
          %add3A_708 = arith.constant -0.499838561 : f32
          %add3A_709 = vector.broadcast %add3A_708 : f32 to vector<16xf32>
          %add3A_710 = arith.addf %mul3A_707, %add3A_709 : vector<16xf32>
          %mul3A_711 = arith.mulf %add3A_710, %sub3A_684 : vector<16xf32>
          %add3A_712 = arith.constant 0.999994277 : f32
          %add3A_713 = vector.broadcast %add3A_712 : f32 to vector<16xf32>
          %add3A_714 = arith.addf %mul3A_711, %add3A_713 : vector<16xf32>
          %mul3A_715 = arith.mulf %add3A_714, %sub3A_684 : vector<16xf32>
          %convert_element_type3A_716 = arith.sitofp %sub3A_674 : vector<16xi32> to vector<16xf32>
          %mul3A_717 = arith.constant 0.693147182 : f32
          %mul3A_718 = vector.broadcast %mul3A_717 : f32 to vector<16xf32>
          %mul3A_719 = arith.mulf %convert_element_type3A_716, %mul3A_718 : vector<16xf32>
          %add3A_720 = arith.addf %mul3A_719, %mul3A_715 : vector<16xf32>
          %jit3A_721 = arith.constant 0.000000e+00 : f32
          %broadcast_in_dim3A_722 = vector.broadcast %jit3A_721 : f32 to vector<16xf32>
          %select_n3A_723 = arith.select %and3A, %add3A_720, %broadcast_in_dim3A_722 : vector<16xi1>, vector<16xf32>
          %broadcast_in_dim3A_724 = arith.constant true
          %broadcast_in_dim3A_725 = vector.broadcast %broadcast_in_dim3A_724 : i1 to vector<16xi1>
          %masked_cumsum3A_726 = tpu.scan <sum>, %select_n3A_723 masked %broadcast_in_dim3A_725 : vector<16xf32>, vector<16xi1> -> vector<16xf32>
          %lt3A_727 = arith.constant 0 : i32
          %lt3A_728 = vector.broadcast %lt3A_727 : i32 to vector<16xi32>
          %lt3A_729 = arith.cmpi slt, %max3A_485, %lt3A_728 : vector<16xi32>
          %add3A_730 = arith.constant 16 : i32
          %add3A_731 = vector.broadcast %add3A_730 : i32 to vector<16xi32>
          %add3A_732 = arith.addi %max3A_485, %add3A_731 : vector<16xi32>
          %select_n3A_733 = arith.select %lt3A_729, %add3A_732, %max3A_485 : vector<16xi1>, vector<16xi32>
          %reshape3A_734 = vector.shape_cast %select_n3A_733 : vector<16xi32> to vector<16x1xi32>
          %gather3A_735 = vector.shape_cast %reshape3A_734 : vector<16x1xi32> to vector<16xi32>
          %gather3A_736 = tpu.dynamic_gather %masked_cumsum3A_726[%gather3A_735] in [0] : vector<16xf32>, vector<16xi32> -> vector<16xf32>
          %jit3A_737 = arith.constant 0.000000e+00 : f32
          %broadcast_in_dim3A_738 = vector.broadcast %jit3A_737 : f32 to vector<16xf32>
          %select_n3A_739 = arith.select %gt3A_487, %gather3A_736, %broadcast_in_dim3A_738 : vector<16xi1>, vector<16xf32>
          %sub3A_740 = arith.subf %masked_cumsum3A_726, %select_n3A_739 : vector<16xf32>
          %add3A_741 = arith.constant 1280 : i32
          %add3A_742 = vector.broadcast %add3A_741 : i32 to vector<16xi32>
          %add3A_743 = arith.addi %select_n3A_493, %add3A_742 : vector<16xi32>
          tpu.vector_store_idx %arg17[%add3A_743], %sub3A_740 masked %and3A_488 {add = true} : memref<2560xf32, #tpu.memory_space<vmem>>[vector<16xi32>], vector<16xf32>, vector<16xi1>
          %add3A_744 = arith.constant 30720 : i32
          %add3A_745 = vector.broadcast %add3A_744 : i32 to vector<16xi32>
          %add3A_746 = arith.addi %get3A_430, %add3A_745 : vector<16xi32>
          %gather3A_747 = tpu.vector_load_idx %arg13[%add3A_746] : memref<40960xf32, #tpu.memory_space<vmem>>[vector<16xi32>], vector<16xf32>,
          %mul3A_748 = arith.mulf %sub3A_434, %gather3A_747 : vector<16xf32>
          %add3A_749 = arith.constant 1.000000e+00 : f32
          %add3A_750 = vector.broadcast %add3A_749 : f32 to vector<16xf32>
          %add3A_751 = arith.addf %add3A_750, %mul3A_748 : vector<16xf32>
          %bitcast_convert_type3A_752 = tpu.bitcast %add3A_751 : vector<16xf32> -> vector<16xi32>
          %shift_right_arithmetic3A_753 = arith.constant 23 : i32
          %shift_right_arithmetic3A_754 = vector.broadcast %shift_right_arithmetic3A_753 : i32 to vector<16xi32>
          %shift_right_arithmetic3A_755 = arith.shrsi %bitcast_convert_type3A_752, %shift_right_arithmetic3A_754 : vector<16xi32>
          %sub3A_756 = arith.constant 127 : i32
          %sub3A_757 = vector.broadcast %sub3A_756 : i32 to vector<16xi32>
          %sub3A_758 = arith.subi %shift_right_arithmetic3A_755, %sub3A_757 : vector<16xi32>
          %and3A_759 = arith.constant 8388607 : i32
          %and3A_760 = vector.broadcast %and3A_759 : i32 to vector<16xi32>
          %and3A_761 = arith.andi %bitcast_convert_type3A_752, %and3A_760 : vector<16xi32>
          %or3A_762 = arith.constant 1065353216 : i32
          %or3A_763 = vector.broadcast %or3A_762 : i32 to vector<16xi32>
          %or3A_764 = arith.ori %and3A_761, %or3A_763 : vector<16xi32>
          %bitcast_convert_type3A_765 = tpu.bitcast %or3A_764 : vector<16xi32> -> vector<16xf32>
          %sub3A_766 = arith.constant 1.000000e+00 : f32
          %sub3A_767 = vector.broadcast %sub3A_766 : f32 to vector<16xf32>
          %sub3A_768 = arith.subf %bitcast_convert_type3A_765, %sub3A_767 : vector<16xf32>
          %mul3A_769 = arith.constant -0.00615148572 : f32
          %mul3A_770 = vector.broadcast %mul3A_769 : f32 to vector<16xf32>
          %mul3A_771 = arith.mulf %mul3A_770, %sub3A_768 : vector<16xf32>
          %add3A_772 = arith.constant 0.0348497964 : f32
          %add3A_773 = vector.broadcast %add3A_772 : f32 to vector<16xf32>
          %add3A_774 = arith.addf %mul3A_771, %add3A_773 : vector<16xf32>
          %mul3A_775 = arith.mulf %add3A_774, %sub3A_768 : vector<16xf32>
          %add3A_776 = arith.constant -0.0932522192 : f32
          %add3A_777 = vector.broadcast %add3A_776 : f32 to vector<16xf32>
          %add3A_778 = arith.addf %mul3A_775, %add3A_777 : vector<16xf32>
          %mul3A_779 = arith.mulf %add3A_778, %sub3A_768 : vector<16xf32>
          %add3A_780 = arith.constant 0.165822953 : f32
          %add3A_781 = vector.broadcast %add3A_780 : f32 to vector<16xf32>
          %add3A_782 = arith.addf %mul3A_779, %add3A_781 : vector<16xf32>
          %mul3A_783 = arith.mulf %add3A_782, %sub3A_768 : vector<16xf32>
          %add3A_784 = arith.constant -0.239826292 : f32
          %add3A_785 = vector.broadcast %add3A_784 : f32 to vector<16xf32>
          %add3A_786 = arith.addf %mul3A_783, %add3A_785 : vector<16xf32>
          %mul3A_787 = arith.mulf %add3A_786, %sub3A_768 : vector<16xf32>
          %add3A_788 = arith.constant 0.331548661 : f32
          %add3A_789 = vector.broadcast %add3A_788 : f32 to vector<16xf32>
          %add3A_790 = arith.addf %mul3A_787, %add3A_789 : vector<16xf32>
          %mul3A_791 = arith.mulf %add3A_790, %sub3A_768 : vector<16xf32>
          %add3A_792 = arith.constant -0.499838561 : f32
          %add3A_793 = vector.broadcast %add3A_792 : f32 to vector<16xf32>
          %add3A_794 = arith.addf %mul3A_791, %add3A_793 : vector<16xf32>
          %mul3A_795 = arith.mulf %add3A_794, %sub3A_768 : vector<16xf32>
          %add3A_796 = arith.constant 0.999994277 : f32
          %add3A_797 = vector.broadcast %add3A_796 : f32 to vector<16xf32>
          %add3A_798 = arith.addf %mul3A_795, %add3A_797 : vector<16xf32>
          %mul3A_799 = arith.mulf %add3A_798, %sub3A_768 : vector<16xf32>
          %convert_element_type3A_800 = arith.sitofp %sub3A_758 : vector<16xi32> to vector<16xf32>
          %mul3A_801 = arith.constant 0.693147182 : f32
          %mul3A_802 = vector.broadcast %mul3A_801 : f32 to vector<16xf32>
          %mul3A_803 = arith.mulf %convert_element_type3A_800, %mul3A_802 : vector<16xf32>
          %add3A_804 = arith.addf %mul3A_803, %mul3A_799 : vector<16xf32>
          %jit3A_805 = arith.constant 0.000000e+00 : f32
          %broadcast_in_dim3A_806 = vector.broadcast %jit3A_805 : f32 to vector<16xf32>
          %select_n3A_807 = arith.select %and3A, %add3A_804, %broadcast_in_dim3A_806 : vector<16xi1>, vector<16xf32>
          %broadcast_in_dim3A_808 = arith.constant true
          %broadcast_in_dim3A_809 = vector.broadcast %broadcast_in_dim3A_808 : i1 to vector<16xi1>
          %masked_cumsum3A_810 = tpu.scan <sum>, %select_n3A_807 masked %broadcast_in_dim3A_809 : vector<16xf32>, vector<16xi1> -> vector<16xf32>
          %lt3A_811 = arith.constant 0 : i32
          %lt3A_812 = vector.broadcast %lt3A_811 : i32 to vector<16xi32>
          %lt3A_813 = arith.cmpi slt, %max3A_485, %lt3A_812 : vector<16xi32>
          %add3A_814 = arith.constant 16 : i32
          %add3A_815 = vector.broadcast %add3A_814 : i32 to vector<16xi32>
          %add3A_816 = arith.addi %max3A_485, %add3A_815 : vector<16xi32>
          %select_n3A_817 = arith.select %lt3A_813, %add3A_816, %max3A_485 : vector<16xi1>, vector<16xi32>
          %reshape3A_818 = vector.shape_cast %select_n3A_817 : vector<16xi32> to vector<16x1xi32>
          %gather3A_819 = vector.shape_cast %reshape3A_818 : vector<16x1xi32> to vector<16xi32>
          %gather3A_820 = tpu.dynamic_gather %masked_cumsum3A_810[%gather3A_819] in [0] : vector<16xf32>, vector<16xi32> -> vector<16xf32>
          %jit3A_821 = arith.constant 0.000000e+00 : f32
          %broadcast_in_dim3A_822 = vector.broadcast %jit3A_821 : f32 to vector<16xf32>
          %select_n3A_823 = arith.select %gt3A_487, %gather3A_820, %broadcast_in_dim3A_822 : vector<16xi1>, vector<16xf32>
          %sub3A_824 = arith.subf %masked_cumsum3A_810, %select_n3A_823 : vector<16xf32>
          %add3A_825 = arith.constant 1920 : i32
          %add3A_826 = vector.broadcast %add3A_825 : i32 to vector<16xi32>
          %add3A_827 = arith.addi %select_n3A_493, %add3A_826 : vector<16xi32>
          tpu.vector_store_idx %arg17[%add3A_827], %sub3A_824 masked %and3A_488 {add = true} : memref<2560xf32, #tpu.memory_space<vmem>>[vector<16xi32>], vector<16xf32>, vector<16xi1>
        }
      }
      %while3A_251 = arith.constant 1 : i32
      scf.for %while3A_397 = %while3A_249 to %while3A_245 step %while3A_251  : i32 {
        %mul3A_398 = arith.constant 2048 : i32
        %mul3A_399 = arith.muli %while3A_397, %mul3A_398 : i32
        "tpu.region"() ({
          %run_scoped3A = tpu.sem_alloc : memref<!tpu.dma_semaphore, #tpu.memory_space<semaphore_mem>>
          %dma_start3A = tpu.memref_slice %arg2[%mul3A_399] : memref<321536xi32, #tpu.memory_space<hbm>> -> memref<2048xi32, #tpu.memory_space<hbm>>
          %dma_start3A_417 = tpu.memref_slice %arg2[%mul3A_399] : memref<321536xi32, #tpu.memory_space<hbm>> -> memref<2048xi32, #tpu.memory_space<hbm>>
          tpu.enqueue_dma source(%dma_start3A_417 : memref<2048xi32, #tpu.memory_space<hbm>>) target(%arg14 : memref<2048xi32, #tpu.memory_space<vmem>>) target_semaphore(%run_scoped3A : memref<!tpu.dma_semaphore, #tpu.memory_space<semaphore_mem>>)
          %dma_wait3A = tpu.memref_slice %arg2[%mul3A_399] : memref<321536xi32, #tpu.memory_space<hbm>> -> memref<2048xi32, #tpu.memory_space<hbm>>
          %dma_wait3A_418 = tpu.memref_slice %arg2[%mul3A_399] : memref<321536xi32, #tpu.memory_space<hbm>> -> memref<2048xi32, #tpu.memory_space<hbm>>
          tpu.wait_dma2 semaphore(%run_scoped3A : memref<!tpu.dma_semaphore, #tpu.memory_space<semaphore_mem>>) src(%dma_wait3A_418 : memref<2048xi32, #tpu.memory_space<hbm>>) dst(%arg14 : memref<2048xi32, #tpu.memory_space<vmem>>)
          tpu.yield
        }) : () -> ()
        "tpu.region"() ({
          %run_scoped3A = tpu.sem_alloc : memref<!tpu.dma_semaphore, #tpu.memory_space<semaphore_mem>>
          %dma_start3A = tpu.memref_slice %arg3[%mul3A_399] : memref<321536xi32, #tpu.memory_space<hbm>> -> memref<2048xi32, #tpu.memory_space<hbm>>
          %dma_start3A_417 = tpu.memref_slice %arg3[%mul3A_399] : memref<321536xi32, #tpu.memory_space<hbm>> -> memref<2048xi32, #tpu.memory_space<hbm>>
          tpu.enqueue_dma source(%dma_start3A_417 : memref<2048xi32, #tpu.memory_space<hbm>>) target(%arg15 : memref<2048xi32, #tpu.memory_space<vmem>>) target_semaphore(%run_scoped3A : memref<!tpu.dma_semaphore, #tpu.memory_space<semaphore_mem>>)
          %dma_wait3A = tpu.memref_slice %arg3[%mul3A_399] : memref<321536xi32, #tpu.memory_space<hbm>> -> memref<2048xi32, #tpu.memory_space<hbm>>
          %dma_wait3A_418 = tpu.memref_slice %arg3[%mul3A_399] : memref<321536xi32, #tpu.memory_space<hbm>> -> memref<2048xi32, #tpu.memory_space<hbm>>
          tpu.wait_dma2 semaphore(%run_scoped3A : memref<!tpu.dma_semaphore, #tpu.memory_space<semaphore_mem>>) src(%dma_wait3A_418 : memref<2048xi32, #tpu.memory_space<hbm>>) dst(%arg15 : memref<2048xi32, #tpu.memory_space<vmem>>)
          tpu.yield
        }) : () -> ()
        "tpu.region"() ({
          %run_scoped3A = tpu.sem_alloc : memref<!tpu.dma_semaphore, #tpu.memory_space<semaphore_mem>>
          %dma_start3A = tpu.memref_slice %arg4[%mul3A_399] : memref<321536xf32, #tpu.memory_space<hbm>> -> memref<2048xf32, #tpu.memory_space<hbm>>
          %dma_start3A_417 = tpu.memref_slice %arg4[%mul3A_399] : memref<321536xf32, #tpu.memory_space<hbm>> -> memref<2048xf32, #tpu.memory_space<hbm>>
          tpu.enqueue_dma source(%dma_start3A_417 : memref<2048xf32, #tpu.memory_space<hbm>>) target(%arg16 : memref<2048xf32, #tpu.memory_space<vmem>>) target_semaphore(%run_scoped3A : memref<!tpu.dma_semaphore, #tpu.memory_space<semaphore_mem>>)
          %dma_wait3A = tpu.memref_slice %arg4[%mul3A_399] : memref<321536xf32, #tpu.memory_space<hbm>> -> memref<2048xf32, #tpu.memory_space<hbm>>
          %dma_wait3A_418 = tpu.memref_slice %arg4[%mul3A_399] : memref<321536xf32, #tpu.memory_space<hbm>> -> memref<2048xf32, #tpu.memory_space<hbm>>
          tpu.wait_dma2 semaphore(%run_scoped3A : memref<!tpu.dma_semaphore, #tpu.memory_space<semaphore_mem>>) src(%dma_wait3A_418 : memref<2048xf32, #tpu.memory_space<hbm>>) dst(%arg16 : memref<2048xf32, #tpu.memory_space<vmem>>)
          tpu.yield
        }) : () -> ()
        %max3A = arith.maxsi %squeeze3A, %mul3A_399 : i32
        %sub3A = arith.subi %max3A, %mul3A_399 : i32
        %shift_right_arithmetic3A_400 = arith.constant 4 : i32
        %shift_right_arithmetic3A_401 = arith.shrsi %sub3A, %shift_right_arithmetic3A_400 : i32
        %add3A_402 = arith.constant 2048 : i32
        %add3A_403 = arith.addi %mul3A_399, %add3A_402 : i32
        %min3A = arith.minsi %squeeze3A_7, %add3A_403 : i32
        %sub3A_404 = arith.subi %min3A, %mul3A_399 : i32
        %add3A_405 = arith.constant 15 : i32
        %add3A_406 = arith.addi %sub3A_404, %add3A_405 : i32
        %shift_right_arithmetic3A_407 = arith.constant 4 : i32
        %shift_right_arithmetic3A_408 = arith.shrsi %add3A_406, %shift_right_arithmetic3A_407 : i32
        %while3A_409 = arith.subi %shift_right_arithmetic3A_408, %shift_right_arithmetic3A_401 : i32
        %while3A_410 = arith.addi %shift_right_arithmetic3A_401, %while3A_409 : i32
        %while3A_411 = arith.constant 1 : i32
        %while3A_412 = arith.divsi %while3A_409, %while3A_411 : i32
        %while3A_413 = arith.muli %while3A_412, %while3A_411 : i32
        %while3A_414 = arith.addi %shift_right_arithmetic3A_401, %while3A_413 : i32
        %while3A_415 = arith.constant 1 : i32
        scf.for %while3A_417 = %shift_right_arithmetic3A_401 to %while3A_414 step %while3A_415  : i32 {
          %mul3A_418 = arith.constant 16 : i32
          %mul3A_419 = arith.muli %while3A_417, %mul3A_418 : i32
          %get3A_420 = arith.index_cast %mul3A_419 : i32 to index
          %get3A_421 = tpu.vector_load %arg15[%get3A_420] {strides = array<i32>} : memref<2048xi32, #tpu.memory_space<vmem>>, vector<16xi32>,
          %get3A_422 = arith.index_cast %mul3A_419 : i32 to index
          %get3A_423 = tpu.vector_load %arg16[%get3A_422] {strides = array<i32>} : memref<2048xf32, #tpu.memory_space<vmem>>, vector<16xf32>,
          %add3A_424 = arith.addi %mul3A_399, %mul3A_419 : i32
          %add3A_425 = vector.broadcast %add3A_424 : i32 to vector<16xi32>
          %add3A_426 = arith.addi %add3A_425, %iota3A : vector<16xi32>
          %ge3A = vector.broadcast %squeeze3A : i32 to vector<16xi32>
          %ge3A_427 = arith.cmpi sge, %add3A_426, %ge3A : vector<16xi32>
          %lt3A = vector.broadcast %squeeze3A_7 : i32 to vector<16xi32>
          %lt3A_428 = arith.cmpi slt, %add3A_426, %lt3A : vector<16xi32>
          %and3A = arith.andi %ge3A_427, %lt3A_428 : vector<16xi1>
          %get3A_429 = arith.index_cast %mul3A_419 : i32 to index
          %get3A_430 = tpu.vector_load %arg14[%get3A_429] {strides = array<i32>} : memref<2048xi32, #tpu.memory_space<vmem>>, vector<16xi32>,
          %mul3A_431 = arith.mulf %get3A_1, %get3A_423 : vector<16xf32>
          %exp3A = math.exp %mul3A_431 : vector<16xf32>
          %sub3A_432 = arith.constant 1.000000e+00 : f32
          %sub3A_433 = vector.broadcast %sub3A_432 : f32 to vector<16xf32>
          %sub3A_434 = arith.subf %exp3A, %sub3A_433 : vector<16xf32>
          %sub3A_435 = arith.constant 1 : i32
          %sub3A_436 = vector.broadcast %sub3A_435 : i32 to vector<16xi32>
          %sub3A_437 = arith.subi %iota3A, %sub3A_436 : vector<16xi32>
          %max3A_438 = arith.constant 0 : i32
          %max3A_439 = vector.broadcast %max3A_438 : i32 to vector<16xi32>
          %max3A_440 = arith.maxsi %sub3A_437, %max3A_439 : vector<16xi32>
          %lt3A_441 = arith.constant 0 : i32
          %lt3A_442 = vector.broadcast %lt3A_441 : i32 to vector<16xi32>
          %lt3A_443 = arith.cmpi slt, %max3A_440, %lt3A_442 : vector<16xi32>
          %add3A_444 = arith.constant 16 : i32
          %add3A_445 = vector.broadcast %add3A_444 : i32 to vector<16xi32>
          %add3A_446 = arith.addi %max3A_440, %add3A_445 : vector<16xi32>
          %select_n3A_447 = arith.select %lt3A_443, %add3A_446, %max3A_440 : vector<16xi1>, vector<16xi32>
          %reshape3A = vector.shape_cast %select_n3A_447 : vector<16xi32> to vector<16x1xi32>
          %gather3A = vector.shape_cast %reshape3A : vector<16x1xi32> to vector<16xi32>
          %gather3A_448 = tpu.dynamic_gather %get3A_421[%gather3A] in [0] : vector<16xi32>, vector<16xi32> -> vector<16xi32>
          %eq3A_449 = arith.constant 0 : i32
          %eq3A_450 = vector.broadcast %eq3A_449 : i32 to vector<16xi32>
          %eq3A_451 = arith.cmpi eq, %iota3A, %eq3A_450 : vector<16xi32>
          %ne3A = arith.cmpi ne, %get3A_421, %gather3A_448 : vector<16xi32>
          %or3A = arith.ori %eq3A_451, %ne3A : vector<16xi1>
          %convert_element_type3A_452 = arith.sitofp %iota3A : vector<16xi32> to vector<16xf32>
          %jit3A_453 = arith.constant 0.000000e+00 : f32
          %broadcast_in_dim3A_454 = vector.broadcast %jit3A_453 : f32 to vector<16xf32>
          %select_n3A_455 = arith.select %or3A, %convert_element_type3A_452, %broadcast_in_dim3A_454 : vector<16xi1>, vector<16xf32>
          %broadcast_in_dim3A_456 = arith.constant true
          %broadcast_in_dim3A_457 = vector.broadcast %broadcast_in_dim3A_456 : i1 to vector<16xi1>
          %masked_cummax3A = tpu.scan <max>, %select_n3A_455 masked %broadcast_in_dim3A_457 : vector<16xf32>, vector<16xi1> -> vector<16xf32>
          %add3A_458 = arith.constant 1 : i32
          %add3A_459 = vector.broadcast %add3A_458 : i32 to vector<16xi32>
          %add3A_460 = arith.addi %iota3A, %add3A_459 : vector<16xi32>
          %min3A_461 = arith.constant 15 : i32
          %min3A_462 = vector.broadcast %min3A_461 : i32 to vector<16xi32>
          %min3A_463 = arith.minsi %add3A_460, %min3A_462 : vector<16xi32>
          %lt3A_464 = arith.constant 0 : i32
          %lt3A_465 = vector.broadcast %lt3A_464 : i32 to vector<16xi32>
          %lt3A_466 = arith.cmpi slt, %min3A_463, %lt3A_465 : vector<16xi32>
          %add3A_467 = arith.constant 16 : i32
          %add3A_468 = vector.broadcast %add3A_467 : i32 to vector<16xi32>
          %add3A_469 = arith.addi %min3A_463, %add3A_468 : vector<16xi32>
          %select_n3A_470 = arith.select %lt3A_466, %add3A_469, %min3A_463 : vector<16xi1>, vector<16xi32>
          %reshape3A_471 = vector.shape_cast %select_n3A_470 : vector<16xi32> to vector<16x1xi32>
          %gather3A_472 = vector.shape_cast %reshape3A_471 : vector<16x1xi32> to vector<16xi32>
          %gather3A_473 = tpu.dynamic_gather %get3A_421[%gather3A_472] in [0] : vector<16xi32>, vector<16xi32> -> vector<16xi32>
          %eq3A_474 = arith.constant 15 : i32
          %eq3A_475 = vector.broadcast %eq3A_474 : i32 to vector<16xi32>
          %eq3A_476 = arith.cmpi eq, %iota3A, %eq3A_475 : vector<16xi32>
          %ne3A_477 = arith.cmpi ne, %get3A_421, %gather3A_473 : vector<16xi32>
          %or3A_478 = arith.ori %eq3A_476, %ne3A_477 : vector<16xi1>
          %convert_element_type3A_479 = arith.fptosi %masked_cummax3A : vector<16xf32> to vector<16xi32>
          %sub3A_480 = arith.constant 1 : i32
          %sub3A_481 = vector.broadcast %sub3A_480 : i32 to vector<16xi32>
          %sub3A_482 = arith.subi %convert_element_type3A_479, %sub3A_481 : vector<16xi32>
          %max3A_483 = arith.constant 0 : i32
          %max3A_484 = vector.broadcast %max3A_483 : i32 to vector<16xi32>
          %max3A_485 = arith.maxsi %sub3A_482, %max3A_484 : vector<16xi32>
          %gt3A = arith.constant 0 : i32
          %gt3A_486 = vector.broadcast %gt3A : i32 to vector<16xi32>
          %gt3A_487 = arith.cmpi sgt, %convert_element_type3A_479, %gt3A_486 : vector<16xi32>
          %and3A_488 = arith.andi %or3A_478, %and3A : vector<16xi1>
          %sub3A_489 = vector.broadcast %mul3A_8 : i32 to vector<16xi32>
          %sub3A_490 = arith.subi %get3A_421, %sub3A_489 : vector<16xi32>
          %jit3A_491 = arith.constant 0 : i32
          %broadcast_in_dim3A_492 = vector.broadcast %jit3A_491 : i32 to vector<16xi32>
          %select_n3A_493 = arith.select %and3A_488, %sub3A_490, %broadcast_in_dim3A_492 : vector<16xi1>, vector<16xi32>
          %add3A_494 = arith.constant 0 : i32
          %add3A_495 = vector.broadcast %add3A_494 : i32 to vector<16xi32>
          %add3A_496 = arith.addi %get3A_430, %add3A_495 : vector<16xi32>
          %gather3A_497 = tpu.vector_load_idx %arg13[%add3A_496] : memref<40960xf32, #tpu.memory_space<vmem>>[vector<16xi32>], vector<16xf32>,
          %mul3A_498 = arith.mulf %sub3A_434, %gather3A_497 : vector<16xf32>
          %add3A_499 = arith.constant 1.000000e+00 : f32
          %add3A_500 = vector.broadcast %add3A_499 : f32 to vector<16xf32>
          %add3A_501 = arith.addf %add3A_500, %mul3A_498 : vector<16xf32>
          %bitcast_convert_type3A = tpu.bitcast %add3A_501 : vector<16xf32> -> vector<16xi32>
          %shift_right_arithmetic3A_502 = arith.constant 23 : i32
          %shift_right_arithmetic3A_503 = vector.broadcast %shift_right_arithmetic3A_502 : i32 to vector<16xi32>
          %shift_right_arithmetic3A_504 = arith.shrsi %bitcast_convert_type3A, %shift_right_arithmetic3A_503 : vector<16xi32>
          %sub3A_505 = arith.constant 127 : i32
          %sub3A_506 = vector.broadcast %sub3A_505 : i32 to vector<16xi32>
          %sub3A_507 = arith.subi %shift_right_arithmetic3A_504, %sub3A_506 : vector<16xi32>
          %and3A_508 = arith.constant 8388607 : i32
          %and3A_509 = vector.broadcast %and3A_508 : i32 to vector<16xi32>
          %and3A_510 = arith.andi %bitcast_convert_type3A, %and3A_509 : vector<16xi32>
          %or3A_511 = arith.constant 1065353216 : i32
          %or3A_512 = vector.broadcast %or3A_511 : i32 to vector<16xi32>
          %or3A_513 = arith.ori %and3A_510, %or3A_512 : vector<16xi32>
          %bitcast_convert_type3A_514 = tpu.bitcast %or3A_513 : vector<16xi32> -> vector<16xf32>
          %sub3A_515 = arith.constant 1.000000e+00 : f32
          %sub3A_516 = vector.broadcast %sub3A_515 : f32 to vector<16xf32>
          %sub3A_517 = arith.subf %bitcast_convert_type3A_514, %sub3A_516 : vector<16xf32>
          %mul3A_518 = arith.constant -0.00615148572 : f32
          %mul3A_519 = vector.broadcast %mul3A_518 : f32 to vector<16xf32>
          %mul3A_520 = arith.mulf %mul3A_519, %sub3A_517 : vector<16xf32>
          %add3A_521 = arith.constant 0.0348497964 : f32
          %add3A_522 = vector.broadcast %add3A_521 : f32 to vector<16xf32>
          %add3A_523 = arith.addf %mul3A_520, %add3A_522 : vector<16xf32>
          %mul3A_524 = arith.mulf %add3A_523, %sub3A_517 : vector<16xf32>
          %add3A_525 = arith.constant -0.0932522192 : f32
          %add3A_526 = vector.broadcast %add3A_525 : f32 to vector<16xf32>
          %add3A_527 = arith.addf %mul3A_524, %add3A_526 : vector<16xf32>
          %mul3A_528 = arith.mulf %add3A_527, %sub3A_517 : vector<16xf32>
          %add3A_529 = arith.constant 0.165822953 : f32
          %add3A_530 = vector.broadcast %add3A_529 : f32 to vector<16xf32>
          %add3A_531 = arith.addf %mul3A_528, %add3A_530 : vector<16xf32>
          %mul3A_532 = arith.mulf %add3A_531, %sub3A_517 : vector<16xf32>
          %add3A_533 = arith.constant -0.239826292 : f32
          %add3A_534 = vector.broadcast %add3A_533 : f32 to vector<16xf32>
          %add3A_535 = arith.addf %mul3A_532, %add3A_534 : vector<16xf32>
          %mul3A_536 = arith.mulf %add3A_535, %sub3A_517 : vector<16xf32>
          %add3A_537 = arith.constant 0.331548661 : f32
          %add3A_538 = vector.broadcast %add3A_537 : f32 to vector<16xf32>
          %add3A_539 = arith.addf %mul3A_536, %add3A_538 : vector<16xf32>
          %mul3A_540 = arith.mulf %add3A_539, %sub3A_517 : vector<16xf32>
          %add3A_541 = arith.constant -0.499838561 : f32
          %add3A_542 = vector.broadcast %add3A_541 : f32 to vector<16xf32>
          %add3A_543 = arith.addf %mul3A_540, %add3A_542 : vector<16xf32>
          %mul3A_544 = arith.mulf %add3A_543, %sub3A_517 : vector<16xf32>
          %add3A_545 = arith.constant 0.999994277 : f32
          %add3A_546 = vector.broadcast %add3A_545 : f32 to vector<16xf32>
          %add3A_547 = arith.addf %mul3A_544, %add3A_546 : vector<16xf32>
          %mul3A_548 = arith.mulf %add3A_547, %sub3A_517 : vector<16xf32>
          %convert_element_type3A_549 = arith.sitofp %sub3A_507 : vector<16xi32> to vector<16xf32>
          %mul3A_550 = arith.constant 0.693147182 : f32
          %mul3A_551 = vector.broadcast %mul3A_550 : f32 to vector<16xf32>
          %mul3A_552 = arith.mulf %convert_element_type3A_549, %mul3A_551 : vector<16xf32>
          %add3A_553 = arith.addf %mul3A_552, %mul3A_548 : vector<16xf32>
          %jit3A_554 = arith.constant 0.000000e+00 : f32
          %broadcast_in_dim3A_555 = vector.broadcast %jit3A_554 : f32 to vector<16xf32>
          %select_n3A_556 = arith.select %and3A, %add3A_553, %broadcast_in_dim3A_555 : vector<16xi1>, vector<16xf32>
          %broadcast_in_dim3A_557 = arith.constant true
          %broadcast_in_dim3A_558 = vector.broadcast %broadcast_in_dim3A_557 : i1 to vector<16xi1>
          %masked_cumsum3A = tpu.scan <sum>, %select_n3A_556 masked %broadcast_in_dim3A_558 : vector<16xf32>, vector<16xi1> -> vector<16xf32>
          %lt3A_559 = arith.constant 0 : i32
          %lt3A_560 = vector.broadcast %lt3A_559 : i32 to vector<16xi32>
          %lt3A_561 = arith.cmpi slt, %max3A_485, %lt3A_560 : vector<16xi32>
          %add3A_562 = arith.constant 16 : i32
          %add3A_563 = vector.broadcast %add3A_562 : i32 to vector<16xi32>
          %add3A_564 = arith.addi %max3A_485, %add3A_563 : vector<16xi32>
          %select_n3A_565 = arith.select %lt3A_561, %add3A_564, %max3A_485 : vector<16xi1>, vector<16xi32>
          %reshape3A_566 = vector.shape_cast %select_n3A_565 : vector<16xi32> to vector<16x1xi32>
          %gather3A_567 = vector.shape_cast %reshape3A_566 : vector<16x1xi32> to vector<16xi32>
          %gather3A_568 = tpu.dynamic_gather %masked_cumsum3A[%gather3A_567] in [0] : vector<16xf32>, vector<16xi32> -> vector<16xf32>
          %jit3A_569 = arith.constant 0.000000e+00 : f32
          %broadcast_in_dim3A_570 = vector.broadcast %jit3A_569 : f32 to vector<16xf32>
          %select_n3A_571 = arith.select %gt3A_487, %gather3A_568, %broadcast_in_dim3A_570 : vector<16xi1>, vector<16xf32>
          %sub3A_572 = arith.subf %masked_cumsum3A, %select_n3A_571 : vector<16xf32>
          %add3A_573 = arith.constant 0 : i32
          %add3A_574 = vector.broadcast %add3A_573 : i32 to vector<16xi32>
          %add3A_575 = arith.addi %select_n3A_493, %add3A_574 : vector<16xi32>
          tpu.vector_store_idx %arg17[%add3A_575], %sub3A_572 masked %and3A_488 {add = true} : memref<2560xf32, #tpu.memory_space<vmem>>[vector<16xi32>], vector<16xf32>, vector<16xi1>
          %add3A_576 = arith.constant 10240 : i32
          %add3A_577 = vector.broadcast %add3A_576 : i32 to vector<16xi32>
          %add3A_578 = arith.addi %get3A_430, %add3A_577 : vector<16xi32>
          %gather3A_579 = tpu.vector_load_idx %arg13[%add3A_578] : memref<40960xf32, #tpu.memory_space<vmem>>[vector<16xi32>], vector<16xf32>,
          %mul3A_580 = arith.mulf %sub3A_434, %gather3A_579 : vector<16xf32>
          %add3A_581 = arith.constant 1.000000e+00 : f32
          %add3A_582 = vector.broadcast %add3A_581 : f32 to vector<16xf32>
          %add3A_583 = arith.addf %add3A_582, %mul3A_580 : vector<16xf32>
          %bitcast_convert_type3A_584 = tpu.bitcast %add3A_583 : vector<16xf32> -> vector<16xi32>
          %shift_right_arithmetic3A_585 = arith.constant 23 : i32
          %shift_right_arithmetic3A_586 = vector.broadcast %shift_right_arithmetic3A_585 : i32 to vector<16xi32>
          %shift_right_arithmetic3A_587 = arith.shrsi %bitcast_convert_type3A_584, %shift_right_arithmetic3A_586 : vector<16xi32>
          %sub3A_588 = arith.constant 127 : i32
          %sub3A_589 = vector.broadcast %sub3A_588 : i32 to vector<16xi32>
          %sub3A_590 = arith.subi %shift_right_arithmetic3A_587, %sub3A_589 : vector<16xi32>
          %and3A_591 = arith.constant 8388607 : i32
          %and3A_592 = vector.broadcast %and3A_591 : i32 to vector<16xi32>
          %and3A_593 = arith.andi %bitcast_convert_type3A_584, %and3A_592 : vector<16xi32>
          %or3A_594 = arith.constant 1065353216 : i32
          %or3A_595 = vector.broadcast %or3A_594 : i32 to vector<16xi32>
          %or3A_596 = arith.ori %and3A_593, %or3A_595 : vector<16xi32>
          %bitcast_convert_type3A_597 = tpu.bitcast %or3A_596 : vector<16xi32> -> vector<16xf32>
          %sub3A_598 = arith.constant 1.000000e+00 : f32
          %sub3A_599 = vector.broadcast %sub3A_598 : f32 to vector<16xf32>
          %sub3A_600 = arith.subf %bitcast_convert_type3A_597, %sub3A_599 : vector<16xf32>
          %mul3A_601 = arith.constant -0.00615148572 : f32
          %mul3A_602 = vector.broadcast %mul3A_601 : f32 to vector<16xf32>
          %mul3A_603 = arith.mulf %mul3A_602, %sub3A_600 : vector<16xf32>
          %add3A_604 = arith.constant 0.0348497964 : f32
          %add3A_605 = vector.broadcast %add3A_604 : f32 to vector<16xf32>
          %add3A_606 = arith.addf %mul3A_603, %add3A_605 : vector<16xf32>
          %mul3A_607 = arith.mulf %add3A_606, %sub3A_600 : vector<16xf32>
          %add3A_608 = arith.constant -0.0932522192 : f32
          %add3A_609 = vector.broadcast %add3A_608 : f32 to vector<16xf32>
          %add3A_610 = arith.addf %mul3A_607, %add3A_609 : vector<16xf32>
          %mul3A_611 = arith.mulf %add3A_610, %sub3A_600 : vector<16xf32>
          %add3A_612 = arith.constant 0.165822953 : f32
          %add3A_613 = vector.broadcast %add3A_612 : f32 to vector<16xf32>
          %add3A_614 = arith.addf %mul3A_611, %add3A_613 : vector<16xf32>
          %mul3A_615 = arith.mulf %add3A_614, %sub3A_600 : vector<16xf32>
          %add3A_616 = arith.constant -0.239826292 : f32
          %add3A_617 = vector.broadcast %add3A_616 : f32 to vector<16xf32>
          %add3A_618 = arith.addf %mul3A_615, %add3A_617 : vector<16xf32>
          %mul3A_619 = arith.mulf %add3A_618, %sub3A_600 : vector<16xf32>
          %add3A_620 = arith.constant 0.331548661 : f32
          %add3A_621 = vector.broadcast %add3A_620 : f32 to vector<16xf32>
          %add3A_622 = arith.addf %mul3A_619, %add3A_621 : vector<16xf32>
          %mul3A_623 = arith.mulf %add3A_622, %sub3A_600 : vector<16xf32>
          %add3A_624 = arith.constant -0.499838561 : f32
          %add3A_625 = vector.broadcast %add3A_624 : f32 to vector<16xf32>
          %add3A_626 = arith.addf %mul3A_623, %add3A_625 : vector<16xf32>
          %mul3A_627 = arith.mulf %add3A_626, %sub3A_600 : vector<16xf32>
          %add3A_628 = arith.constant 0.999994277 : f32
          %add3A_629 = vector.broadcast %add3A_628 : f32 to vector<16xf32>
          %add3A_630 = arith.addf %mul3A_627, %add3A_629 : vector<16xf32>
          %mul3A_631 = arith.mulf %add3A_630, %sub3A_600 : vector<16xf32>
          %convert_element_type3A_632 = arith.sitofp %sub3A_590 : vector<16xi32> to vector<16xf32>
          %mul3A_633 = arith.constant 0.693147182 : f32
          %mul3A_634 = vector.broadcast %mul3A_633 : f32 to vector<16xf32>
          %mul3A_635 = arith.mulf %convert_element_type3A_632, %mul3A_634 : vector<16xf32>
          %add3A_636 = arith.addf %mul3A_635, %mul3A_631 : vector<16xf32>
          %jit3A_637 = arith.constant 0.000000e+00 : f32
          %broadcast_in_dim3A_638 = vector.broadcast %jit3A_637 : f32 to vector<16xf32>
          %select_n3A_639 = arith.select %and3A, %add3A_636, %broadcast_in_dim3A_638 : vector<16xi1>, vector<16xf32>
          %broadcast_in_dim3A_640 = arith.constant true
          %broadcast_in_dim3A_641 = vector.broadcast %broadcast_in_dim3A_640 : i1 to vector<16xi1>
          %masked_cumsum3A_642 = tpu.scan <sum>, %select_n3A_639 masked %broadcast_in_dim3A_641 : vector<16xf32>, vector<16xi1> -> vector<16xf32>
          %lt3A_643 = arith.constant 0 : i32
          %lt3A_644 = vector.broadcast %lt3A_643 : i32 to vector<16xi32>
          %lt3A_645 = arith.cmpi slt, %max3A_485, %lt3A_644 : vector<16xi32>
          %add3A_646 = arith.constant 16 : i32
          %add3A_647 = vector.broadcast %add3A_646 : i32 to vector<16xi32>
          %add3A_648 = arith.addi %max3A_485, %add3A_647 : vector<16xi32>
          %select_n3A_649 = arith.select %lt3A_645, %add3A_648, %max3A_485 : vector<16xi1>, vector<16xi32>
          %reshape3A_650 = vector.shape_cast %select_n3A_649 : vector<16xi32> to vector<16x1xi32>
          %gather3A_651 = vector.shape_cast %reshape3A_650 : vector<16x1xi32> to vector<16xi32>
          %gather3A_652 = tpu.dynamic_gather %masked_cumsum3A_642[%gather3A_651] in [0] : vector<16xf32>, vector<16xi32> -> vector<16xf32>
          %jit3A_653 = arith.constant 0.000000e+00 : f32
          %broadcast_in_dim3A_654 = vector.broadcast %jit3A_653 : f32 to vector<16xf32>
          %select_n3A_655 = arith.select %gt3A_487, %gather3A_652, %broadcast_in_dim3A_654 : vector<16xi1>, vector<16xf32>
          %sub3A_656 = arith.subf %masked_cumsum3A_642, %select_n3A_655 : vector<16xf32>
          %add3A_657 = arith.constant 640 : i32
          %add3A_658 = vector.broadcast %add3A_657 : i32 to vector<16xi32>
          %add3A_659 = arith.addi %select_n3A_493, %add3A_658 : vector<16xi32>
          tpu.vector_store_idx %arg17[%add3A_659], %sub3A_656 masked %and3A_488 {add = true} : memref<2560xf32, #tpu.memory_space<vmem>>[vector<16xi32>], vector<16xf32>, vector<16xi1>
          %add3A_660 = arith.constant 20480 : i32
          %add3A_661 = vector.broadcast %add3A_660 : i32 to vector<16xi32>
          %add3A_662 = arith.addi %get3A_430, %add3A_661 : vector<16xi32>
          %gather3A_663 = tpu.vector_load_idx %arg13[%add3A_662] : memref<40960xf32, #tpu.memory_space<vmem>>[vector<16xi32>], vector<16xf32>,
          %mul3A_664 = arith.mulf %sub3A_434, %gather3A_663 : vector<16xf32>
          %add3A_665 = arith.constant 1.000000e+00 : f32
          %add3A_666 = vector.broadcast %add3A_665 : f32 to vector<16xf32>
          %add3A_667 = arith.addf %add3A_666, %mul3A_664 : vector<16xf32>
          %bitcast_convert_type3A_668 = tpu.bitcast %add3A_667 : vector<16xf32> -> vector<16xi32>
          %shift_right_arithmetic3A_669 = arith.constant 23 : i32
          %shift_right_arithmetic3A_670 = vector.broadcast %shift_right_arithmetic3A_669 : i32 to vector<16xi32>
          %shift_right_arithmetic3A_671 = arith.shrsi %bitcast_convert_type3A_668, %shift_right_arithmetic3A_670 : vector<16xi32>
          %sub3A_672 = arith.constant 127 : i32
          %sub3A_673 = vector.broadcast %sub3A_672 : i32 to vector<16xi32>
          %sub3A_674 = arith.subi %shift_right_arithmetic3A_671, %sub3A_673 : vector<16xi32>
          %and3A_675 = arith.constant 8388607 : i32
          %and3A_676 = vector.broadcast %and3A_675 : i32 to vector<16xi32>
          %and3A_677 = arith.andi %bitcast_convert_type3A_668, %and3A_676 : vector<16xi32>
          %or3A_678 = arith.constant 1065353216 : i32
          %or3A_679 = vector.broadcast %or3A_678 : i32 to vector<16xi32>
          %or3A_680 = arith.ori %and3A_677, %or3A_679 : vector<16xi32>
          %bitcast_convert_type3A_681 = tpu.bitcast %or3A_680 : vector<16xi32> -> vector<16xf32>
          %sub3A_682 = arith.constant 1.000000e+00 : f32
          %sub3A_683 = vector.broadcast %sub3A_682 : f32 to vector<16xf32>
          %sub3A_684 = arith.subf %bitcast_convert_type3A_681, %sub3A_683 : vector<16xf32>
          %mul3A_685 = arith.constant -0.00615148572 : f32
          %mul3A_686 = vector.broadcast %mul3A_685 : f32 to vector<16xf32>
          %mul3A_687 = arith.mulf %mul3A_686, %sub3A_684 : vector<16xf32>
          %add3A_688 = arith.constant 0.0348497964 : f32
          %add3A_689 = vector.broadcast %add3A_688 : f32 to vector<16xf32>
          %add3A_690 = arith.addf %mul3A_687, %add3A_689 : vector<16xf32>
          %mul3A_691 = arith.mulf %add3A_690, %sub3A_684 : vector<16xf32>
          %add3A_692 = arith.constant -0.0932522192 : f32
          %add3A_693 = vector.broadcast %add3A_692 : f32 to vector<16xf32>
          %add3A_694 = arith.addf %mul3A_691, %add3A_693 : vector<16xf32>
          %mul3A_695 = arith.mulf %add3A_694, %sub3A_684 : vector<16xf32>
          %add3A_696 = arith.constant 0.165822953 : f32
          %add3A_697 = vector.broadcast %add3A_696 : f32 to vector<16xf32>
          %add3A_698 = arith.addf %mul3A_695, %add3A_697 : vector<16xf32>
          %mul3A_699 = arith.mulf %add3A_698, %sub3A_684 : vector<16xf32>
          %add3A_700 = arith.constant -0.239826292 : f32
          %add3A_701 = vector.broadcast %add3A_700 : f32 to vector<16xf32>
          %add3A_702 = arith.addf %mul3A_699, %add3A_701 : vector<16xf32>
          %mul3A_703 = arith.mulf %add3A_702, %sub3A_684 : vector<16xf32>
          %add3A_704 = arith.constant 0.331548661 : f32
          %add3A_705 = vector.broadcast %add3A_704 : f32 to vector<16xf32>
          %add3A_706 = arith.addf %mul3A_703, %add3A_705 : vector<16xf32>
          %mul3A_707 = arith.mulf %add3A_706, %sub3A_684 : vector<16xf32>
          %add3A_708 = arith.constant -0.499838561 : f32
          %add3A_709 = vector.broadcast %add3A_708 : f32 to vector<16xf32>
          %add3A_710 = arith.addf %mul3A_707, %add3A_709 : vector<16xf32>
          %mul3A_711 = arith.mulf %add3A_710, %sub3A_684 : vector<16xf32>
          %add3A_712 = arith.constant 0.999994277 : f32
          %add3A_713 = vector.broadcast %add3A_712 : f32 to vector<16xf32>
          %add3A_714 = arith.addf %mul3A_711, %add3A_713 : vector<16xf32>
          %mul3A_715 = arith.mulf %add3A_714, %sub3A_684 : vector<16xf32>
          %convert_element_type3A_716 = arith.sitofp %sub3A_674 : vector<16xi32> to vector<16xf32>
          %mul3A_717 = arith.constant 0.693147182 : f32
          %mul3A_718 = vector.broadcast %mul3A_717 : f32 to vector<16xf32>
          %mul3A_719 = arith.mulf %convert_element_type3A_716, %mul3A_718 : vector<16xf32>
          %add3A_720 = arith.addf %mul3A_719, %mul3A_715 : vector<16xf32>
          %jit3A_721 = arith.constant 0.000000e+00 : f32
          %broadcast_in_dim3A_722 = vector.broadcast %jit3A_721 : f32 to vector<16xf32>
          %select_n3A_723 = arith.select %and3A, %add3A_720, %broadcast_in_dim3A_722 : vector<16xi1>, vector<16xf32>
          %broadcast_in_dim3A_724 = arith.constant true
          %broadcast_in_dim3A_725 = vector.broadcast %broadcast_in_dim3A_724 : i1 to vector<16xi1>
          %masked_cumsum3A_726 = tpu.scan <sum>, %select_n3A_723 masked %broadcast_in_dim3A_725 : vector<16xf32>, vector<16xi1> -> vector<16xf32>
          %lt3A_727 = arith.constant 0 : i32
          %lt3A_728 = vector.broadcast %lt3A_727 : i32 to vector<16xi32>
          %lt3A_729 = arith.cmpi slt, %max3A_485, %lt3A_728 : vector<16xi32>
          %add3A_730 = arith.constant 16 : i32
          %add3A_731 = vector.broadcast %add3A_730 : i32 to vector<16xi32>
          %add3A_732 = arith.addi %max3A_485, %add3A_731 : vector<16xi32>
          %select_n3A_733 = arith.select %lt3A_729, %add3A_732, %max3A_485 : vector<16xi1>, vector<16xi32>
          %reshape3A_734 = vector.shape_cast %select_n3A_733 : vector<16xi32> to vector<16x1xi32>
          %gather3A_735 = vector.shape_cast %reshape3A_734 : vector<16x1xi32> to vector<16xi32>
          %gather3A_736 = tpu.dynamic_gather %masked_cumsum3A_726[%gather3A_735] in [0] : vector<16xf32>, vector<16xi32> -> vector<16xf32>
          %jit3A_737 = arith.constant 0.000000e+00 : f32
          %broadcast_in_dim3A_738 = vector.broadcast %jit3A_737 : f32 to vector<16xf32>
          %select_n3A_739 = arith.select %gt3A_487, %gather3A_736, %broadcast_in_dim3A_738 : vector<16xi1>, vector<16xf32>
          %sub3A_740 = arith.subf %masked_cumsum3A_726, %select_n3A_739 : vector<16xf32>
          %add3A_741 = arith.constant 1280 : i32
          %add3A_742 = vector.broadcast %add3A_741 : i32 to vector<16xi32>
          %add3A_743 = arith.addi %select_n3A_493, %add3A_742 : vector<16xi32>
          tpu.vector_store_idx %arg17[%add3A_743], %sub3A_740 masked %and3A_488 {add = true} : memref<2560xf32, #tpu.memory_space<vmem>>[vector<16xi32>], vector<16xf32>, vector<16xi1>
          %add3A_744 = arith.constant 30720 : i32
          %add3A_745 = vector.broadcast %add3A_744 : i32 to vector<16xi32>
          %add3A_746 = arith.addi %get3A_430, %add3A_745 : vector<16xi32>
          %gather3A_747 = tpu.vector_load_idx %arg13[%add3A_746] : memref<40960xf32, #tpu.memory_space<vmem>>[vector<16xi32>], vector<16xf32>,
          %mul3A_748 = arith.mulf %sub3A_434, %gather3A_747 : vector<16xf32>
          %add3A_749 = arith.constant 1.000000e+00 : f32
          %add3A_750 = vector.broadcast %add3A_749 : f32 to vector<16xf32>
          %add3A_751 = arith.addf %add3A_750, %mul3A_748 : vector<16xf32>
          %bitcast_convert_type3A_752 = tpu.bitcast %add3A_751 : vector<16xf32> -> vector<16xi32>
          %shift_right_arithmetic3A_753 = arith.constant 23 : i32
          %shift_right_arithmetic3A_754 = vector.broadcast %shift_right_arithmetic3A_753 : i32 to vector<16xi32>
          %shift_right_arithmetic3A_755 = arith.shrsi %bitcast_convert_type3A_752, %shift_right_arithmetic3A_754 : vector<16xi32>
          %sub3A_756 = arith.constant 127 : i32
          %sub3A_757 = vector.broadcast %sub3A_756 : i32 to vector<16xi32>
          %sub3A_758 = arith.subi %shift_right_arithmetic3A_755, %sub3A_757 : vector<16xi32>
          %and3A_759 = arith.constant 8388607 : i32
          %and3A_760 = vector.broadcast %and3A_759 : i32 to vector<16xi32>
          %and3A_761 = arith.andi %bitcast_convert_type3A_752, %and3A_760 : vector<16xi32>
          %or3A_762 = arith.constant 1065353216 : i32
          %or3A_763 = vector.broadcast %or3A_762 : i32 to vector<16xi32>
          %or3A_764 = arith.ori %and3A_761, %or3A_763 : vector<16xi32>
          %bitcast_convert_type3A_765 = tpu.bitcast %or3A_764 : vector<16xi32> -> vector<16xf32>
          %sub3A_766 = arith.constant 1.000000e+00 : f32
          %sub3A_767 = vector.broadcast %sub3A_766 : f32 to vector<16xf32>
          %sub3A_768 = arith.subf %bitcast_convert_type3A_765, %sub3A_767 : vector<16xf32>
          %mul3A_769 = arith.constant -0.00615148572 : f32
          %mul3A_770 = vector.broadcast %mul3A_769 : f32 to vector<16xf32>
          %mul3A_771 = arith.mulf %mul3A_770, %sub3A_768 : vector<16xf32>
          %add3A_772 = arith.constant 0.0348497964 : f32
          %add3A_773 = vector.broadcast %add3A_772 : f32 to vector<16xf32>
          %add3A_774 = arith.addf %mul3A_771, %add3A_773 : vector<16xf32>
          %mul3A_775 = arith.mulf %add3A_774, %sub3A_768 : vector<16xf32>
          %add3A_776 = arith.constant -0.0932522192 : f32
          %add3A_777 = vector.broadcast %add3A_776 : f32 to vector<16xf32>
          %add3A_778 = arith.addf %mul3A_775, %add3A_777 : vector<16xf32>
          %mul3A_779 = arith.mulf %add3A_778, %sub3A_768 : vector<16xf32>
          %add3A_780 = arith.constant 0.165822953 : f32
          %add3A_781 = vector.broadcast %add3A_780 : f32 to vector<16xf32>
          %add3A_782 = arith.addf %mul3A_779, %add3A_781 : vector<16xf32>
          %mul3A_783 = arith.mulf %add3A_782, %sub3A_768 : vector<16xf32>
          %add3A_784 = arith.constant -0.239826292 : f32
          %add3A_785 = vector.broadcast %add3A_784 : f32 to vector<16xf32>
          %add3A_786 = arith.addf %mul3A_783, %add3A_785 : vector<16xf32>
          %mul3A_787 = arith.mulf %add3A_786, %sub3A_768 : vector<16xf32>
          %add3A_788 = arith.constant 0.331548661 : f32
          %add3A_789 = vector.broadcast %add3A_788 : f32 to vector<16xf32>
          %add3A_790 = arith.addf %mul3A_787, %add3A_789 : vector<16xf32>
          %mul3A_791 = arith.mulf %add3A_790, %sub3A_768 : vector<16xf32>
          %add3A_792 = arith.constant -0.499838561 : f32
          %add3A_793 = vector.broadcast %add3A_792 : f32 to vector<16xf32>
          %add3A_794 = arith.addf %mul3A_791, %add3A_793 : vector<16xf32>
          %mul3A_795 = arith.mulf %add3A_794, %sub3A_768 : vector<16xf32>
          %add3A_796 = arith.constant 0.999994277 : f32
          %add3A_797 = vector.broadcast %add3A_796 : f32 to vector<16xf32>
          %add3A_798 = arith.addf %mul3A_795, %add3A_797 : vector<16xf32>
          %mul3A_799 = arith.mulf %add3A_798, %sub3A_768 : vector<16xf32>
          %convert_element_type3A_800 = arith.sitofp %sub3A_758 : vector<16xi32> to vector<16xf32>
          %mul3A_801 = arith.constant 0.693147182 : f32
          %mul3A_802 = vector.broadcast %mul3A_801 : f32 to vector<16xf32>
          %mul3A_803 = arith.mulf %convert_element_type3A_800, %mul3A_802 : vector<16xf32>
          %add3A_804 = arith.addf %mul3A_803, %mul3A_799 : vector<16xf32>
          %jit3A_805 = arith.constant 0.000000e+00 : f32
          %broadcast_in_dim3A_806 = vector.broadcast %jit3A_805 : f32 to vector<16xf32>
          %select_n3A_807 = arith.select %and3A, %add3A_804, %broadcast_in_dim3A_806 : vector<16xi1>, vector<16xf32>
          %broadcast_in_dim3A_808 = arith.constant true
          %broadcast_in_dim3A_809 = vector.broadcast %broadcast_in_dim3A_808 : i1 to vector<16xi1>
          %masked_cumsum3A_810 = tpu.scan <sum>, %select_n3A_807 masked %broadcast_in_dim3A_809 : vector<16xf32>, vector<16xi1> -> vector<16xf32>
          %lt3A_811 = arith.constant 0 : i32
          %lt3A_812 = vector.broadcast %lt3A_811 : i32 to vector<16xi32>
          %lt3A_813 = arith.cmpi slt, %max3A_485, %lt3A_812 : vector<16xi32>
          %add3A_814 = arith.constant 16 : i32
          %add3A_815 = vector.broadcast %add3A_814 : i32 to vector<16xi32>
          %add3A_816 = arith.addi %max3A_485, %add3A_815 : vector<16xi32>
          %select_n3A_817 = arith.select %lt3A_813, %add3A_816, %max3A_485 : vector<16xi1>, vector<16xi32>
          %reshape3A_818 = vector.shape_cast %select_n3A_817 : vector<16xi32> to vector<16x1xi32>
          %gather3A_819 = vector.shape_cast %reshape3A_818 : vector<16x1xi32> to vector<16xi32>
          %gather3A_820 = tpu.dynamic_gather %masked_cumsum3A_810[%gather3A_819] in [0] : vector<16xf32>, vector<16xi32> -> vector<16xf32>
          %jit3A_821 = arith.constant 0.000000e+00 : f32
          %broadcast_in_dim3A_822 = vector.broadcast %jit3A_821 : f32 to vector<16xf32>
          %select_n3A_823 = arith.select %gt3A_487, %gather3A_820, %broadcast_in_dim3A_822 : vector<16xi1>, vector<16xf32>
          %sub3A_824 = arith.subf %masked_cumsum3A_810, %select_n3A_823 : vector<16xf32>
          %add3A_825 = arith.constant 1920 : i32
          %add3A_826 = vector.broadcast %add3A_825 : i32 to vector<16xi32>
          %add3A_827 = arith.addi %select_n3A_493, %add3A_826 : vector<16xi32>
          tpu.vector_store_idx %arg17[%add3A_827], %sub3A_824 masked %and3A_488 {add = true} : memref<2560xf32, #tpu.memory_space<vmem>>[vector<16xi32>], vector<16xf32>, vector<16xi1>
        }
        %while3A_416 = arith.constant 1 : i32
        scf.for %while3A_417 = %while3A_414 to %while3A_410 step %while3A_416  : i32 {
          %mul3A_418 = arith.constant 16 : i32
          %mul3A_419 = arith.muli %while3A_417, %mul3A_418 : i32
          %get3A_420 = arith.index_cast %mul3A_419 : i32 to index
          %get3A_421 = tpu.vector_load %arg15[%get3A_420] {strides = array<i32>} : memref<2048xi32, #tpu.memory_space<vmem>>, vector<16xi32>,
          %get3A_422 = arith.index_cast %mul3A_419 : i32 to index
          %get3A_423 = tpu.vector_load %arg16[%get3A_422] {strides = array<i32>} : memref<2048xf32, #tpu.memory_space<vmem>>, vector<16xf32>,
          %add3A_424 = arith.addi %mul3A_399, %mul3A_419 : i32
          %add3A_425 = vector.broadcast %add3A_424 : i32 to vector<16xi32>
          %add3A_426 = arith.addi %add3A_425, %iota3A : vector<16xi32>
          %ge3A = vector.broadcast %squeeze3A : i32 to vector<16xi32>
          %ge3A_427 = arith.cmpi sge, %add3A_426, %ge3A : vector<16xi32>
          %lt3A = vector.broadcast %squeeze3A_7 : i32 to vector<16xi32>
          %lt3A_428 = arith.cmpi slt, %add3A_426, %lt3A : vector<16xi32>
          %and3A = arith.andi %ge3A_427, %lt3A_428 : vector<16xi1>
          %get3A_429 = arith.index_cast %mul3A_419 : i32 to index
          %get3A_430 = tpu.vector_load %arg14[%get3A_429] {strides = array<i32>} : memref<2048xi32, #tpu.memory_space<vmem>>, vector<16xi32>,
          %mul3A_431 = arith.mulf %get3A_1, %get3A_423 : vector<16xf32>
          %exp3A = math.exp %mul3A_431 : vector<16xf32>
          %sub3A_432 = arith.constant 1.000000e+00 : f32
          %sub3A_433 = vector.broadcast %sub3A_432 : f32 to vector<16xf32>
          %sub3A_434 = arith.subf %exp3A, %sub3A_433 : vector<16xf32>
          %sub3A_435 = arith.constant 1 : i32
          %sub3A_436 = vector.broadcast %sub3A_435 : i32 to vector<16xi32>
          %sub3A_437 = arith.subi %iota3A, %sub3A_436 : vector<16xi32>
          %max3A_438 = arith.constant 0 : i32
          %max3A_439 = vector.broadcast %max3A_438 : i32 to vector<16xi32>
          %max3A_440 = arith.maxsi %sub3A_437, %max3A_439 : vector<16xi32>
          %lt3A_441 = arith.constant 0 : i32
          %lt3A_442 = vector.broadcast %lt3A_441 : i32 to vector<16xi32>
          %lt3A_443 = arith.cmpi slt, %max3A_440, %lt3A_442 : vector<16xi32>
          %add3A_444 = arith.constant 16 : i32
          %add3A_445 = vector.broadcast %add3A_444 : i32 to vector<16xi32>
          %add3A_446 = arith.addi %max3A_440, %add3A_445 : vector<16xi32>
          %select_n3A_447 = arith.select %lt3A_443, %add3A_446, %max3A_440 : vector<16xi1>, vector<16xi32>
          %reshape3A = vector.shape_cast %select_n3A_447 : vector<16xi32> to vector<16x1xi32>
          %gather3A = vector.shape_cast %reshape3A : vector<16x1xi32> to vector<16xi32>
          %gather3A_448 = tpu.dynamic_gather %get3A_421[%gather3A] in [0] : vector<16xi32>, vector<16xi32> -> vector<16xi32>
          %eq3A_449 = arith.constant 0 : i32
          %eq3A_450 = vector.broadcast %eq3A_449 : i32 to vector<16xi32>
          %eq3A_451 = arith.cmpi eq, %iota3A, %eq3A_450 : vector<16xi32>
          %ne3A = arith.cmpi ne, %get3A_421, %gather3A_448 : vector<16xi32>
          %or3A = arith.ori %eq3A_451, %ne3A : vector<16xi1>
          %convert_element_type3A_452 = arith.sitofp %iota3A : vector<16xi32> to vector<16xf32>
          %jit3A_453 = arith.constant 0.000000e+00 : f32
          %broadcast_in_dim3A_454 = vector.broadcast %jit3A_453 : f32 to vector<16xf32>
          %select_n3A_455 = arith.select %or3A, %convert_element_type3A_452, %broadcast_in_dim3A_454 : vector<16xi1>, vector<16xf32>
          %broadcast_in_dim3A_456 = arith.constant true
          %broadcast_in_dim3A_457 = vector.broadcast %broadcast_in_dim3A_456 : i1 to vector<16xi1>
          %masked_cummax3A = tpu.scan <max>, %select_n3A_455 masked %broadcast_in_dim3A_457 : vector<16xf32>, vector<16xi1> -> vector<16xf32>
          %add3A_458 = arith.constant 1 : i32
          %add3A_459 = vector.broadcast %add3A_458 : i32 to vector<16xi32>
          %add3A_460 = arith.addi %iota3A, %add3A_459 : vector<16xi32>
          %min3A_461 = arith.constant 15 : i32
          %min3A_462 = vector.broadcast %min3A_461 : i32 to vector<16xi32>
          %min3A_463 = arith.minsi %add3A_460, %min3A_462 : vector<16xi32>
          %lt3A_464 = arith.constant 0 : i32
          %lt3A_465 = vector.broadcast %lt3A_464 : i32 to vector<16xi32>
          %lt3A_466 = arith.cmpi slt, %min3A_463, %lt3A_465 : vector<16xi32>
          %add3A_467 = arith.constant 16 : i32
          %add3A_468 = vector.broadcast %add3A_467 : i32 to vector<16xi32>
          %add3A_469 = arith.addi %min3A_463, %add3A_468 : vector<16xi32>
          %select_n3A_470 = arith.select %lt3A_466, %add3A_469, %min3A_463 : vector<16xi1>, vector<16xi32>
          %reshape3A_471 = vector.shape_cast %select_n3A_470 : vector<16xi32> to vector<16x1xi32>
          %gather3A_472 = vector.shape_cast %reshape3A_471 : vector<16x1xi32> to vector<16xi32>
          %gather3A_473 = tpu.dynamic_gather %get3A_421[%gather3A_472] in [0] : vector<16xi32>, vector<16xi32> -> vector<16xi32>
          %eq3A_474 = arith.constant 15 : i32
          %eq3A_475 = vector.broadcast %eq3A_474 : i32 to vector<16xi32>
          %eq3A_476 = arith.cmpi eq, %iota3A, %eq3A_475 : vector<16xi32>
          %ne3A_477 = arith.cmpi ne, %get3A_421, %gather3A_473 : vector<16xi32>
          %or3A_478 = arith.ori %eq3A_476, %ne3A_477 : vector<16xi1>
          %convert_element_type3A_479 = arith.fptosi %masked_cummax3A : vector<16xf32> to vector<16xi32>
          %sub3A_480 = arith.constant 1 : i32
          %sub3A_481 = vector.broadcast %sub3A_480 : i32 to vector<16xi32>
          %sub3A_482 = arith.subi %convert_element_type3A_479, %sub3A_481 : vector<16xi32>
          %max3A_483 = arith.constant 0 : i32
          %max3A_484 = vector.broadcast %max3A_483 : i32 to vector<16xi32>
          %max3A_485 = arith.maxsi %sub3A_482, %max3A_484 : vector<16xi32>
          %gt3A = arith.constant 0 : i32
          %gt3A_486 = vector.broadcast %gt3A : i32 to vector<16xi32>
          %gt3A_487 = arith.cmpi sgt, %convert_element_type3A_479, %gt3A_486 : vector<16xi32>
          %and3A_488 = arith.andi %or3A_478, %and3A : vector<16xi1>
          %sub3A_489 = vector.broadcast %mul3A_8 : i32 to vector<16xi32>
          %sub3A_490 = arith.subi %get3A_421, %sub3A_489 : vector<16xi32>
          %jit3A_491 = arith.constant 0 : i32
          %broadcast_in_dim3A_492 = vector.broadcast %jit3A_491 : i32 to vector<16xi32>
          %select_n3A_493 = arith.select %and3A_488, %sub3A_490, %broadcast_in_dim3A_492 : vector<16xi1>, vector<16xi32>
          %add3A_494 = arith.constant 0 : i32
          %add3A_495 = vector.broadcast %add3A_494 : i32 to vector<16xi32>
          %add3A_496 = arith.addi %get3A_430, %add3A_495 : vector<16xi32>
          %gather3A_497 = tpu.vector_load_idx %arg13[%add3A_496] : memref<40960xf32, #tpu.memory_space<vmem>>[vector<16xi32>], vector<16xf32>,
          %mul3A_498 = arith.mulf %sub3A_434, %gather3A_497 : vector<16xf32>
          %add3A_499 = arith.constant 1.000000e+00 : f32
          %add3A_500 = vector.broadcast %add3A_499 : f32 to vector<16xf32>
          %add3A_501 = arith.addf %add3A_500, %mul3A_498 : vector<16xf32>
          %bitcast_convert_type3A = tpu.bitcast %add3A_501 : vector<16xf32> -> vector<16xi32>
          %shift_right_arithmetic3A_502 = arith.constant 23 : i32
          %shift_right_arithmetic3A_503 = vector.broadcast %shift_right_arithmetic3A_502 : i32 to vector<16xi32>
          %shift_right_arithmetic3A_504 = arith.shrsi %bitcast_convert_type3A, %shift_right_arithmetic3A_503 : vector<16xi32>
          %sub3A_505 = arith.constant 127 : i32
          %sub3A_506 = vector.broadcast %sub3A_505 : i32 to vector<16xi32>
          %sub3A_507 = arith.subi %shift_right_arithmetic3A_504, %sub3A_506 : vector<16xi32>
          %and3A_508 = arith.constant 8388607 : i32
          %and3A_509 = vector.broadcast %and3A_508 : i32 to vector<16xi32>
          %and3A_510 = arith.andi %bitcast_convert_type3A, %and3A_509 : vector<16xi32>
          %or3A_511 = arith.constant 1065353216 : i32
          %or3A_512 = vector.broadcast %or3A_511 : i32 to vector<16xi32>
          %or3A_513 = arith.ori %and3A_510, %or3A_512 : vector<16xi32>
          %bitcast_convert_type3A_514 = tpu.bitcast %or3A_513 : vector<16xi32> -> vector<16xf32>
          %sub3A_515 = arith.constant 1.000000e+00 : f32
          %sub3A_516 = vector.broadcast %sub3A_515 : f32 to vector<16xf32>
          %sub3A_517 = arith.subf %bitcast_convert_type3A_514, %sub3A_516 : vector<16xf32>
          %mul3A_518 = arith.constant -0.00615148572 : f32
          %mul3A_519 = vector.broadcast %mul3A_518 : f32 to vector<16xf32>
          %mul3A_520 = arith.mulf %mul3A_519, %sub3A_517 : vector<16xf32>
          %add3A_521 = arith.constant 0.0348497964 : f32
          %add3A_522 = vector.broadcast %add3A_521 : f32 to vector<16xf32>
          %add3A_523 = arith.addf %mul3A_520, %add3A_522 : vector<16xf32>
          %mul3A_524 = arith.mulf %add3A_523, %sub3A_517 : vector<16xf32>
          %add3A_525 = arith.constant -0.0932522192 : f32
          %add3A_526 = vector.broadcast %add3A_525 : f32 to vector<16xf32>
          %add3A_527 = arith.addf %mul3A_524, %add3A_526 : vector<16xf32>
          %mul3A_528 = arith.mulf %add3A_527, %sub3A_517 : vector<16xf32>
          %add3A_529 = arith.constant 0.165822953 : f32
          %add3A_530 = vector.broadcast %add3A_529 : f32 to vector<16xf32>
          %add3A_531 = arith.addf %mul3A_528, %add3A_530 : vector<16xf32>
          %mul3A_532 = arith.mulf %add3A_531, %sub3A_517 : vector<16xf32>
          %add3A_533 = arith.constant -0.239826292 : f32
          %add3A_534 = vector.broadcast %add3A_533 : f32 to vector<16xf32>
          %add3A_535 = arith.addf %mul3A_532, %add3A_534 : vector<16xf32>
          %mul3A_536 = arith.mulf %add3A_535, %sub3A_517 : vector<16xf32>
          %add3A_537 = arith.constant 0.331548661 : f32
          %add3A_538 = vector.broadcast %add3A_537 : f32 to vector<16xf32>
          %add3A_539 = arith.addf %mul3A_536, %add3A_538 : vector<16xf32>
          %mul3A_540 = arith.mulf %add3A_539, %sub3A_517 : vector<16xf32>
          %add3A_541 = arith.constant -0.499838561 : f32
          %add3A_542 = vector.broadcast %add3A_541 : f32 to vector<16xf32>
          %add3A_543 = arith.addf %mul3A_540, %add3A_542 : vector<16xf32>
          %mul3A_544 = arith.mulf %add3A_543, %sub3A_517 : vector<16xf32>
          %add3A_545 = arith.constant 0.999994277 : f32
          %add3A_546 = vector.broadcast %add3A_545 : f32 to vector<16xf32>
          %add3A_547 = arith.addf %mul3A_544, %add3A_546 : vector<16xf32>
          %mul3A_548 = arith.mulf %add3A_547, %sub3A_517 : vector<16xf32>
          %convert_element_type3A_549 = arith.sitofp %sub3A_507 : vector<16xi32> to vector<16xf32>
          %mul3A_550 = arith.constant 0.693147182 : f32
          %mul3A_551 = vector.broadcast %mul3A_550 : f32 to vector<16xf32>
          %mul3A_552 = arith.mulf %convert_element_type3A_549, %mul3A_551 : vector<16xf32>
          %add3A_553 = arith.addf %mul3A_552, %mul3A_548 : vector<16xf32>
          %jit3A_554 = arith.constant 0.000000e+00 : f32
          %broadcast_in_dim3A_555 = vector.broadcast %jit3A_554 : f32 to vector<16xf32>
          %select_n3A_556 = arith.select %and3A, %add3A_553, %broadcast_in_dim3A_555 : vector<16xi1>, vector<16xf32>
          %broadcast_in_dim3A_557 = arith.constant true
          %broadcast_in_dim3A_558 = vector.broadcast %broadcast_in_dim3A_557 : i1 to vector<16xi1>
          %masked_cumsum3A = tpu.scan <sum>, %select_n3A_556 masked %broadcast_in_dim3A_558 : vector<16xf32>, vector<16xi1> -> vector<16xf32>
          %lt3A_559 = arith.constant 0 : i32
          %lt3A_560 = vector.broadcast %lt3A_559 : i32 to vector<16xi32>
          %lt3A_561 = arith.cmpi slt, %max3A_485, %lt3A_560 : vector<16xi32>
          %add3A_562 = arith.constant 16 : i32
          %add3A_563 = vector.broadcast %add3A_562 : i32 to vector<16xi32>
          %add3A_564 = arith.addi %max3A_485, %add3A_563 : vector<16xi32>
          %select_n3A_565 = arith.select %lt3A_561, %add3A_564, %max3A_485 : vector<16xi1>, vector<16xi32>
          %reshape3A_566 = vector.shape_cast %select_n3A_565 : vector<16xi32> to vector<16x1xi32>
          %gather3A_567 = vector.shape_cast %reshape3A_566 : vector<16x1xi32> to vector<16xi32>
          %gather3A_568 = tpu.dynamic_gather %masked_cumsum3A[%gather3A_567] in [0] : vector<16xf32>, vector<16xi32> -> vector<16xf32>
          %jit3A_569 = arith.constant 0.000000e+00 : f32
          %broadcast_in_dim3A_570 = vector.broadcast %jit3A_569 : f32 to vector<16xf32>
          %select_n3A_571 = arith.select %gt3A_487, %gather3A_568, %broadcast_in_dim3A_570 : vector<16xi1>, vector<16xf32>
          %sub3A_572 = arith.subf %masked_cumsum3A, %select_n3A_571 : vector<16xf32>
          %add3A_573 = arith.constant 0 : i32
          %add3A_574 = vector.broadcast %add3A_573 : i32 to vector<16xi32>
          %add3A_575 = arith.addi %select_n3A_493, %add3A_574 : vector<16xi32>
          tpu.vector_store_idx %arg17[%add3A_575], %sub3A_572 masked %and3A_488 {add = true} : memref<2560xf32, #tpu.memory_space<vmem>>[vector<16xi32>], vector<16xf32>, vector<16xi1>
          %add3A_576 = arith.constant 10240 : i32
          %add3A_577 = vector.broadcast %add3A_576 : i32 to vector<16xi32>
          %add3A_578 = arith.addi %get3A_430, %add3A_577 : vector<16xi32>
          %gather3A_579 = tpu.vector_load_idx %arg13[%add3A_578] : memref<40960xf32, #tpu.memory_space<vmem>>[vector<16xi32>], vector<16xf32>,
          %mul3A_580 = arith.mulf %sub3A_434, %gather3A_579 : vector<16xf32>
          %add3A_581 = arith.constant 1.000000e+00 : f32
          %add3A_582 = vector.broadcast %add3A_581 : f32 to vector<16xf32>
          %add3A_583 = arith.addf %add3A_582, %mul3A_580 : vector<16xf32>
          %bitcast_convert_type3A_584 = tpu.bitcast %add3A_583 : vector<16xf32> -> vector<16xi32>
          %shift_right_arithmetic3A_585 = arith.constant 23 : i32
          %shift_right_arithmetic3A_586 = vector.broadcast %shift_right_arithmetic3A_585 : i32 to vector<16xi32>
          %shift_right_arithmetic3A_587 = arith.shrsi %bitcast_convert_type3A_584, %shift_right_arithmetic3A_586 : vector<16xi32>
          %sub3A_588 = arith.constant 127 : i32
          %sub3A_589 = vector.broadcast %sub3A_588 : i32 to vector<16xi32>
          %sub3A_590 = arith.subi %shift_right_arithmetic3A_587, %sub3A_589 : vector<16xi32>
          %and3A_591 = arith.constant 8388607 : i32
          %and3A_592 = vector.broadcast %and3A_591 : i32 to vector<16xi32>
          %and3A_593 = arith.andi %bitcast_convert_type3A_584, %and3A_592 : vector<16xi32>
          %or3A_594 = arith.constant 1065353216 : i32
          %or3A_595 = vector.broadcast %or3A_594 : i32 to vector<16xi32>
          %or3A_596 = arith.ori %and3A_593, %or3A_595 : vector<16xi32>
          %bitcast_convert_type3A_597 = tpu.bitcast %or3A_596 : vector<16xi32> -> vector<16xf32>
          %sub3A_598 = arith.constant 1.000000e+00 : f32
          %sub3A_599 = vector.broadcast %sub3A_598 : f32 to vector<16xf32>
          %sub3A_600 = arith.subf %bitcast_convert_type3A_597, %sub3A_599 : vector<16xf32>
          %mul3A_601 = arith.constant -0.00615148572 : f32
          %mul3A_602 = vector.broadcast %mul3A_601 : f32 to vector<16xf32>
          %mul3A_603 = arith.mulf %mul3A_602, %sub3A_600 : vector<16xf32>
          %add3A_604 = arith.constant 0.0348497964 : f32
          %add3A_605 = vector.broadcast %add3A_604 : f32 to vector<16xf32>
          %add3A_606 = arith.addf %mul3A_603, %add3A_605 : vector<16xf32>
          %mul3A_607 = arith.mulf %add3A_606, %sub3A_600 : vector<16xf32>
          %add3A_608 = arith.constant -0.0932522192 : f32
          %add3A_609 = vector.broadcast %add3A_608 : f32 to vector<16xf32>
          %add3A_610 = arith.addf %mul3A_607, %add3A_609 : vector<16xf32>
          %mul3A_611 = arith.mulf %add3A_610, %sub3A_600 : vector<16xf32>
          %add3A_612 = arith.constant 0.165822953 : f32
          %add3A_613 = vector.broadcast %add3A_612 : f32 to vector<16xf32>
          %add3A_614 = arith.addf %mul3A_611, %add3A_613 : vector<16xf32>
          %mul3A_615 = arith.mulf %add3A_614, %sub3A_600 : vector<16xf32>
          %add3A_616 = arith.constant -0.239826292 : f32
          %add3A_617 = vector.broadcast %add3A_616 : f32 to vector<16xf32>
          %add3A_618 = arith.addf %mul3A_615, %add3A_617 : vector<16xf32>
          %mul3A_619 = arith.mulf %add3A_618, %sub3A_600 : vector<16xf32>
          %add3A_620 = arith.constant 0.331548661 : f32
          %add3A_621 = vector.broadcast %add3A_620 : f32 to vector<16xf32>
          %add3A_622 = arith.addf %mul3A_619, %add3A_621 : vector<16xf32>
          %mul3A_623 = arith.mulf %add3A_622, %sub3A_600 : vector<16xf32>
          %add3A_624 = arith.constant -0.499838561 : f32
          %add3A_625 = vector.broadcast %add3A_624 : f32 to vector<16xf32>
          %add3A_626 = arith.addf %mul3A_623, %add3A_625 : vector<16xf32>
          %mul3A_627 = arith.mulf %add3A_626, %sub3A_600 : vector<16xf32>
          %add3A_628 = arith.constant 0.999994277 : f32
          %add3A_629 = vector.broadcast %add3A_628 : f32 to vector<16xf32>
          %add3A_630 = arith.addf %mul3A_627, %add3A_629 : vector<16xf32>
          %mul3A_631 = arith.mulf %add3A_630, %sub3A_600 : vector<16xf32>
          %convert_element_type3A_632 = arith.sitofp %sub3A_590 : vector<16xi32> to vector<16xf32>
          %mul3A_633 = arith.constant 0.693147182 : f32
          %mul3A_634 = vector.broadcast %mul3A_633 : f32 to vector<16xf32>
          %mul3A_635 = arith.mulf %convert_element_type3A_632, %mul3A_634 : vector<16xf32>
          %add3A_636 = arith.addf %mul3A_635, %mul3A_631 : vector<16xf32>
          %jit3A_637 = arith.constant 0.000000e+00 : f32
          %broadcast_in_dim3A_638 = vector.broadcast %jit3A_637 : f32 to vector<16xf32>
          %select_n3A_639 = arith.select %and3A, %add3A_636, %broadcast_in_dim3A_638 : vector<16xi1>, vector<16xf32>
          %broadcast_in_dim3A_640 = arith.constant true
          %broadcast_in_dim3A_641 = vector.broadcast %broadcast_in_dim3A_640 : i1 to vector<16xi1>
          %masked_cumsum3A_642 = tpu.scan <sum>, %select_n3A_639 masked %broadcast_in_dim3A_641 : vector<16xf32>, vector<16xi1> -> vector<16xf32>
          %lt3A_643 = arith.constant 0 : i32
          %lt3A_644 = vector.broadcast %lt3A_643 : i32 to vector<16xi32>
          %lt3A_645 = arith.cmpi slt, %max3A_485, %lt3A_644 : vector<16xi32>
          %add3A_646 = arith.constant 16 : i32
          %add3A_647 = vector.broadcast %add3A_646 : i32 to vector<16xi32>
          %add3A_648 = arith.addi %max3A_485, %add3A_647 : vector<16xi32>
          %select_n3A_649 = arith.select %lt3A_645, %add3A_648, %max3A_485 : vector<16xi1>, vector<16xi32>
          %reshape3A_650 = vector.shape_cast %select_n3A_649 : vector<16xi32> to vector<16x1xi32>
          %gather3A_651 = vector.shape_cast %reshape3A_650 : vector<16x1xi32> to vector<16xi32>
          %gather3A_652 = tpu.dynamic_gather %masked_cumsum3A_642[%gather3A_651] in [0] : vector<16xf32>, vector<16xi32> -> vector<16xf32>
          %jit3A_653 = arith.constant 0.000000e+00 : f32
          %broadcast_in_dim3A_654 = vector.broadcast %jit3A_653 : f32 to vector<16xf32>
          %select_n3A_655 = arith.select %gt3A_487, %gather3A_652, %broadcast_in_dim3A_654 : vector<16xi1>, vector<16xf32>
          %sub3A_656 = arith.subf %masked_cumsum3A_642, %select_n3A_655 : vector<16xf32>
          %add3A_657 = arith.constant 640 : i32
          %add3A_658 = vector.broadcast %add3A_657 : i32 to vector<16xi32>
          %add3A_659 = arith.addi %select_n3A_493, %add3A_658 : vector<16xi32>
          tpu.vector_store_idx %arg17[%add3A_659], %sub3A_656 masked %and3A_488 {add = true} : memref<2560xf32, #tpu.memory_space<vmem>>[vector<16xi32>], vector<16xf32>, vector<16xi1>
          %add3A_660 = arith.constant 20480 : i32
          %add3A_661 = vector.broadcast %add3A_660 : i32 to vector<16xi32>
          %add3A_662 = arith.addi %get3A_430, %add3A_661 : vector<16xi32>
          %gather3A_663 = tpu.vector_load_idx %arg13[%add3A_662] : memref<40960xf32, #tpu.memory_space<vmem>>[vector<16xi32>], vector<16xf32>,
          %mul3A_664 = arith.mulf %sub3A_434, %gather3A_663 : vector<16xf32>
          %add3A_665 = arith.constant 1.000000e+00 : f32
          %add3A_666 = vector.broadcast %add3A_665 : f32 to vector<16xf32>
          %add3A_667 = arith.addf %add3A_666, %mul3A_664 : vector<16xf32>
          %bitcast_convert_type3A_668 = tpu.bitcast %add3A_667 : vector<16xf32> -> vector<16xi32>
          %shift_right_arithmetic3A_669 = arith.constant 23 : i32
          %shift_right_arithmetic3A_670 = vector.broadcast %shift_right_arithmetic3A_669 : i32 to vector<16xi32>
          %shift_right_arithmetic3A_671 = arith.shrsi %bitcast_convert_type3A_668, %shift_right_arithmetic3A_670 : vector<16xi32>
          %sub3A_672 = arith.constant 127 : i32
          %sub3A_673 = vector.broadcast %sub3A_672 : i32 to vector<16xi32>
          %sub3A_674 = arith.subi %shift_right_arithmetic3A_671, %sub3A_673 : vector<16xi32>
          %and3A_675 = arith.constant 8388607 : i32
          %and3A_676 = vector.broadcast %and3A_675 : i32 to vector<16xi32>
          %and3A_677 = arith.andi %bitcast_convert_type3A_668, %and3A_676 : vector<16xi32>
          %or3A_678 = arith.constant 1065353216 : i32
          %or3A_679 = vector.broadcast %or3A_678 : i32 to vector<16xi32>
          %or3A_680 = arith.ori %and3A_677, %or3A_679 : vector<16xi32>
          %bitcast_convert_type3A_681 = tpu.bitcast %or3A_680 : vector<16xi32> -> vector<16xf32>
          %sub3A_682 = arith.constant 1.000000e+00 : f32
          %sub3A_683 = vector.broadcast %sub3A_682 : f32 to vector<16xf32>
          %sub3A_684 = arith.subf %bitcast_convert_type3A_681, %sub3A_683 : vector<16xf32>
          %mul3A_685 = arith.constant -0.00615148572 : f32
          %mul3A_686 = vector.broadcast %mul3A_685 : f32 to vector<16xf32>
          %mul3A_687 = arith.mulf %mul3A_686, %sub3A_684 : vector<16xf32>
          %add3A_688 = arith.constant 0.0348497964 : f32
          %add3A_689 = vector.broadcast %add3A_688 : f32 to vector<16xf32>
          %add3A_690 = arith.addf %mul3A_687, %add3A_689 : vector<16xf32>
          %mul3A_691 = arith.mulf %add3A_690, %sub3A_684 : vector<16xf32>
          %add3A_692 = arith.constant -0.0932522192 : f32
          %add3A_693 = vector.broadcast %add3A_692 : f32 to vector<16xf32>
          %add3A_694 = arith.addf %mul3A_691, %add3A_693 : vector<16xf32>
          %mul3A_695 = arith.mulf %add3A_694, %sub3A_684 : vector<16xf32>
          %add3A_696 = arith.constant 0.165822953 : f32
          %add3A_697 = vector.broadcast %add3A_696 : f32 to vector<16xf32>
          %add3A_698 = arith.addf %mul3A_695, %add3A_697 : vector<16xf32>
          %mul3A_699 = arith.mulf %add3A_698, %sub3A_684 : vector<16xf32>
          %add3A_700 = arith.constant -0.239826292 : f32
          %add3A_701 = vector.broadcast %add3A_700 : f32 to vector<16xf32>
          %add3A_702 = arith.addf %mul3A_699, %add3A_701 : vector<16xf32>
          %mul3A_703 = arith.mulf %add3A_702, %sub3A_684 : vector<16xf32>
          %add3A_704 = arith.constant 0.331548661 : f32
          %add3A_705 = vector.broadcast %add3A_704 : f32 to vector<16xf32>
          %add3A_706 = arith.addf %mul3A_703, %add3A_705 : vector<16xf32>
          %mul3A_707 = arith.mulf %add3A_706, %sub3A_684 : vector<16xf32>
          %add3A_708 = arith.constant -0.499838561 : f32
          %add3A_709 = vector.broadcast %add3A_708 : f32 to vector<16xf32>
          %add3A_710 = arith.addf %mul3A_707, %add3A_709 : vector<16xf32>
          %mul3A_711 = arith.mulf %add3A_710, %sub3A_684 : vector<16xf32>
          %add3A_712 = arith.constant 0.999994277 : f32
          %add3A_713 = vector.broadcast %add3A_712 : f32 to vector<16xf32>
          %add3A_714 = arith.addf %mul3A_711, %add3A_713 : vector<16xf32>
          %mul3A_715 = arith.mulf %add3A_714, %sub3A_684 : vector<16xf32>
          %convert_element_type3A_716 = arith.sitofp %sub3A_674 : vector<16xi32> to vector<16xf32>
          %mul3A_717 = arith.constant 0.693147182 : f32
          %mul3A_718 = vector.broadcast %mul3A_717 : f32 to vector<16xf32>
          %mul3A_719 = arith.mulf %convert_element_type3A_716, %mul3A_718 : vector<16xf32>
          %add3A_720 = arith.addf %mul3A_719, %mul3A_715 : vector<16xf32>
          %jit3A_721 = arith.constant 0.000000e+00 : f32
          %broadcast_in_dim3A_722 = vector.broadcast %jit3A_721 : f32 to vector<16xf32>
          %select_n3A_723 = arith.select %and3A, %add3A_720, %broadcast_in_dim3A_722 : vector<16xi1>, vector<16xf32>
          %broadcast_in_dim3A_724 = arith.constant true
          %broadcast_in_dim3A_725 = vector.broadcast %broadcast_in_dim3A_724 : i1 to vector<16xi1>
          %masked_cumsum3A_726 = tpu.scan <sum>, %select_n3A_723 masked %broadcast_in_dim3A_725 : vector<16xf32>, vector<16xi1> -> vector<16xf32>
          %lt3A_727 = arith.constant 0 : i32
          %lt3A_728 = vector.broadcast %lt3A_727 : i32 to vector<16xi32>
          %lt3A_729 = arith.cmpi slt, %max3A_485, %lt3A_728 : vector<16xi32>
          %add3A_730 = arith.constant 16 : i32
          %add3A_731 = vector.broadcast %add3A_730 : i32 to vector<16xi32>
          %add3A_732 = arith.addi %max3A_485, %add3A_731 : vector<16xi32>
          %select_n3A_733 = arith.select %lt3A_729, %add3A_732, %max3A_485 : vector<16xi1>, vector<16xi32>
          %reshape3A_734 = vector.shape_cast %select_n3A_733 : vector<16xi32> to vector<16x1xi32>
          %gather3A_735 = vector.shape_cast %reshape3A_734 : vector<16x1xi32> to vector<16xi32>
          %gather3A_736 = tpu.dynamic_gather %masked_cumsum3A_726[%gather3A_735] in [0] : vector<16xf32>, vector<16xi32> -> vector<16xf32>
          %jit3A_737 = arith.constant 0.000000e+00 : f32
          %broadcast_in_dim3A_738 = vector.broadcast %jit3A_737 : f32 to vector<16xf32>
          %select_n3A_739 = arith.select %gt3A_487, %gather3A_736, %broadcast_in_dim3A_738 : vector<16xi1>, vector<16xf32>
          %sub3A_740 = arith.subf %masked_cumsum3A_726, %select_n3A_739 : vector<16xf32>
          %add3A_741 = arith.constant 1280 : i32
          %add3A_742 = vector.broadcast %add3A_741 : i32 to vector<16xi32>
          %add3A_743 = arith.addi %select_n3A_493, %add3A_742 : vector<16xi32>
          tpu.vector_store_idx %arg17[%add3A_743], %sub3A_740 masked %and3A_488 {add = true} : memref<2560xf32, #tpu.memory_space<vmem>>[vector<16xi32>], vector<16xf32>, vector<16xi1>
          %add3A_744 = arith.constant 30720 : i32
          %add3A_745 = vector.broadcast %add3A_744 : i32 to vector<16xi32>
          %add3A_746 = arith.addi %get3A_430, %add3A_745 : vector<16xi32>
          %gather3A_747 = tpu.vector_load_idx %arg13[%add3A_746] : memref<40960xf32, #tpu.memory_space<vmem>>[vector<16xi32>], vector<16xf32>,
          %mul3A_748 = arith.mulf %sub3A_434, %gather3A_747 : vector<16xf32>
          %add3A_749 = arith.constant 1.000000e+00 : f32
          %add3A_750 = vector.broadcast %add3A_749 : f32 to vector<16xf32>
          %add3A_751 = arith.addf %add3A_750, %mul3A_748 : vector<16xf32>
          %bitcast_convert_type3A_752 = tpu.bitcast %add3A_751 : vector<16xf32> -> vector<16xi32>
          %shift_right_arithmetic3A_753 = arith.constant 23 : i32
          %shift_right_arithmetic3A_754 = vector.broadcast %shift_right_arithmetic3A_753 : i32 to vector<16xi32>
          %shift_right_arithmetic3A_755 = arith.shrsi %bitcast_convert_type3A_752, %shift_right_arithmetic3A_754 : vector<16xi32>
          %sub3A_756 = arith.constant 127 : i32
          %sub3A_757 = vector.broadcast %sub3A_756 : i32 to vector<16xi32>
          %sub3A_758 = arith.subi %shift_right_arithmetic3A_755, %sub3A_757 : vector<16xi32>
          %and3A_759 = arith.constant 8388607 : i32
          %and3A_760 = vector.broadcast %and3A_759 : i32 to vector<16xi32>
          %and3A_761 = arith.andi %bitcast_convert_type3A_752, %and3A_760 : vector<16xi32>
          %or3A_762 = arith.constant 1065353216 : i32
          %or3A_763 = vector.broadcast %or3A_762 : i32 to vector<16xi32>
          %or3A_764 = arith.ori %and3A_761, %or3A_763 : vector<16xi32>
          %bitcast_convert_type3A_765 = tpu.bitcast %or3A_764 : vector<16xi32> -> vector<16xf32>
          %sub3A_766 = arith.constant 1.000000e+00 : f32
          %sub3A_767 = vector.broadcast %sub3A_766 : f32 to vector<16xf32>
          %sub3A_768 = arith.subf %bitcast_convert_type3A_765, %sub3A_767 : vector<16xf32>
          %mul3A_769 = arith.constant -0.00615148572 : f32
          %mul3A_770 = vector.broadcast %mul3A_769 : f32 to vector<16xf32>
          %mul3A_771 = arith.mulf %mul3A_770, %sub3A_768 : vector<16xf32>
          %add3A_772 = arith.constant 0.0348497964 : f32
          %add3A_773 = vector.broadcast %add3A_772 : f32 to vector<16xf32>
          %add3A_774 = arith.addf %mul3A_771, %add3A_773 : vector<16xf32>
          %mul3A_775 = arith.mulf %add3A_774, %sub3A_768 : vector<16xf32>
          %add3A_776 = arith.constant -0.0932522192 : f32
          %add3A_777 = vector.broadcast %add3A_776 : f32 to vector<16xf32>
          %add3A_778 = arith.addf %mul3A_775, %add3A_777 : vector<16xf32>
          %mul3A_779 = arith.mulf %add3A_778, %sub3A_768 : vector<16xf32>
          %add3A_780 = arith.constant 0.165822953 : f32
          %add3A_781 = vector.broadcast %add3A_780 : f32 to vector<16xf32>
          %add3A_782 = arith.addf %mul3A_779, %add3A_781 : vector<16xf32>
          %mul3A_783 = arith.mulf %add3A_782, %sub3A_768 : vector<16xf32>
          %add3A_784 = arith.constant -0.239826292 : f32
          %add3A_785 = vector.broadcast %add3A_784 : f32 to vector<16xf32>
          %add3A_786 = arith.addf %mul3A_783, %add3A_785 : vector<16xf32>
          %mul3A_787 = arith.mulf %add3A_786, %sub3A_768 : vector<16xf32>
          %add3A_788 = arith.constant 0.331548661 : f32
          %add3A_789 = vector.broadcast %add3A_788 : f32 to vector<16xf32>
          %add3A_790 = arith.addf %mul3A_787, %add3A_789 : vector<16xf32>
          %mul3A_791 = arith.mulf %add3A_790, %sub3A_768 : vector<16xf32>
          %add3A_792 = arith.constant -0.499838561 : f32
          %add3A_793 = vector.broadcast %add3A_792 : f32 to vector<16xf32>
          %add3A_794 = arith.addf %mul3A_791, %add3A_793 : vector<16xf32>
          %mul3A_795 = arith.mulf %add3A_794, %sub3A_768 : vector<16xf32>
          %add3A_796 = arith.constant 0.999994277 : f32
          %add3A_797 = vector.broadcast %add3A_796 : f32 to vector<16xf32>
          %add3A_798 = arith.addf %mul3A_795, %add3A_797 : vector<16xf32>
          %mul3A_799 = arith.mulf %add3A_798, %sub3A_768 : vector<16xf32>
          %convert_element_type3A_800 = arith.sitofp %sub3A_758 : vector<16xi32> to vector<16xf32>
          %mul3A_801 = arith.constant 0.693147182 : f32
          %mul3A_802 = vector.broadcast %mul3A_801 : f32 to vector<16xf32>
          %mul3A_803 = arith.mulf %convert_element_type3A_800, %mul3A_802 : vector<16xf32>
          %add3A_804 = arith.addf %mul3A_803, %mul3A_799 : vector<16xf32>
          %jit3A_805 = arith.constant 0.000000e+00 : f32
          %broadcast_in_dim3A_806 = vector.broadcast %jit3A_805 : f32 to vector<16xf32>
          %select_n3A_807 = arith.select %and3A, %add3A_804, %broadcast_in_dim3A_806 : vector<16xi1>, vector<16xf32>
          %broadcast_in_dim3A_808 = arith.constant true
          %broadcast_in_dim3A_809 = vector.broadcast %broadcast_in_dim3A_808 : i1 to vector<16xi1>
          %masked_cumsum3A_810 = tpu.scan <sum>, %select_n3A_807 masked %broadcast_in_dim3A_809 : vector<16xf32>, vector<16xi1> -> vector<16xf32>
          %lt3A_811 = arith.constant 0 : i32
          %lt3A_812 = vector.broadcast %lt3A_811 : i32 to vector<16xi32>
          %lt3A_813 = arith.cmpi slt, %max3A_485, %lt3A_812 : vector<16xi32>
          %add3A_814 = arith.constant 16 : i32
          %add3A_815 = vector.broadcast %add3A_814 : i32 to vector<16xi32>
          %add3A_816 = arith.addi %max3A_485, %add3A_815 : vector<16xi32>
          %select_n3A_817 = arith.select %lt3A_813, %add3A_816, %max3A_485 : vector<16xi1>, vector<16xi32>
          %reshape3A_818 = vector.shape_cast %select_n3A_817 : vector<16xi32> to vector<16x1xi32>
          %gather3A_819 = vector.shape_cast %reshape3A_818 : vector<16x1xi32> to vector<16xi32>
          %gather3A_820 = tpu.dynamic_gather %masked_cumsum3A_810[%gather3A_819] in [0] : vector<16xf32>, vector<16xi32> -> vector<16xf32>
          %jit3A_821 = arith.constant 0.000000e+00 : f32
          %broadcast_in_dim3A_822 = vector.broadcast %jit3A_821 : f32 to vector<16xf32>
          %select_n3A_823 = arith.select %gt3A_487, %gather3A_820, %broadcast_in_dim3A_822 : vector<16xi1>, vector<16xf32>
          %sub3A_824 = arith.subf %masked_cumsum3A_810, %select_n3A_823 : vector<16xf32>
          %add3A_825 = arith.constant 1920 : i32
          %add3A_826 = vector.broadcast %add3A_825 : i32 to vector<16xi32>
          %add3A_827 = arith.addi %select_n3A_493, %add3A_826 : vector<16xi32>
          tpu.vector_store_idx %arg17[%add3A_827], %sub3A_824 masked %and3A_488 {add = true} : memref<2560xf32, #tpu.memory_space<vmem>>[vector<16xi32>], vector<16xf32>, vector<16xi1>
        }
      }
      %barrier3A_252 = arith.constant 0 : index
      tpu.barrier barrier_id(%barrier3A_252)
      "tpu.region"() ({
        %run_scoped3A = tpu.sem_alloc : memref<!tpu.dma_semaphore, #tpu.memory_space<semaphore_mem>>
        tpu.enqueue_dma source(%arg11 : memref<16x16xf32, #tpu.memory_space<hbm>>) target(%arg23 : memref<16x16xf32, #tpu.memory_space<vmem>>) target_semaphore(%run_scoped3A : memref<!tpu.dma_semaphore, #tpu.memory_space<semaphore_mem>>)
        tpu.wait_dma2 semaphore(%run_scoped3A : memref<!tpu.dma_semaphore, #tpu.memory_space<semaphore_mem>>) src(%arg11 : memref<16x16xf32, #tpu.memory_space<hbm>>) dst(%arg23 : memref<16x16xf32, #tpu.memory_space<vmem>>)
        tpu.yield
      }) : () -> ()
      %get3A_253 = arith.constant 0 : i32
      %get3A_254 = arith.index_cast %get3A_253 : i32 to index
      %get3A_255 = arith.constant 0 : index
      %get3A_256 = tpu.vector_load %arg23[%get3A_254, %get3A_255] {strides = array<i32>} : memref<16x16xf32, #tpu.memory_space<vmem>>, vector<16xf32>,
      %add3A_257 = arith.addf %broadcast_in_dim3A_0, %get3A_256 : vector<16xf32>
      %get3A_258 = arith.constant 1 : i32
      %get3A_259 = arith.index_cast %get3A_258 : i32 to index
      %get3A_260 = arith.constant 0 : index
      %get3A_261 = tpu.vector_load %arg23[%get3A_259, %get3A_260] {strides = array<i32>} : memref<16x16xf32, #tpu.memory_space<vmem>>, vector<16xf32>,
      %add3A_262 = arith.addf %add3A_257, %get3A_261 : vector<16xf32>
      %get3A_263 = arith.constant 2 : i32
      %get3A_264 = arith.index_cast %get3A_263 : i32 to index
      %get3A_265 = arith.constant 0 : index
      %get3A_266 = tpu.vector_load %arg23[%get3A_264, %get3A_265] {strides = array<i32>} : memref<16x16xf32, #tpu.memory_space<vmem>>, vector<16xf32>,
      %add3A_267 = arith.addf %add3A_262, %get3A_266 : vector<16xf32>
      %get3A_268 = arith.constant 3 : i32
      %get3A_269 = arith.index_cast %get3A_268 : i32 to index
      %get3A_270 = arith.constant 0 : index
      %get3A_271 = tpu.vector_load %arg23[%get3A_269, %get3A_270] {strides = array<i32>} : memref<16x16xf32, #tpu.memory_space<vmem>>, vector<16xf32>,
      %add3A_272 = arith.addf %add3A_267, %get3A_271 : vector<16xf32>
      %get3A_273 = arith.constant 4 : i32
      %get3A_274 = arith.index_cast %get3A_273 : i32 to index
      %get3A_275 = arith.constant 0 : index
      %get3A_276 = tpu.vector_load %arg23[%get3A_274, %get3A_275] {strides = array<i32>} : memref<16x16xf32, #tpu.memory_space<vmem>>, vector<16xf32>,
      %add3A_277 = arith.addf %add3A_272, %get3A_276 : vector<16xf32>
      %get3A_278 = arith.constant 5 : i32
      %get3A_279 = arith.index_cast %get3A_278 : i32 to index
      %get3A_280 = arith.constant 0 : index
      %get3A_281 = tpu.vector_load %arg23[%get3A_279, %get3A_280] {strides = array<i32>} : memref<16x16xf32, #tpu.memory_space<vmem>>, vector<16xf32>,
      %add3A_282 = arith.addf %add3A_277, %get3A_281 : vector<16xf32>
      %get3A_283 = arith.constant 6 : i32
      %get3A_284 = arith.index_cast %get3A_283 : i32 to index
      %get3A_285 = arith.constant 0 : index
      %get3A_286 = tpu.vector_load %arg23[%get3A_284, %get3A_285] {strides = array<i32>} : memref<16x16xf32, #tpu.memory_space<vmem>>, vector<16xf32>,
      %add3A_287 = arith.addf %add3A_282, %get3A_286 : vector<16xf32>
      %get3A_288 = arith.constant 7 : i32
      %get3A_289 = arith.index_cast %get3A_288 : i32 to index
      %get3A_290 = arith.constant 0 : index
      %get3A_291 = tpu.vector_load %arg23[%get3A_289, %get3A_290] {strides = array<i32>} : memref<16x16xf32, #tpu.memory_space<vmem>>, vector<16xf32>,
      %add3A_292 = arith.addf %add3A_287, %get3A_291 : vector<16xf32>
      %get3A_293 = arith.constant 8 : i32
      %get3A_294 = arith.index_cast %get3A_293 : i32 to index
      %get3A_295 = arith.constant 0 : index
      %get3A_296 = tpu.vector_load %arg23[%get3A_294, %get3A_295] {strides = array<i32>} : memref<16x16xf32, #tpu.memory_space<vmem>>, vector<16xf32>,
      %add3A_297 = arith.addf %add3A_292, %get3A_296 : vector<16xf32>
      %get3A_298 = arith.constant 9 : i32
      %get3A_299 = arith.index_cast %get3A_298 : i32 to index
      %get3A_300 = arith.constant 0 : index
      %get3A_301 = tpu.vector_load %arg23[%get3A_299, %get3A_300] {strides = array<i32>} : memref<16x16xf32, #tpu.memory_space<vmem>>, vector<16xf32>,
      %add3A_302 = arith.addf %add3A_297, %get3A_301 : vector<16xf32>
      %get3A_303 = arith.constant 10 : i32
      %get3A_304 = arith.index_cast %get3A_303 : i32 to index
      %get3A_305 = arith.constant 0 : index
      %get3A_306 = tpu.vector_load %arg23[%get3A_304, %get3A_305] {strides = array<i32>} : memref<16x16xf32, #tpu.memory_space<vmem>>, vector<16xf32>,
      %add3A_307 = arith.addf %add3A_302, %get3A_306 : vector<16xf32>
      %get3A_308 = arith.constant 11 : i32
      %get3A_309 = arith.index_cast %get3A_308 : i32 to index
      %get3A_310 = arith.constant 0 : index
      %get3A_311 = tpu.vector_load %arg23[%get3A_309, %get3A_310] {strides = array<i32>} : memref<16x16xf32, #tpu.memory_space<vmem>>, vector<16xf32>,
      %add3A_312 = arith.addf %add3A_307, %get3A_311 : vector<16xf32>
      %get3A_313 = arith.constant 12 : i32
      %get3A_314 = arith.index_cast %get3A_313 : i32 to index
      %get3A_315 = arith.constant 0 : index
      %get3A_316 = tpu.vector_load %arg23[%get3A_314, %get3A_315] {strides = array<i32>} : memref<16x16xf32, #tpu.memory_space<vmem>>, vector<16xf32>,
      %add3A_317 = arith.addf %add3A_312, %get3A_316 : vector<16xf32>
      %get3A_318 = arith.constant 13 : i32
      %get3A_319 = arith.index_cast %get3A_318 : i32 to index
      %get3A_320 = arith.constant 0 : index
      %get3A_321 = tpu.vector_load %arg23[%get3A_319, %get3A_320] {strides = array<i32>} : memref<16x16xf32, #tpu.memory_space<vmem>>, vector<16xf32>,
      %add3A_322 = arith.addf %add3A_317, %get3A_321 : vector<16xf32>
      %get3A_323 = arith.constant 14 : i32
      %get3A_324 = arith.index_cast %get3A_323 : i32 to index
      %get3A_325 = arith.constant 0 : index
      %get3A_326 = tpu.vector_load %arg23[%get3A_324, %get3A_325] {strides = array<i32>} : memref<16x16xf32, #tpu.memory_space<vmem>>, vector<16xf32>,
      %add3A_327 = arith.addf %add3A_322, %get3A_326 : vector<16xf32>
      %get3A_328 = arith.constant 15 : i32
      %get3A_329 = arith.index_cast %get3A_328 : i32 to index
      %get3A_330 = arith.constant 0 : index
      %get3A_331 = tpu.vector_load %arg23[%get3A_329, %get3A_330] {strides = array<i32>} : memref<16x16xf32, #tpu.memory_space<vmem>>, vector<16xf32>,
      %add3A_332 = arith.addf %add3A_327, %get3A_331 : vector<16xf32>
      %eq3A_333 = arith.constant 0 : i32
      %eq3A_334 = vector.broadcast %eq3A_333 : i32 to vector<16xi32>
      %eq3A_335 = arith.cmpi eq, %iota3A, %eq3A_334 : vector<16xi32>
      %jit3A = arith.constant 0.000000e+00 : f32
      %broadcast_in_dim3A_336 = vector.broadcast %jit3A : f32 to vector<16xf32>
      %select_n3A_337 = arith.select %eq3A_335, %add3A_332, %broadcast_in_dim3A_336 : vector<16xi1>, vector<16xf32>
      %reduce_sum3A_338 = arith.constant true
      %reduce_sum3A_339 = vector.broadcast %reduce_sum3A_338 : i1 to vector<16xi1>
      %reduce_sum3A_340 = tpu.scan <sum>, %select_n3A_337 masked %reduce_sum3A_339 : vector<16xf32>, vector<16xi1> -> vector<16xf32>
      %reduce_sum3A_341 = vector.extract %reduce_sum3A_340[15] : f32 from vector<16xf32>
      %broadcast_in_dim3A_342 = vector.broadcast %reduce_sum3A_341 : f32 to vector<16xf32>
      %mul3A_343 = arith.mulf %mul3A_117, %broadcast_in_dim3A_342 : vector<16xf32>
      %eq3A_344 = arith.constant 1 : i32
      %eq3A_345 = vector.broadcast %eq3A_344 : i32 to vector<16xi32>
      %eq3A_346 = arith.cmpi eq, %iota3A, %eq3A_345 : vector<16xi32>
      %jit3A_347 = arith.constant 0.000000e+00 : f32
      %broadcast_in_dim3A_348 = vector.broadcast %jit3A_347 : f32 to vector<16xf32>
      %select_n3A_349 = arith.select %eq3A_346, %add3A_332, %broadcast_in_dim3A_348 : vector<16xi1>, vector<16xf32>
      %reduce_sum3A_350 = arith.constant true
      %reduce_sum3A_351 = vector.broadcast %reduce_sum3A_350 : i1 to vector<16xi1>
      %reduce_sum3A_352 = tpu.scan <sum>, %select_n3A_349 masked %reduce_sum3A_351 : vector<16xf32>, vector<16xi1> -> vector<16xf32>
      %reduce_sum3A_353 = vector.extract %reduce_sum3A_352[15] : f32 from vector<16xf32>
      %broadcast_in_dim3A_354 = vector.broadcast %reduce_sum3A_353 : f32 to vector<16xf32>
      %mul3A_355 = arith.mulf %mul3A_117, %broadcast_in_dim3A_354 : vector<16xf32>
      %eq3A_356 = arith.constant 2 : i32
      %eq3A_357 = vector.broadcast %eq3A_356 : i32 to vector<16xi32>
      %eq3A_358 = arith.cmpi eq, %iota3A, %eq3A_357 : vector<16xi32>
      %jit3A_359 = arith.constant 0.000000e+00 : f32
      %broadcast_in_dim3A_360 = vector.broadcast %jit3A_359 : f32 to vector<16xf32>
      %select_n3A_361 = arith.select %eq3A_358, %add3A_332, %broadcast_in_dim3A_360 : vector<16xi1>, vector<16xf32>
      %reduce_sum3A_362 = arith.constant true
      %reduce_sum3A_363 = vector.broadcast %reduce_sum3A_362 : i1 to vector<16xi1>
      %reduce_sum3A_364 = tpu.scan <sum>, %select_n3A_361 masked %reduce_sum3A_363 : vector<16xf32>, vector<16xi1> -> vector<16xf32>
      %reduce_sum3A_365 = vector.extract %reduce_sum3A_364[15] : f32 from vector<16xf32>
      %broadcast_in_dim3A_366 = vector.broadcast %reduce_sum3A_365 : f32 to vector<16xf32>
      %mul3A_367 = arith.mulf %mul3A_117, %broadcast_in_dim3A_366 : vector<16xf32>
      %eq3A_368 = arith.constant 3 : i32
      %eq3A_369 = vector.broadcast %eq3A_368 : i32 to vector<16xi32>
      %eq3A_370 = arith.cmpi eq, %iota3A, %eq3A_369 : vector<16xi32>
      %jit3A_371 = arith.constant 0.000000e+00 : f32
      %broadcast_in_dim3A_372 = vector.broadcast %jit3A_371 : f32 to vector<16xf32>
      %select_n3A_373 = arith.select %eq3A_370, %add3A_332, %broadcast_in_dim3A_372 : vector<16xi1>, vector<16xf32>
      %reduce_sum3A_374 = arith.constant true
      %reduce_sum3A_375 = vector.broadcast %reduce_sum3A_374 : i1 to vector<16xi1>
      %reduce_sum3A_376 = tpu.scan <sum>, %select_n3A_373 masked %reduce_sum3A_375 : vector<16xf32>, vector<16xi1> -> vector<16xf32>
      %reduce_sum3A_377 = vector.extract %reduce_sum3A_376[15] : f32 from vector<16xf32>
      %broadcast_in_dim3A_378 = vector.broadcast %reduce_sum3A_377 : f32 to vector<16xf32>
      %mul3A_379 = arith.mulf %mul3A_117, %broadcast_in_dim3A_378 : vector<16xf32>
      %scan3A_380 = arith.constant 0 : i32
      %scan3A_381 = arith.constant 0 : i32
      %scan3A_382 = arith.constant 40 : i32
      %scan3A_383 = arith.addi %scan3A_381, %scan3A_382 : i32
      %scan3A_384 = arith.constant 1 : i32
      %scan3A_385 = scf.for %scan3A_397 = %scan3A_381 to %scan3A_383 step %scan3A_384 iter_args(%scan3A_398 = %scan3A_380) -> (i32)  : i32 {
        %mul3A_399 = arith.constant 16 : i32
        %mul3A_400 = arith.muli %scan3A_397, %mul3A_399 : i32
        %get3A_401 = arith.index_cast %mul3A_400 : i32 to index
        %get3A_402 = tpu.vector_load %arg18[%get3A_401] {strides = array<i32>} : memref<640xf32, #tpu.memory_space<vmem>>, vector<16xf32>,
        %mul3A_403 = arith.constant 16 : i32
        %mul3A_404 = arith.muli %scan3A_397, %mul3A_403 : i32
        %add3A_405 = arith.constant 0 : i32
        %add3A_406 = arith.addi %add3A_405, %mul3A_404 : i32
        %get3A_407 = arith.index_cast %add3A_406 : i32 to index
        %get3A_408 = tpu.vector_load %arg17[%get3A_407] {strides = array<i32>} : memref<2560xf32, #tpu.memory_space<vmem>>, vector<16xf32>,
        %mul3A_409 = arith.mulf %get3A_402, %mul3A_343 : vector<16xf32>
        %add3A_410 = arith.addf %get3A_408, %mul3A_409 : vector<16xf32>
        %mul3A_411 = arith.constant 16 : i32
        %mul3A_412 = arith.muli %scan3A_397, %mul3A_411 : i32
        %add3A_413 = arith.constant 640 : i32
        %add3A_414 = arith.addi %add3A_413, %mul3A_412 : i32
        %get3A_415 = arith.index_cast %add3A_414 : i32 to index
        %get3A_416 = tpu.vector_load %arg17[%get3A_415] {strides = array<i32>} : memref<2560xf32, #tpu.memory_space<vmem>>, vector<16xf32>,
        %mul3A_417 = arith.mulf %get3A_402, %mul3A_355 : vector<16xf32>
        %add3A_418 = arith.addf %get3A_416, %mul3A_417 : vector<16xf32>
        %mul3A_419 = arith.constant 16 : i32
        %mul3A_420 = arith.muli %scan3A_397, %mul3A_419 : i32
        %add3A_421 = arith.constant 1280 : i32
        %add3A_422 = arith.addi %add3A_421, %mul3A_420 : i32
        %get3A_423 = arith.index_cast %add3A_422 : i32 to index
        %get3A_424 = tpu.vector_load %arg17[%get3A_423] {strides = array<i32>} : memref<2560xf32, #tpu.memory_space<vmem>>, vector<16xf32>,
        %mul3A_425 = arith.mulf %get3A_402, %mul3A_367 : vector<16xf32>
        %add3A_426 = arith.addf %get3A_424, %mul3A_425 : vector<16xf32>
        %mul3A_427 = arith.constant 16 : i32
        %mul3A_428 = arith.muli %scan3A_397, %mul3A_427 : i32
        %add3A_429 = arith.constant 1920 : i32
        %add3A_430 = arith.addi %add3A_429, %mul3A_428 : i32
        %get3A_431 = arith.index_cast %add3A_430 : i32 to index
        %get3A_432 = tpu.vector_load %arg17[%get3A_431] {strides = array<i32>} : memref<2560xf32, #tpu.memory_space<vmem>>, vector<16xf32>,
        %mul3A_433 = arith.mulf %get3A_402, %mul3A_379 : vector<16xf32>
        %add3A_434 = arith.addf %get3A_432, %mul3A_433 : vector<16xf32>
        %max3A = arith.maximumf %add3A_410, %add3A_418 : vector<16xf32>
        %max3A_435 = arith.maximumf %add3A_426, %add3A_434 : vector<16xf32>
        %max3A_436 = arith.maximumf %max3A, %max3A_435 : vector<16xf32>
        %sub3A = arith.subf %add3A_410, %max3A_436 : vector<16xf32>
        %exp3A = math.exp %sub3A : vector<16xf32>
        %sub3A_437 = arith.subf %add3A_418, %max3A_436 : vector<16xf32>
        %exp3A_438 = math.exp %sub3A_437 : vector<16xf32>
        %sub3A_439 = arith.subf %add3A_426, %max3A_436 : vector<16xf32>
        %exp3A_440 = math.exp %sub3A_439 : vector<16xf32>
        %sub3A_441 = arith.subf %add3A_434, %max3A_436 : vector<16xf32>
        %exp3A_442 = math.exp %sub3A_441 : vector<16xf32>
        %add3A_443 = arith.addf %exp3A, %exp3A_438 : vector<16xf32>
        %add3A_444 = arith.addf %exp3A_440, %exp3A_442 : vector<16xf32>
        %add3A_445 = arith.addf %add3A_443, %add3A_444 : vector<16xf32>
        %div3A_446 = arith.constant 1.000000e+00 : f32
        %div3A_447 = vector.broadcast %div3A_446 : f32 to vector<16xf32>
        %div3A_448 = arith.divf %div3A_447, %add3A_445 : vector<16xf32>
        %add3A_449 = arith.constant 0 : i32
        %add3A_450 = arith.addi %add3A_449, %mul3A_8 : i32
        %mul3A_451 = arith.constant 16 : i32
        %mul3A_452 = arith.muli %scan3A_397, %mul3A_451 : i32
        %add3A_453 = arith.addi %add3A_450, %mul3A_452 : i32
        %get3A_454 = arith.index_cast %add3A_453 : i32 to index
        %get3A_455 = tpu.vector_load %arg13[%get3A_454] {strides = array<i32>} : memref<40960xf32, #tpu.memory_space<vmem>>, vector<16xf32>,
        %mul3A_456 = arith.constant 5.000000e-01 : f32
        %mul3A_457 = vector.broadcast %mul3A_456 : f32 to vector<16xf32>
        %mul3A_458 = arith.mulf %mul3A_457, %get3A_455 : vector<16xf32>
        %mul3A_459 = arith.constant 5.000000e-01 : f32
        %mul3A_460 = vector.broadcast %mul3A_459 : f32 to vector<16xf32>
        %mul3A_461 = arith.mulf %mul3A_460, %exp3A : vector<16xf32>
        %mul3A_462 = arith.mulf %mul3A_461, %div3A_448 : vector<16xf32>
        %add3A_463 = arith.addf %mul3A_458, %mul3A_462 : vector<16xf32>
        %mul3A_464 = arith.constant 16 : i32
        %mul3A_465 = arith.muli %scan3A_397, %mul3A_464 : i32
        %add3A_466 = arith.constant 0 : i32
        %add3A_467 = arith.addi %add3A_466, %mul3A_465 : i32
        %swap3A_468 = arith.index_cast %add3A_467 : i32 to index
        %swap3A_469 = tpu.vector_load %arg17[%swap3A_468] {strides = array<i32>} : memref<2560xf32, #tpu.memory_space<vmem>>, vector<16xf32>,
        tpu.vector_store %arg17[%swap3A_468], %add3A_463 {strides = array<i32>} : memref<2560xf32, #tpu.memory_space<vmem>>, vector<16xf32>,
        %add3A_470 = arith.constant 10240 : i32
        %add3A_471 = arith.addi %add3A_470, %mul3A_8 : i32
        %mul3A_472 = arith.constant 16 : i32
        %mul3A_473 = arith.muli %scan3A_397, %mul3A_472 : i32
        %add3A_474 = arith.addi %add3A_471, %mul3A_473 : i32
        %get3A_475 = arith.index_cast %add3A_474 : i32 to index
        %get3A_476 = tpu.vector_load %arg13[%get3A_475] {strides = array<i32>} : memref<40960xf32, #tpu.memory_space<vmem>>, vector<16xf32>,
        %mul3A_477 = arith.constant 5.000000e-01 : f32
        %mul3A_478 = vector.broadcast %mul3A_477 : f32 to vector<16xf32>
        %mul3A_479 = arith.mulf %mul3A_478, %get3A_476 : vector<16xf32>
        %mul3A_480 = arith.constant 5.000000e-01 : f32
        %mul3A_481 = vector.broadcast %mul3A_480 : f32 to vector<16xf32>
        %mul3A_482 = arith.mulf %mul3A_481, %exp3A_438 : vector<16xf32>
        %mul3A_483 = arith.mulf %mul3A_482, %div3A_448 : vector<16xf32>
        %add3A_484 = arith.addf %mul3A_479, %mul3A_483 : vector<16xf32>
        %mul3A_485 = arith.constant 16 : i32
        %mul3A_486 = arith.muli %scan3A_397, %mul3A_485 : i32
        %add3A_487 = arith.constant 640 : i32
        %add3A_488 = arith.addi %add3A_487, %mul3A_486 : i32
        %swap3A_489 = arith.index_cast %add3A_488 : i32 to index
        %swap3A_490 = tpu.vector_load %arg17[%swap3A_489] {strides = array<i32>} : memref<2560xf32, #tpu.memory_space<vmem>>, vector<16xf32>,
        tpu.vector_store %arg17[%swap3A_489], %add3A_484 {strides = array<i32>} : memref<2560xf32, #tpu.memory_space<vmem>>, vector<16xf32>,
        %add3A_491 = arith.constant 20480 : i32
        %add3A_492 = arith.addi %add3A_491, %mul3A_8 : i32
        %mul3A_493 = arith.constant 16 : i32
        %mul3A_494 = arith.muli %scan3A_397, %mul3A_493 : i32
        %add3A_495 = arith.addi %add3A_492, %mul3A_494 : i32
        %get3A_496 = arith.index_cast %add3A_495 : i32 to index
        %get3A_497 = tpu.vector_load %arg13[%get3A_496] {strides = array<i32>} : memref<40960xf32, #tpu.memory_space<vmem>>, vector<16xf32>,
        %mul3A_498 = arith.constant 5.000000e-01 : f32
        %mul3A_499 = vector.broadcast %mul3A_498 : f32 to vector<16xf32>
        %mul3A_500 = arith.mulf %mul3A_499, %get3A_497 : vector<16xf32>
        %mul3A_501 = arith.constant 5.000000e-01 : f32
        %mul3A_502 = vector.broadcast %mul3A_501 : f32 to vector<16xf32>
        %mul3A_503 = arith.mulf %mul3A_502, %exp3A_440 : vector<16xf32>
        %mul3A_504 = arith.mulf %mul3A_503, %div3A_448 : vector<16xf32>
        %add3A_505 = arith.addf %mul3A_500, %mul3A_504 : vector<16xf32>
        %mul3A_506 = arith.constant 16 : i32
        %mul3A_507 = arith.muli %scan3A_397, %mul3A_506 : i32
        %add3A_508 = arith.constant 1280 : i32
        %add3A_509 = arith.addi %add3A_508, %mul3A_507 : i32
        %swap3A_510 = arith.index_cast %add3A_509 : i32 to index
        %swap3A_511 = tpu.vector_load %arg17[%swap3A_510] {strides = array<i32>} : memref<2560xf32, #tpu.memory_space<vmem>>, vector<16xf32>,
        tpu.vector_store %arg17[%swap3A_510], %add3A_505 {strides = array<i32>} : memref<2560xf32, #tpu.memory_space<vmem>>, vector<16xf32>,
        %add3A_512 = arith.constant 30720 : i32
        %add3A_513 = arith.addi %add3A_512, %mul3A_8 : i32
        %mul3A_514 = arith.constant 16 : i32
        %mul3A_515 = arith.muli %scan3A_397, %mul3A_514 : i32
        %add3A_516 = arith.addi %add3A_513, %mul3A_515 : i32
        %get3A_517 = arith.index_cast %add3A_516 : i32 to index
        %get3A_518 = tpu.vector_load %arg13[%get3A_517] {strides = array<i32>} : memref<40960xf32, #tpu.memory_space<vmem>>, vector<16xf32>,
        %mul3A_519 = arith.constant 5.000000e-01 : f32
        %mul3A_520 = vector.broadcast %mul3A_519 : f32 to vector<16xf32>
        %mul3A_521 = arith.mulf %mul3A_520, %get3A_518 : vector<16xf32>
        %mul3A_522 = arith.constant 5.000000e-01 : f32
        %mul3A_523 = vector.broadcast %mul3A_522 : f32 to vector<16xf32>
        %mul3A_524 = arith.mulf %mul3A_523, %exp3A_442 : vector<16xf32>
        %mul3A_525 = arith.mulf %mul3A_524, %div3A_448 : vector<16xf32>
        %add3A_526 = arith.addf %mul3A_521, %mul3A_525 : vector<16xf32>
        %mul3A_527 = arith.constant 16 : i32
        %mul3A_528 = arith.muli %scan3A_397, %mul3A_527 : i32
        %add3A_529 = arith.constant 1920 : i32
        %add3A_530 = arith.addi %add3A_529, %mul3A_528 : i32
        %swap3A_531 = arith.index_cast %add3A_530 : i32 to index
        %swap3A_532 = tpu.vector_load %arg17[%swap3A_531] {strides = array<i32>} : memref<2560xf32, #tpu.memory_space<vmem>>, vector<16xf32>,
        tpu.vector_store %arg17[%swap3A_531], %add3A_526 {strides = array<i32>} : memref<2560xf32, #tpu.memory_space<vmem>>, vector<16xf32>,
        %scan3A_533 = arith.constant 0 : i32
        scf.yield %scan3A_533 : i32
      }
      %scan3A_386 = arith.constant 40 : i32
      %add3A_387 = arith.constant 0 : i32
      %add3A_388 = arith.addi %add3A_387, %mul3A_8 : i32
      "tpu.region"() ({
        %run_scoped3A = tpu.sem_alloc : memref<!tpu.dma_semaphore, #tpu.memory_space<semaphore_mem>>
        %dma_start3A = arith.constant 0 : i32
        %dma_start3A_397 = tpu.memref_slice %arg17[%dma_start3A] : memref<2560xf32, #tpu.memory_space<vmem>> -> memref<640xf32, #tpu.memory_space<vmem>>
        %dma_start3A_398 = tpu.memref_slice %arg9[%add3A_388] : memref<40960xf32, #tpu.memory_space<hbm>> -> memref<640xf32, #tpu.memory_space<hbm>>
        %dma_start3A_399 = tpu.memref_slice %arg9[%add3A_388] : memref<40960xf32, #tpu.memory_space<hbm>> -> memref<640xf32, #tpu.memory_space<hbm>>
        %dma_start3A_400 = arith.constant 0 : i32
        %dma_start3A_401 = tpu.memref_slice %arg17[%dma_start3A_400] : memref<2560xf32, #tpu.memory_space<vmem>> -> memref<640xf32, #tpu.memory_space<vmem>>
        tpu.enqueue_dma source(%dma_start3A_401 : memref<640xf32, #tpu.memory_space<vmem>>) target(%dma_start3A_399 : memref<640xf32, #tpu.memory_space<hbm>>) target_semaphore(%run_scoped3A : memref<!tpu.dma_semaphore, #tpu.memory_space<semaphore_mem>>)
        %dma_wait3A = arith.constant 0 : i32
        %dma_wait3A_402 = tpu.memref_slice %arg17[%dma_wait3A] : memref<2560xf32, #tpu.memory_space<vmem>> -> memref<640xf32, #tpu.memory_space<vmem>>
        %dma_wait3A_403 = tpu.memref_slice %arg9[%add3A_388] : memref<40960xf32, #tpu.memory_space<hbm>> -> memref<640xf32, #tpu.memory_space<hbm>>
        %dma_wait3A_404 = tpu.memref_slice %arg9[%add3A_388] : memref<40960xf32, #tpu.memory_space<hbm>> -> memref<640xf32, #tpu.memory_space<hbm>>
        %dma_wait3A_405 = arith.constant 0 : i32
        %dma_wait3A_406 = tpu.memref_slice %arg17[%dma_wait3A_405] : memref<2560xf32, #tpu.memory_space<vmem>> -> memref<640xf32, #tpu.memory_space<vmem>>
        tpu.wait_dma2 semaphore(%run_scoped3A : memref<!tpu.dma_semaphore, #tpu.memory_space<semaphore_mem>>) src(%dma_wait3A_406 : memref<640xf32, #tpu.memory_space<vmem>>) dst(%dma_wait3A_404 : memref<640xf32, #tpu.memory_space<hbm>>)
        tpu.yield
      }) : () -> ()
      %add3A_389 = arith.constant 10240 : i32
      %add3A_390 = arith.addi %add3A_389, %mul3A_8 : i32
      "tpu.region"() ({
        %run_scoped3A = tpu.sem_alloc : memref<!tpu.dma_semaphore, #tpu.memory_space<semaphore_mem>>
        %dma_start3A = arith.constant 640 : i32
        %dma_start3A_397 = tpu.memref_slice %arg17[%dma_start3A] : memref<2560xf32, #tpu.memory_space<vmem>> -> memref<640xf32, #tpu.memory_space<vmem>>
        %dma_start3A_398 = tpu.memref_slice %arg9[%add3A_390] : memref<40960xf32, #tpu.memory_space<hbm>> -> memref<640xf32, #tpu.memory_space<hbm>>
        %dma_start3A_399 = tpu.memref_slice %arg9[%add3A_390] : memref<40960xf32, #tpu.memory_space<hbm>> -> memref<640xf32, #tpu.memory_space<hbm>>
        %dma_start3A_400 = arith.constant 640 : i32
        %dma_start3A_401 = tpu.memref_slice %arg17[%dma_start3A_400] : memref<2560xf32, #tpu.memory_space<vmem>> -> memref<640xf32, #tpu.memory_space<vmem>>
        tpu.enqueue_dma source(%dma_start3A_401 : memref<640xf32, #tpu.memory_space<vmem>>) target(%dma_start3A_399 : memref<640xf32, #tpu.memory_space<hbm>>) target_semaphore(%run_scoped3A : memref<!tpu.dma_semaphore, #tpu.memory_space<semaphore_mem>>)
        %dma_wait3A = arith.constant 640 : i32
        %dma_wait3A_402 = tpu.memref_slice %arg17[%dma_wait3A] : memref<2560xf32, #tpu.memory_space<vmem>> -> memref<640xf32, #tpu.memory_space<vmem>>
        %dma_wait3A_403 = tpu.memref_slice %arg9[%add3A_390] : memref<40960xf32, #tpu.memory_space<hbm>> -> memref<640xf32, #tpu.memory_space<hbm>>
        %dma_wait3A_404 = tpu.memref_slice %arg9[%add3A_390] : memref<40960xf32, #tpu.memory_space<hbm>> -> memref<640xf32, #tpu.memory_space<hbm>>
        %dma_wait3A_405 = arith.constant 640 : i32
        %dma_wait3A_406 = tpu.memref_slice %arg17[%dma_wait3A_405] : memref<2560xf32, #tpu.memory_space<vmem>> -> memref<640xf32, #tpu.memory_space<vmem>>
        tpu.wait_dma2 semaphore(%run_scoped3A : memref<!tpu.dma_semaphore, #tpu.memory_space<semaphore_mem>>) src(%dma_wait3A_406 : memref<640xf32, #tpu.memory_space<vmem>>) dst(%dma_wait3A_404 : memref<640xf32, #tpu.memory_space<hbm>>)
        tpu.yield
      }) : () -> ()
      %add3A_391 = arith.constant 20480 : i32
      %add3A_392 = arith.addi %add3A_391, %mul3A_8 : i32
      "tpu.region"() ({
        %run_scoped3A = tpu.sem_alloc : memref<!tpu.dma_semaphore, #tpu.memory_space<semaphore_mem>>
        %dma_start3A = arith.constant 1280 : i32
        %dma_start3A_397 = tpu.memref_slice %arg17[%dma_start3A] : memref<2560xf32, #tpu.memory_space<vmem>> -> memref<640xf32, #tpu.memory_space<vmem>>
        %dma_start3A_398 = tpu.memref_slice %arg9[%add3A_392] : memref<40960xf32, #tpu.memory_space<hbm>> -> memref<640xf32, #tpu.memory_space<hbm>>
        %dma_start3A_399 = tpu.memref_slice %arg9[%add3A_392] : memref<40960xf32, #tpu.memory_space<hbm>> -> memref<640xf32, #tpu.memory_space<hbm>>
        %dma_start3A_400 = arith.constant 1280 : i32
        %dma_start3A_401 = tpu.memref_slice %arg17[%dma_start3A_400] : memref<2560xf32, #tpu.memory_space<vmem>> -> memref<640xf32, #tpu.memory_space<vmem>>
        tpu.enqueue_dma source(%dma_start3A_401 : memref<640xf32, #tpu.memory_space<vmem>>) target(%dma_start3A_399 : memref<640xf32, #tpu.memory_space<hbm>>) target_semaphore(%run_scoped3A : memref<!tpu.dma_semaphore, #tpu.memory_space<semaphore_mem>>)
        %dma_wait3A = arith.constant 1280 : i32
        %dma_wait3A_402 = tpu.memref_slice %arg17[%dma_wait3A] : memref<2560xf32, #tpu.memory_space<vmem>> -> memref<640xf32, #tpu.memory_space<vmem>>
        %dma_wait3A_403 = tpu.memref_slice %arg9[%add3A_392] : memref<40960xf32, #tpu.memory_space<hbm>> -> memref<640xf32, #tpu.memory_space<hbm>>
        %dma_wait3A_404 = tpu.memref_slice %arg9[%add3A_392] : memref<40960xf32, #tpu.memory_space<hbm>> -> memref<640xf32, #tpu.memory_space<hbm>>
        %dma_wait3A_405 = arith.constant 1280 : i32
        %dma_wait3A_406 = tpu.memref_slice %arg17[%dma_wait3A_405] : memref<2560xf32, #tpu.memory_space<vmem>> -> memref<640xf32, #tpu.memory_space<vmem>>
        tpu.wait_dma2 semaphore(%run_scoped3A : memref<!tpu.dma_semaphore, #tpu.memory_space<semaphore_mem>>) src(%dma_wait3A_406 : memref<640xf32, #tpu.memory_space<vmem>>) dst(%dma_wait3A_404 : memref<640xf32, #tpu.memory_space<hbm>>)
        tpu.yield
      }) : () -> ()
      %add3A_393 = arith.constant 30720 : i32
      %add3A_394 = arith.addi %add3A_393, %mul3A_8 : i32
      "tpu.region"() ({
        %run_scoped3A = tpu.sem_alloc : memref<!tpu.dma_semaphore, #tpu.memory_space<semaphore_mem>>
        %dma_start3A = arith.constant 1920 : i32
        %dma_start3A_397 = tpu.memref_slice %arg17[%dma_start3A] : memref<2560xf32, #tpu.memory_space<vmem>> -> memref<640xf32, #tpu.memory_space<vmem>>
        %dma_start3A_398 = tpu.memref_slice %arg9[%add3A_394] : memref<40960xf32, #tpu.memory_space<hbm>> -> memref<640xf32, #tpu.memory_space<hbm>>
        %dma_start3A_399 = tpu.memref_slice %arg9[%add3A_394] : memref<40960xf32, #tpu.memory_space<hbm>> -> memref<640xf32, #tpu.memory_space<hbm>>
        %dma_start3A_400 = arith.constant 1920 : i32
        %dma_start3A_401 = tpu.memref_slice %arg17[%dma_start3A_400] : memref<2560xf32, #tpu.memory_space<vmem>> -> memref<640xf32, #tpu.memory_space<vmem>>
        tpu.enqueue_dma source(%dma_start3A_401 : memref<640xf32, #tpu.memory_space<vmem>>) target(%dma_start3A_399 : memref<640xf32, #tpu.memory_space<hbm>>) target_semaphore(%run_scoped3A : memref<!tpu.dma_semaphore, #tpu.memory_space<semaphore_mem>>)
        %dma_wait3A = arith.constant 1920 : i32
        %dma_wait3A_402 = tpu.memref_slice %arg17[%dma_wait3A] : memref<2560xf32, #tpu.memory_space<vmem>> -> memref<640xf32, #tpu.memory_space<vmem>>
        %dma_wait3A_403 = tpu.memref_slice %arg9[%add3A_394] : memref<40960xf32, #tpu.memory_space<hbm>> -> memref<640xf32, #tpu.memory_space<hbm>>
        %dma_wait3A_404 = tpu.memref_slice %arg9[%add3A_394] : memref<40960xf32, #tpu.memory_space<hbm>> -> memref<640xf32, #tpu.memory_space<hbm>>
        %dma_wait3A_405 = arith.constant 1920 : i32
        %dma_wait3A_406 = tpu.memref_slice %arg17[%dma_wait3A_405] : memref<2560xf32, #tpu.memory_space<vmem>> -> memref<640xf32, #tpu.memory_space<vmem>>
        tpu.wait_dma2 semaphore(%run_scoped3A : memref<!tpu.dma_semaphore, #tpu.memory_space<semaphore_mem>>) src(%dma_wait3A_406 : memref<640xf32, #tpu.memory_space<vmem>>) dst(%dma_wait3A_404 : memref<640xf32, #tpu.memory_space<hbm>>)
        tpu.yield
      }) : () -> ()
      %barrier3A_395 = arith.constant 0 : index
      tpu.barrier barrier_id(%barrier3A_395)
      "tpu.region"() ({
        %run_scoped3A = tpu.sem_alloc : memref<!tpu.dma_semaphore, #tpu.memory_space<semaphore_mem>>
        tpu.enqueue_dma source(%arg9 : memref<40960xf32, #tpu.memory_space<hbm>>) target(%arg13 : memref<40960xf32, #tpu.memory_space<vmem>>) target_semaphore(%run_scoped3A : memref<!tpu.dma_semaphore, #tpu.memory_space<semaphore_mem>>)
        tpu.wait_dma2 semaphore(%run_scoped3A : memref<!tpu.dma_semaphore, #tpu.memory_space<semaphore_mem>>) src(%arg9 : memref<40960xf32, #tpu.memory_space<hbm>>) dst(%arg13 : memref<40960xf32, #tpu.memory_space<vmem>>)
        tpu.yield
      }) : () -> ()
      %scan3A_396 = arith.constant 0 : i32
      scf.yield %scan3A_396 : i32
    }
    %scan3A_124 = arith.constant 10 : i32
    %while3A_125 = arith.subi %shift_right_arithmetic3A_12, %shift_right_arithmetic3A_9 : i32
    %while3A_126 = arith.addi %shift_right_arithmetic3A_9, %while3A_125 : i32
    %while3A_127 = arith.constant 1 : i32
    %while3A_128 = arith.divsi %while3A_125, %while3A_127 : i32
    %while3A_129 = arith.muli %while3A_128, %while3A_127 : i32
    %while3A_130 = arith.addi %shift_right_arithmetic3A_9, %while3A_129 : i32
    %while3A_131 = arith.constant 1 : i32
    %while3A_132 = scf.for %while3A_190 = %shift_right_arithmetic3A_9 to %while3A_130 step %while3A_131 iter_args(%while3A_191 = %broadcast_in_dim3A_0) -> (vector<16xf32>)  : i32 {
      %mul3A_192 = arith.constant 2048 : i32
      %mul3A_193 = arith.muli %while3A_190, %mul3A_192 : i32
      "tpu.region"() ({
        %run_scoped3A = tpu.sem_alloc : memref<!tpu.dma_semaphore, #tpu.memory_space<semaphore_mem>>
        %dma_start3A = tpu.memref_slice %arg2[%mul3A_193] : memref<321536xi32, #tpu.memory_space<hbm>> -> memref<2048xi32, #tpu.memory_space<hbm>>
        %dma_start3A_213 = tpu.memref_slice %arg2[%mul3A_193] : memref<321536xi32, #tpu.memory_space<hbm>> -> memref<2048xi32, #tpu.memory_space<hbm>>
        tpu.enqueue_dma source(%dma_start3A_213 : memref<2048xi32, #tpu.memory_space<hbm>>) target(%arg14 : memref<2048xi32, #tpu.memory_space<vmem>>) target_semaphore(%run_scoped3A : memref<!tpu.dma_semaphore, #tpu.memory_space<semaphore_mem>>)
        %dma_wait3A = tpu.memref_slice %arg2[%mul3A_193] : memref<321536xi32, #tpu.memory_space<hbm>> -> memref<2048xi32, #tpu.memory_space<hbm>>
        %dma_wait3A_214 = tpu.memref_slice %arg2[%mul3A_193] : memref<321536xi32, #tpu.memory_space<hbm>> -> memref<2048xi32, #tpu.memory_space<hbm>>
        tpu.wait_dma2 semaphore(%run_scoped3A : memref<!tpu.dma_semaphore, #tpu.memory_space<semaphore_mem>>) src(%dma_wait3A_214 : memref<2048xi32, #tpu.memory_space<hbm>>) dst(%arg14 : memref<2048xi32, #tpu.memory_space<vmem>>)
        tpu.yield
      }) : () -> ()
      "tpu.region"() ({
        %run_scoped3A = tpu.sem_alloc : memref<!tpu.dma_semaphore, #tpu.memory_space<semaphore_mem>>
        %dma_start3A = tpu.memref_slice %arg3[%mul3A_193] : memref<321536xi32, #tpu.memory_space<hbm>> -> memref<2048xi32, #tpu.memory_space<hbm>>
        %dma_start3A_213 = tpu.memref_slice %arg3[%mul3A_193] : memref<321536xi32, #tpu.memory_space<hbm>> -> memref<2048xi32, #tpu.memory_space<hbm>>
        tpu.enqueue_dma source(%dma_start3A_213 : memref<2048xi32, #tpu.memory_space<hbm>>) target(%arg15 : memref<2048xi32, #tpu.memory_space<vmem>>) target_semaphore(%run_scoped3A : memref<!tpu.dma_semaphore, #tpu.memory_space<semaphore_mem>>)
        %dma_wait3A = tpu.memref_slice %arg3[%mul3A_193] : memref<321536xi32, #tpu.memory_space<hbm>> -> memref<2048xi32, #tpu.memory_space<hbm>>
        %dma_wait3A_214 = tpu.memref_slice %arg3[%mul3A_193] : memref<321536xi32, #tpu.memory_space<hbm>> -> memref<2048xi32, #tpu.memory_space<hbm>>
        tpu.wait_dma2 semaphore(%run_scoped3A : memref<!tpu.dma_semaphore, #tpu.memory_space<semaphore_mem>>) src(%dma_wait3A_214 : memref<2048xi32, #tpu.memory_space<hbm>>) dst(%arg15 : memref<2048xi32, #tpu.memory_space<vmem>>)
        tpu.yield
      }) : () -> ()
      "tpu.region"() ({
        %run_scoped3A = tpu.sem_alloc : memref<!tpu.dma_semaphore, #tpu.memory_space<semaphore_mem>>
        %dma_start3A = tpu.memref_slice %arg4[%mul3A_193] : memref<321536xf32, #tpu.memory_space<hbm>> -> memref<2048xf32, #tpu.memory_space<hbm>>
        %dma_start3A_213 = tpu.memref_slice %arg4[%mul3A_193] : memref<321536xf32, #tpu.memory_space<hbm>> -> memref<2048xf32, #tpu.memory_space<hbm>>
        tpu.enqueue_dma source(%dma_start3A_213 : memref<2048xf32, #tpu.memory_space<hbm>>) target(%arg16 : memref<2048xf32, #tpu.memory_space<vmem>>) target_semaphore(%run_scoped3A : memref<!tpu.dma_semaphore, #tpu.memory_space<semaphore_mem>>)
        %dma_wait3A = tpu.memref_slice %arg4[%mul3A_193] : memref<321536xf32, #tpu.memory_space<hbm>> -> memref<2048xf32, #tpu.memory_space<hbm>>
        %dma_wait3A_214 = tpu.memref_slice %arg4[%mul3A_193] : memref<321536xf32, #tpu.memory_space<hbm>> -> memref<2048xf32, #tpu.memory_space<hbm>>
        tpu.wait_dma2 semaphore(%run_scoped3A : memref<!tpu.dma_semaphore, #tpu.memory_space<semaphore_mem>>) src(%dma_wait3A_214 : memref<2048xf32, #tpu.memory_space<hbm>>) dst(%arg16 : memref<2048xf32, #tpu.memory_space<vmem>>)
        tpu.yield
      }) : () -> ()
      %max3A = arith.maxsi %squeeze3A, %mul3A_193 : i32
      %sub3A = arith.subi %max3A, %mul3A_193 : i32
      %shift_right_arithmetic3A_194 = arith.constant 4 : i32
      %shift_right_arithmetic3A_195 = arith.shrsi %sub3A, %shift_right_arithmetic3A_194 : i32
      %add3A_196 = arith.constant 2048 : i32
      %add3A_197 = arith.addi %mul3A_193, %add3A_196 : i32
      %min3A = arith.minsi %squeeze3A_7, %add3A_197 : i32
      %sub3A_198 = arith.subi %min3A, %mul3A_193 : i32
      %add3A_199 = arith.constant 15 : i32
      %add3A_200 = arith.addi %sub3A_198, %add3A_199 : i32
      %shift_right_arithmetic3A_201 = arith.constant 4 : i32
      %shift_right_arithmetic3A_202 = arith.shrsi %add3A_200, %shift_right_arithmetic3A_201 : i32
      %while3A_203 = arith.subi %shift_right_arithmetic3A_202, %shift_right_arithmetic3A_195 : i32
      %while3A_204 = arith.addi %shift_right_arithmetic3A_195, %while3A_203 : i32
      %while3A_205 = arith.constant 1 : i32
      %while3A_206 = arith.divsi %while3A_203, %while3A_205 : i32
      %while3A_207 = arith.muli %while3A_206, %while3A_205 : i32
      %while3A_208 = arith.addi %shift_right_arithmetic3A_195, %while3A_207 : i32
      %while3A_209 = arith.constant 1 : i32
      %while3A_210 = scf.for %while3A_213 = %shift_right_arithmetic3A_195 to %while3A_208 step %while3A_209 iter_args(%while3A_214 = %while3A_191) -> (vector<16xf32>)  : i32 {
        %mul3A_215 = arith.constant 16 : i32
        %mul3A_216 = arith.muli %while3A_213, %mul3A_215 : i32
        %get3A_217 = arith.index_cast %mul3A_216 : i32 to index
        %get3A_218 = tpu.vector_load %arg15[%get3A_217] {strides = array<i32>} : memref<2048xi32, #tpu.memory_space<vmem>>, vector<16xi32>,
        %get3A_219 = arith.index_cast %mul3A_216 : i32 to index
        %get3A_220 = tpu.vector_load %arg16[%get3A_219] {strides = array<i32>} : memref<2048xf32, #tpu.memory_space<vmem>>, vector<16xf32>,
        %add3A_221 = arith.addi %mul3A_193, %mul3A_216 : i32
        %add3A_222 = vector.broadcast %add3A_221 : i32 to vector<16xi32>
        %add3A_223 = arith.addi %add3A_222, %iota3A : vector<16xi32>
        %ge3A = vector.broadcast %squeeze3A : i32 to vector<16xi32>
        %ge3A_224 = arith.cmpi sge, %add3A_223, %ge3A : vector<16xi32>
        %lt3A = vector.broadcast %squeeze3A_7 : i32 to vector<16xi32>
        %lt3A_225 = arith.cmpi slt, %add3A_223, %lt3A : vector<16xi32>
        %and3A = arith.andi %ge3A_224, %lt3A_225 : vector<16xi1>
        %get3A_226 = arith.index_cast %mul3A_216 : i32 to index
        %get3A_227 = tpu.vector_load %arg14[%get3A_226] {strides = array<i32>} : memref<2048xi32, #tpu.memory_space<vmem>>, vector<16xi32>,
        %add3A_228 = arith.constant 0 : i32
        %add3A_229 = vector.broadcast %add3A_228 : i32 to vector<16xi32>
        %add3A_230 = arith.addi %get3A_227, %add3A_229 : vector<16xi32>
        %gather3A = tpu.vector_load_idx %arg13[%add3A_230] : memref<40960xf32, #tpu.memory_space<vmem>>[vector<16xi32>], vector<16xf32>,
        %add3A_231 = arith.constant 0 : i32
        %add3A_232 = vector.broadcast %add3A_231 : i32 to vector<16xi32>
        %add3A_233 = arith.addi %get3A_218, %add3A_232 : vector<16xi32>
        %gather3A_234 = tpu.vector_load_idx %arg13[%add3A_233] : memref<40960xf32, #tpu.memory_space<vmem>>[vector<16xi32>], vector<16xf32>,
        %mul3A_235 = arith.mulf %gather3A, %gather3A_234 : vector<16xf32>
        %add3A_236 = arith.addf %broadcast_in_dim3A_0, %mul3A_235 : vector<16xf32>
        %add3A_237 = arith.constant 10240 : i32
        %add3A_238 = vector.broadcast %add3A_237 : i32 to vector<16xi32>
        %add3A_239 = arith.addi %get3A_227, %add3A_238 : vector<16xi32>
        %gather3A_240 = tpu.vector_load_idx %arg13[%add3A_239] : memref<40960xf32, #tpu.memory_space<vmem>>[vector<16xi32>], vector<16xf32>,
        %add3A_241 = arith.constant 10240 : i32
        %add3A_242 = vector.broadcast %add3A_241 : i32 to vector<16xi32>
        %add3A_243 = arith.addi %get3A_218, %add3A_242 : vector<16xi32>
        %gather3A_244 = tpu.vector_load_idx %arg13[%add3A_243] : memref<40960xf32, #tpu.memory_space<vmem>>[vector<16xi32>], vector<16xf32>,
        %mul3A_245 = arith.mulf %gather3A_240, %gather3A_244 : vector<16xf32>
        %add3A_246 = arith.addf %add3A_236, %mul3A_245 : vector<16xf32>
        %add3A_247 = arith.constant 20480 : i32
        %add3A_248 = vector.broadcast %add3A_247 : i32 to vector<16xi32>
        %add3A_249 = arith.addi %get3A_227, %add3A_248 : vector<16xi32>
        %gather3A_250 = tpu.vector_load_idx %arg13[%add3A_249] : memref<40960xf32, #tpu.memory_space<vmem>>[vector<16xi32>], vector<16xf32>,
        %add3A_251 = arith.constant 20480 : i32
        %add3A_252 = vector.broadcast %add3A_251 : i32 to vector<16xi32>
        %add3A_253 = arith.addi %get3A_218, %add3A_252 : vector<16xi32>
        %gather3A_254 = tpu.vector_load_idx %arg13[%add3A_253] : memref<40960xf32, #tpu.memory_space<vmem>>[vector<16xi32>], vector<16xf32>,
        %mul3A_255 = arith.mulf %gather3A_250, %gather3A_254 : vector<16xf32>
        %add3A_256 = arith.addf %add3A_246, %mul3A_255 : vector<16xf32>
        %add3A_257 = arith.constant 30720 : i32
        %add3A_258 = vector.broadcast %add3A_257 : i32 to vector<16xi32>
        %add3A_259 = arith.addi %get3A_227, %add3A_258 : vector<16xi32>
        %gather3A_260 = tpu.vector_load_idx %arg13[%add3A_259] : memref<40960xf32, #tpu.memory_space<vmem>>[vector<16xi32>], vector<16xf32>,
        %add3A_261 = arith.constant 30720 : i32
        %add3A_262 = vector.broadcast %add3A_261 : i32 to vector<16xi32>
        %add3A_263 = arith.addi %get3A_218, %add3A_262 : vector<16xi32>
        %gather3A_264 = tpu.vector_load_idx %arg13[%add3A_263] : memref<40960xf32, #tpu.memory_space<vmem>>[vector<16xi32>], vector<16xf32>,
        %mul3A_265 = arith.mulf %gather3A_260, %gather3A_264 : vector<16xf32>
        %add3A_266 = arith.addf %add3A_256, %mul3A_265 : vector<16xf32>
        %mul3A_267 = arith.mulf %get3A_220, %add3A_266 : vector<16xf32>
        %jit3A = arith.constant 0.000000e+00 : f32
        %broadcast_in_dim3A_268 = vector.broadcast %jit3A : f32 to vector<16xf32>
        %select_n3A_269 = arith.select %and3A, %mul3A_267, %broadcast_in_dim3A_268 : vector<16xi1>, vector<16xf32>
        %add3A_270 = arith.addf %while3A_214, %select_n3A_269 : vector<16xf32>
        scf.yield %add3A_270 : vector<16xf32>
      }
      %while3A_211 = arith.constant 1 : i32
      %while3A_212 = scf.for %while3A_213 = %while3A_208 to %while3A_204 step %while3A_211 iter_args(%while3A_214 = %while3A_210) -> (vector<16xf32>)  : i32 {
        %mul3A_215 = arith.constant 16 : i32
        %mul3A_216 = arith.muli %while3A_213, %mul3A_215 : i32
        %get3A_217 = arith.index_cast %mul3A_216 : i32 to index
        %get3A_218 = tpu.vector_load %arg15[%get3A_217] {strides = array<i32>} : memref<2048xi32, #tpu.memory_space<vmem>>, vector<16xi32>,
        %get3A_219 = arith.index_cast %mul3A_216 : i32 to index
        %get3A_220 = tpu.vector_load %arg16[%get3A_219] {strides = array<i32>} : memref<2048xf32, #tpu.memory_space<vmem>>, vector<16xf32>,
        %add3A_221 = arith.addi %mul3A_193, %mul3A_216 : i32
        %add3A_222 = vector.broadcast %add3A_221 : i32 to vector<16xi32>
        %add3A_223 = arith.addi %add3A_222, %iota3A : vector<16xi32>
        %ge3A = vector.broadcast %squeeze3A : i32 to vector<16xi32>
        %ge3A_224 = arith.cmpi sge, %add3A_223, %ge3A : vector<16xi32>
        %lt3A = vector.broadcast %squeeze3A_7 : i32 to vector<16xi32>
        %lt3A_225 = arith.cmpi slt, %add3A_223, %lt3A : vector<16xi32>
        %and3A = arith.andi %ge3A_224, %lt3A_225 : vector<16xi1>
        %get3A_226 = arith.index_cast %mul3A_216 : i32 to index
        %get3A_227 = tpu.vector_load %arg14[%get3A_226] {strides = array<i32>} : memref<2048xi32, #tpu.memory_space<vmem>>, vector<16xi32>,
        %add3A_228 = arith.constant 0 : i32
        %add3A_229 = vector.broadcast %add3A_228 : i32 to vector<16xi32>
        %add3A_230 = arith.addi %get3A_227, %add3A_229 : vector<16xi32>
        %gather3A = tpu.vector_load_idx %arg13[%add3A_230] : memref<40960xf32, #tpu.memory_space<vmem>>[vector<16xi32>], vector<16xf32>,
        %add3A_231 = arith.constant 0 : i32
        %add3A_232 = vector.broadcast %add3A_231 : i32 to vector<16xi32>
        %add3A_233 = arith.addi %get3A_218, %add3A_232 : vector<16xi32>
        %gather3A_234 = tpu.vector_load_idx %arg13[%add3A_233] : memref<40960xf32, #tpu.memory_space<vmem>>[vector<16xi32>], vector<16xf32>,
        %mul3A_235 = arith.mulf %gather3A, %gather3A_234 : vector<16xf32>
        %add3A_236 = arith.addf %broadcast_in_dim3A_0, %mul3A_235 : vector<16xf32>
        %add3A_237 = arith.constant 10240 : i32
        %add3A_238 = vector.broadcast %add3A_237 : i32 to vector<16xi32>
        %add3A_239 = arith.addi %get3A_227, %add3A_238 : vector<16xi32>
        %gather3A_240 = tpu.vector_load_idx %arg13[%add3A_239] : memref<40960xf32, #tpu.memory_space<vmem>>[vector<16xi32>], vector<16xf32>,
        %add3A_241 = arith.constant 10240 : i32
        %add3A_242 = vector.broadcast %add3A_241 : i32 to vector<16xi32>
        %add3A_243 = arith.addi %get3A_218, %add3A_242 : vector<16xi32>
        %gather3A_244 = tpu.vector_load_idx %arg13[%add3A_243] : memref<40960xf32, #tpu.memory_space<vmem>>[vector<16xi32>], vector<16xf32>,
        %mul3A_245 = arith.mulf %gather3A_240, %gather3A_244 : vector<16xf32>
        %add3A_246 = arith.addf %add3A_236, %mul3A_245 : vector<16xf32>
        %add3A_247 = arith.constant 20480 : i32
        %add3A_248 = vector.broadcast %add3A_247 : i32 to vector<16xi32>
        %add3A_249 = arith.addi %get3A_227, %add3A_248 : vector<16xi32>
        %gather3A_250 = tpu.vector_load_idx %arg13[%add3A_249] : memref<40960xf32, #tpu.memory_space<vmem>>[vector<16xi32>], vector<16xf32>,
        %add3A_251 = arith.constant 20480 : i32
        %add3A_252 = vector.broadcast %add3A_251 : i32 to vector<16xi32>
        %add3A_253 = arith.addi %get3A_218, %add3A_252 : vector<16xi32>
        %gather3A_254 = tpu.vector_load_idx %arg13[%add3A_253] : memref<40960xf32, #tpu.memory_space<vmem>>[vector<16xi32>], vector<16xf32>,
        %mul3A_255 = arith.mulf %gather3A_250, %gather3A_254 : vector<16xf32>
        %add3A_256 = arith.addf %add3A_246, %mul3A_255 : vector<16xf32>
        %add3A_257 = arith.constant 30720 : i32
        %add3A_258 = vector.broadcast %add3A_257 : i32 to vector<16xi32>
        %add3A_259 = arith.addi %get3A_227, %add3A_258 : vector<16xi32>
        %gather3A_260 = tpu.vector_load_idx %arg13[%add3A_259] : memref<40960xf32, #tpu.memory_space<vmem>>[vector<16xi32>], vector<16xf32>,
        %add3A_261 = arith.constant 30720 : i32
        %add3A_262 = vector.broadcast %add3A_261 : i32 to vector<16xi32>
        %add3A_263 = arith.addi %get3A_218, %add3A_262 : vector<16xi32>
        %gather3A_264 = tpu.vector_load_idx %arg13[%add3A_263] : memref<40960xf32, #tpu.memory_space<vmem>>[vector<16xi32>], vector<16xf32>,
        %mul3A_265 = arith.mulf %gather3A_260, %gather3A_264 : vector<16xf32>
        %add3A_266 = arith.addf %add3A_256, %mul3A_265 : vector<16xf32>
        %mul3A_267 = arith.mulf %get3A_220, %add3A_266 : vector<16xf32>
        %jit3A = arith.constant 0.000000e+00 : f32
        %broadcast_in_dim3A_268 = vector.broadcast %jit3A : f32 to vector<16xf32>
        %select_n3A_269 = arith.select %and3A, %mul3A_267, %broadcast_in_dim3A_268 : vector<16xi1>, vector<16xf32>
        %add3A_270 = arith.addf %while3A_214, %select_n3A_269 : vector<16xf32>
        scf.yield %add3A_270 : vector<16xf32>
      }
      scf.yield %while3A_212 : vector<16xf32>
    }
    %while3A_133 = arith.constant 1 : i32
    %while3A_134 = scf.for %while3A_190 = %while3A_130 to %while3A_126 step %while3A_133 iter_args(%while3A_191 = %while3A_132) -> (vector<16xf32>)  : i32 {
      %mul3A_192 = arith.constant 2048 : i32
      %mul3A_193 = arith.muli %while3A_190, %mul3A_192 : i32
      "tpu.region"() ({
        %run_scoped3A = tpu.sem_alloc : memref<!tpu.dma_semaphore, #tpu.memory_space<semaphore_mem>>
        %dma_start3A = tpu.memref_slice %arg2[%mul3A_193] : memref<321536xi32, #tpu.memory_space<hbm>> -> memref<2048xi32, #tpu.memory_space<hbm>>
        %dma_start3A_213 = tpu.memref_slice %arg2[%mul3A_193] : memref<321536xi32, #tpu.memory_space<hbm>> -> memref<2048xi32, #tpu.memory_space<hbm>>
        tpu.enqueue_dma source(%dma_start3A_213 : memref<2048xi32, #tpu.memory_space<hbm>>) target(%arg14 : memref<2048xi32, #tpu.memory_space<vmem>>) target_semaphore(%run_scoped3A : memref<!tpu.dma_semaphore, #tpu.memory_space<semaphore_mem>>)
        %dma_wait3A = tpu.memref_slice %arg2[%mul3A_193] : memref<321536xi32, #tpu.memory_space<hbm>> -> memref<2048xi32, #tpu.memory_space<hbm>>
        %dma_wait3A_214 = tpu.memref_slice %arg2[%mul3A_193] : memref<321536xi32, #tpu.memory_space<hbm>> -> memref<2048xi32, #tpu.memory_space<hbm>>
        tpu.wait_dma2 semaphore(%run_scoped3A : memref<!tpu.dma_semaphore, #tpu.memory_space<semaphore_mem>>) src(%dma_wait3A_214 : memref<2048xi32, #tpu.memory_space<hbm>>) dst(%arg14 : memref<2048xi32, #tpu.memory_space<vmem>>)
        tpu.yield
      }) : () -> ()
      "tpu.region"() ({
        %run_scoped3A = tpu.sem_alloc : memref<!tpu.dma_semaphore, #tpu.memory_space<semaphore_mem>>
        %dma_start3A = tpu.memref_slice %arg3[%mul3A_193] : memref<321536xi32, #tpu.memory_space<hbm>> -> memref<2048xi32, #tpu.memory_space<hbm>>
        %dma_start3A_213 = tpu.memref_slice %arg3[%mul3A_193] : memref<321536xi32, #tpu.memory_space<hbm>> -> memref<2048xi32, #tpu.memory_space<hbm>>
        tpu.enqueue_dma source(%dma_start3A_213 : memref<2048xi32, #tpu.memory_space<hbm>>) target(%arg15 : memref<2048xi32, #tpu.memory_space<vmem>>) target_semaphore(%run_scoped3A : memref<!tpu.dma_semaphore, #tpu.memory_space<semaphore_mem>>)
        %dma_wait3A = tpu.memref_slice %arg3[%mul3A_193] : memref<321536xi32, #tpu.memory_space<hbm>> -> memref<2048xi32, #tpu.memory_space<hbm>>
        %dma_wait3A_214 = tpu.memref_slice %arg3[%mul3A_193] : memref<321536xi32, #tpu.memory_space<hbm>> -> memref<2048xi32, #tpu.memory_space<hbm>>
        tpu.wait_dma2 semaphore(%run_scoped3A : memref<!tpu.dma_semaphore, #tpu.memory_space<semaphore_mem>>) src(%dma_wait3A_214 : memref<2048xi32, #tpu.memory_space<hbm>>) dst(%arg15 : memref<2048xi32, #tpu.memory_space<vmem>>)
        tpu.yield
      }) : () -> ()
      "tpu.region"() ({
        %run_scoped3A = tpu.sem_alloc : memref<!tpu.dma_semaphore, #tpu.memory_space<semaphore_mem>>
        %dma_start3A = tpu.memref_slice %arg4[%mul3A_193] : memref<321536xf32, #tpu.memory_space<hbm>> -> memref<2048xf32, #tpu.memory_space<hbm>>
        %dma_start3A_213 = tpu.memref_slice %arg4[%mul3A_193] : memref<321536xf32, #tpu.memory_space<hbm>> -> memref<2048xf32, #tpu.memory_space<hbm>>
        tpu.enqueue_dma source(%dma_start3A_213 : memref<2048xf32, #tpu.memory_space<hbm>>) target(%arg16 : memref<2048xf32, #tpu.memory_space<vmem>>) target_semaphore(%run_scoped3A : memref<!tpu.dma_semaphore, #tpu.memory_space<semaphore_mem>>)
        %dma_wait3A = tpu.memref_slice %arg4[%mul3A_193] : memref<321536xf32, #tpu.memory_space<hbm>> -> memref<2048xf32, #tpu.memory_space<hbm>>
        %dma_wait3A_214 = tpu.memref_slice %arg4[%mul3A_193] : memref<321536xf32, #tpu.memory_space<hbm>> -> memref<2048xf32, #tpu.memory_space<hbm>>
        tpu.wait_dma2 semaphore(%run_scoped3A : memref<!tpu.dma_semaphore, #tpu.memory_space<semaphore_mem>>) src(%dma_wait3A_214 : memref<2048xf32, #tpu.memory_space<hbm>>) dst(%arg16 : memref<2048xf32, #tpu.memory_space<vmem>>)
        tpu.yield
      }) : () -> ()
      %max3A = arith.maxsi %squeeze3A, %mul3A_193 : i32
      %sub3A = arith.subi %max3A, %mul3A_193 : i32
      %shift_right_arithmetic3A_194 = arith.constant 4 : i32
      %shift_right_arithmetic3A_195 = arith.shrsi %sub3A, %shift_right_arithmetic3A_194 : i32
      %add3A_196 = arith.constant 2048 : i32
      %add3A_197 = arith.addi %mul3A_193, %add3A_196 : i32
      %min3A = arith.minsi %squeeze3A_7, %add3A_197 : i32
      %sub3A_198 = arith.subi %min3A, %mul3A_193 : i32
      %add3A_199 = arith.constant 15 : i32
      %add3A_200 = arith.addi %sub3A_198, %add3A_199 : i32
      %shift_right_arithmetic3A_201 = arith.constant 4 : i32
      %shift_right_arithmetic3A_202 = arith.shrsi %add3A_200, %shift_right_arithmetic3A_201 : i32
      %while3A_203 = arith.subi %shift_right_arithmetic3A_202, %shift_right_arithmetic3A_195 : i32
      %while3A_204 = arith.addi %shift_right_arithmetic3A_195, %while3A_203 : i32
      %while3A_205 = arith.constant 1 : i32
      %while3A_206 = arith.divsi %while3A_203, %while3A_205 : i32
      %while3A_207 = arith.muli %while3A_206, %while3A_205 : i32
      %while3A_208 = arith.addi %shift_right_arithmetic3A_195, %while3A_207 : i32
      %while3A_209 = arith.constant 1 : i32
      %while3A_210 = scf.for %while3A_213 = %shift_right_arithmetic3A_195 to %while3A_208 step %while3A_209 iter_args(%while3A_214 = %while3A_191) -> (vector<16xf32>)  : i32 {
        %mul3A_215 = arith.constant 16 : i32
        %mul3A_216 = arith.muli %while3A_213, %mul3A_215 : i32
        %get3A_217 = arith.index_cast %mul3A_216 : i32 to index
        %get3A_218 = tpu.vector_load %arg15[%get3A_217] {strides = array<i32>} : memref<2048xi32, #tpu.memory_space<vmem>>, vector<16xi32>,
        %get3A_219 = arith.index_cast %mul3A_216 : i32 to index
        %get3A_220 = tpu.vector_load %arg16[%get3A_219] {strides = array<i32>} : memref<2048xf32, #tpu.memory_space<vmem>>, vector<16xf32>,
        %add3A_221 = arith.addi %mul3A_193, %mul3A_216 : i32
        %add3A_222 = vector.broadcast %add3A_221 : i32 to vector<16xi32>
        %add3A_223 = arith.addi %add3A_222, %iota3A : vector<16xi32>
        %ge3A = vector.broadcast %squeeze3A : i32 to vector<16xi32>
        %ge3A_224 = arith.cmpi sge, %add3A_223, %ge3A : vector<16xi32>
        %lt3A = vector.broadcast %squeeze3A_7 : i32 to vector<16xi32>
        %lt3A_225 = arith.cmpi slt, %add3A_223, %lt3A : vector<16xi32>
        %and3A = arith.andi %ge3A_224, %lt3A_225 : vector<16xi1>
        %get3A_226 = arith.index_cast %mul3A_216 : i32 to index
        %get3A_227 = tpu.vector_load %arg14[%get3A_226] {strides = array<i32>} : memref<2048xi32, #tpu.memory_space<vmem>>, vector<16xi32>,
        %add3A_228 = arith.constant 0 : i32
        %add3A_229 = vector.broadcast %add3A_228 : i32 to vector<16xi32>
        %add3A_230 = arith.addi %get3A_227, %add3A_229 : vector<16xi32>
        %gather3A = tpu.vector_load_idx %arg13[%add3A_230] : memref<40960xf32, #tpu.memory_space<vmem>>[vector<16xi32>], vector<16xf32>,
        %add3A_231 = arith.constant 0 : i32
        %add3A_232 = vector.broadcast %add3A_231 : i32 to vector<16xi32>
        %add3A_233 = arith.addi %get3A_218, %add3A_232 : vector<16xi32>
        %gather3A_234 = tpu.vector_load_idx %arg13[%add3A_233] : memref<40960xf32, #tpu.memory_space<vmem>>[vector<16xi32>], vector<16xf32>,
        %mul3A_235 = arith.mulf %gather3A, %gather3A_234 : vector<16xf32>
        %add3A_236 = arith.addf %broadcast_in_dim3A_0, %mul3A_235 : vector<16xf32>
        %add3A_237 = arith.constant 10240 : i32
        %add3A_238 = vector.broadcast %add3A_237 : i32 to vector<16xi32>
        %add3A_239 = arith.addi %get3A_227, %add3A_238 : vector<16xi32>
        %gather3A_240 = tpu.vector_load_idx %arg13[%add3A_239] : memref<40960xf32, #tpu.memory_space<vmem>>[vector<16xi32>], vector<16xf32>,
        %add3A_241 = arith.constant 10240 : i32
        %add3A_242 = vector.broadcast %add3A_241 : i32 to vector<16xi32>
        %add3A_243 = arith.addi %get3A_218, %add3A_242 : vector<16xi32>
        %gather3A_244 = tpu.vector_load_idx %arg13[%add3A_243] : memref<40960xf32, #tpu.memory_space<vmem>>[vector<16xi32>], vector<16xf32>,
        %mul3A_245 = arith.mulf %gather3A_240, %gather3A_244 : vector<16xf32>
        %add3A_246 = arith.addf %add3A_236, %mul3A_245 : vector<16xf32>
        %add3A_247 = arith.constant 20480 : i32
        %add3A_248 = vector.broadcast %add3A_247 : i32 to vector<16xi32>
        %add3A_249 = arith.addi %get3A_227, %add3A_248 : vector<16xi32>
        %gather3A_250 = tpu.vector_load_idx %arg13[%add3A_249] : memref<40960xf32, #tpu.memory_space<vmem>>[vector<16xi32>], vector<16xf32>,
        %add3A_251 = arith.constant 20480 : i32
        %add3A_252 = vector.broadcast %add3A_251 : i32 to vector<16xi32>
        %add3A_253 = arith.addi %get3A_218, %add3A_252 : vector<16xi32>
        %gather3A_254 = tpu.vector_load_idx %arg13[%add3A_253] : memref<40960xf32, #tpu.memory_space<vmem>>[vector<16xi32>], vector<16xf32>,
        %mul3A_255 = arith.mulf %gather3A_250, %gather3A_254 : vector<16xf32>
        %add3A_256 = arith.addf %add3A_246, %mul3A_255 : vector<16xf32>
        %add3A_257 = arith.constant 30720 : i32
        %add3A_258 = vector.broadcast %add3A_257 : i32 to vector<16xi32>
        %add3A_259 = arith.addi %get3A_227, %add3A_258 : vector<16xi32>
        %gather3A_260 = tpu.vector_load_idx %arg13[%add3A_259] : memref<40960xf32, #tpu.memory_space<vmem>>[vector<16xi32>], vector<16xf32>,
        %add3A_261 = arith.constant 30720 : i32
        %add3A_262 = vector.broadcast %add3A_261 : i32 to vector<16xi32>
        %add3A_263 = arith.addi %get3A_218, %add3A_262 : vector<16xi32>
        %gather3A_264 = tpu.vector_load_idx %arg13[%add3A_263] : memref<40960xf32, #tpu.memory_space<vmem>>[vector<16xi32>], vector<16xf32>,
        %mul3A_265 = arith.mulf %gather3A_260, %gather3A_264 : vector<16xf32>
        %add3A_266 = arith.addf %add3A_256, %mul3A_265 : vector<16xf32>
        %mul3A_267 = arith.mulf %get3A_220, %add3A_266 : vector<16xf32>
        %jit3A = arith.constant 0.000000e+00 : f32
        %broadcast_in_dim3A_268 = vector.broadcast %jit3A : f32 to vector<16xf32>
        %select_n3A_269 = arith.select %and3A, %mul3A_267, %broadcast_in_dim3A_268 : vector<16xi1>, vector<16xf32>
        %add3A_270 = arith.addf %while3A_214, %select_n3A_269 : vector<16xf32>
        scf.yield %add3A_270 : vector<16xf32>
      }
      %while3A_211 = arith.constant 1 : i32
      %while3A_212 = scf.for %while3A_213 = %while3A_208 to %while3A_204 step %while3A_211 iter_args(%while3A_214 = %while3A_210) -> (vector<16xf32>)  : i32 {
        %mul3A_215 = arith.constant 16 : i32
        %mul3A_216 = arith.muli %while3A_213, %mul3A_215 : i32
        %get3A_217 = arith.index_cast %mul3A_216 : i32 to index
        %get3A_218 = tpu.vector_load %arg15[%get3A_217] {strides = array<i32>} : memref<2048xi32, #tpu.memory_space<vmem>>, vector<16xi32>,
        %get3A_219 = arith.index_cast %mul3A_216 : i32 to index
        %get3A_220 = tpu.vector_load %arg16[%get3A_219] {strides = array<i32>} : memref<2048xf32, #tpu.memory_space<vmem>>, vector<16xf32>,
        %add3A_221 = arith.addi %mul3A_193, %mul3A_216 : i32
        %add3A_222 = vector.broadcast %add3A_221 : i32 to vector<16xi32>
        %add3A_223 = arith.addi %add3A_222, %iota3A : vector<16xi32>
        %ge3A = vector.broadcast %squeeze3A : i32 to vector<16xi32>
        %ge3A_224 = arith.cmpi sge, %add3A_223, %ge3A : vector<16xi32>
        %lt3A = vector.broadcast %squeeze3A_7 : i32 to vector<16xi32>
        %lt3A_225 = arith.cmpi slt, %add3A_223, %lt3A : vector<16xi32>
        %and3A = arith.andi %ge3A_224, %lt3A_225 : vector<16xi1>
        %get3A_226 = arith.index_cast %mul3A_216 : i32 to index
        %get3A_227 = tpu.vector_load %arg14[%get3A_226] {strides = array<i32>} : memref<2048xi32, #tpu.memory_space<vmem>>, vector<16xi32>,
        %add3A_228 = arith.constant 0 : i32
        %add3A_229 = vector.broadcast %add3A_228 : i32 to vector<16xi32>
        %add3A_230 = arith.addi %get3A_227, %add3A_229 : vector<16xi32>
        %gather3A = tpu.vector_load_idx %arg13[%add3A_230] : memref<40960xf32, #tpu.memory_space<vmem>>[vector<16xi32>], vector<16xf32>,
        %add3A_231 = arith.constant 0 : i32
        %add3A_232 = vector.broadcast %add3A_231 : i32 to vector<16xi32>
        %add3A_233 = arith.addi %get3A_218, %add3A_232 : vector<16xi32>
        %gather3A_234 = tpu.vector_load_idx %arg13[%add3A_233] : memref<40960xf32, #tpu.memory_space<vmem>>[vector<16xi32>], vector<16xf32>,
        %mul3A_235 = arith.mulf %gather3A, %gather3A_234 : vector<16xf32>
        %add3A_236 = arith.addf %broadcast_in_dim3A_0, %mul3A_235 : vector<16xf32>
        %add3A_237 = arith.constant 10240 : i32
        %add3A_238 = vector.broadcast %add3A_237 : i32 to vector<16xi32>
        %add3A_239 = arith.addi %get3A_227, %add3A_238 : vector<16xi32>
        %gather3A_240 = tpu.vector_load_idx %arg13[%add3A_239] : memref<40960xf32, #tpu.memory_space<vmem>>[vector<16xi32>], vector<16xf32>,
        %add3A_241 = arith.constant 10240 : i32
        %add3A_242 = vector.broadcast %add3A_241 : i32 to vector<16xi32>
        %add3A_243 = arith.addi %get3A_218, %add3A_242 : vector<16xi32>
        %gather3A_244 = tpu.vector_load_idx %arg13[%add3A_243] : memref<40960xf32, #tpu.memory_space<vmem>>[vector<16xi32>], vector<16xf32>,
        %mul3A_245 = arith.mulf %gather3A_240, %gather3A_244 : vector<16xf32>
        %add3A_246 = arith.addf %add3A_236, %mul3A_245 : vector<16xf32>
        %add3A_247 = arith.constant 20480 : i32
        %add3A_248 = vector.broadcast %add3A_247 : i32 to vector<16xi32>
        %add3A_249 = arith.addi %get3A_227, %add3A_248 : vector<16xi32>
        %gather3A_250 = tpu.vector_load_idx %arg13[%add3A_249] : memref<40960xf32, #tpu.memory_space<vmem>>[vector<16xi32>], vector<16xf32>,
        %add3A_251 = arith.constant 20480 : i32
        %add3A_252 = vector.broadcast %add3A_251 : i32 to vector<16xi32>
        %add3A_253 = arith.addi %get3A_218, %add3A_252 : vector<16xi32>
        %gather3A_254 = tpu.vector_load_idx %arg13[%add3A_253] : memref<40960xf32, #tpu.memory_space<vmem>>[vector<16xi32>], vector<16xf32>,
        %mul3A_255 = arith.mulf %gather3A_250, %gather3A_254 : vector<16xf32>
        %add3A_256 = arith.addf %add3A_246, %mul3A_255 : vector<16xf32>
        %add3A_257 = arith.constant 30720 : i32
        %add3A_258 = vector.broadcast %add3A_257 : i32 to vector<16xi32>
        %add3A_259 = arith.addi %get3A_227, %add3A_258 : vector<16xi32>
        %gather3A_260 = tpu.vector_load_idx %arg13[%add3A_259] : memref<40960xf32, #tpu.memory_space<vmem>>[vector<16xi32>], vector<16xf32>,
        %add3A_261 = arith.constant 30720 : i32
        %add3A_262 = vector.broadcast %add3A_261 : i32 to vector<16xi32>
        %add3A_263 = arith.addi %get3A_218, %add3A_262 : vector<16xi32>
        %gather3A_264 = tpu.vector_load_idx %arg13[%add3A_263] : memref<40960xf32, #tpu.memory_space<vmem>>[vector<16xi32>], vector<16xf32>,
        %mul3A_265 = arith.mulf %gather3A_260, %gather3A_264 : vector<16xf32>
        %add3A_266 = arith.addf %add3A_256, %mul3A_265 : vector<16xf32>
        %mul3A_267 = arith.mulf %get3A_220, %add3A_266 : vector<16xf32>
        %jit3A = arith.constant 0.000000e+00 : f32
        %broadcast_in_dim3A_268 = vector.broadcast %jit3A : f32 to vector<16xf32>
        %select_n3A_269 = arith.select %and3A, %mul3A_267, %broadcast_in_dim3A_268 : vector<16xi1>, vector<16xf32>
        %add3A_270 = arith.addf %while3A_214, %select_n3A_269 : vector<16xf32>
        scf.yield %add3A_270 : vector<16xf32>
      }
      scf.yield %while3A_212 : vector<16xf32>
    }
    %scan3A_135 = arith.constant 0 : i32
    %scan3A_136 = arith.constant 40 : i32
    %scan3A_137 = arith.addi %scan3A_135, %scan3A_136 : i32
    %scan3A_138 = arith.constant 1 : i32
    %scan3A_139:4 = scf.for %scan3A_190 = %scan3A_135 to %scan3A_137 step %scan3A_138 iter_args(%scan3A_191 = %broadcast_in_dim3A_0, %scan3A_192 = %broadcast_in_dim3A_0, %scan3A_193 = %broadcast_in_dim3A_0, %scan3A_194 = %broadcast_in_dim3A_0) -> (vector<16xf32>, vector<16xf32>, vector<16xf32>, vector<16xf32>)  : i32 {
      %mul3A_195 = arith.constant 16 : i32
      %mul3A_196 = arith.muli %scan3A_190, %mul3A_195 : i32
      %get3A_197 = arith.index_cast %mul3A_196 : i32 to index
      %get3A_198 = tpu.vector_load %arg18[%get3A_197] {strides = array<i32>} : memref<640xf32, #tpu.memory_space<vmem>>, vector<16xf32>,
      %add3A_199 = arith.constant 0 : i32
      %add3A_200 = arith.addi %add3A_199, %mul3A_8 : i32
      %mul3A_201 = arith.constant 16 : i32
      %mul3A_202 = arith.muli %scan3A_190, %mul3A_201 : i32
      %add3A_203 = arith.addi %add3A_200, %mul3A_202 : i32
      %get3A_204 = arith.index_cast %add3A_203 : i32 to index
      %get3A_205 = tpu.vector_load %arg13[%get3A_204] {strides = array<i32>} : memref<40960xf32, #tpu.memory_space<vmem>>, vector<16xf32>,
      %mul3A_206 = arith.mulf %get3A_198, %get3A_205 : vector<16xf32>
      %add3A_207 = arith.addf %scan3A_191, %mul3A_206 : vector<16xf32>
      %add3A_208 = arith.constant 10240 : i32
      %add3A_209 = arith.addi %add3A_208, %mul3A_8 : i32
      %mul3A_210 = arith.constant 16 : i32
      %mul3A_211 = arith.muli %scan3A_190, %mul3A_210 : i32
      %add3A_212 = arith.addi %add3A_209, %mul3A_211 : i32
      %get3A_213 = arith.index_cast %add3A_212 : i32 to index
      %get3A_214 = tpu.vector_load %arg13[%get3A_213] {strides = array<i32>} : memref<40960xf32, #tpu.memory_space<vmem>>, vector<16xf32>,
      %mul3A_215 = arith.mulf %get3A_198, %get3A_214 : vector<16xf32>
      %add3A_216 = arith.addf %scan3A_192, %mul3A_215 : vector<16xf32>
      %add3A_217 = arith.constant 20480 : i32
      %add3A_218 = arith.addi %add3A_217, %mul3A_8 : i32
      %mul3A_219 = arith.constant 16 : i32
      %mul3A_220 = arith.muli %scan3A_190, %mul3A_219 : i32
      %add3A_221 = arith.addi %add3A_218, %mul3A_220 : i32
      %get3A_222 = arith.index_cast %add3A_221 : i32 to index
      %get3A_223 = tpu.vector_load %arg13[%get3A_222] {strides = array<i32>} : memref<40960xf32, #tpu.memory_space<vmem>>, vector<16xf32>,
      %mul3A_224 = arith.mulf %get3A_198, %get3A_223 : vector<16xf32>
      %add3A_225 = arith.addf %scan3A_193, %mul3A_224 : vector<16xf32>
      %add3A_226 = arith.constant 30720 : i32
      %add3A_227 = arith.addi %add3A_226, %mul3A_8 : i32
      %mul3A_228 = arith.constant 16 : i32
      %mul3A_229 = arith.muli %scan3A_190, %mul3A_228 : i32
      %add3A_230 = arith.addi %add3A_227, %mul3A_229 : i32
      %get3A_231 = arith.index_cast %add3A_230 : i32 to index
      %get3A_232 = tpu.vector_load %arg13[%get3A_231] {strides = array<i32>} : memref<40960xf32, #tpu.memory_space<vmem>>, vector<16xf32>,
      %mul3A_233 = arith.mulf %get3A_198, %get3A_232 : vector<16xf32>
      %add3A_234 = arith.addf %scan3A_194, %mul3A_233 : vector<16xf32>
      scf.yield %add3A_207, %add3A_216, %add3A_225, %add3A_234 : vector<16xf32>, vector<16xf32>, vector<16xf32>, vector<16xf32>
    }
    %scan3A_140 = arith.constant 40 : i32
    %eq3A = arith.constant 0 : i32
    %eq3A_141 = vector.broadcast %eq3A : i32 to vector<16xi32>
    %eq3A_142 = arith.cmpi eq, %iota3A, %eq3A_141 : vector<16xi32>
    %reduce_sum3A_143 = arith.constant true
    %reduce_sum3A_144 = vector.broadcast %reduce_sum3A_143 : i1 to vector<16xi1>
    %reduce_sum3A_145 = tpu.scan <sum>, %while3A_134 masked %reduce_sum3A_144 : vector<16xf32>, vector<16xi1> -> vector<16xf32>
    %reduce_sum3A_146 = vector.extract %reduce_sum3A_145[15] : f32 from vector<16xf32>
    %broadcast_in_dim3A_147 = vector.broadcast %reduce_sum3A_146 : f32 to vector<16xf32>
    %select_n3A = arith.select %eq3A_142, %broadcast_in_dim3A_147, %broadcast_in_dim3A_0 : vector<16xi1>, vector<16xf32>
    %eq3A_148 = arith.constant 1 : i32
    %eq3A_149 = vector.broadcast %eq3A_148 : i32 to vector<16xi32>
    %eq3A_150 = arith.cmpi eq, %iota3A, %eq3A_149 : vector<16xi32>
    %reduce_sum3A_151 = arith.constant true
    %reduce_sum3A_152 = vector.broadcast %reduce_sum3A_151 : i1 to vector<16xi1>
    %reduce_sum3A_153 = tpu.scan <sum>, %scan3A_139#0 masked %reduce_sum3A_152 : vector<16xf32>, vector<16xi1> -> vector<16xf32>
    %reduce_sum3A_154 = vector.extract %reduce_sum3A_153[15] : f32 from vector<16xf32>
    %broadcast_in_dim3A_155 = vector.broadcast %reduce_sum3A_154 : f32 to vector<16xf32>
    %select_n3A_156 = arith.select %eq3A_150, %broadcast_in_dim3A_155, %select_n3A : vector<16xi1>, vector<16xf32>
    %eq3A_157 = arith.constant 2 : i32
    %eq3A_158 = vector.broadcast %eq3A_157 : i32 to vector<16xi32>
    %eq3A_159 = arith.cmpi eq, %iota3A, %eq3A_158 : vector<16xi32>
    %reduce_sum3A_160 = arith.constant true
    %reduce_sum3A_161 = vector.broadcast %reduce_sum3A_160 : i1 to vector<16xi1>
    %reduce_sum3A_162 = tpu.scan <sum>, %scan3A_139#1 masked %reduce_sum3A_161 : vector<16xf32>, vector<16xi1> -> vector<16xf32>
    %reduce_sum3A_163 = vector.extract %reduce_sum3A_162[15] : f32 from vector<16xf32>
    %broadcast_in_dim3A_164 = vector.broadcast %reduce_sum3A_163 : f32 to vector<16xf32>
    %select_n3A_165 = arith.select %eq3A_159, %broadcast_in_dim3A_164, %select_n3A_156 : vector<16xi1>, vector<16xf32>
    %eq3A_166 = arith.constant 3 : i32
    %eq3A_167 = vector.broadcast %eq3A_166 : i32 to vector<16xi32>
    %eq3A_168 = arith.cmpi eq, %iota3A, %eq3A_167 : vector<16xi32>
    %reduce_sum3A_169 = arith.constant true
    %reduce_sum3A_170 = vector.broadcast %reduce_sum3A_169 : i1 to vector<16xi1>
    %reduce_sum3A_171 = tpu.scan <sum>, %scan3A_139#2 masked %reduce_sum3A_170 : vector<16xf32>, vector<16xi1> -> vector<16xf32>
    %reduce_sum3A_172 = vector.extract %reduce_sum3A_171[15] : f32 from vector<16xf32>
    %broadcast_in_dim3A_173 = vector.broadcast %reduce_sum3A_172 : f32 to vector<16xf32>
    %select_n3A_174 = arith.select %eq3A_168, %broadcast_in_dim3A_173, %select_n3A_165 : vector<16xi1>, vector<16xf32>
    %eq3A_175 = arith.constant 4 : i32
    %eq3A_176 = vector.broadcast %eq3A_175 : i32 to vector<16xi32>
    %eq3A_177 = arith.cmpi eq, %iota3A, %eq3A_176 : vector<16xi32>
    %reduce_sum3A_178 = arith.constant true
    %reduce_sum3A_179 = vector.broadcast %reduce_sum3A_178 : i1 to vector<16xi1>
    %reduce_sum3A_180 = tpu.scan <sum>, %scan3A_139#3 masked %reduce_sum3A_179 : vector<16xf32>, vector<16xi1> -> vector<16xf32>
    %reduce_sum3A_181 = vector.extract %reduce_sum3A_180[15] : f32 from vector<16xf32>
    %broadcast_in_dim3A_182 = vector.broadcast %reduce_sum3A_181 : f32 to vector<16xf32>
    %select_n3A_183 = arith.select %eq3A_177, %broadcast_in_dim3A_182, %select_n3A_174 : vector<16xi1>, vector<16xf32>
    %swap3A_184 = arith.constant 0 : index
    %swap3A_185 = tpu.vector_load %arg22[%swap3A_184] {strides = array<i32>} : memref<16xf32, #tpu.memory_space<vmem>>, vector<16xf32>,
    tpu.vector_store %arg22[%swap3A_184], %select_n3A_183 {strides = array<i32>} : memref<16xf32, #tpu.memory_space<vmem>>, vector<16xf32>,
    "tpu.region"() ({
      %run_scoped3A = tpu.sem_alloc : memref<!tpu.dma_semaphore, #tpu.memory_space<semaphore_mem>>
      %dma_start3A = arith.constant 0 : i32
      %dma_start3A_190 = tpu.memref_slice %arg12[%arg1, %dma_start3A] : memref<16x16xf32, #tpu.memory_space<hbm>> -> memref<1x16xf32, #tpu.memory_space<hbm>>
      %dma_start3A_191 = tpu.memref_squeeze %dma_start3A_190 : memref<1x16xf32, #tpu.memory_space<hbm>> -> memref<16xf32, #tpu.memory_space<hbm>>
      %dma_start3A_192 = arith.constant 0 : i32
      %dma_start3A_193 = tpu.memref_slice %arg12[%arg1, %dma_start3A_192] : memref<16x16xf32, #tpu.memory_space<hbm>> -> memref<1x16xf32, #tpu.memory_space<hbm>>
      %dma_start3A_194 = tpu.memref_squeeze %dma_start3A_193 : memref<1x16xf32, #tpu.memory_space<hbm>> -> memref<16xf32, #tpu.memory_space<hbm>>
      tpu.enqueue_dma source(%arg22 : memref<16xf32, #tpu.memory_space<vmem>>) target(%dma_start3A_194 : memref<16xf32, #tpu.memory_space<hbm>>) target_semaphore(%run_scoped3A : memref<!tpu.dma_semaphore, #tpu.memory_space<semaphore_mem>>)
      %dma_wait3A = arith.constant 0 : i32
      %dma_wait3A_195 = tpu.memref_slice %arg12[%arg1, %dma_wait3A] : memref<16x16xf32, #tpu.memory_space<hbm>> -> memref<1x16xf32, #tpu.memory_space<hbm>>
      %dma_wait3A_196 = tpu.memref_squeeze %dma_wait3A_195 : memref<1x16xf32, #tpu.memory_space<hbm>> -> memref<16xf32, #tpu.memory_space<hbm>>
      %dma_wait3A_197 = arith.constant 0 : i32
      %dma_wait3A_198 = tpu.memref_slice %arg12[%arg1, %dma_wait3A_197] : memref<16x16xf32, #tpu.memory_space<hbm>> -> memref<1x16xf32, #tpu.memory_space<hbm>>
      %dma_wait3A_199 = tpu.memref_squeeze %dma_wait3A_198 : memref<1x16xf32, #tpu.memory_space<hbm>> -> memref<16xf32, #tpu.memory_space<hbm>>
      tpu.wait_dma2 semaphore(%run_scoped3A : memref<!tpu.dma_semaphore, #tpu.memory_space<semaphore_mem>>) src(%arg22 : memref<16xf32, #tpu.memory_space<vmem>>) dst(%dma_wait3A_199 : memref<16xf32, #tpu.memory_space<hbm>>)
      tpu.yield
    }) : () -> ()
    %barrier3A_186 = arith.constant 0 : index
    tpu.barrier barrier_id(%barrier3A_186)
    %eq3A_187 = arith.constant 0 : i32
    %eq3A_188 = arith.cmpi eq, %arg1, %eq3A_187 : i32
    %convert_element_type3A = arith.extui %eq3A_188 : i1 to i32
    %cond3A = arith.constant 0 : i32
    %cond3A_189 = arith.cmpi ne, %convert_element_type3A, %cond3A : i32
    scf.if %cond3A_189 {
      "tpu.region"() ({
        %run_scoped3A = tpu.sem_alloc : memref<!tpu.dma_semaphore, #tpu.memory_space<semaphore_mem>>
        tpu.enqueue_dma source(%arg12 : memref<16x16xf32, #tpu.memory_space<hbm>>) target(%arg23 : memref<16x16xf32, #tpu.memory_space<vmem>>) target_semaphore(%run_scoped3A : memref<!tpu.dma_semaphore, #tpu.memory_space<semaphore_mem>>)
        tpu.wait_dma2 semaphore(%run_scoped3A : memref<!tpu.dma_semaphore, #tpu.memory_space<semaphore_mem>>) src(%arg12 : memref<16x16xf32, #tpu.memory_space<hbm>>) dst(%arg23 : memref<16x16xf32, #tpu.memory_space<vmem>>)
        tpu.yield
      }) : () -> ()
      %get3A_190 = arith.constant 0 : i32
      %get3A_191 = arith.index_cast %get3A_190 : i32 to index
      %get3A_192 = arith.constant 0 : index
      %get3A_193 = tpu.vector_load %arg23[%get3A_191, %get3A_192] {strides = array<i32>} : memref<16x16xf32, #tpu.memory_space<vmem>>, vector<16xf32>,
      %add3A_194 = arith.addf %broadcast_in_dim3A_0, %get3A_193 : vector<16xf32>
      %get3A_195 = arith.constant 1 : i32
      %get3A_196 = arith.index_cast %get3A_195 : i32 to index
      %get3A_197 = arith.constant 0 : index
      %get3A_198 = tpu.vector_load %arg23[%get3A_196, %get3A_197] {strides = array<i32>} : memref<16x16xf32, #tpu.memory_space<vmem>>, vector<16xf32>,
      %add3A_199 = arith.addf %add3A_194, %get3A_198 : vector<16xf32>
      %get3A_200 = arith.constant 2 : i32
      %get3A_201 = arith.index_cast %get3A_200 : i32 to index
      %get3A_202 = arith.constant 0 : index
      %get3A_203 = tpu.vector_load %arg23[%get3A_201, %get3A_202] {strides = array<i32>} : memref<16x16xf32, #tpu.memory_space<vmem>>, vector<16xf32>,
      %add3A_204 = arith.addf %add3A_199, %get3A_203 : vector<16xf32>
      %get3A_205 = arith.constant 3 : i32
      %get3A_206 = arith.index_cast %get3A_205 : i32 to index
      %get3A_207 = arith.constant 0 : index
      %get3A_208 = tpu.vector_load %arg23[%get3A_206, %get3A_207] {strides = array<i32>} : memref<16x16xf32, #tpu.memory_space<vmem>>, vector<16xf32>,
      %add3A_209 = arith.addf %add3A_204, %get3A_208 : vector<16xf32>
      %get3A_210 = arith.constant 4 : i32
      %get3A_211 = arith.index_cast %get3A_210 : i32 to index
      %get3A_212 = arith.constant 0 : index
      %get3A_213 = tpu.vector_load %arg23[%get3A_211, %get3A_212] {strides = array<i32>} : memref<16x16xf32, #tpu.memory_space<vmem>>, vector<16xf32>,
      %add3A_214 = arith.addf %add3A_209, %get3A_213 : vector<16xf32>
      %get3A_215 = arith.constant 5 : i32
      %get3A_216 = arith.index_cast %get3A_215 : i32 to index
      %get3A_217 = arith.constant 0 : index
      %get3A_218 = tpu.vector_load %arg23[%get3A_216, %get3A_217] {strides = array<i32>} : memref<16x16xf32, #tpu.memory_space<vmem>>, vector<16xf32>,
      %add3A_219 = arith.addf %add3A_214, %get3A_218 : vector<16xf32>
      %get3A_220 = arith.constant 6 : i32
      %get3A_221 = arith.index_cast %get3A_220 : i32 to index
      %get3A_222 = arith.constant 0 : index
      %get3A_223 = tpu.vector_load %arg23[%get3A_221, %get3A_222] {strides = array<i32>} : memref<16x16xf32, #tpu.memory_space<vmem>>, vector<16xf32>,
      %add3A_224 = arith.addf %add3A_219, %get3A_223 : vector<16xf32>
      %get3A_225 = arith.constant 7 : i32
      %get3A_226 = arith.index_cast %get3A_225 : i32 to index
      %get3A_227 = arith.constant 0 : index
      %get3A_228 = tpu.vector_load %arg23[%get3A_226, %get3A_227] {strides = array<i32>} : memref<16x16xf32, #tpu.memory_space<vmem>>, vector<16xf32>,
      %add3A_229 = arith.addf %add3A_224, %get3A_228 : vector<16xf32>
      %get3A_230 = arith.constant 8 : i32
      %get3A_231 = arith.index_cast %get3A_230 : i32 to index
      %get3A_232 = arith.constant 0 : index
      %get3A_233 = tpu.vector_load %arg23[%get3A_231, %get3A_232] {strides = array<i32>} : memref<16x16xf32, #tpu.memory_space<vmem>>, vector<16xf32>,
      %add3A_234 = arith.addf %add3A_229, %get3A_233 : vector<16xf32>
      %get3A_235 = arith.constant 9 : i32
      %get3A_236 = arith.index_cast %get3A_235 : i32 to index
      %get3A_237 = arith.constant 0 : index
      %get3A_238 = tpu.vector_load %arg23[%get3A_236, %get3A_237] {strides = array<i32>} : memref<16x16xf32, #tpu.memory_space<vmem>>, vector<16xf32>,
      %add3A_239 = arith.addf %add3A_234, %get3A_238 : vector<16xf32>
      %get3A_240 = arith.constant 10 : i32
      %get3A_241 = arith.index_cast %get3A_240 : i32 to index
      %get3A_242 = arith.constant 0 : index
      %get3A_243 = tpu.vector_load %arg23[%get3A_241, %get3A_242] {strides = array<i32>} : memref<16x16xf32, #tpu.memory_space<vmem>>, vector<16xf32>,
      %add3A_244 = arith.addf %add3A_239, %get3A_243 : vector<16xf32>
      %get3A_245 = arith.constant 11 : i32
      %get3A_246 = arith.index_cast %get3A_245 : i32 to index
      %get3A_247 = arith.constant 0 : index
      %get3A_248 = tpu.vector_load %arg23[%get3A_246, %get3A_247] {strides = array<i32>} : memref<16x16xf32, #tpu.memory_space<vmem>>, vector<16xf32>,
      %add3A_249 = arith.addf %add3A_244, %get3A_248 : vector<16xf32>
      %get3A_250 = arith.constant 12 : i32
      %get3A_251 = arith.index_cast %get3A_250 : i32 to index
      %get3A_252 = arith.constant 0 : index
      %get3A_253 = tpu.vector_load %arg23[%get3A_251, %get3A_252] {strides = array<i32>} : memref<16x16xf32, #tpu.memory_space<vmem>>, vector<16xf32>,
      %add3A_254 = arith.addf %add3A_249, %get3A_253 : vector<16xf32>
      %get3A_255 = arith.constant 13 : i32
      %get3A_256 = arith.index_cast %get3A_255 : i32 to index
      %get3A_257 = arith.constant 0 : index
      %get3A_258 = tpu.vector_load %arg23[%get3A_256, %get3A_257] {strides = array<i32>} : memref<16x16xf32, #tpu.memory_space<vmem>>, vector<16xf32>,
      %add3A_259 = arith.addf %add3A_254, %get3A_258 : vector<16xf32>
      %get3A_260 = arith.constant 14 : i32
      %get3A_261 = arith.index_cast %get3A_260 : i32 to index
      %get3A_262 = arith.constant 0 : index
      %get3A_263 = tpu.vector_load %arg23[%get3A_261, %get3A_262] {strides = array<i32>} : memref<16x16xf32, #tpu.memory_space<vmem>>, vector<16xf32>,
      %add3A_264 = arith.addf %add3A_259, %get3A_263 : vector<16xf32>
      %get3A_265 = arith.constant 15 : i32
      %get3A_266 = arith.index_cast %get3A_265 : i32 to index
      %get3A_267 = arith.constant 0 : index
      %get3A_268 = tpu.vector_load %arg23[%get3A_266, %get3A_267] {strides = array<i32>} : memref<16x16xf32, #tpu.memory_space<vmem>>, vector<16xf32>,
      %add3A_269 = arith.addf %add3A_264, %get3A_268 : vector<16xf32>
      %eq3A_270 = arith.constant 0 : i32
      %eq3A_271 = vector.broadcast %eq3A_270 : i32 to vector<16xi32>
      %eq3A_272 = arith.cmpi eq, %iota3A, %eq3A_271 : vector<16xi32>
      %jit3A = arith.constant 0.000000e+00 : f32
      %broadcast_in_dim3A_273 = vector.broadcast %jit3A : f32 to vector<16xf32>
      %select_n3A_274 = arith.select %eq3A_272, %add3A_269, %broadcast_in_dim3A_273 : vector<16xi1>, vector<16xf32>
      %reduce_sum3A_275 = arith.constant true
      %reduce_sum3A_276 = vector.broadcast %reduce_sum3A_275 : i1 to vector<16xi1>
      %reduce_sum3A_277 = tpu.scan <sum>, %select_n3A_274 masked %reduce_sum3A_276 : vector<16xf32>, vector<16xi1> -> vector<16xf32>
      %reduce_sum3A_278 = vector.extract %reduce_sum3A_277[15] : f32 from vector<16xf32>
      %broadcast_in_dim3A_279 = vector.broadcast %reduce_sum3A_278 : f32 to vector<16xf32>
      %mul3A_280 = arith.mulf %broadcast_in_dim3A_279, %div3A_114 : vector<16xf32>
      %eq3A_281 = arith.constant 1 : i32
      %eq3A_282 = vector.broadcast %eq3A_281 : i32 to vector<16xi32>
      %eq3A_283 = arith.cmpi eq, %iota3A, %eq3A_282 : vector<16xi32>
      %jit3A_284 = arith.constant 0.000000e+00 : f32
      %broadcast_in_dim3A_285 = vector.broadcast %jit3A_284 : f32 to vector<16xf32>
      %select_n3A_286 = arith.select %eq3A_283, %add3A_269, %broadcast_in_dim3A_285 : vector<16xi1>, vector<16xf32>
      %reduce_sum3A_287 = arith.constant true
      %reduce_sum3A_288 = vector.broadcast %reduce_sum3A_287 : i1 to vector<16xi1>
      %reduce_sum3A_289 = tpu.scan <sum>, %select_n3A_286 masked %reduce_sum3A_288 : vector<16xf32>, vector<16xi1> -> vector<16xf32>
      %reduce_sum3A_290 = vector.extract %reduce_sum3A_289[15] : f32 from vector<16xf32>
      %broadcast_in_dim3A_291 = vector.broadcast %reduce_sum3A_290 : f32 to vector<16xf32>
      %mul3A_292 = arith.mulf %broadcast_in_dim3A_291, %div3A_114 : vector<16xf32>
      %mul3A_293 = arith.mulf %mul3A_292, %mul3A_292 : vector<16xf32>
      %sub3A = arith.subf %mul3A_280, %mul3A_293 : vector<16xf32>
      %eq3A_294 = arith.constant 2 : i32
      %eq3A_295 = vector.broadcast %eq3A_294 : i32 to vector<16xi32>
      %eq3A_296 = arith.cmpi eq, %iota3A, %eq3A_295 : vector<16xi32>
      %jit3A_297 = arith.constant 0.000000e+00 : f32
      %broadcast_in_dim3A_298 = vector.broadcast %jit3A_297 : f32 to vector<16xf32>
      %select_n3A_299 = arith.select %eq3A_296, %add3A_269, %broadcast_in_dim3A_298 : vector<16xi1>, vector<16xf32>
      %reduce_sum3A_300 = arith.constant true
      %reduce_sum3A_301 = vector.broadcast %reduce_sum3A_300 : i1 to vector<16xi1>
      %reduce_sum3A_302 = tpu.scan <sum>, %select_n3A_299 masked %reduce_sum3A_301 : vector<16xf32>, vector<16xi1> -> vector<16xf32>
      %reduce_sum3A_303 = vector.extract %reduce_sum3A_302[15] : f32 from vector<16xf32>
      %broadcast_in_dim3A_304 = vector.broadcast %reduce_sum3A_303 : f32 to vector<16xf32>
      %mul3A_305 = arith.mulf %broadcast_in_dim3A_304, %div3A_114 : vector<16xf32>
      %mul3A_306 = arith.mulf %mul3A_305, %mul3A_305 : vector<16xf32>
      %sub3A_307 = arith.subf %sub3A, %mul3A_306 : vector<16xf32>
      %eq3A_308 = arith.constant 3 : i32
      %eq3A_309 = vector.broadcast %eq3A_308 : i32 to vector<16xi32>
      %eq3A_310 = arith.cmpi eq, %iota3A, %eq3A_309 : vector<16xi32>
      %jit3A_311 = arith.constant 0.000000e+00 : f32
      %broadcast_in_dim3A_312 = vector.broadcast %jit3A_311 : f32 to vector<16xf32>
      %select_n3A_313 = arith.select %eq3A_310, %add3A_269, %broadcast_in_dim3A_312 : vector<16xi1>, vector<16xf32>
      %reduce_sum3A_314 = arith.constant true
      %reduce_sum3A_315 = vector.broadcast %reduce_sum3A_314 : i1 to vector<16xi1>
      %reduce_sum3A_316 = tpu.scan <sum>, %select_n3A_313 masked %reduce_sum3A_315 : vector<16xf32>, vector<16xi1> -> vector<16xf32>
      %reduce_sum3A_317 = vector.extract %reduce_sum3A_316[15] : f32 from vector<16xf32>
      %broadcast_in_dim3A_318 = vector.broadcast %reduce_sum3A_317 : f32 to vector<16xf32>
      %mul3A_319 = arith.mulf %broadcast_in_dim3A_318, %div3A_114 : vector<16xf32>
      %mul3A_320 = arith.mulf %mul3A_319, %mul3A_319 : vector<16xf32>
      %sub3A_321 = arith.subf %sub3A_307, %mul3A_320 : vector<16xf32>
      %eq3A_322 = arith.constant 4 : i32
      %eq3A_323 = vector.broadcast %eq3A_322 : i32 to vector<16xi32>
      %eq3A_324 = arith.cmpi eq, %iota3A, %eq3A_323 : vector<16xi32>
      %jit3A_325 = arith.constant 0.000000e+00 : f32
      %broadcast_in_dim3A_326 = vector.broadcast %jit3A_325 : f32 to vector<16xf32>
      %select_n3A_327 = arith.select %eq3A_324, %add3A_269, %broadcast_in_dim3A_326 : vector<16xi1>, vector<16xf32>
      %reduce_sum3A_328 = arith.constant true
      %reduce_sum3A_329 = vector.broadcast %reduce_sum3A_328 : i1 to vector<16xi1>
      %reduce_sum3A_330 = tpu.scan <sum>, %select_n3A_327 masked %reduce_sum3A_329 : vector<16xf32>, vector<16xi1> -> vector<16xf32>
      %reduce_sum3A_331 = vector.extract %reduce_sum3A_330[15] : f32 from vector<16xf32>
      %broadcast_in_dim3A_332 = vector.broadcast %reduce_sum3A_331 : f32 to vector<16xf32>
      %mul3A_333 = arith.mulf %broadcast_in_dim3A_332, %div3A_114 : vector<16xf32>
      %mul3A_334 = arith.mulf %mul3A_333, %mul3A_333 : vector<16xf32>
      %sub3A_335 = arith.subf %sub3A_321, %mul3A_334 : vector<16xf32>
      %swap3A_336 = arith.constant 0 : index
      %swap3A_337 = tpu.vector_load %arg22[%swap3A_336] {strides = array<i32>} : memref<16xf32, #tpu.memory_space<vmem>>, vector<16xf32>,
      tpu.vector_store %arg22[%swap3A_336], %sub3A_335 {strides = array<i32>} : memref<16xf32, #tpu.memory_space<vmem>>, vector<16xf32>,
      "tpu.region"() ({
        %run_scoped3A = tpu.sem_alloc : memref<!tpu.dma_semaphore, #tpu.memory_space<semaphore_mem>>
        tpu.enqueue_dma source(%arg22 : memref<16xf32, #tpu.memory_space<vmem>>) target(%arg10 : memref<16xf32, #tpu.memory_space<hbm>>) target_semaphore(%run_scoped3A : memref<!tpu.dma_semaphore, #tpu.memory_space<semaphore_mem>>)
        tpu.wait_dma2 semaphore(%run_scoped3A : memref<!tpu.dma_semaphore, #tpu.memory_space<semaphore_mem>>) src(%arg22 : memref<16xf32, #tpu.memory_space<vmem>>) dst(%arg10 : memref<16xf32, #tpu.memory_space<hbm>>)
        tpu.yield
      }) : () -> ()
    } else {
    }
    return
  }
}

</mosaic_0001>

<sc_bundles>
// kernel: gather_offload_async_start.1
scs
__scs_entry_jumppad:
0x0: {  	(pc) =	sbr.rel $0x88, $3  }
0x1: {  	(tag) =	ssettag $0x0;
	lr =	simm.s32 $0x1  }
0x2: {  	[smem:$0x3F9E] =	sst lr;
	_ =	strace $0xD0000000  }
0x3: {  	_ = 	snop  }
0x4: {  	_ = 	snop  }
0x5: {  	_ = 	snop  }
0x6: {  	_ = 	snop  }
0x7: {  	_ = 	snop  }
__scs_overlays_trampoline_lowered:
0x8: {  	[smem:$0x3FAD] =	sst s0  }
0x9: {  	[smem:$0x3FAE] =	sst s1  }
0xa: {  	[smem:$0x3FAF] =	sst s2  }
0xb: {  	[smem:$0x3FB0] =	sst s3  }
0xc: {  	[smem:$0x3FB1] =	sst s4  }
0xd: {  	[smem:$0x3FB2] =	sst s5  }
0xe: {  	[smem:$0x3FB3] =	sst s6  }
0xf: {  	[smem:$0x3FB4] =	sst s7  }
0x10: {  	[smem:$0x3FB5] =	sst s8  }
0x11: {  	[smem:$0x3FB6] =	sst s9;
	s0 =	simm.s32 @!p0 $0x0  }
0x12: {  	s1 =	sld [smem:$0x3F9C];
	s0 =	simm.s32 @p0 $0x1  }
0x13: {  	[smem:$0x3FB7] =	sst s0;
	s0 =	simm.s32 @!p1 $0x0  }
0x14: {  	s2 =	sld [smem:$0x3F9B];
	s0 =	simm.s32 @p1 $0x1  }
0x15: {  	[smem:$0x3FB8] =	sst s0;
	s0 =	simm.s32 @!p2 $0x0  }
0x16: {  	s3 =	sld [smem:$0x3FDB];
	s0 =	simm.s32 @p2 $0x1  }
0x17: {  	s4 =	simm.s32 $0x1BF5;
	[smem:$0x3FBA] =	sst s0  }
0x18: {  	s0 =	sld [smem:$0x3F9D];
	_ =	swait.ge [sflag:s4], $0x0  }
0x19: {  	s7 =	sld [smem:$0x3F9E]  }
0x1a: {  	s8 =	sadd.s32 $0xFFFFE003, lr  }
0x1b: {  	s9 =	sadd.s32 $0xFFFFFEF7, lr;
	s5 =	simm.s32 $0xFFFFFFFF;
	p2 =	slt.u32 s8, $0xFFFFF086  }
0x1c: {  	p1 =	slt.u32 s9, $0xF7A;
	s5 =	simm.s32 @!p2 $0x0  }
0x1d: {  	s5 =	simm.s32 @p1 $0x1;
	p0 =	seq.s32 s7, s2  }
0x1e: {  	s7 =	smul.u32 @!p0 $0xF7A, s2;
	p2 =	seq.s32 @!p0 s5, $0x0  }
0x1f: {  	s9 =	smul.u32 $0xF7A, s1;
	s8 =	simm.s32 @!p0 $0x1BF5;
	p2 =	por !p2, p0  }
0x20: {  	[sflag:s8] =	ssyncset.s32 @!p0 $0xFFFFF086;
	s6 =	sadd.s32 @!p0 s3, s7;
	s7 =	simm.s32 @!p0 $0x108  }
0x21: {  	s3 =	sadd.s32 s3, s9;
	s6 =	sadd.s32 @!p0 $0x88, s6;
	s7 =	simm.s32 @p2 $0x1082  }
0x22: {  	[simem:s7], [sflag:s8] =	dma.local @!p0 [hbm:s6], $0xF7A  }
0x23: {  	s9 =	sor.u32 $0xD0000000, s2;
	s6 =	simm.s32 $0x108;
	_ =	swait.ge @!p0 [sflag:s8], $0x0  }
0x24: {  	s3 =	sadd.s32 $0x88, s3;
	s6 =	simm.s32 @!p1 $0x1082;
	[sflag:s4] =	ssyncset.s32 $0xFFFFF086  }
0x25: {  	[simem:s6], [sflag:s4] =	dma.local [hbm:s3], $0xF7A  }
0x26: {  	[smem:$0x3F9E] =	sst s1;
	(tag) =	ssettag s2;
	_ =	strace s9  }
0x27: {  	s1 =	sld [smem:$0x3FAE]  }
0x28: {  	s2 =	sld [smem:$0x3FAF]  }
0x29: {  	s4 =	sld [smem:$0x3FB1]  }
0x2a: {  	p0 =	seq.s32 s5, $0x0;
	s5 =	sld [smem:$0x3FB2]  }
0x2b: {  	s6 =	sld [smem:$0x3FB3]  }
0x2c: {  	s7 =	sld [smem:$0x3FB4]  }
0x2d: {  	s3 =	simm.s32 $0x108;
	s8 =	sld [smem:$0x3FB5]  }
0x2e: {  	s3 =	simm.s32 @!p0 $0x1082;
	s9 =	sld [smem:$0x3FB6]  }
0x2f: {  	lr =	sadd.s32 s0, s3;
	s0 =	sld [smem:$0x3FAD]  }
0x30: {  	s3 =	sld [smem:$0x3FB0]  }
0x31: {  	[smem:$0x3FB9] =	sst s10  }
0x32: {  	s10 =	sld [smem:$0x3FB7];
	_ =	sdelay $0x3  }
0x33: {  	p0 =	seq.s32 s10, $0x1;
	s10 =	sld [smem:$0x3FB9];
	_ =	sdelay $0x3  }
0x34: {  	[smem:$0x3FB9] =	sst s10  }
0x35: {  	s10 =	sld [smem:$0x3FB8];
	_ =	sdelay $0x3  }
0x36: {  	p1 =	seq.s32 s10, $0x1;
	s10 =	sld [smem:$0x3FB9];
	_ =	sdelay $0x3  }
0x37: {  	[smem:$0x3FB9] =	sst s10  }
0x38: {  	s10 =	sld [smem:$0x3FBA]  }
0x39: {  	_ = 	snop;
	(pc) =	sbr.ind lr, $3  }
0x3a: {  	_ = 	snop  }
0x3b: {  	_ = 	snop  }
0x3c: {  	p2 =	seq.s32 s10, $0x1;
	s10 =	sld [smem:$0x3FB9]  }
0x3d: {  	_ =	shalt  }
0x3e: {  	_ =	shalt  }
0x3f: {  	_ =	shalt  }
0x40: {  	_ =	shalt  }
0x41: {  	_ =	shalt  }
0x42: {  	_ =	shalt  }
0x43: {  	_ =	shalt  }
0x44: {  	_ =	shalt  }
0x45: {  	_ =	shalt  }
0x46: {  	_ =	shalt  }
0x47: {  	_ =	shalt  }
0x48: {  	_ =	shalt  }
0x49: {  	_ =	shalt  }
0x4a: {  	_ =	shalt  }
0x4b: {  	_ =	shalt  }
0x4c: {  	_ =	shalt  }
0x4d: {  	_ =	shalt  }
0x4e: {  	_ =	shalt  }
0x4f: {  	_ =	shalt  }
0x50: {  	_ =	shalt  }
0x51: {  	_ =	shalt  }
0x52: {  	_ =	shalt  }
0x53: {  	_ =	shalt  }
0x54: {  	_ =	shalt  }
0x55: {  	_ =	shalt  }
0x56: {  	_ =	shalt  }
0x57: {  	_ =	shalt  }
0x58: {  	_ =	shalt  }
0x59: {  	_ =	shalt  }
0x5a: {  	_ =	shalt  }
0x5b: {  	_ =	shalt  }
0x5c: {  	_ =	shalt  }
0x5d: {  	_ =	shalt  }
0x5e: {  	_ =	shalt  }
0x5f: {  	_ =	shalt  }
0x60: {  	_ =	shalt  }
0x61: {  	_ =	shalt  }
0x62: {  	_ =	shalt  }
0x63: {  	_ =	shalt  }
0x64: {  	_ =	shalt  }
0x65: {  	_ =	shalt  }
0x66: {  	_ =	shalt  }
0x67: {  	_ =	shalt  }
0x68: {  	_ =	shalt  }
0x69: {  	_ =	shalt  }
0x6a: {  	_ =	shalt  }
0x6b: {  	_ =	shalt  }
0x6c: {  	_ =	shalt  }
0x6d: {  	_ =	shalt  }
0x6e: {  	_ =	shalt  }
0x6f: {  	_ =	shalt  }
0x70: {  	_ =	shalt  }
0x71: {  	_ =	shalt  }
0x72: {  	_ =	shalt  }
0x73: {  	_ =	shalt  }
0x74: {  	_ =	shalt  }
0x75: {  	_ =	shalt  }
0x76: {  	_ =	shalt  }
0x77: {  	_ =	shalt  }
0x78: {  	_ =	shalt  }
0x79: {  	_ =	shalt  }
0x7a: {  	_ =	shalt  }
0x7b: {  	_ =	shalt  }
0x7c: {  	_ =	shalt  }
0x7d: {  	_ =	shalt  }
0x7e: {  	_ =	shalt  }
0x7f: {  	_ =	shalt  }
0x80: {  	_ =	shalt  }
0x81: {  	_ =	shalt  }
0x82: {  	_ =	shalt  }
0x83: {  	_ =	shalt  }
0x84: {  	_ =	shalt  }
0x85: {  	_ =	shalt  }
0x86: {  	_ =	shalt  }
0x87: {  	_ =	shalt  }
.Lfunc_end0:
.L_simem_size_0:
called_computation.1_lowered:
.L_overlay_start_0:
0x88: {  	s2 =	sld [smem:$0x3FD9]  }
0x89: {  	s3 =	sld [smem:$0x3FFE];
	_ =	sdelay $0x1  }
0x8a: {  	s1 =	srdreg.scid  }
0x8b: {  	s0 =	sand.u32 $0x1, s1  }
0x8c: {  	s16 =	sshll.u32 s0, $0xA;
	s2 =	sadd.s32 s3, s2  }
0x8d: {  	s2 =	sadd.s32 s2, s16  }
0x8e: {  	[smem:$0x3FC5] =	sst s2  }
0x8f: {  	_ = 	snop  }
0x90: {  	(tm) =	ssettm $0x1  }
0x91: {  	s17 =	sld [smem:$0x3FFB];
	_ =	sdelay $0x3  }
0x92: {  	_ =	strace s17  }
0x93: {  	s2 =	sld [smem:$0x3FFC];
	_ =	sdelay $0x3  }
0x94: {  	_ =	strace s2  }
0x95: {  	s2 =	sld [smem:$0x3FFD];
	_ =	sdelay $0x3  }
0x96: {  	_ =	strace s2  }
0x97: {  	_ =	strace $0x8FFFFFFF  }
0x98: {  	s18 =	sld [smem:$0x3FDB];
	_ =	sdelay $0x1  }
0x99: {  	s19 =	simm.s32 $_scs_section_size  }
0x9a: {  	s4 =	simm.s32 $_size__tile_overlayer_lowered;
	s5 =	simm.s32 $_tile_overlayer_lowered  }
0x9b: {  	s22 =	simm.s32 $0x1BFF;
	s21 =	sshll.u32 s5, $0x1;
	s2 =	sadd.s32 s19, s18  }
0x9c: {  	s6 =	simm.s32 $0x0;
	s20 =	sshll.u32 s4, $0x1;
	s4 =	sadd.s32 s21, s2  }
0x9d: {  	[timem:s6], [sflag:s22] =	dma.local [hbm:s4], s20  }
0x9e: {  	_ =	swait.ge [sflag:s22], s20  }
0x9f: {  	s3 =	ssub.s32 $0x0, s20;
	[sflag:s22] =	ssyncset.done $0x0  }
0xa0: {  	[sflag:s22] =	ssyncadd.s32 s3;
	_ =	sdelay $0x1  }
0xa1: {  	s23 =	simm.s32 $0x1B8B  }
0xa2: {  	_ =	swait.ge [sflag:s23], $0x1  }
0xa3: {  	[sflag:s23] =	ssyncset.done $0x0  }
0xa4: {  	s25 =	simm.s32 $0x1B8E;
	s24 =	sld [smem:$0x3FFE];
	[sflag:s23] =	ssyncadd.s32 $0xFFFFFFFF  }
0xa5: {  	s26 =	simm.s32 $execute0_lowered;
	[smem:$0x3FD2] =	sst s25  }
0xa6: {  	s4 =	sshll.u32 s26, $0x1;
	_ =	strace $0x80000046;
	[dreg:$0x1] =	wrdreg $0xFFFFFFFF  }
0xa7: {  	s28 =	simm.s32 $_size_execute0_lowered;
	s2 =	sadd.s32 s2, s4;
	[dreg:$0x0] =	wrdreg $0x0  }
0xa8: {  	s4 =	sshll.u32 s28, $0x1;
	[dreg:$0x2] =	wrdreg s2  }
0xa9: {  	[dreg:$0x3] =	wrdreg s4  }
0xaa: {  	[dreg:$0x4] =	wrdreg $0xC0  }
0xab: {  	_ =	task [dreg:s6], $0x5FFFF  }
0xac: {  	[dreg:$0x1] =	wrdreg $0xFFFFFFFF  }
0xad: {  	[dreg:$0x0] =	wrdreg $0x60  }
0xae: {  	[dreg:$0x2] =	wrdreg s24  }
0xaf: {  	[dreg:$0x3] =	wrdreg $0x9  }
0xb0: {  	_ =	task.clear_ibuf [dreg:s6], $0x4FFFF;
	_ =	strace $0x90000046  }
0xb1: {  	s29 =	simm.s32 $0x9;
	_ =	strace $0x80000048  }
0xb2: {  	_ =	swait.ge [sflag:s29], $0x1  }
0xb3: {  	[sflag:s29] =	ssyncadd.s32 $0xFFFFFFFF  }
0xb4: {  	_ =	strace $0x90000048  }
0xb5: {  	_ =	sfence  }
0xb6: {  	s30 =	sld [smem:$0x0];
	_ =	sdelay $0x2  }
0xb7: {  	s31 =	sshll.u32 s1, $0xD;
	s1 =	sshrl.u32 s1, $0x2  }
0xb8: {  	s3 =	sand.u32 $0x4000, s31;
	s1 =	sadd.s32 s1, s30  }
0xb9: {  	s0 =	sor.u32 s3, s0;
	s1 =	sshll.u32 s1, $0x11  }
0xba: {  	s0 =	sor.u32 s1, s0  }
0xbb: {  	s0 =	sadd.s32 $0x8F2B, s0  }
0xbc: {  	[sflag:s0] =	ssyncadd.remote.s32 $0x1  }
0xbd: {  	_ =	sfence.sel $0xFFFF  }
0xbe: {  	[dreg:$0x0] =	wrdreg $0xFFFFFFFF;
	(pc) =	sbr.abs _section_cstart, $3  }
0xbf: {  	[dreg:$0x1] =	wrdreg $0xFFFFFFFF  }
0xc0: {  	_ =	task.clear_ibuf [dreg:s6], $0x2FFFF;
	_ =	strace $0x9FFFFFFF  }
0xc1: {  	(tm) =	ssettm $0x7FFFFFFF  }
tec
execute0_lowered:
.L_overlay_start_1:
0x0: {  	(tag) =	ssettag $0x1  }
0x1: {  	s8 =	rddreg [dreg:$0x0]  }
0x2: {  	s0 =	rddreg [dreg:$0x1];
	_ =	strace $0x80000047;
	s1 =	stileid.u32  }
0x3: {  	s3 =	srdreg.scid;
	s4 =	simm.s32 $0x1;
	s7 =	simm.s32 $0x1  }
0x4: {  	s9 =	simm.s32 $0x1;
	s10 =	simm.s32 $0x3;
	s13 =	simm.s32 $0x0  }
0x5: {  	s12 =	simm.s32 $0x0;
	s5 =	sand.u32 $0x1, s3;
	s6 =	sshll.u32 s1, $0x1  }
0x6: {  	s2 =	sadd.s32 $0xA000, s8;
	s3 =	sadd.s32 $0x13E00, s8;
	s5 =	sor.u32 s6, s5  }
.Ltmp0:
0x7: {  	[sflag:s4] =	ssyncpa.u1 $0x0;
	p0 =	slt.u32 s5, $0x9;
	(pc) =	sbr.rel .LBB2_1-.Ltmp0, $4  }
0x8: {  	s6 =	simm.s32 $0x2;
	s7 =	simm.s32 @!p0 $0x0;
	p0 =	sne.s32 s5, $0x8  }
0x9: {  	[sflag:s6] =	ssyncpa.u1 $0x0;
	s5 =	smul.u32 $0x1F40, s5;
	s9 =	simm.s32 @!p0 $0x0  }
0xa: {  	s8 =	sadd.s32 $0x1F000, s8;
	[sflag:s10] =	ssyncpa.u1 $0x0;
	s7 =	sadd.s32 s9, s7  }
0xb: {  	vm0 =	vmmov $0xffff;
	s10 =	simm.s32 $0x0;
	s11 =	smov.u32 s5;
	s9 =	sadd.s32 $0x1, s7  }
.LBB2_4:
0xc: {  	v2 =	vnsel vm1, $0x0, v2  }
0xd: {  	vm1 =	vgt.s32 v0, $0x0;
	v2 =	vmin.u32 v2, $0x4E1FF  }
0xe: {  	v0 =	vnsel vm1, $0x0, v0  }
0xf: {  	v0 =	vmin.u32 v0, $0x4E1FF  }
0x10: {  	[tilespmem:s18], [sflag:$0x1] =	stream.indirect_vreg.gather [hbm4b:s2+s10], $0x1, v1, vm0, $0x4038;
	[tilespmem:$0x7D00] =	vst v63  }
0x11: {  	(ifvalue) =	ssetifvalue $0x7FFFFFFF  }
0x12: {  	[tilespmem:s15], [sflag:$0x1] =	stream.indirect_vreg.gather [hbm4b:s2+s10], $0x1, v2, vm0, $0x4038;
	[tilespmem:$0x7D00] =	vst v63  }
0x13: {  	s29 =	sadd.s32 $0x10, s15;
	(ifvalue) =	ssetifvalue $0x7FFFFFFF  }
0x14: {  	[tilespmem:s29], [sflag:$0x1] =	stream.indirect_vreg.gather [hbm4b:s2+s10], $0x1, v0, vm0, $0x4038;
	[tilespmem:$0x7D00] =	vst v63  }
0x15: {  	_ =	swait.ge [sflag:s4], $0x1F40  }
0x16: {  	s30 =	sshrl.u32 s13, $0x3;
	[sflag:s4] =	ssyncset.done $0x0  }
0x17: {  	s31 =	sand.u32 $0x7, s13;
	s15 =	sadd.s32 s8, s30;
	[sflag:s4] =	ssyncadd.s32 $0xFFFFE0C0  }
0x18: {  	[hbm4b:s15+s31] =	stream.linear.scatter [tilespmem:s14], [sflag:$0x3], $0x1F40, $0x38;
	[tilespmem:$0x7D00] =	vst v63  }
.LBB2_5:
0x19: {  	s15 =	sadd.s32 $0x3E800, s11  }
0x1a: {  	p1 =	sgt.s32 s15, $0x4E1FF  }
0x1b: {  	s15 =	smov.u32 @p1 s5;
	p1 =	sne.s32 s12, s9  }
.Ltmp1:
0x1c: {  	p0 =	slt.u32 s12, $0x2;
	(pc) =	sbr.rel @!p1 .LBB2_6-.Ltmp1, $4  }
0x1d: {  	s14 =	simm.s32 @!p0 $0x3  }
0x1e: {  	_ =	swait.ge @!p0 [sflag:s14], $0x1F40  }
0x1f: {  	s16 =	sadd.s32 $0x1, s12;
	s13 =	smov.u32 s11;
	[sflag:s14] =	ssyncset.done @!p0 $0x0  }
0x20: {  	s12 =	smov.u32 s16;
	s11 =	smov.u32 s15;
	[sflag:s14] =	ssyncadd.s32 @!p0 $0xFFFFE0C0  }
.LBB2_1:
0x21: {  	p0 =	sge.u32 s12, s7  }
0x22: {  	s14 =	sxor.u32 @!p0 $0x1, s12  }
0x23: {  	s14 =	smul.u32 @!p0 $0x7D00, s14  }
0x24: {  	s31 =	sadd.s32 $0xFFFFFFFF, s12;
	s15 =	sshrl.u32 @!p0 s11, $0x3  }
0x25: {  	s16 =	sand.u32 @!p0 $0x7, s11;
	s15 =	sadd.s32 @!p0 s3, s15;
	s14 =	sshra.s32 @!p0 s14, $0x2  }
0x26: {  	[tilespmem:s14], [sflag:$0x2] =	stream.linear.gather @!p0 [hbm4b:s15+s16], $0x1F40, $0x38;
	[tilespmem:$0x7D00] =	vst v63  }
0x27: {  	p0 =	sge.u32 s31, s7  }
.Ltmp2:
0x28: {  	_ = 	snop;
	(pc) =	sbr.rel @p0 .LBB2_5-.Ltmp2, $1  }
0x29: {  	_ =	sdelay $0x3  }
0x2a: {  	s14 =	sand.u32 $0x1, s12  }
0x2b: {  	_ =	swait.ge [sflag:s6], $0x1F40;
	p0 =	seq.s32 s14, $0x1;
	s14 =	simm.s32 $0x1F40  }
0x2c: {  	[sflag:s6] =	ssyncset.done $0x0;
	s14 =	simm.s32 @!p0 $0x0  }
0x2d: {  	[sflag:s6] =	ssyncadd.s32 $0xFFFFE0C0;
	(ifvalue) =	ssetifvalue $0x7FFFFFFF;
	v0 =	vld.msk [tilespmem:s14+$0x0 ss:$0x1], $0xffff;
	_ =	sdelay $0x4  }
0x2e: {  	s15 =	sadd.s32 $0x10, s14;
	vm1 =	vgt.s32 v0, $0x0  }
0x2f: {  	v2 =	vld.msk [tilespmem:s15+$0x0 ss:$0x1], $0xffff;
	v1 =	vnsel vm1, $0x0, v0  }
0x30: {  	v1 =	vmin.u32 v1, $0x4E1FF;
	_ =	sdelay $0x2  }
0x31: {  	s17 =	simm.s32 $0x20;
	s14 =	sadd.s32 $0x3E80, s14;
	s16 =	sadd.s32 $0x10, s15  }
0x32: {  	s15 =	sadd.s32 $0x10, s14;
	s18 =	smov.u32 s14;
	v0 =	vld.msk [tilespmem:s16+$0x0 ss:$0x1], $0xffff;
	vm1 =	vgt.s32 v2, $0x0;
	(ifvalue) =	ssetifvalue $0x7FFFFFFF  }
.LBB2_3:
0x33: {  	[tilespmem:s18], [sflag:$0x1] =	stream.indirect_vreg.gather [hbm4b:s2+s10], $0x1, v1, vm0, $0x4038;
	[tilespmem:$0x7D00] =	vst v63  }
0x34: {  	s17 =	sadd.s32 $0x10, s17  }
0x35: {  	v2 =	vnsel vm1, $0x0, v2;
	p0 =	slt.u32 s17, $0x1F30  }
.Ltmp3:
0x36: {  	s18 =	smov.u32 s15;
	v1 =	vmin.u32 v2, $0x4E1FF;
	(pc) =	sbr.rel @p0 .LBB2_3-.Ltmp3, $3  }
0x37: {  	_ =	sdelay $0x1  }
0x38: {  	s16 =	sadd.s32 $0x10, s16  }
0x39: {  	vm1 =	vgt.s32 v0, $0x0;
	s15 =	sadd.s32 $0x10, s15;
	v2 =	vmov v0;
	(ifvalue) =	ssetifvalue $0x7FFFFFFF;
	v0 =	vld.msk [tilespmem:s16+$0x0 ss:$0x1], $0xffff  }
.Ltmp4:
0x3a: {  	_ = 	snop;
	(pc) =	sbr.rel .LBB2_4-.Ltmp4, $1  }
0x3b: {  	_ =	sdelay $0x3  }
.LBB2_6:
0x3c: {  	_ =	sfence.sel $0x180000  }
0x3d: {  	s2 =	simm.s32 $0x2;
	[bflag:$0x0] =	sbarrier.arrive $0xFFFF  }
0x3e: {  	s30 =	simm.s32 $0x3;
	[sflag:s2] =	ssyncpa.u1 $0x1  }
0x3f: {  	s31 =	simm.s32 $0x1;
	[sflag:s30] =	ssyncpa.u1 $0x1  }
0x40: {  	[sflag:s31] =	ssyncpa.u1 $0x1  }
0x41: {  	p0 =	sne.s32 s1, $0x0;
	_ =	strace $0x90000047  }
0x42: {  	s0 =	sadd.s32 @!p0 $0x100000, s0;
	[bflag:$0x2] =	sbarrier.arrive $0xFFFF  }
0x43: {  	[sflag:s0] =	ssyncadd.tile.s32 @!p0 $0x1;
	_ =	shalt  }
.Lfunc_end2:
_tile_overlayer_lowered:
.L_overlay_start_2:
0x44: {  	(tag) =	ssettag $0x2  }
0x45: {  	s0 =	rddreg [dreg:$0x0];
	s2 =	stileid.u32  }
0x46: {  	s1 =	rddreg [dreg:$0x1];
	p0 =	sne.s32 s2, $0x0  }
0x47: {  	s3 =	rddreg [dreg:$0x2];
	[bflag:$0x3] =	sbarrier.arrive $0xFFFF;
	s2 =	simm.s32 @!p0 $0x1C01  }
0x48: {  	[timem:s3], [sflag:s2] =	dma.local @!p0 [hbm:s0], s1  }
0x49: {  	s0 =	simm.s32 @!p0 $0x1  }
0x4a: {  	_ =	swait.ge @!p0 [sflag:s0], s1  }
0x4b: {  	s1 =	ssub.s32 @!p0 $0x0, s1;
	[sflag:s0] =	ssyncset.done @!p0 $0x0  }
0x4c: {  	[sflag:s0] =	ssyncadd.s32 @!p0 s1  }
0x4d: {  	[bflag:$0x3] =	sbarrier.arrive $0xFFFF  }
0x4e: {  	_ =	shalt  }

// kernel: gather_offload_async_start.2
scs
__scs_entry_jumppad:
0x0: {  	(pc) =	sbr.rel $0x88, $3  }
0x1: {  	(tag) =	ssettag $0x0;
	lr =	simm.s32 $0x1  }
0x2: {  	[smem:$0x3F9E] =	sst lr;
	_ =	strace $0xD0000000  }
0x3: {  	_ = 	snop  }
0x4: {  	_ = 	snop  }
0x5: {  	_ = 	snop  }
0x6: {  	_ = 	snop  }
0x7: {  	_ = 	snop  }
__scs_overlays_trampoline_lowered:
0x8: {  	[smem:$0x3FAD] =	sst s0  }
0x9: {  	[smem:$0x3FAE] =	sst s1  }
0xa: {  	[smem:$0x3FAF] =	sst s2  }
0xb: {  	[smem:$0x3FB0] =	sst s3  }
0xc: {  	[smem:$0x3FB1] =	sst s4  }
0xd: {  	[smem:$0x3FB2] =	sst s5  }
0xe: {  	[smem:$0x3FB3] =	sst s6  }
0xf: {  	[smem:$0x3FB4] =	sst s7  }
0x10: {  	[smem:$0x3FB5] =	sst s8  }
0x11: {  	[smem:$0x3FB6] =	sst s9;
	s0 =	simm.s32 @!p0 $0x0  }
0x12: {  	s1 =	sld [smem:$0x3F9C];
	s0 =	simm.s32 @p0 $0x1  }
0x13: {  	[smem:$0x3FB7] =	sst s0;
	s0 =	simm.s32 @!p1 $0x0  }
0x14: {  	s2 =	sld [smem:$0x3F9B];
	s0 =	simm.s32 @p1 $0x1  }
0x15: {  	[smem:$0x3FB8] =	sst s0;
	s0 =	simm.s32 @!p2 $0x0  }
0x16: {  	s3 =	sld [smem:$0x3FDB];
	s0 =	simm.s32 @p2 $0x1  }
0x17: {  	s4 =	simm.s32 $0x1BF5;
	[smem:$0x3FBA] =	sst s0  }
0x18: {  	s0 =	sld [smem:$0x3F9D];
	_ =	swait.ge [sflag:s4], $0x0  }
0x19: {  	s7 =	sld [smem:$0x3F9E]  }
0x1a: {  	s8 =	sadd.s32 $0xFFFFE003, lr  }
0x1b: {  	s9 =	sadd.s32 $0xFFFFFEF7, lr;
	s5 =	simm.s32 $0xFFFFFFFF;
	p2 =	slt.u32 s8, $0xFFFFF086  }
0x1c: {  	p1 =	slt.u32 s9, $0xF7A;
	s5 =	simm.s32 @!p2 $0x0  }
0x1d: {  	s5 =	simm.s32 @p1 $0x1;
	p0 =	seq.s32 s7, s2  }
0x1e: {  	s7 =	smul.u32 @!p0 $0xF7A, s2;
	p2 =	seq.s32 @!p0 s5, $0x0  }
0x1f: {  	s9 =	smul.u32 $0xF7A, s1;
	s8 =	simm.s32 @!p0 $0x1BF5;
	p2 =	por !p2, p0  }
0x20: {  	[sflag:s8] =	ssyncset.s32 @!p0 $0xFFFFF086;
	s6 =	sadd.s32 @!p0 s3, s7;
	s7 =	simm.s32 @!p0 $0x108  }
0x21: {  	s3 =	sadd.s32 s3, s9;
	s6 =	sadd.s32 @!p0 $0x88, s6;
	s7 =	simm.s32 @p2 $0x1082  }
0x22: {  	[simem:s7], [sflag:s8] =	dma.local @!p0 [hbm:s6], $0xF7A  }
0x23: {  	s9 =	sor.u32 $0xD0000000, s2;
	s6 =	simm.s32 $0x108;
	_ =	swait.ge @!p0 [sflag:s8], $0x0  }
0x24: {  	s3 =	sadd.s32 $0x88, s3;
	s6 =	simm.s32 @!p1 $0x1082;
	[sflag:s4] =	ssyncset.s32 $0xFFFFF086  }
0x25: {  	[simem:s6], [sflag:s4] =	dma.local [hbm:s3], $0xF7A  }
0x26: {  	[smem:$0x3F9E] =	sst s1;
	(tag) =	ssettag s2;
	_ =	strace s9  }
0x27: {  	s1 =	sld [smem:$0x3FAE]  }
0x28: {  	s2 =	sld [smem:$0x3FAF]  }
0x29: {  	s4 =	sld [smem:$0x3FB1]  }
0x2a: {  	p0 =	seq.s32 s5, $0x0;
	s5 =	sld [smem:$0x3FB2]  }
0x2b: {  	s6 =	sld [smem:$0x3FB3]  }
0x2c: {  	s7 =	sld [smem:$0x3FB4]  }
0x2d: {  	s3 =	simm.s32 $0x108;
	s8 =	sld [smem:$0x3FB5]  }
0x2e: {  	s3 =	simm.s32 @!p0 $0x1082;
	s9 =	sld [smem:$0x3FB6]  }
0x2f: {  	lr =	sadd.s32 s0, s3;
	s0 =	sld [smem:$0x3FAD]  }
0x30: {  	s3 =	sld [smem:$0x3FB0]  }
0x31: {  	[smem:$0x3FB9] =	sst s10  }
0x32: {  	s10 =	sld [smem:$0x3FB7];
	_ =	sdelay $0x3  }
0x33: {  	p0 =	seq.s32 s10, $0x1;
	s10 =	sld [smem:$0x3FB9];
	_ =	sdelay $0x3  }
0x34: {  	[smem:$0x3FB9] =	sst s10  }
0x35: {  	s10 =	sld [smem:$0x3FB8];
	_ =	sdelay $0x3  }
0x36: {  	p1 =	seq.s32 s10, $0x1;
	s10 =	sld [smem:$0x3FB9];
	_ =	sdelay $0x3  }
0x37: {  	[smem:$0x3FB9] =	sst s10  }
0x38: {  	s10 =	sld [smem:$0x3FBA]  }
0x39: {  	_ = 	snop;
	(pc) =	sbr.ind lr, $3  }
0x3a: {  	_ = 	snop  }
0x3b: {  	_ = 	snop  }
0x3c: {  	p2 =	seq.s32 s10, $0x1;
	s10 =	sld [smem:$0x3FB9]  }
0x3d: {  	_ =	shalt  }
0x3e: {  	_ =	shalt  }
0x3f: {  	_ =	shalt  }
0x40: {  	_ =	shalt  }
0x41: {  	_ =	shalt  }
0x42: {  	_ =	shalt  }
0x43: {  	_ =	shalt  }
0x44: {  	_ =	shalt  }
0x45: {  	_ =	shalt  }
0x46: {  	_ =	shalt  }
0x47: {  	_ =	shalt  }
0x48: {  	_ =	shalt  }
0x49: {  	_ =	shalt  }
0x4a: {  	_ =	shalt  }
0x4b: {  	_ =	shalt  }
0x4c: {  	_ =	shalt  }
0x4d: {  	_ =	shalt  }
0x4e: {  	_ =	shalt  }
0x4f: {  	_ =	shalt  }
0x50: {  	_ =	shalt  }
0x51: {  	_ =	shalt  }
0x52: {  	_ =	shalt  }
0x53: {  	_ =	shalt  }
0x54: {  	_ =	shalt  }
0x55: {  	_ =	shalt  }
0x56: {  	_ =	shalt  }
0x57: {  	_ =	shalt  }
0x58: {  	_ =	shalt  }
0x59: {  	_ =	shalt  }
0x5a: {  	_ =	shalt  }
0x5b: {  	_ =	shalt  }
0x5c: {  	_ =	shalt  }
0x5d: {  	_ =	shalt  }
0x5e: {  	_ =	shalt  }
0x5f: {  	_ =	shalt  }
0x60: {  	_ =	shalt  }
0x61: {  	_ =	shalt  }
0x62: {  	_ =	shalt  }
0x63: {  	_ =	shalt  }
0x64: {  	_ =	shalt  }
0x65: {  	_ =	shalt  }
0x66: {  	_ =	shalt  }
0x67: {  	_ =	shalt  }
0x68: {  	_ =	shalt  }
0x69: {  	_ =	shalt  }
0x6a: {  	_ =	shalt  }
0x6b: {  	_ =	shalt  }
0x6c: {  	_ =	shalt  }
0x6d: {  	_ =	shalt  }
0x6e: {  	_ =	shalt  }
0x6f: {  	_ =	shalt  }
0x70: {  	_ =	shalt  }
0x71: {  	_ =	shalt  }
0x72: {  	_ =	shalt  }
0x73: {  	_ =	shalt  }
0x74: {  	_ =	shalt  }
0x75: {  	_ =	shalt  }
0x76: {  	_ =	shalt  }
0x77: {  	_ =	shalt  }
0x78: {  	_ =	shalt  }
0x79: {  	_ =	shalt  }
0x7a: {  	_ =	shalt  }
0x7b: {  	_ =	shalt  }
0x7c: {  	_ =	shalt  }
0x7d: {  	_ =	shalt  }
0x7e: {  	_ =	shalt  }
0x7f: {  	_ =	shalt  }
0x80: {  	_ =	shalt  }
0x81: {  	_ =	shalt  }
0x82: {  	_ =	shalt  }
0x83: {  	_ =	shalt  }
0x84: {  	_ =	shalt  }
0x85: {  	_ =	shalt  }
0x86: {  	_ =	shalt  }
0x87: {  	_ =	shalt  }
.Lfunc_end0:
.L_simem_size_0:
called_computation.2_lowered:
.L_overlay_start_0:
0x88: {  	s2 =	sld [smem:$0x3FD9]  }
0x89: {  	s3 =	sld [smem:$0x3FFE];
	_ =	sdelay $0x1  }
0x8a: {  	s1 =	srdreg.scid  }
0x8b: {  	s0 =	sand.u32 $0x1, s1  }
0x8c: {  	s17 =	sshll.u32 s0, $0xA;
	s2 =	sadd.s32 s3, s2  }
0x8d: {  	s2 =	sadd.s32 s2, s17  }
0x8e: {  	[smem:$0x3FC5] =	sst s2  }
0x8f: {  	_ = 	snop  }
0x90: {  	(tm) =	ssettm $0x1  }
0x91: {  	s18 =	sld [smem:$0x3FFB];
	_ =	sdelay $0x3  }
0x92: {  	_ =	strace s18  }
0x93: {  	s2 =	sld [smem:$0x3FFC];
	_ =	sdelay $0x3  }
0x94: {  	_ =	strace s2  }
0x95: {  	s2 =	sld [smem:$0x3FFD];
	_ =	sdelay $0x3  }
0x96: {  	_ =	strace s2  }
0x97: {  	_ =	strace $0x8FFFFFFF  }
0x98: {  	s19 =	sld [smem:$0x3FDB];
	_ =	sdelay $0x1  }
0x99: {  	s20 =	simm.s32 $_scs_section_size  }
0x9a: {  	s4 =	simm.s32 $_size__tile_overlayer_lowered;
	s5 =	simm.s32 $_tile_overlayer_lowered  }
0x9b: {  	s6 =	simm.s32 $0x1BFF;
	s21 =	sshll.u32 s5, $0x1;
	s3 =	sadd.s32 s20, s19  }
0x9c: {  	s22 =	simm.s32 $0x0;
	s4 =	sshll.u32 s4, $0x1;
	s5 =	sadd.s32 s21, s3  }
0x9d: {  	[timem:s22], [sflag:s6] =	dma.local [hbm:s5], s4  }
0x9e: {  	_ =	swait.ge [sflag:s6], s4  }
0x9f: {  	s4 =	ssub.s32 $0x0, s4;
	[sflag:s6] =	ssyncset.done $0x0  }
0xa0: {  	[sflag:s6] =	ssyncadd.s32 s4;
	_ =	sdelay $0x1  }
0xa1: {  	s23 =	simm.s32 $0x1B8B  }
0xa2: {  	_ =	swait.ge [sflag:s23], $0x1  }
0xa3: {  	[sflag:s23] =	ssyncset.done $0x0  }
0xa4: {  	[sflag:s23] =	ssyncadd.s32 $0xFFFFFFFF  }
0xa5: {  	s4 =	sld [smem:$0x0]  }
0xa6: {  	s5 =	sand.u32 $0xFFFFFFFE, s1  }
0xa7: {  	p0 =	sne.s32 s1, s5  }
0xa8: {  	s5 =	sshll.u32 @p0 s5, $0xE  }
0xa9: {  	s5 =	sadd.s32 @p0 $0x11B8D, s5;
	s6 =	sshll.u32 @p0 s4, $0x11  }
0xaa: {  	s5 =	sor.u32 @p0 s6, s5  }
0xab: {  	[sflag:s5] =	ssyncadd.remote.s32 @p0 $0x1;
	_ =	sdelay $0x1  }
0xac: {  	s5 =	simm.s32 @p0 $0x1B8D  }
0xad: {  	_ =	swait.eq @p0 [sflag:s5], $0x1  }
0xae: {  	[sflag:s5] =	ssyncadd.s32 @p0 $0xFFFFFFFF  }
0xaf: {  	s6 =	sshll.u32 @!p0 s1, $0xE  }
0xb0: {  	s6 =	sor.u32 @!p0 $0x4000, s6;
	s5 =	simm.s32 @!p0 $0x1B8D  }
0xb1: {  	s4 =	sshll.u32 @!p0 s4, $0x11;
	s6 =	sadd.s32 @!p0 $0x11B8D, s6;
	_ =	swait.eq @!p0 [sflag:s5], $0x1  }
0xb2: {  	s4 =	sor.u32 @!p0 s4, s6;
	[sflag:s5] =	ssyncadd.s32 @!p0 $0xFFFFFFFF  }
0xb3: {  	s25 =	simm.s32 $0x1B8E;
	s24 =	sld [smem:$0x3FFE];
	[sflag:s4] =	ssyncadd.remote.s32 @!p0 $0x1  }
0xb4: {  	s26 =	simm.s32 $execute0_lowered;
	[smem:$0x3FD2] =	sst s25  }
0xb5: {  	s5 =	sshll.u32 s26, $0x1;
	_ =	strace $0x8000004C;
	[dreg:$0x1] =	wrdreg $0xFFFFFFFF  }
0xb6: {  	s28 =	simm.s32 $_size_execute0_lowered;
	s3 =	sadd.s32 s3, s5;
	[dreg:$0x0] =	wrdreg $0x0  }
0xb7: {  	s5 =	sshll.u32 s28, $0x1;
	[dreg:$0x2] =	wrdreg s3  }
0xb8: {  	[dreg:$0x3] =	wrdreg s5  }
0xb9: {  	[dreg:$0x4] =	wrdreg $0xC0  }
0xba: {  	_ =	task [dreg:s22], $0x5FFFF  }
0xbb: {  	[dreg:$0x1] =	wrdreg $0xFFFFFFFF  }
0xbc: {  	[dreg:$0x0] =	wrdreg $0x60  }
0xbd: {  	[dreg:$0x2] =	wrdreg s24  }
0xbe: {  	[dreg:$0x3] =	wrdreg $0xA  }
0xbf: {  	_ =	task.clear_ibuf [dreg:s22], $0x4FFFF;
	_ =	strace $0x9000004C  }
0xc0: {  	s29 =	simm.s32 $0xA;
	_ =	strace $0x8000004E  }
0xc1: {  	_ =	swait.ge [sflag:s29], $0x1  }
0xc2: {  	[sflag:s29] =	ssyncadd.s32 $0xFFFFFFFF  }
0xc3: {  	_ =	strace $0x9000004E  }
0xc4: {  	_ =	sfence  }
0xc5: {  	s30 =	sld [smem:$0x0];
	_ =	sdelay $0x2  }
0xc6: {  	s31 =	sshll.u32 s1, $0xD;
	s1 =	sshrl.u32 s1, $0x2  }
0xc7: {  	s4 =	sand.u32 $0x4000, s31;
	s1 =	sadd.s32 s1, s30  }
0xc8: {  	s0 =	sor.u32 s4, s0;
	s1 =	sshll.u32 s1, $0x11  }
0xc9: {  	s0 =	sor.u32 s1, s0  }
0xca: {  	s0 =	sadd.s32 $0x8F2B, s0  }
0xcb: {  	[sflag:s0] =	ssyncadd.remote.s32 $0x1  }
0xcc: {  	_ =	sfence.sel $0xFFFF  }
0xcd: {  	[dreg:$0x0] =	wrdreg $0xFFFFFFFF;
	(pc) =	sbr.abs _section_cstart, $3  }
0xce: {  	[dreg:$0x1] =	wrdreg $0xFFFFFFFF  }
0xcf: {  	_ =	task.clear_ibuf [dreg:s22], $0x2FFFF;
	_ =	strace $0x9FFFFFFF  }
0xd0: {  	(tm) =	ssettm $0x7FFFFFFF  }
0xd1: {  	_ =	shalt  }
tec
execute0_lowered:
.L_overlay_start_1:
0x0: {  	(tag) =	ssettag $0x1  }
0x1: {  	s8 =	rddreg [dreg:$0x0]  }
0x2: {  	s0 =	rddreg [dreg:$0x1];
	_ =	strace $0x8000004D;
	s1 =	stileid.u32  }
0x3: {  	s3 =	srdreg.scid;
	s4 =	simm.s32 $0x1;
	s7 =	simm.s32 $0x1  }
0x4: {  	s9 =	simm.s32 $0x1;
	s10 =	simm.s32 $0x3;
	s13 =	simm.s32 $0x0  }
0x5: {  	s12 =	simm.s32 $0x0;
	s5 =	sand.u32 $0x1, s3;
	s6 =	sshll.u32 s1, $0x1  }
0x6: {  	s2 =	sadd.s32 $0x28E00, s8;
	s3 =	sadd.s32 $0x13E00, s8;
	s5 =	sor.u32 s6, s5  }
.Ltmp0:
0x7: {  	[sflag:s4] =	ssyncpa.u1 $0x0;
	p0 =	slt.u32 s5, $0x9;
	(pc) =	sbr.rel .LBB2_1-.Ltmp0, $4  }
0x8: {  	s6 =	simm.s32 $0x2;
	s7 =	simm.s32 @!p0 $0x0;
	p0 =	sne.s32 s5, $0x8  }
0x9: {  	[sflag:s6] =	ssyncpa.u1 $0x0;
	s5 =	smul.u32 $0x1F40, s5;
	s9 =	simm.s32 @!p0 $0x0  }
0xa: {  	s8 =	sadd.s32 $0x3CA00, s8;
	[sflag:s10] =	ssyncpa.u1 $0x0;
	s7 =	sadd.s32 s9, s7  }
0xb: {  	vm0 =	vmmov $0xffff;
	s10 =	simm.s32 $0x0;
	s11 =	smov.u32 s5;
	s9 =	sadd.s32 $0x1, s7  }
.LBB2_4:
0xc: {  	v2 =	vnsel vm1, $0x0, v2  }
0xd: {  	vm1 =	vgt.s32 v0, $0x0;
	v2 =	vmin.u32 v2, $0x4E1FF  }
0xe: {  	v0 =	vnsel vm1, $0x0, v0  }
0xf: {  	v0 =	vmin.u32 v0, $0x4E1FF  }
0x10: {  	[tilespmem:s18], [sflag:$0x1] =	stream.indirect_vreg.gather [hbm4b:s2+s10], $0x1, v1, vm0, $0x4038;
	[tilespmem:$0x7D00] =	vst v63  }
0x11: {  	(ifvalue) =	ssetifvalue $0x7FFFFFFF  }
0x12: {  	[tilespmem:s15], [sflag:$0x1] =	stream.indirect_vreg.gather [hbm4b:s2+s10], $0x1, v2, vm0, $0x4038;
	[tilespmem:$0x7D00] =	vst v63  }
0x13: {  	s29 =	sadd.s32 $0x10, s15;
	(ifvalue) =	ssetifvalue $0x7FFFFFFF  }
0x14: {  	[tilespmem:s29], [sflag:$0x1] =	stream.indirect_vreg.gather [hbm4b:s2+s10], $0x1, v0, vm0, $0x4038;
	[tilespmem:$0x7D00] =	vst v63  }
0x15: {  	_ =	swait.ge [sflag:s4], $0x1F40  }
0x16: {  	s30 =	sshrl.u32 s13, $0x3;
	[sflag:s4] =	ssyncset.done $0x0  }
0x17: {  	s31 =	sand.u32 $0x7, s13;
	s15 =	sadd.s32 s8, s30;
	[sflag:s4] =	ssyncadd.s32 $0xFFFFE0C0  }
0x18: {  	[hbm4b:s15+s31] =	stream.linear.scatter [tilespmem:s14], [sflag:$0x3], $0x1F40, $0x38;
	[tilespmem:$0x7D00] =	vst v63  }
.LBB2_5:
0x19: {  	s15 =	sadd.s32 $0x3E800, s11  }
0x1a: {  	p1 =	sgt.s32 s15, $0x4E1FF  }
0x1b: {  	s15 =	smov.u32 @p1 s5;
	p1 =	sne.s32 s12, s9  }
.Ltmp1:
0x1c: {  	p0 =	slt.u32 s12, $0x2;
	(pc) =	sbr.rel @!p1 .LBB2_6-.Ltmp1, $4  }
0x1d: {  	s14 =	simm.s32 @!p0 $0x3  }
0x1e: {  	_ =	swait.ge @!p0 [sflag:s14], $0x1F40  }
0x1f: {  	s16 =	sadd.s32 $0x1, s12;
	s13 =	smov.u32 s11;
	[sflag:s14] =	ssyncset.done @!p0 $0x0  }
0x20: {  	s12 =	smov.u32 s16;
	s11 =	smov.u32 s15;
	[sflag:s14] =	ssyncadd.s32 @!p0 $0xFFFFE0C0  }
.LBB2_1:
0x21: {  	p0 =	sge.u32 s12, s7  }
0x22: {  	s14 =	sxor.u32 @!p0 $0x1, s12  }
0x23: {  	s14 =	smul.u32 @!p0 $0x7D00, s14  }
0x24: {  	s31 =	sadd.s32 $0xFFFFFFFF, s12;
	s15 =	sshrl.u32 @!p0 s11, $0x3  }
0x25: {  	s16 =	sand.u32 @!p0 $0x7, s11;
	s15 =	sadd.s32 @!p0 s3, s15;
	s14 =	sshra.s32 @!p0 s14, $0x2  }
0x26: {  	[tilespmem:s14], [sflag:$0x2] =	stream.linear.gather @!p0 [hbm4b:s15+s16], $0x1F40, $0x38;
	[tilespmem:$0x7D00] =	vst v63  }
0x27: {  	p0 =	sge.u32 s31, s7  }
.Ltmp2:
0x28: {  	_ = 	snop;
	(pc) =	sbr.rel @p0 .LBB2_5-.Ltmp2, $1  }
0x29: {  	_ =	sdelay $0x3  }
0x2a: {  	s14 =	sand.u32 $0x1, s12  }
0x2b: {  	_ =	swait.ge [sflag:s6], $0x1F40;
	p0 =	seq.s32 s14, $0x1;
	s14 =	simm.s32 $0x1F40  }
0x2c: {  	[sflag:s6] =	ssyncset.done $0x0;
	s14 =	simm.s32 @!p0 $0x0  }
0x2d: {  	[sflag:s6] =	ssyncadd.s32 $0xFFFFE0C0;
	(ifvalue) =	ssetifvalue $0x7FFFFFFF;
	v0 =	vld.msk [tilespmem:s14+$0x0 ss:$0x1], $0xffff;
	_ =	sdelay $0x4  }
0x2e: {  	s15 =	sadd.s32 $0x10, s14;
	vm1 =	vgt.s32 v0, $0x0  }
0x2f: {  	v2 =	vld.msk [tilespmem:s15+$0x0 ss:$0x1], $0xffff;
	v1 =	vnsel vm1, $0x0, v0  }
0x30: {  	v1 =	vmin.u32 v1, $0x4E1FF;
	_ =	sdelay $0x2  }
0x31: {  	s17 =	simm.s32 $0x20;
	s14 =	sadd.s32 $0x3E80, s14;
	s16 =	sadd.s32 $0x10, s15  }
0x32: {  	s15 =	sadd.s32 $0x10, s14;
	s18 =	smov.u32 s14;
	v0 =	vld.msk [tilespmem:s16+$0x0 ss:$0x1], $0xffff;
	vm1 =	vgt.s32 v2, $0x0;
	(ifvalue) =	ssetifvalue $0x7FFFFFFF  }
.LBB2_3:
0x33: {  	[tilespmem:s18], [sflag:$0x1] =	stream.indirect_vreg.gather [hbm4b:s2+s10], $0x1, v1, vm0, $0x4038;
	[tilespmem:$0x7D00] =	vst v63  }
0x34: {  	s17 =	sadd.s32 $0x10, s17  }
0x35: {  	v2 =	vnsel vm1, $0x0, v2;
	p0 =	slt.u32 s17, $0x1F30  }
.Ltmp3:
0x36: {  	s18 =	smov.u32 s15;
	v1 =	vmin.u32 v2, $0x4E1FF;
	(pc) =	sbr.rel @p0 .LBB2_3-.Ltmp3, $3  }
0x37: {  	_ =	sdelay $0x1  }
0x38: {  	s16 =	sadd.s32 $0x10, s16  }
0x39: {  	vm1 =	vgt.s32 v0, $0x0;
	s15 =	sadd.s32 $0x10, s15;
	v2 =	vmov v0;
	(ifvalue) =	ssetifvalue $0x7FFFFFFF;
	v0 =	vld.msk [tilespmem:s16+$0x0 ss:$0x1], $0xffff  }
.Ltmp4:
0x3a: {  	_ = 	snop;
	(pc) =	sbr.rel .LBB2_4-.Ltmp4, $1  }
0x3b: {  	_ =	sdelay $0x3  }
.LBB2_6:
0x3c: {  	_ =	sfence.sel $0x180000  }
0x3d: {  	s2 =	simm.s32 $0x2;
	[bflag:$0x0] =	sbarrier.arrive $0xFFFF  }
0x3e: {  	s30 =	simm.s32 $0x3;
	[sflag:s2] =	ssyncpa.u1 $0x1  }
0x3f: {  	s31 =	simm.s32 $0x1;
	[sflag:s30] =	ssyncpa.u1 $0x1  }
0x40: {  	[sflag:s31] =	ssyncpa.u1 $0x1  }
0x41: {  	p0 =	sne.s32 s1, $0x0;
	_ =	strace $0x9000004D  }
0x42: {  	s0 =	sadd.s32 @!p0 $0x100000, s0;
	[bflag:$0x2] =	sbarrier.arrive $0xFFFF  }
0x43: {  	[sflag:s0] =	ssyncadd.tile.s32 @!p0 $0x1;
	_ =	shalt  }
.Lfunc_end2:
_tile_overlayer_lowered:
.L_overlay_start_2:
0x44: {  	(tag) =	ssettag $0x2  }
0x45: {  	s0 =	rddreg [dreg:$0x0];
	s2 =	stileid.u32  }
0x46: {  	s1 =	rddreg [dreg:$0x1];
	p0 =	sne.s32 s2, $0x0  }
0x47: {  	s3 =	rddreg [dreg:$0x2];
	[bflag:$0x3] =	sbarrier.arrive $0xFFFF;
	s2 =	simm.s32 @!p0 $0x1C01  }
0x48: {  	[timem:s3], [sflag:s2] =	dma.local @!p0 [hbm:s0], s1  }
0x49: {  	s0 =	simm.s32 @!p0 $0x1  }
0x4a: {  	_ =	swait.ge @!p0 [sflag:s0], s1  }
0x4b: {  	s1 =	ssub.s32 @!p0 $0x0, s1;
	[sflag:s0] =	ssyncset.done @!p0 $0x0  }
0x4c: {  	[sflag:s0] =	ssyncadd.s32 @!p0 s1  }
0x4d: {  	[bflag:$0x3] =	sbarrier.arrive $0xFFFF  }
0x4e: {  	_ =	shalt  }

// kernel: gather_offload_async_start
scs
__scs_entry_jumppad:
0x0: {  	(pc) =	sbr.rel $0x88, $3  }
0x1: {  	(tag) =	ssettag $0x0;
	lr =	simm.s32 $0x1  }
0x2: {  	[smem:$0x3F9E] =	sst lr;
	_ =	strace $0xD0000000  }
0x3: {  	_ = 	snop  }
0x4: {  	_ = 	snop  }
0x5: {  	_ = 	snop  }
0x6: {  	_ = 	snop  }
0x7: {  	_ = 	snop  }
__scs_overlays_trampoline_lowered:
0x8: {  	[smem:$0x3FAD] =	sst s0  }
0x9: {  	[smem:$0x3FAE] =	sst s1  }
0xa: {  	[smem:$0x3FAF] =	sst s2  }
0xb: {  	[smem:$0x3FB0] =	sst s3  }
0xc: {  	[smem:$0x3FB1] =	sst s4  }
0xd: {  	[smem:$0x3FB2] =	sst s5  }
0xe: {  	[smem:$0x3FB3] =	sst s6  }
0xf: {  	[smem:$0x3FB4] =	sst s7  }
0x10: {  	[smem:$0x3FB5] =	sst s8  }
0x11: {  	[smem:$0x3FB6] =	sst s9;
	s0 =	simm.s32 @!p0 $0x0  }
0x12: {  	s1 =	sld [smem:$0x3F9C];
	s0 =	simm.s32 @p0 $0x1  }
0x13: {  	[smem:$0x3FB7] =	sst s0;
	s0 =	simm.s32 @!p1 $0x0  }
0x14: {  	s2 =	sld [smem:$0x3F9B];
	s0 =	simm.s32 @p1 $0x1  }
0x15: {  	[smem:$0x3FB8] =	sst s0;
	s0 =	simm.s32 @!p2 $0x0  }
0x16: {  	s3 =	sld [smem:$0x3FDB];
	s0 =	simm.s32 @p2 $0x1  }
0x17: {  	s4 =	simm.s32 $0x1BF5;
	[smem:$0x3FBA] =	sst s0  }
0x18: {  	s0 =	sld [smem:$0x3F9D];
	_ =	swait.ge [sflag:s4], $0x0  }
0x19: {  	s7 =	sld [smem:$0x3F9E]  }
0x1a: {  	s8 =	sadd.s32 $0xFFFFE003, lr  }
0x1b: {  	s9 =	sadd.s32 $0xFFFFFEF7, lr;
	s5 =	simm.s32 $0xFFFFFFFF;
	p2 =	slt.u32 s8, $0xFFFFF086  }
0x1c: {  	p1 =	slt.u32 s9, $0xF7A;
	s5 =	simm.s32 @!p2 $0x0  }
0x1d: {  	s5 =	simm.s32 @p1 $0x1;
	p0 =	seq.s32 s7, s2  }
0x1e: {  	s7 =	smul.u32 @!p0 $0xF7A, s2;
	p2 =	seq.s32 @!p0 s5, $0x0  }
0x1f: {  	s9 =	smul.u32 $0xF7A, s1;
	s8 =	simm.s32 @!p0 $0x1BF5;
	p2 =	por !p2, p0  }
0x20: {  	[sflag:s8] =	ssyncset.s32 @!p0 $0xFFFFF086;
	s6 =	sadd.s32 @!p0 s3, s7;
	s7 =	simm.s32 @!p0 $0x108  }
0x21: {  	s3 =	sadd.s32 s3, s9;
	s6 =	sadd.s32 @!p0 $0x88, s6;
	s7 =	simm.s32 @p2 $0x1082  }
0x22: {  	[simem:s7], [sflag:s8] =	dma.local @!p0 [hbm:s6], $0xF7A  }
0x23: {  	s9 =	sor.u32 $0xD0000000, s2;
	s6 =	simm.s32 $0x108;
	_ =	swait.ge @!p0 [sflag:s8], $0x0  }
0x24: {  	s3 =	sadd.s32 $0x88, s3;
	s6 =	simm.s32 @!p1 $0x1082;
	[sflag:s4] =	ssyncset.s32 $0xFFFFF086  }
0x25: {  	[simem:s6], [sflag:s4] =	dma.local [hbm:s3], $0xF7A  }
0x26: {  	[smem:$0x3F9E] =	sst s1;
	(tag) =	ssettag s2;
	_ =	strace s9  }
0x27: {  	s1 =	sld [smem:$0x3FAE]  }
0x28: {  	s2 =	sld [smem:$0x3FAF]  }
0x29: {  	s4 =	sld [smem:$0x3FB1]  }
0x2a: {  	p0 =	seq.s32 s5, $0x0;
	s5 =	sld [smem:$0x3FB2]  }
0x2b: {  	s6 =	sld [smem:$0x3FB3]  }
0x2c: {  	s7 =	sld [smem:$0x3FB4]  }
0x2d: {  	s3 =	simm.s32 $0x108;
	s8 =	sld [smem:$0x3FB5]  }
0x2e: {  	s3 =	simm.s32 @!p0 $0x1082;
	s9 =	sld [smem:$0x3FB6]  }
0x2f: {  	lr =	sadd.s32 s0, s3;
	s0 =	sld [smem:$0x3FAD]  }
0x30: {  	s3 =	sld [smem:$0x3FB0]  }
0x31: {  	[smem:$0x3FB9] =	sst s10  }
0x32: {  	s10 =	sld [smem:$0x3FB7];
	_ =	sdelay $0x3  }
0x33: {  	p0 =	seq.s32 s10, $0x1;
	s10 =	sld [smem:$0x3FB9];
	_ =	sdelay $0x3  }
0x34: {  	[smem:$0x3FB9] =	sst s10  }
0x35: {  	s10 =	sld [smem:$0x3FB8];
	_ =	sdelay $0x3  }
0x36: {  	p1 =	seq.s32 s10, $0x1;
	s10 =	sld [smem:$0x3FB9];
	_ =	sdelay $0x3  }
0x37: {  	[smem:$0x3FB9] =	sst s10  }
0x38: {  	s10 =	sld [smem:$0x3FBA]  }
0x39: {  	_ = 	snop;
	(pc) =	sbr.ind lr, $3  }
0x3a: {  	_ = 	snop  }
0x3b: {  	_ = 	snop  }
0x3c: {  	p2 =	seq.s32 s10, $0x1;
	s10 =	sld [smem:$0x3FB9]  }
0x3d: {  	_ =	shalt  }
0x3e: {  	_ =	shalt  }
0x3f: {  	_ =	shalt  }
0x40: {  	_ =	shalt  }
0x41: {  	_ =	shalt  }
0x42: {  	_ =	shalt  }
0x43: {  	_ =	shalt  }
0x44: {  	_ =	shalt  }
0x45: {  	_ =	shalt  }
0x46: {  	_ =	shalt  }
0x47: {  	_ =	shalt  }
0x48: {  	_ =	shalt  }
0x49: {  	_ =	shalt  }
0x4a: {  	_ =	shalt  }
0x4b: {  	_ =	shalt  }
0x4c: {  	_ =	shalt  }
0x4d: {  	_ =	shalt  }
0x4e: {  	_ =	shalt  }
0x4f: {  	_ =	shalt  }
0x50: {  	_ =	shalt  }
0x51: {  	_ =	shalt  }
0x52: {  	_ =	shalt  }
0x53: {  	_ =	shalt  }
0x54: {  	_ =	shalt  }
0x55: {  	_ =	shalt  }
0x56: {  	_ =	shalt  }
0x57: {  	_ =	shalt  }
0x58: {  	_ =	shalt  }
0x59: {  	_ =	shalt  }
0x5a: {  	_ =	shalt  }
0x5b: {  	_ =	shalt  }
0x5c: {  	_ =	shalt  }
0x5d: {  	_ =	shalt  }
0x5e: {  	_ =	shalt  }
0x5f: {  	_ =	shalt  }
0x60: {  	_ =	shalt  }
0x61: {  	_ =	shalt  }
0x62: {  	_ =	shalt  }
0x63: {  	_ =	shalt  }
0x64: {  	_ =	shalt  }
0x65: {  	_ =	shalt  }
0x66: {  	_ =	shalt  }
0x67: {  	_ =	shalt  }
0x68: {  	_ =	shalt  }
0x69: {  	_ =	shalt  }
0x6a: {  	_ =	shalt  }
0x6b: {  	_ =	shalt  }
0x6c: {  	_ =	shalt  }
0x6d: {  	_ =	shalt  }
0x6e: {  	_ =	shalt  }
0x6f: {  	_ =	shalt  }
0x70: {  	_ =	shalt  }
0x71: {  	_ =	shalt  }
0x72: {  	_ =	shalt  }
0x73: {  	_ =	shalt  }
0x74: {  	_ =	shalt  }
0x75: {  	_ =	shalt  }
0x76: {  	_ =	shalt  }
0x77: {  	_ =	shalt  }
0x78: {  	_ =	shalt  }
0x79: {  	_ =	shalt  }
0x7a: {  	_ =	shalt  }
0x7b: {  	_ =	shalt  }
0x7c: {  	_ =	shalt  }
0x7d: {  	_ =	shalt  }
0x7e: {  	_ =	shalt  }
0x7f: {  	_ =	shalt  }
0x80: {  	_ =	shalt  }
0x81: {  	_ =	shalt  }
0x82: {  	_ =	shalt  }
0x83: {  	_ =	shalt  }
0x84: {  	_ =	shalt  }
0x85: {  	_ =	shalt  }
0x86: {  	_ =	shalt  }
0x87: {  	_ =	shalt  }
.Lfunc_end0:
.L_simem_size_0:
called_computation_lowered:
.L_overlay_start_0:
0x88: {  	s2 =	sld [smem:$0x3FD9]  }
0x89: {  	s3 =	sld [smem:$0x3FFE];
	_ =	sdelay $0x1  }
0x8a: {  	s1 =	srdreg.scid  }
0x8b: {  	s0 =	sand.u32 $0x1, s1  }
0x8c: {  	s16 =	sshll.u32 s0, $0xA;
	s2 =	sadd.s32 s3, s2  }
0x8d: {  	s2 =	sadd.s32 s2, s16  }
0x8e: {  	[smem:$0x3FC5] =	sst s2  }
0x8f: {  	_ = 	snop  }
0x90: {  	(tm) =	ssettm $0x1  }
0x91: {  	s17 =	sld [smem:$0x3FFB];
	_ =	sdelay $0x3  }
0x92: {  	_ =	strace s17  }
0x93: {  	s2 =	sld [smem:$0x3FFC];
	_ =	sdelay $0x3  }
0x94: {  	_ =	strace s2  }
0x95: {  	s2 =	sld [smem:$0x3FFD];
	_ =	sdelay $0x3  }
0x96: {  	_ =	strace s2  }
0x97: {  	_ =	strace $0x8FFFFFFF  }
0x98: {  	s18 =	sld [smem:$0x3FDB];
	_ =	sdelay $0x1  }
0x99: {  	s19 =	simm.s32 $_scs_section_size  }
0x9a: {  	s4 =	simm.s32 $_size__tile_overlayer_lowered;
	s5 =	simm.s32 $_tile_overlayer_lowered  }
0x9b: {  	s22 =	simm.s32 $0x1BFF;
	s21 =	sshll.u32 s5, $0x1;
	s2 =	sadd.s32 s19, s18  }
0x9c: {  	s6 =	simm.s32 $0x0;
	s20 =	sshll.u32 s4, $0x1;
	s4 =	sadd.s32 s21, s2  }
0x9d: {  	[timem:s6], [sflag:s22] =	dma.local [hbm:s4], s20  }
0x9e: {  	_ =	swait.ge [sflag:s22], s20  }
0x9f: {  	s3 =	ssub.s32 $0x0, s20;
	[sflag:s22] =	ssyncset.done $0x0  }
0xa0: {  	[sflag:s22] =	ssyncadd.s32 s3;
	_ =	sdelay $0x1  }
0xa1: {  	s23 =	simm.s32 $0x1B8B  }
0xa2: {  	_ =	swait.ge [sflag:s23], $0x1  }
0xa3: {  	[sflag:s23] =	ssyncset.done $0x0  }
0xa4: {  	s25 =	simm.s32 $0x1B8E;
	s24 =	sld [smem:$0x3FFE];
	[sflag:s23] =	ssyncadd.s32 $0xFFFFFFFF  }
0xa5: {  	s26 =	simm.s32 $execute0_lowered;
	[smem:$0x3FD2] =	sst s25  }
0xa6: {  	s4 =	sshll.u32 s26, $0x1;
	_ =	strace $0x80000049;
	[dreg:$0x1] =	wrdreg $0xFFFFFFFF  }
0xa7: {  	s28 =	simm.s32 $_size_execute0_lowered;
	s2 =	sadd.s32 s2, s4;
	[dreg:$0x0] =	wrdreg $0x0  }
0xa8: {  	s4 =	sshll.u32 s28, $0x1;
	[dreg:$0x2] =	wrdreg s2  }
0xa9: {  	[dreg:$0x3] =	wrdreg s4  }
0xaa: {  	[dreg:$0x4] =	wrdreg $0xC0  }
0xab: {  	_ =	task [dreg:s6], $0x5FFFF  }
0xac: {  	[dreg:$0x1] =	wrdreg $0xFFFFFFFF  }
0xad: {  	[dreg:$0x0] =	wrdreg $0x60  }
0xae: {  	[dreg:$0x2] =	wrdreg s24  }
0xaf: {  	[dreg:$0x3] =	wrdreg $0x9  }
0xb0: {  	_ =	task.clear_ibuf [dreg:s6], $0x4FFFF;
	_ =	strace $0x90000049  }
0xb1: {  	s29 =	simm.s32 $0x9;
	_ =	strace $0x8000004B  }
0xb2: {  	_ =	swait.ge [sflag:s29], $0x1  }
0xb3: {  	[sflag:s29] =	ssyncadd.s32 $0xFFFFFFFF  }
0xb4: {  	_ =	strace $0x9000004B  }
0xb5: {  	_ =	sfence  }
0xb6: {  	s30 =	sld [smem:$0x0];
	_ =	sdelay $0x2  }
0xb7: {  	s31 =	sshll.u32 s1, $0xD;
	s1 =	sshrl.u32 s1, $0x2  }
0xb8: {  	s3 =	sand.u32 $0x4000, s31;
	s1 =	sadd.s32 s1, s30  }
0xb9: {  	s0 =	sor.u32 s3, s0;
	s1 =	sshll.u32 s1, $0x11  }
0xba: {  	s0 =	sor.u32 s1, s0  }
0xbb: {  	s0 =	sadd.s32 $0x8F2B, s0  }
0xbc: {  	[sflag:s0] =	ssyncadd.remote.s32 $0x1  }
0xbd: {  	_ =	sfence.sel $0xFFFF  }
0xbe: {  	[dreg:$0x0] =	wrdreg $0xFFFFFFFF;
	(pc) =	sbr.abs _section_cstart, $3  }
0xbf: {  	[dreg:$0x1] =	wrdreg $0xFFFFFFFF  }
0xc0: {  	_ =	task.clear_ibuf [dreg:s6], $0x2FFFF;
	_ =	strace $0x9FFFFFFF  }
0xc1: {  	(tm) =	ssettm $0x7FFFFFFF  }
tec
execute0_lowered:
.L_overlay_start_1:
0x0: {  	(tag) =	ssettag $0x1  }
0x1: {  	s8 =	rddreg [dreg:$0x0]  }
0x2: {  	s0 =	rddreg [dreg:$0x1];
	_ =	strace $0x8000004A;
	s1 =	stileid.u32  }
0x3: {  	s3 =	srdreg.scid;
	s4 =	simm.s32 $0x1;
	s7 =	simm.s32 $0x1  }
0x4: {  	s9 =	simm.s32 $0x1;
	s10 =	simm.s32 $0x3;
	s13 =	simm.s32 $0x0  }
0x5: {  	s12 =	simm.s32 $0x0;
	s5 =	sand.u32 $0x1, s3;
	s6 =	sshll.u32 s1, $0x1  }
0x6: {  	s2 =	sadd.s32 $0x200, s8;
	s3 =	sadd.s32 $0x13E00, s8;
	s5 =	sor.u32 s6, s5  }
.Ltmp0:
0x7: {  	[sflag:s4] =	ssyncpa.u1 $0x0;
	p0 =	slt.u32 s5, $0x9;
	(pc) =	sbr.rel .LBB2_1-.Ltmp0, $4  }
0x8: {  	s6 =	simm.s32 $0x2;
	s7 =	simm.s32 @!p0 $0x0;
	p0 =	sne.s32 s5, $0x8  }
0x9: {  	[sflag:s6] =	ssyncpa.u1 $0x0;
	s5 =	smul.u32 $0x1F40, s5;
	s9 =	simm.s32 @!p0 $0x0  }
0xa: {  	s8 =	sadd.s32 $0xA000, s8;
	[sflag:s10] =	ssyncpa.u1 $0x0;
	s7 =	sadd.s32 s9, s7  }
0xb: {  	vm0 =	vmmov $0xffff;
	s10 =	simm.s32 $0x0;
	s11 =	smov.u32 s5;
	s9 =	sadd.s32 $0x1, s7  }
.LBB2_4:
0xc: {  	v2 =	vnsel vm1, $0x0, v2  }
0xd: {  	vm1 =	vgt.s32 v0, $0x0;
	v2 =	vmin.u32 v2, $0x4E1FF  }
0xe: {  	v0 =	vnsel vm1, $0x0, v0  }
0xf: {  	v0 =	vmin.u32 v0, $0x4E1FF  }
0x10: {  	[tilespmem:s18], [sflag:$0x1] =	stream.indirect_vreg.gather [hbm4b:s2+s10], $0x1, v1, vm0, $0x4038;
	[tilespmem:$0x7D00] =	vst v63  }
0x11: {  	(ifvalue) =	ssetifvalue $0x7FFFFFFF  }
0x12: {  	[tilespmem:s15], [sflag:$0x1] =	stream.indirect_vreg.gather [hbm4b:s2+s10], $0x1, v2, vm0, $0x4038;
	[tilespmem:$0x7D00] =	vst v63  }
0x13: {  	s29 =	sadd.s32 $0x10, s15;
	(ifvalue) =	ssetifvalue $0x7FFFFFFF  }
0x14: {  	[tilespmem:s29], [sflag:$0x1] =	stream.indirect_vreg.gather [hbm4b:s2+s10], $0x1, v0, vm0, $0x4038;
	[tilespmem:$0x7D00] =	vst v63  }
0x15: {  	_ =	swait.ge [sflag:s4], $0x1F40  }
0x16: {  	s30 =	sshrl.u32 s13, $0x3;
	[sflag:s4] =	ssyncset.done $0x0  }
0x17: {  	s31 =	sand.u32 $0x7, s13;
	s15 =	sadd.s32 s8, s30;
	[sflag:s4] =	ssyncadd.s32 $0xFFFFE0C0  }
0x18: {  	[hbm4b:s15+s31] =	stream.linear.scatter [tilespmem:s14], [sflag:$0x3], $0x1F40, $0x38;
	[tilespmem:$0x7D00] =	vst v63  }
.LBB2_5:
0x19: {  	s15 =	sadd.s32 $0x3E800, s11  }
0x1a: {  	p1 =	sgt.s32 s15, $0x4E1FF  }
0x1b: {  	s15 =	smov.u32 @p1 s5;
	p1 =	sne.s32 s12, s9  }
.Ltmp1:
0x1c: {  	p0 =	slt.u32 s12, $0x2;
	(pc) =	sbr.rel @!p1 .LBB2_6-.Ltmp1, $4  }
0x1d: {  	s14 =	simm.s32 @!p0 $0x3  }
0x1e: {  	_ =	swait.ge @!p0 [sflag:s14], $0x1F40  }
0x1f: {  	s16 =	sadd.s32 $0x1, s12;
	s13 =	smov.u32 s11;
	[sflag:s14] =	ssyncset.done @!p0 $0x0  }
0x20: {  	s12 =	smov.u32 s16;
	s11 =	smov.u32 s15;
	[sflag:s14] =	ssyncadd.s32 @!p0 $0xFFFFE0C0  }
.LBB2_1:
0x21: {  	p0 =	sge.u32 s12, s7  }
0x22: {  	s14 =	sxor.u32 @!p0 $0x1, s12  }
0x23: {  	s14 =	smul.u32 @!p0 $0x7D00, s14  }
0x24: {  	s31 =	sadd.s32 $0xFFFFFFFF, s12;
	s15 =	sshrl.u32 @!p0 s11, $0x3  }
0x25: {  	s16 =	sand.u32 @!p0 $0x7, s11;
	s15 =	sadd.s32 @!p0 s3, s15;
	s14 =	sshra.s32 @!p0 s14, $0x2  }
0x26: {  	[tilespmem:s14], [sflag:$0x2] =	stream.linear.gather @!p0 [hbm4b:s15+s16], $0x1F40, $0x38;
	[tilespmem:$0x7D00] =	vst v63  }
0x27: {  	p0 =	sge.u32 s31, s7  }
.Ltmp2:
0x28: {  	_ = 	snop;
	(pc) =	sbr.rel @p0 .LBB2_5-.Ltmp2, $1  }
0x29: {  	_ =	sdelay $0x3  }
0x2a: {  	s14 =	sand.u32 $0x1, s12  }
0x2b: {  	_ =	swait.ge [sflag:s6], $0x1F40;
	p0 =	seq.s32 s14, $0x1;
	s14 =	simm.s32 $0x1F40  }
0x2c: {  	[sflag:s6] =	ssyncset.done $0x0;
	s14 =	simm.s32 @!p0 $0x0  }
0x2d: {  	[sflag:s6] =	ssyncadd.s32 $0xFFFFE0C0;
	(ifvalue) =	ssetifvalue $0x7FFFFFFF;
	v0 =	vld.msk [tilespmem:s14+$0x0 ss:$0x1], $0xffff;
	_ =	sdelay $0x4  }
0x2e: {  	s15 =	sadd.s32 $0x10, s14;
	vm1 =	vgt.s32 v0, $0x0  }
0x2f: {  	v2 =	vld.msk [tilespmem:s15+$0x0 ss:$0x1], $0xffff;
	v1 =	vnsel vm1, $0x0, v0  }
0x30: {  	v1 =	vmin.u32 v1, $0x4E1FF;
	_ =	sdelay $0x2  }
0x31: {  	s17 =	simm.s32 $0x20;
	s14 =	sadd.s32 $0x3E80, s14;
	s16 =	sadd.s32 $0x10, s15  }
0x32: {  	s15 =	sadd.s32 $0x10, s14;
	s18 =	smov.u32 s14;
	v0 =	vld.msk [tilespmem:s16+$0x0 ss:$0x1], $0xffff;
	vm1 =	vgt.s32 v2, $0x0;
	(ifvalue) =	ssetifvalue $0x7FFFFFFF  }
.LBB2_3:
0x33: {  	[tilespmem:s18], [sflag:$0x1] =	stream.indirect_vreg.gather [hbm4b:s2+s10], $0x1, v1, vm0, $0x4038;
	[tilespmem:$0x7D00] =	vst v63  }
0x34: {  	s17 =	sadd.s32 $0x10, s17  }
0x35: {  	v2 =	vnsel vm1, $0x0, v2;
	p0 =	slt.u32 s17, $0x1F30  }
.Ltmp3:
0x36: {  	s18 =	smov.u32 s15;
	v1 =	vmin.u32 v2, $0x4E1FF;
	(pc) =	sbr.rel @p0 .LBB2_3-.Ltmp3, $3  }
0x37: {  	_ =	sdelay $0x1  }
0x38: {  	s16 =	sadd.s32 $0x10, s16  }
0x39: {  	vm1 =	vgt.s32 v0, $0x0;
	s15 =	sadd.s32 $0x10, s15;
	v2 =	vmov v0;
	(ifvalue) =	ssetifvalue $0x7FFFFFFF;
	v0 =	vld.msk [tilespmem:s16+$0x0 ss:$0x1], $0xffff  }
.Ltmp4:
0x3a: {  	_ = 	snop;
	(pc) =	sbr.rel .LBB2_4-.Ltmp4, $1  }
0x3b: {  	_ =	sdelay $0x3  }
.LBB2_6:
0x3c: {  	_ =	sfence.sel $0x180000  }
0x3d: {  	s2 =	simm.s32 $0x2;
	[bflag:$0x0] =	sbarrier.arrive $0xFFFF  }
0x3e: {  	s30 =	simm.s32 $0x3;
	[sflag:s2] =	ssyncpa.u1 $0x1  }
0x3f: {  	s31 =	simm.s32 $0x1;
	[sflag:s30] =	ssyncpa.u1 $0x1  }
0x40: {  	[sflag:s31] =	ssyncpa.u1 $0x1  }
0x41: {  	p0 =	sne.s32 s1, $0x0;
	_ =	strace $0x9000004A  }
0x42: {  	s0 =	sadd.s32 @!p0 $0x100000, s0;
	[bflag:$0x2] =	sbarrier.arrive $0xFFFF  }
0x43: {  	[sflag:s0] =	ssyncadd.tile.s32 @!p0 $0x1;
	_ =	shalt  }
.Lfunc_end2:
_tile_overlayer_lowered:
.L_overlay_start_2:
0x44: {  	(tag) =	ssettag $0x2  }
0x45: {  	s0 =	rddreg [dreg:$0x0];
	s2 =	stileid.u32  }
0x46: {  	s1 =	rddreg [dreg:$0x1];
	p0 =	sne.s32 s2, $0x0  }
0x47: {  	s3 =	rddreg [dreg:$0x2];
	[bflag:$0x3] =	sbarrier.arrive $0xFFFF;
	s2 =	simm.s32 @!p0 $0x1C01  }
0x48: {  	[timem:s3], [sflag:s2] =	dma.local @!p0 [hbm:s0], s1  }
0x49: {  	s0 =	simm.s32 @!p0 $0x1  }
0x4a: {  	_ =	swait.ge @!p0 [sflag:s0], s1  }
0x4b: {  	s1 =	ssub.s32 @!p0 $0x0, s1;
	[sflag:s0] =	ssyncset.done @!p0 $0x0  }
0x4c: {  	[sflag:s0] =	ssyncadd.s32 @!p0 s1  }
0x4d: {  	[bflag:$0x3] =	sbarrier.arrive $0xFFFF  }
0x4e: {  	_ =	shalt  }

// kernel: kernel.3.cloned.1.call-start
scs
__scs_entry_jumppad:
0x0: {  	(pc) =	sbr.rel $0x88, $3  }
0x1: {  	(tag) =	ssettag $0x0;
	lr =	simm.s32 $0x1  }
0x2: {  	[smem:$0x3F9E] =	sst lr;
	_ =	strace $0xD0000000  }
0x3: {  	_ = 	snop  }
0x4: {  	_ = 	snop  }
0x5: {  	_ = 	snop  }
0x6: {  	_ = 	snop  }
0x7: {  	_ = 	snop  }
__scs_overlays_trampoline_lowered:
0x8: {  	[smem:$0x3FAD] =	sst s0  }
0x9: {  	[smem:$0x3FAE] =	sst s1  }
0xa: {  	[smem:$0x3FAF] =	sst s2  }
0xb: {  	[smem:$0x3FB0] =	sst s3  }
0xc: {  	[smem:$0x3FB1] =	sst s4  }
0xd: {  	[smem:$0x3FB2] =	sst s5  }
0xe: {  	[smem:$0x3FB3] =	sst s6  }
0xf: {  	[smem:$0x3FB4] =	sst s7  }
0x10: {  	[smem:$0x3FB5] =	sst s8  }
0x11: {  	[smem:$0x3FB6] =	sst s9;
	s0 =	simm.s32 @!p0 $0x0  }
0x12: {  	s1 =	sld [smem:$0x3F9C];
	s0 =	simm.s32 @p0 $0x1  }
0x13: {  	[smem:$0x3FB7] =	sst s0;
	s0 =	simm.s32 @!p1 $0x0  }
0x14: {  	s2 =	sld [smem:$0x3F9B];
	s0 =	simm.s32 @p1 $0x1  }
0x15: {  	[smem:$0x3FB8] =	sst s0;
	s0 =	simm.s32 @!p2 $0x0  }
0x16: {  	s3 =	sld [smem:$0x3FDB];
	s0 =	simm.s32 @p2 $0x1  }
0x17: {  	s4 =	simm.s32 $0x1BF5;
	[smem:$0x3FBA] =	sst s0  }
0x18: {  	s0 =	sld [smem:$0x3F9D];
	_ =	swait.ge [sflag:s4], $0x0  }
0x19: {  	s7 =	sld [smem:$0x3F9E]  }
0x1a: {  	s8 =	sadd.s32 $0xFFFFE003, lr  }
0x1b: {  	s9 =	sadd.s32 $0xFFFFFEF7, lr;
	s5 =	simm.s32 $0xFFFFFFFF;
	p2 =	slt.u32 s8, $0xFFFFF086  }
0x1c: {  	p1 =	slt.u32 s9, $0xF7A;
	s5 =	simm.s32 @!p2 $0x0  }
0x1d: {  	s5 =	simm.s32 @p1 $0x1;
	p0 =	seq.s32 s7, s2  }
0x1e: {  	s7 =	smul.u32 @!p0 $0xF7A, s2;
	p2 =	seq.s32 @!p0 s5, $0x0  }
0x1f: {  	s9 =	smul.u32 $0xF7A, s1;
	s8 =	simm.s32 @!p0 $0x1BF5;
	p2 =	por !p2, p0  }
0x20: {  	[sflag:s8] =	ssyncset.s32 @!p0 $0xFFFFF086;
	s6 =	sadd.s32 @!p0 s3, s7;
	s7 =	simm.s32 @!p0 $0x108  }
0x21: {  	s3 =	sadd.s32 s3, s9;
	s6 =	sadd.s32 @!p0 $0x88, s6;
	s7 =	simm.s32 @p2 $0x1082  }
0x22: {  	[simem:s7], [sflag:s8] =	dma.local @!p0 [hbm:s6], $0xF7A  }
0x23: {  	s9 =	sor.u32 $0xD0000000, s2;
	s6 =	simm.s32 $0x108;
	_ =	swait.ge @!p0 [sflag:s8], $0x0  }
0x24: {  	s3 =	sadd.s32 $0x88, s3;
	s6 =	simm.s32 @!p1 $0x1082;
	[sflag:s4] =	ssyncset.s32 $0xFFFFF086  }
0x25: {  	[simem:s6], [sflag:s4] =	dma.local [hbm:s3], $0xF7A  }
0x26: {  	[smem:$0x3F9E] =	sst s1;
	(tag) =	ssettag s2;
	_ =	strace s9  }
0x27: {  	s1 =	sld [smem:$0x3FAE]  }
0x28: {  	s2 =	sld [smem:$0x3FAF]  }
0x29: {  	s4 =	sld [smem:$0x3FB1]  }
0x2a: {  	p0 =	seq.s32 s5, $0x0;
	s5 =	sld [smem:$0x3FB2]  }
0x2b: {  	s6 =	sld [smem:$0x3FB3]  }
0x2c: {  	s7 =	sld [smem:$0x3FB4]  }
0x2d: {  	s3 =	simm.s32 $0x108;
	s8 =	sld [smem:$0x3FB5]  }
0x2e: {  	s3 =	simm.s32 @!p0 $0x1082;
	s9 =	sld [smem:$0x3FB6]  }
0x2f: {  	lr =	sadd.s32 s0, s3;
	s0 =	sld [smem:$0x3FAD]  }
0x30: {  	s3 =	sld [smem:$0x3FB0]  }
0x31: {  	[smem:$0x3FB9] =	sst s10  }
0x32: {  	s10 =	sld [smem:$0x3FB7];
	_ =	sdelay $0x3  }
0x33: {  	p0 =	seq.s32 s10, $0x1;
	s10 =	sld [smem:$0x3FB9];
	_ =	sdelay $0x3  }
0x34: {  	[smem:$0x3FB9] =	sst s10  }
0x35: {  	s10 =	sld [smem:$0x3FB8];
	_ =	sdelay $0x3  }
0x36: {  	p1 =	seq.s32 s10, $0x1;
	s10 =	sld [smem:$0x3FB9];
	_ =	sdelay $0x3  }
0x37: {  	[smem:$0x3FB9] =	sst s10  }
0x38: {  	s10 =	sld [smem:$0x3FBA]  }
0x39: {  	_ = 	snop;
	(pc) =	sbr.ind lr, $3  }
0x3a: {  	_ = 	snop  }
0x3b: {  	_ = 	snop  }
0x3c: {  	p2 =	seq.s32 s10, $0x1;
	s10 =	sld [smem:$0x3FB9]  }
0x3d: {  	_ =	shalt  }
0x3e: {  	_ =	shalt  }
0x3f: {  	_ =	shalt  }
0x40: {  	_ =	shalt  }
0x41: {  	_ =	shalt  }
0x42: {  	_ =	shalt  }
0x43: {  	_ =	shalt  }
0x44: {  	_ =	shalt  }
0x45: {  	_ =	shalt  }
0x46: {  	_ =	shalt  }
0x47: {  	_ =	shalt  }
0x48: {  	_ =	shalt  }
0x49: {  	_ =	shalt  }
0x4a: {  	_ =	shalt  }
0x4b: {  	_ =	shalt  }
0x4c: {  	_ =	shalt  }
0x4d: {  	_ =	shalt  }
0x4e: {  	_ =	shalt  }
0x4f: {  	_ =	shalt  }
0x50: {  	_ =	shalt  }
0x51: {  	_ =	shalt  }
0x52: {  	_ =	shalt  }
0x53: {  	_ =	shalt  }
0x54: {  	_ =	shalt  }
0x55: {  	_ =	shalt  }
0x56: {  	_ =	shalt  }
0x57: {  	_ =	shalt  }
0x58: {  	_ =	shalt  }
0x59: {  	_ =	shalt  }
0x5a: {  	_ =	shalt  }
0x5b: {  	_ =	shalt  }
0x5c: {  	_ =	shalt  }
0x5d: {  	_ =	shalt  }
0x5e: {  	_ =	shalt  }
0x5f: {  	_ =	shalt  }
0x60: {  	_ =	shalt  }
0x61: {  	_ =	shalt  }
0x62: {  	_ =	shalt  }
0x63: {  	_ =	shalt  }
0x64: {  	_ =	shalt  }
0x65: {  	_ =	shalt  }
0x66: {  	_ =	shalt  }
0x67: {  	_ =	shalt  }
0x68: {  	_ =	shalt  }
0x69: {  	_ =	shalt  }
0x6a: {  	_ =	shalt  }
0x6b: {  	_ =	shalt  }
0x6c: {  	_ =	shalt  }
0x6d: {  	_ =	shalt  }
0x6e: {  	_ =	shalt  }
0x6f: {  	_ =	shalt  }
0x70: {  	_ =	shalt  }
0x71: {  	_ =	shalt  }
0x72: {  	_ =	shalt  }
0x73: {  	_ =	shalt  }
0x74: {  	_ =	shalt  }
0x75: {  	_ =	shalt  }
0x76: {  	_ =	shalt  }
0x77: {  	_ =	shalt  }
0x78: {  	_ =	shalt  }
0x79: {  	_ =	shalt  }
0x7a: {  	_ =	shalt  }
0x7b: {  	_ =	shalt  }
0x7c: {  	_ =	shalt  }
0x7d: {  	_ =	shalt  }
0x7e: {  	_ =	shalt  }
0x7f: {  	_ =	shalt  }
0x80: {  	_ =	shalt  }
0x81: {  	_ =	shalt  }
0x82: {  	_ =	shalt  }
0x83: {  	_ =	shalt  }
0x84: {  	_ =	shalt  }
0x85: {  	_ =	shalt  }
0x86: {  	_ =	shalt  }
0x87: {  	_ =	shalt  }
.Lfunc_end0:
.L_simem_size_0:
called_computation.3_lowered:
.L_overlay_start_0:
0x88: {  	s0 =	sld [smem:$0x3FD9]  }
0x89: {  	s1 =	sld [smem:$0x3FFE];
	_ =	sdelay $0x3  }
0x8a: {  	s0 =	sadd.s32 s1, s0  }
0x8b: {  	[smem:$0x3FC5] =	sst s0  }
0x8c: {  	_ = 	snop  }
0x8d: {  	s0 =	sld [smem:$0x3FD0];
	_ =	sdelay $0x2  }
0x8e: {  	s13 =	simm.s32 $0xB;
	s2 =	simm.s32 $0x10  }
0x8f: {  	[smem:s2], [sflag:s13] =	dma.local [hbm:s0], $0x1  }
0x90: {  	_ =	swait.eq [sflag:s13], $0x1  }
0x91: {  	[sflag:s13] =	ssyncset.done $0x0  }
0x92: {  	s14 =	sld [smem:$0x10];
	[sflag:s13] =	ssyncadd.s32 $0xFFFFFFFF  }
0x93: {  	s15 =	sld [smem:$0x11];
	(tm) =	ssettm $0x1  }
0x94: {  	s16 =	sld [smem:$0x3FFB];
	_ =	sdelay $0x3  }
0x95: {  	_ =	strace s16  }
0x96: {  	s2 =	sld [smem:$0x3FFC];
	_ =	sdelay $0x3  }
0x97: {  	_ =	strace s2  }
0x98: {  	s2 =	sld [smem:$0x3FFD];
	_ =	sdelay $0x3  }
0x99: {  	_ =	strace s2  }
0x9a: {  	_ =	strace $0x8FFFFFFF  }
0x9b: {  	s17 =	sld [smem:$0x3FDB];
	_ =	sdelay $0x1  }
0x9c: {  	s3 =	simm.s32 $_scs_section_size  }
0x9d: {  	s4 =	simm.s32 $_size__tile_overlayer_lowered;
	s5 =	simm.s32 $_tile_overlayer_lowered  }
0x9e: {  	s20 =	simm.s32 $0x1BFF;
	s19 =	sshll.u32 s5, $0x1;
	s2 =	sadd.s32 s3, s17  }
0x9f: {  	s6 =	simm.s32 $0x0;
	s18 =	sshll.u32 s4, $0x1;
	s4 =	sadd.s32 s19, s2  }
0xa0: {  	[timem:s6], [sflag:s20] =	dma.local [hbm:s4], s18  }
0xa1: {  	_ =	swait.ge [sflag:s20], s18  }
0xa2: {  	s3 =	ssub.s32 $0x0, s18;
	[sflag:s20] =	ssyncset.done $0x0  }
0xa3: {  	[sflag:s20] =	ssyncadd.s32 s3;
	_ =	sdelay $0x1  }
0xa4: {  	s21 =	simm.s32 $0x1B8B  }
0xa5: {  	_ =	swait.ge [sflag:s21], $0x1  }
0xa6: {  	[sflag:s21] =	ssyncset.done $0x0  }
0xa7: {  	s23 =	simm.s32 $0x1B8E;
	s22 =	sld [smem:$0x3FFE];
	[sflag:s21] =	ssyncadd.s32 $0xFFFFFFFF  }
0xa8: {  	s24 =	simm.s32 $execute0_lowered;
	[smem:$0x3FD2] =	sst s23  }
0xa9: {  	s4 =	sshll.u32 s24, $0x1;
	_ =	strace $0x8000004F;
	[dreg:$0x1] =	wrdreg $0xFFFFFFFF  }
0xaa: {  	s25 =	simm.s32 $_size_execute0_lowered;
	s2 =	sadd.s32 s2, s4;
	[dreg:$0x0] =	wrdreg $0x0  }
0xab: {  	s4 =	sshll.u32 s25, $0x1;
	[dreg:$0x2] =	wrdreg s2  }
0xac: {  	[dreg:$0x3] =	wrdreg s4  }
0xad: {  	[dreg:$0x4] =	wrdreg $0xC0  }
0xae: {  	_ =	task [dreg:s6], $0x5FFFF  }
0xaf: {  	[dreg:$0x1] =	wrdreg $0xFFFFFFFF  }
0xb0: {  	[dreg:$0x0] =	wrdreg $0x60  }
0xb1: {  	[dreg:$0x2] =	wrdreg s22  }
0xb2: {  	[dreg:$0x3] =	wrdreg s15  }
0xb3: {  	[dreg:$0x4] =	wrdreg s14  }
0xb4: {  	[dreg:$0x5] =	wrdreg $0x9  }
0xb5: {  	_ =	task.clear_ibuf [dreg:s6], $0x6FFFF;
	_ =	strace $0x9000004F  }
0xb6: {  	s26 =	simm.s32 $0x9;
	_ =	strace $0x80000051  }
0xb7: {  	_ =	swait.ge [sflag:s26], $0x1  }
0xb8: {  	[sflag:s26] =	ssyncadd.s32 $0xFFFFFFFF  }
0xb9: {  	_ =	strace $0x90000051  }
0xba: {  	_ =	sfence  }
0xbb: {  	s28 =	sld [smem:$0x0];
	_ =	sdelay $0x1  }
0xbc: {  	s29 =	srdreg.scid  }
0xbd: {  	s30 =	sshll.u32 s29, $0xD;
	s31 =	sshrl.u32 s29, $0x2  }
0xbe: {  	s1 =	sand.u32 $0x1, s29;
	s2 =	sand.u32 $0x4000, s30;
	s0 =	sadd.s32 s31, s28  }
0xbf: {  	s1 =	sor.u32 s2, s1;
	s0 =	sshll.u32 s0, $0x11  }
0xc0: {  	s0 =	sor.u32 s0, s1  }
0xc1: {  	s0 =	sadd.s32 $0x8F2B, s0  }
0xc2: {  	[sflag:s0] =	ssyncadd.remote.s32 $0x1  }
0xc3: {  	_ =	sfence.sel $0xFFFF  }
0xc4: {  	[dreg:$0x0] =	wrdreg $0xFFFFFFFF;
	(pc) =	sbr.abs _section_cstart, $3  }
0xc5: {  	[dreg:$0x1] =	wrdreg $0xFFFFFFFF  }
0xc6: {  	_ =	task.clear_ibuf [dreg:s6], $0x2FFFF;
	_ =	strace $0x9FFFFFFF  }
0xc7: {  	(tm) =	ssettm $0x7FFFFFFF  }
tec
execute0_lowered:
.L_overlay_start_1:
0x0: {  	(tag) =	ssettag $0x1  }
0x1: {  	s0 =	rddreg [dreg:$0x0];
	s13 =	simm.s32 $0x0  }
0x2: {  	[smem:$0x7FF] =	sst s13  }
0x3: {  	s1 =	simm.s32 $0xC480;
	s14 =	simm.s32 $0x1;
	_ =	strace $0x80000050  }
0x4: {  	[tilespmem:s1], [sflag:$0x1] =	stream.linear.gather [hbm4b:s0+s13], $0x80, $0x38;
	[tilespmem:$0xCE80] =	vst v63  }
0x5: {  	_ =	swait.ge [sflag:s14], $0x80  }
0x6: {  	[sflag:s14] =	ssyncset.done $0x0  }
0x7: {  	s2 =	simm.s32 $0xC500;
	s23 =	sadd.s32 $0x1F000, s0;
	[sflag:s14] =	ssyncadd.s32 $0xFFFFFF80  }
0x8: {  	[tilespmem:s2], [sflag:$0x1] =	stream.linear.gather [hbm4b:s23+s13], $0x80, $0x38;
	[tilespmem:$0xCE80] =	vst v63  }
0x9: {  	_ =	swait.ge [sflag:s14], $0x80  }
0xa: {  	[sflag:s14] =	ssyncset.done $0x0  }
0xb: {  	s25 =	simm.s32 $0xC580;
	s24 =	sadd.s32 $0x29000, s0;
	[sflag:s14] =	ssyncadd.s32 $0xFFFFFF80  }
0xc: {  	[tilespmem:s25], [sflag:$0x1] =	stream.linear.gather [hbm4b:s24+s13], $0x80, $0x38;
	[tilespmem:$0xCE80] =	vst v63  }
0xd: {  	_ =	swait.ge [sflag:s14], $0x80  }
0xe: {  	[sflag:s14] =	ssyncset.done $0x0  }
0xf: {  	s26 =	sadd.s32 $0x1DC00, s0;
	[sflag:s14] =	ssyncadd.s32 $0xFFFFFF80  }
0x10: {  	[tilespmem:s13], [sflag:$0x1] =	stream.linear.gather [hbm4b:s26+s13], $0xA000, $0x38;
	[tilespmem:$0xCE80] =	vst v63  }
0x11: {  	_ =	swait.ge [sflag:s14], $0xA000  }
0x12: {  	[sflag:s14] =	ssyncset.done $0x0  }
0x13: {  	s29 =	stileid.u32;
	[sflag:s14] =	ssyncadd.s32 $0xFFFF6000  }
0x14: {  	v3 =	vimm.f32 $0.0e+00;
	v0 =	vld [tilespmem:s29+$0xC480]  }
0x15: {  	v1 =	vld [tilespmem:s29+$0xC500];
	[tilespmem:$0xC200] =	vst v3  }
0x16: {  	[tilespmem:$0xC210] =	vst v3  }
0x17: {  	[tilespmem:$0xC220] =	vst v3  }
0x18: {  	[tilespmem:$0xC230] =	vst v3  }
0x19: {  	[tilespmem:$0xC240] =	vst v3  }
0x1a: {  	[tilespmem:$0xC250] =	vst v3  }
0x1b: {  	[tilespmem:$0xC260] =	vst v3  }
0x1c: {  	[tilespmem:$0xC270] =	vst v3  }
0x1d: {  	[tilespmem:$0xC280] =	vst v3  }
0x1e: {  	[tilespmem:$0xC290] =	vst v3  }
0x1f: {  	[tilespmem:$0xC2A0] =	vst v3  }
0x20: {  	[tilespmem:$0xC2B0] =	vst v3  }
0x21: {  	[tilespmem:$0xC2C0] =	vst v3  }
0x22: {  	[tilespmem:$0xC2D0] =	vst v3  }
0x23: {  	[tilespmem:$0xC2E0] =	vst v3  }
0x24: {  	[tilespmem:$0xC2F0] =	vst v3;
	(v2sf) =	vpush v0, $0x0  }
0x25: {  	[tilespmem:$0xC300] =	vst v3;
	(v2sf) =	vpush v1, $0x0  }
0x26: {  	[tilespmem:$0xC310] =	vst v3  }
0x27: {  	[tilespmem:$0xC320] =	vst v3  }
0x28: {  	[tilespmem:$0xC330] =	vst v3  }
0x29: {  	[tilespmem:$0xC340] =	vst v3  }
0x2a: {  	[tilespmem:$0xC350] =	vst v3  }
0x2b: {  	[tilespmem:$0xC360] =	vst v3  }
0x2c: {  	[tilespmem:$0xC370] =	vst v3  }
0x2d: {  	[tilespmem:$0xC380] =	vst v3  }
0x2e: {  	[tilespmem:$0xC390] =	vst v3  }
0x2f: {  	[tilespmem:$0xC3A0] =	vst v3  }
0x30: {  	[tilespmem:$0xC3B0] =	vst v3  }
0x31: {  	[tilespmem:$0xC3C0] =	vst v3  }
0x32: {  	[tilespmem:$0xC3D0] =	vst v3  }
0x33: {  	[tilespmem:$0xC3E0] =	vst v3;
	s6 =	spop (v2sf)  }
0x34: {  	[tilespmem:$0xC3F0] =	vst v3;
	s9 =	spop (v2sf)  }
0x35: {  	[tilespmem:$0xC400] =	vst v3;
	s30 =	sadd.s32 $0x7FF, s9  }
0x36: {  	[tilespmem:$0xC410] =	vst v3;
	s4 =	sshra.s32 s6, $0xB;
	s11 =	sshra.s32 s30, $0xB  }
0x37: {  	[tilespmem:$0xC420] =	vst v3;
	p0 =	sge.s32 s4, s11  }
.Ltmp0:
0x38: {  	[tilespmem:$0xC430] =	vst v3;
	(pc) =	sbr.rel @p0 .LBB2_10-.Ltmp0, $4  }
0x39: {  	s5 =	smul.u32 $0x280, s29;
	[tilespmem:$0xC440] =	vst v3  }
0x3a: {  	s7 =	sadd.s32 $0x32C00, s0;
	s8 =	sadd.s32 $0x1F200, s0;
	s15 =	sadd.s32 $0x29400, s0;
	[tilespmem:$0xC450] =	vst v3  }
0x3b: {  	v2 =	vimm.f32 $0.0e+00;
	s1 =	sshll.u32 s29, $0x4;
	s31 =	sshrl.u32 s5, $0x3;
	s26 =	sadd.s32 $0x29200, s0;
	[tilespmem:$0xC460] =	vst v3  }
0x3c: {  	v4 =	vmov s5;
	s16 =	sadd.s32 s15, s31;
	s28 =	sadd.s32 s26, s1;
	v5 =	vld [tilespmem:$0xC580];
	[tilespmem:$0xC470] =	vst v3;
	v0 =	vbroadcast v0, $0x0;
	v1 =	vbroadcast v1, $0x0;
	s2 =	sshll.u32 s4, $0xB  }
0x3d: {  	v2 =	vimm.f32 $1.500000000e+01  }
0x3e: {  	vm0 =	vcmask $0x300;
	v6 =	vimm.s32 $0x65432100;
	v7 =	vimm.s32 $0xEDCBA987  }
0x3f: {  	v8 =	vimm.s32 $0xFFEDCBA9;
	v2 =	vsel vm0, $0x0, v2;
	vm0 =	vcmask $0x704  }
0x40: {  	v9 =	vimm.s32 $0x87654321;
	v2 =	vsel vm0, $0x3F800000, v2;
	vm0 =	vcmask $0xB08  }
0x41: {  	v7 =	vunpack.c.l.s4.s8 v7;
	v2 =	vsel vm0, $0x40000000, v2;
	vm0 =	vcmask $0xF0C  }
0x42: {  	v6 =	vunpack.c.l.s4.s8 v6;
	v2 =	vsel vm0, $0x40400000, v2;
	vm0 =	vcmask $0x1310  }
0x43: {  	v8 =	vunpack.c.l.s4.s8 v8;
	v2 =	vsel vm0, $0x40800000, v2;
	vm0 =	vcmask $0x1714  }
0x44: {  	v9 =	vunpack.c.l.s4.s8 v9;
	v2 =	vsel vm0, $0x40A00000, v2;
	vm0 =	vcmask $0x1B18  }
0x45: {  	v7 =	vunpack.c.0.s8.s32 v7;
	v2 =	vsel vm0, $0x40C00000, v2;
	vm0 =	vcmask $0x1F1C  }
0x46: {  	v6 =	vunpack.c.0.s8.s32 v6;
	v2 =	vsel vm0, $0x40E00000, v2;
	vm0 =	vcmask $0x2320  }
0x47: {  	v11 =	vunpack.c.0.s8.s32 v8;
	v2 =	vsel vm0, $0x41000000, v2;
	vm0 =	vcmask $0x2724  }
0x48: {  	v9 =	vunpack.c.0.s8.s32 v9;
	v2 =	vsel vm0, $0x41100000, v2;
	vm0 =	vcmask $0x2B28  }
.Ltmp1:
0x49: {  	v8 =	vlaneseq.u32;
	v2 =	vsel vm0, $0x41200000, v2;
	vm0 =	vcmask $0x2F2C;
	(pc) =	sbr.rel .LBB2_2-.Ltmp1, $4  }
0x4a: {  	v7 =	vand.u32 $0xF, v7;
	v2 =	vsel vm0, $0x41300000, v2;
	vm0 =	vcmask $0x3330  }
0x4b: {  	v9 =	vcombine.low v9, v11;
	v2 =	vsel vm0, $0x41400000, v2;
	vm0 =	vcmask $0x3734  }
0x4c: {  	s3 =	sshll.u32 s4, $0xB;
	s10 =	simm.s32 $0x0;
	s12 =	simm.s32 $0xA800;
	v6 =	vcombine.low v6, v7;
	v10 =	vsel vm0, $0x41500000, v2;
	vm0 =	vcmask $0x3B38  }
0x4d: {  	s17 =	simm.s32 $0xB000;
	s18 =	simm.s32 $0xC200;
	s19 =	smov.u32 s4;
	v2 =	vimm.f32 $0.0e+00;
	v7 =	vsel vm0, $0x41600000, v10;
	vm0 =	vcmask $0x3F3C  }
.LBB2_4:
0x4e: {  	s23 =	smov.u32 s21;
	s22 =	smov.u32 s20  }
.LBB2_8:
0x4f: {  	s23 =	sadd.s32 @p1 $0x10, s23  }
0x50: {  	s21 =	smov.u32 @p1 s23  }
0x51: {  	v12 =	vperm.xlane v10, v6;
	v11 =	vld [tilespmem:s21+$0x0];
	s21 =	sadd.s32 @p1 $0x10, s22  }
0x52: {  	s20 =	smov.u32 @p1 s21  }
0x53: {  	vm1 =	veq.s32 v10, v12;
	v13 =	vor.u32 s20, v8  }
0x54: {  	v12 =	vsel vm1, $0x0, v7;
	vm2 =	vge.s32 v13, v0;
	vm3 =	vlt.s32 v13, v1  }
0x55: {  	(xrf0) =	vmax.scan.msk.f32 $0xffff, v12;
	vm1 =	vmand vm2, vm3  }
0x56: {  	v11 =	vnsel vm1, $0x0, v11  }
0x57: {  	(xrf2) =	vadd.scan.msk.f32 $0xffff, v11;
	_ =	sdelay $0x3  }
0x58: {  	v12, _, _ =	vpop (xrf0)  }
0x59: {  	v12 =	vtrunc.f32 v12  }
0x5a: {  	v62 =	vperm.xlane v10, v9;
	v12 =	vcvt.f32.s32 v12;
	_ =	sdelay $0x1  }
0x5b: {  	vm2 =	vne.s32 v10, v62;
	v63 =	vadd.s32 $0xFFFFFFFF, v12  }
0x5c: {  	vm2 =	vmor vm2, vm0;
	vm3 =	vgt.s32 v63, $0x0  }
0x5d: {  	v10 =	vsub.s32 v10, v4;
	vm1 =	vmand vm1, vm2;
	v13 =	vnsel vm3, $0x0, v63;
	v14, _, _ =	vpop (xrf2)  }
0x5e: {  	v10 =	vnsel vm1, $0x0, v10;
	v13 =	vperm.xlane v14, v13  }
0x5f: {  	vm2 =	vgt.s32 v12, $0x0  }
0x60: {  	v12 =	vnsel vm2, $0x0, v13  }
0x61: {  	v12 =	vsub.f32 v14, v12;
	_ =	sdelay $0x1  }
0x62: {  	v2 =	vadd.f32 v11, v2;
	[tilespmem:v10+s18+$0x0] =	vst.idx.add.f32.msk vm1, v12  }
.LBB2_9:
0x63: {  	s19 =	sadd.s32 $0x1, s19  }
0x64: {  	p1 =	sne.s32 s19, s11  }
.Ltmp2:
0x65: {  	_ = 	snop;
	(pc) =	sbr.rel @!p1 .LBB2_10-.Ltmp2, $2  }
0x66: {  	_ =	sdelay $0x2  }
0x67: {  	s3 =	sadd.s32 $0x800, s3  }
.LBB2_2:
0x68: {  	s20 =	sshll.u32 s19, $0xB  }
0x69: {  	s21 =	sshrl.u32 s20, $0x3  }
0x6a: {  	s22 =	sadd.s32 s7, s21  }
0x6b: {  	[tilespmem:s12], [sflag:$0x1] =	stream.linear.gather [hbm4b:s22+s10], $0x800, $0x38;
	[tilespmem:$0xCE80] =	vst v63  }
0x6c: {  	_ =	swait.ge [sflag:s14], $0x800  }
0x6d: {  	[sflag:s14] =	ssyncset.done $0x0  }
0x6e: {  	s21 =	sadd.s32 s8, s21;
	[sflag:s14] =	ssyncadd.s32 $0xFFFFF800  }
0x6f: {  	[tilespmem:s17], [sflag:$0x1] =	stream.linear.gather [hbm4b:s21+s10], $0x800, $0x38;
	[tilespmem:$0xCE80] =	vst v63  }
0x70: {  	s21 =	sadd.s32 $0x800, s20  }
0x71: {  	p1 =	slt.s32 s9, s21  }
0x72: {  	s22 =	smov.u32 s20;
	s21 =	smov.u32 @p1 s9;
	p1 =	sgt.s32 s6, s20  }
0x73: {  	s22 =	smov.u32 @p1 s6;
	s21 =	ssub.s32 s21, s20  }
0x74: {  	s20 =	ssub.s32 s22, s20;
	s21 =	sadd.s32 $0xF, s21  }
0x75: {  	s20 =	sshra.s32 s20, $0x4;
	s21 =	sshra.s32 s21, $0x4  }
0x76: {  	p1 =	sle.s32 s21, s20  }
.Ltmp3:
0x77: {  	_ = 	snop;
	(pc) =	sbr.rel @p1 .LBB2_9-.Ltmp3, $4  }
0x78: {  	_ = 	snop  }
0x79: {  	_ =	swait.ge [sflag:s14], $0x800  }
0x7a: {  	[sflag:s14] =	ssyncset.done $0x0  }
0x7b: {  	[sflag:s14] =	ssyncadd.s32 $0xFFFFF800  }
0x7c: {  	s24 =	ssub.s32 s21, s20  }
0x7d: {  	s22 =	sshll.u32 s20, $0x6;
	p2 =	sne.s32 s24, $0x1  }
.Ltmp4:
0x7e: {  	s23 =	sshra.s32 s22, $0x2;
	(pc) =	sbr.rel @!p2 .LBB2_4-.Ltmp4, $4  }
0x7f: {  	s22 =	sadd.s32 $0xA800, s23  }
0x80: {  	v10 =	vld [tilespmem:s22+$0x0]  }
0x81: {  	s31 =	sshll.u32 s20, $0x4;
	p1 =	por $0x0, $0x0  }
0x82: {  	s20 =	sadd.s32 s31, s3;
	s21 =	sadd.s32 $0xB000, s23;
	s23 =	sadd.s32 $0xFFFFFFFF, s24  }
0x83: {  	_ =	sdelay $0x1  }
0x84: {  	v11 =	vld [tilespmem:s21+$0x0];
	v12 =	vperm.xlane v10, v6;
	_ =	sdelay $0x1  }
0x85: {  	v13 =	vor.u32 s20, v8;
	vm1 =	veq.s32 v10, v12  }
0x86: {  	vm2 =	vge.s32 v13, v0;
	vm3 =	vlt.s32 v13, v1;
	v12 =	vsel vm1, $0x0, v7  }
0x87: {  	vm1 =	vmand vm2, vm3;
	(xrf0) =	vmax.scan.msk.f32 $0xffff, v12  }
0x88: {  	v11 =	vnsel vm1, $0x0, v11  }
0x89: {  	(xrf2) =	vadd.scan.msk.f32 $0xffff, v11;
	_ =	sdelay $0x3  }
0x8a: {  	v12, _, _ =	vpop (xrf0)  }
0x8b: {  	v12 =	vtrunc.f32 v12  }
0x8c: {  	v62 =	vperm.xlane v10, v9;
	v12 =	vcvt.f32.s32 v12;
	_ =	sdelay $0x1  }
0x8d: {  	vm2 =	vne.s32 v10, v62;
	v63 =	vadd.s32 $0xFFFFFFFF, v12  }
0x8e: {  	vm2 =	vmor vm2, vm0;
	vm3 =	vgt.s32 v63, $0x0  }
0x8f: {  	v10 =	vsub.s32 v10, v4;
	vm1 =	vmand vm1, vm2;
	v14, _, _ =	vpop (xrf2);
	v13 =	vnsel vm3, $0x0, v63  }
0x90: {  	v10 =	vnsel vm1, $0x0, v10;
	v13 =	vperm.xlane v14, v13  }
0x91: {  	vm2 =	vgt.s32 v12, $0x0  }
0x92: {  	v12 =	vnsel vm2, $0x0, v13  }
0x93: {  	p2 =	sne.s32 s23, $0x1;
	v12 =	vsub.f32 v14, v12  }
.Ltmp5:
0x94: {  	_ = 	snop;
	(pc) =	sbr.rel @!p2 .LBB2_6-.Ltmp5, $4  }
0x95: {  	s24 =	sadd.s32 $0x10, s22;
	[tilespmem:v10+s18+$0x0] =	vst.idx.add.f32.msk vm1, v12  }
0x96: {  	v10 =	vld [tilespmem:s24+$0x0]  }
0x97: {  	s25 =	sadd.s32 $0xFFFFFFFF, s23  }
0x98: {  	p1 =	por $0x1, $0x1;
	s23 =	smov.u32 s21;
	s22 =	smov.u32 s20;
	v2 =	vadd.f32 v11, v2  }
.LBB2_7:
0x99: {  	p2 =	sne.s32 s25, $0x1;
	_ =	sdelay $0x2  }
0x9a: {  	s23 =	sadd.s32 $0x10, s23  }
0x9b: {  	v12 =	vperm.xlane v10, v6;
	v11 =	vld [tilespmem:s23+$0x0]  }
0x9c: {  	s22 =	sadd.s32 $0x10, s22  }
0x9d: {  	v13 =	vor.u32 s22, v8;
	vm1 =	veq.s32 v10, v12  }
0x9e: {  	vm2 =	vge.s32 v13, v0;
	vm3 =	vlt.s32 v13, v1;
	v12 =	vsel vm1, $0x0, v7  }
0x9f: {  	vm1 =	vmand vm2, vm3;
	(xrf0) =	vmax.scan.msk.f32 $0xffff, v12  }
0xa0: {  	v11 =	vnsel vm1, $0x0, v11  }
0xa1: {  	v2 =	vadd.f32 v11, v2;
	(xrf2) =	vadd.scan.msk.f32 $0xffff, v11;
	_ =	sdelay $0x3  }
0xa2: {  	v11, _, _ =	vpop (xrf0)  }
0xa3: {  	v11 =	vtrunc.f32 v11  }
0xa4: {  	v12 =	vperm.xlane v10, v9;
	v11 =	vcvt.f32.s32 v11;
	_ =	sdelay $0x1  }
0xa5: {  	vm2 =	vne.s32 v10, v12;
	v12 =	vadd.s32 $0xFFFFFFFF, v11  }
0xa6: {  	vm2 =	vmor vm2, vm0;
	vm3 =	vgt.s32 v12, $0x0  }
0xa7: {  	v10 =	vsub.s32 v10, v4;
	vm1 =	vmand vm1, vm2;
	v12 =	vnsel vm3, $0x0, v12;
	v13, _, _ =	vpop (xrf2)  }
0xa8: {  	v10 =	vnsel vm1, $0x0, v10;
	v12 =	vperm.xlane v13, v12  }
0xa9: {  	vm2 =	vgt.s32 v11, $0x0  }
.Ltmp6:
0xaa: {  	v11 =	vnsel vm2, $0x0, v12;
	(pc) =	sbr.rel @p2 .LBB2_7-.Ltmp6, $3  }
0xab: {  	v11 =	vsub.f32 v13, v11;
	_ =	sdelay $0x1  }
0xac: {  	s24 =	sadd.s32 $0x10, s24;
	[tilespmem:v10+s18+$0x0] =	vst.idx.add.f32.msk vm1, v11  }
0xad: {  	s25 =	sadd.s32 $0xFFFFFFFF, s25;
	v10 =	vld [tilespmem:s24+$0x0]  }
.Ltmp7:
0xae: {  	_ = 	snop;
	(pc) =	sbr.rel .LBB2_8-.Ltmp7, $1  }
0xaf: {  	_ =	sdelay $0x3  }
.LBB2_6:
.Ltmp8:
0xb0: {  	(pc) =	sbr.rel .LBB2_8-.Ltmp8, $2  }
0xb1: {  	_ =	sdelay $0x2  }
0xb2: {  	s23 =	smov.u32 s21;
	s22 =	smov.u32 s20  }
.LBB2_10:
0xb3: {  	[tilespmem:$0xC600] =	vst v2;
	s3 =	simm.s32 $0xC600;
	[dreg:$0x5] =	wrdreg s28  }
0xb4: {  	[hbm4b:s28+s13] =	stream.linear.scatter [tilespmem:s3], [sflag:$0x1], $0x80, $0x38;
	[tilespmem:$0xCE80] =	vst v63  }
0xb5: {  	_ =	swait.ge [sflag:s14], $0x80  }
0xb6: {  	[sflag:s14] =	ssyncset.done $0x0  }
0xb7: {  	[sflag:s14] =	ssyncadd.s32 $0xFFFFFF80  }
0xb8: {  	[bflag:$0x0] =	sbarrier.arrive $0xFFFF  }
0xb9: {  	s30 =	simm.s32 $0xC680;
	[dreg:$0x4] =	wrdreg s26  }
0xba: {  	[tilespmem:s30], [sflag:$0x1] =	stream.linear.gather [hbm4b:s26+s13], $0x800, $0x38;
	[tilespmem:$0xCE80] =	vst v63  }
0xbb: {  	_ =	swait.ge [sflag:s14], $0x800  }
0xbc: {  	[sflag:s14] =	ssyncset.done $0x0  }
0xbd: {  	[sflag:s14] =	ssyncadd.s32 $0xFFFFF800  }
0xbe: {  	v2 =	vld [tilespmem:$0xC680];
	_ =	sdelay $0x1  }
0xbf: {  	v6 =	vld [tilespmem:$0xC700];
	_ =	sdelay $0x1  }
0xc0: {  	v7 =	vld [tilespmem:$0xC780]  }
0xc1: {  	v2 =	vadd.f32 $0.0e+00, v2  }
0xc2: {  	v8 =	vld [tilespmem:$0xC800]  }
0xc3: {  	v2 =	vadd.f32 v6, v2  }
0xc4: {  	v6 =	vld [tilespmem:$0xC880]  }
0xc5: {  	v2 =	vadd.f32 v7, v2  }
0xc6: {  	v7 =	vld [tilespmem:$0xC900]  }
0xc7: {  	v2 =	vadd.f32 v8, v2  }
0xc8: {  	v8 =	vld [tilespmem:$0xC980]  }
0xc9: {  	v2 =	vadd.f32 v6, v2  }
0xca: {  	v6 =	vld [tilespmem:$0xCA00]  }
0xcb: {  	v2 =	vadd.f32 v7, v2  }
0xcc: {  	v7 =	vld [tilespmem:$0xCA80]  }
0xcd: {  	v2 =	vadd.f32 v8, v2  }
0xce: {  	v8 =	vld [tilespmem:$0xCB00]  }
0xcf: {  	v2 =	vadd.f32 v6, v2  }
0xd0: {  	v6 =	vld [tilespmem:$0xCB80]  }
0xd1: {  	v2 =	vadd.f32 v7, v2  }
0xd2: {  	v7 =	vld [tilespmem:$0xCC00]  }
0xd3: {  	v2 =	vadd.f32 v8, v2  }
0xd4: {  	v8 =	vld [tilespmem:$0xCC80]  }
0xd5: {  	v2 =	vadd.f32 v6, v2  }
0xd6: {  	v6 =	vld [tilespmem:$0xCD00]  }
0xd7: {  	v2 =	vadd.f32 v7, v2  }
0xd8: {  	v7 =	vld [tilespmem:$0xCD80]  }
0xd9: {  	v2 =	vadd.f32 v8, v2  }
0xda: {  	v8 =	vld [tilespmem:$0xCE00]  }
0xdb: {  	v2 =	vadd.f32 v6, v2;
	_ =	sdelay $0x1  }
0xdc: {  	v2 =	vadd.f32 v7, v2;
	_ =	sdelay $0x1  }
0xdd: {  	v2 =	vadd.f32 v8, v2;
	_ =	sdelay $0x1  }
0xde: {  	(xrf2) =	vadd.scan.msk.f32 $0xffff, v2;
	_ =	sdelay $0x3  }
0xdf: {  	vm0 =	vcmask $0x300  }
0xe0: {  	vm1 =	vcmask $0xB08;
	vm4 =	vcmask $0x310;
	vm5 =	vcmask $0x710  }
0xe1: {  	vm2 =	vcmask $0x1714;
	v9 =	vimm.s32 $0xEDCBA987;
	v10 =	vimm.s32 $0xFFEDCBA9  }
0xe2: {  	v11 =	vimm.s32 $0x87654321;
	vm6 =	vcmask $0x3F3C;
	vm3 =	vcmask $0x308  }
0xe3: {  	v9 =	vunpack.c.l.s4.s8 v9;
	v10 =	vunpack.c.l.s4.s8 v10;
	v7 =	vimm.f32 $1.500000000e+01  }
0xe4: {  	v11 =	vunpack.c.l.s4.s8 v11;
	v7 =	vsel vm0, $0x0, v7;
	vm0 =	vcmask $0x704  }
0xe5: {  	v9 =	vunpack.c.0.s8.s32 v9;
	v10 =	vunpack.c.0.s8.s32 v10;
	v7 =	vsel vm0, $0x3F800000, v7;
	v2, _, _ =	vpop (xrf2)  }
0xe6: {  	v7 =	vsel vm1, $0x40000000, v7;
	vm1 =	vcmask $0xF0C;
	v2 =	vbroadcast v2, $0xF  }
0xe7: {  	v11 =	vunpack.c.0.s8.s32 v11;
	v7 =	vsel vm1, $0x40400000, v7;
	vm1 =	vcmask $0x1310  }
0xe8: {  	v9 =	vand.u32 $0xF, v9;
	v7 =	vsel vm1, $0x40800000, v7;
	(erf) = vrcp.f32 v2  }
0xe9: {  	v10 =	vcombine.low v11, v10;
	v7 =	vsel vm2, $0x40A00000, v7;
	vm2 =	vcmask $0x1B18  }
0xea: {  	v6 =	vsub.f32 $0.0e+00, v5;
	v7 =	vsel vm2, $0x40C00000, v7;
	vm2 =	vcmask $0x1F1C  }
0xeb: {  	v8 =	vimm.s32 $0x65432100;
	v7 =	vsel vm2, $0x40E00000, v7;
	vm2 =	vcmask $0x2320  }
0xec: {  	v8 =	vunpack.c.l.s4.s8 v8;
	v7 =	vsel vm2, $0x41000000, v7;
	vm2 =	vcmask $0x2724  }
0xed: {  	vm0 =	vmmov $0x1;
	v7 =	vsel vm2, $0x41100000, v7;
	vm2 =	vcmask $0x2B28  }
0xee: {  	v8 =	vunpack.c.0.s8.s32 v8;
	v7 =	vsel vm2, $0x41200000, v7;
	vm2 =	vcmask $0x2F2C  }
0xef: {  	s18 =	sadd.s32 $0x46800, s0;
	s22 =	sadd.s32 $0x500, s16;
	s23 =	sadd.s32 $0xA00, s16;
	vm1 =	vcmask $0xB10;
	v7 =	vsel vm2, $0x41300000, v7;
	vm2 =	vcmask $0x3330  }
0xf0: {  	s24 =	sadd.s32 $0xF00, s16;
	p1 =	slt.s32 s4, s11;
	s25 =	simm.s32 $0xA000;
	v12 =	vsel vm2, $0x41400000, v7;
	vm2 =	vcmask $0x3734;
	v7 =	vcombine.low v8, v9  }
0xf1: {  	s29 =	simm.s32 $0xB800;
	s28 =	simm.s32 $0xB000;
	s31 =	rddreg [dreg:$0x2];
	v8 =	vlaneseq.u32;
	v9 =	vsel vm2, $0x41500000, v12;
	vm2 =	vcmask $0x3B38;
	v2 =	vpop (erf)  }
0xf2: {  	s26 =	simm.s32 $0xA800;
	s21 =	sadd.s32 s31, s1;
	s1 =	simm.s32 $0x0;
	v9 =	vsel vm2, $0x41600000, v9;
	vm2 =	vcmask $0x70C;
	v6 =	vmul.f32 v2, v6  }
.LBB2_11:
0xf3: {  	s3 =	sadd.s32 $0x0, s5  }
0xf4: {  	s10 =	simm.s32 $0x0;
	s12 =	simm.s32 $0xC200;
	s17 =	sadd.s32 $0x7800, s3  }
0xf5: {  	s19 =	sadd.s32 $0x2800, s3;
	s10 =	sand.u32 $0x70, s10;
	s17 =	sand.u32 $0x1FF80, s17  }
0xf6: {  	s20 =	sadd.s32 $0x5000, s3;
	v12 =	vld [tilespmem:s12+$0x0];
	s19 =	sand.u32 $0xFF80, s19;
	s17 =	sor.u32 s10, s17  }
0xf7: {  	s20 =	sand.u32 $0x1FF80, s20;
	s12 =	sor.u32 s10, s19;
	v13 =	vld [tilespmem:s17+$0x0]  }
0xf8: {  	s30 =	sor.u32 s10, s20;
	v15 =	vld [tilespmem:s12+$0x0]  }
0xf9: {  	s3 =	sand.u32 $0x7F80, s3;
	v17 =	vld [tilespmem:s30+$0x0]  }
0xfa: {  	s31 =	simm.s32 $0x10;
	s0 =	sadd.s32 $0x10, s5;
	s3 =	sor.u32 s10, s3  }
0xfb: {  	s20 =	sadd.s32 $0x2800, s0;
	v14 =	vld [tilespmem:s3+$0x0];
	s3 =	simm.s32 $0xC210;
	s30 =	sadd.s32 $0x7800, s0  }
0xfc: {  	s12 =	sand.u32 $0x70, s31;
	s31 =	sadd.s32 $0x5000, s0;
	s10 =	sand.u32 $0xFF80, s20  }
0xfd: {  	v11 =	vld [tilespmem:s3+$0x0];
	s19 =	sand.u32 $0x1FF80, s30;
	s20 =	sand.u32 $0x1FF80, s31;
	s31 =	sor.u32 s12, s10;
	v19 =	vmul.f32 v13, v12  }
0xfe: {  	s30 =	sand.u32 $0x7F80, s0;
	s19 =	sor.u32 s12, s19;
	v18 =	vld [tilespmem:s31+$0x0];
	v13 =	vimm.f32 $0.0e+00;
	v21 =	vmul.f32 v15, v12;
	v20 =	vmul.f32 v17, v12  }
0xff: {  	s10 =	simm.s32 $0x20;
	s17 =	sor.u32 s12, s20;
	s12 =	sor.u32 s12, s30;
	v16 =	vld [tilespmem:s19+$0x0];
	v17 =	vimm.f32 $0.0e+00;
	v15 =	vadd.f32 v19, v13;
	v19 =	vimm.f32 $0.0e+00  }
.LBB2_12:
0x100: {  	s19 =	sadd.s32 s10, s5;
	p2 =	sne.s32 s10, $0x270  }
0x101: {  	v22 =	vld [tilespmem:s17+$0x0];
	v23 =	vmul.f32 v14, v12;
	v13 =	vadd.f32 v21, v13;
	s17 =	smov.u32 s10;
	s10 =	sadd.s32 $0x10, s10;
	s20 =	sadd.s32 $0x2800, s19  }
.Ltmp9:
0x102: {  	s30 =	sadd.s32 $0x5000, s19;
	s31 =	sadd.s32 $0x7800, s19;
	v14 =	vld [tilespmem:s12+$0x0];
	v17 =	vadd.f32 v20, v17;
	(pc) =	sbr.rel @p2 .LBB2_12-.Ltmp9, $4  }
0x103: {  	s3 =	sadd.s32 $0x10, s3;
	s12 =	sand.u32 $0x70, s17;
	s17 =	sand.u32 $0x1FF80, s31;
	v19 =	vadd.f32 v23, v19;
	v12 =	vmov v11  }
0x104: {  	s20 =	sand.u32 $0xFF80, s20;
	s30 =	sand.u32 $0x1FF80, s30;
	v11 =	vld [tilespmem:s3+$0x0];
	s31 =	sor.u32 s12, s17;
	v23 =	vmul.f32 v16, v12  }
0x105: {  	s19 =	sand.u32 $0x7F80, s19;
	s20 =	sor.u32 s12, s20;
	s17 =	sor.u32 s12, s30;
	v16 =	vld [tilespmem:s31+$0x0];
	v21 =	vmul.f32 v18, v12  }
0x106: {  	s12 =	sor.u32 s12, s19;
	v18 =	vld [tilespmem:s20+$0x0];
	v20 =	vmul.f32 v22, v12;
	v15 =	vadd.f32 v23, v15  }
0x107: {  	v22 =	vld [tilespmem:s12+$0x0];
	_ =	sdelay $0x1  }
0x108: {  	v23 =	vld [tilespmem:s17+$0x0]  }
0x109: {  	v12 =	vmul.f32 v14, v12;
	_ =	sdelay $0x1  }
0x10a: {  	v12 =	vadd.f32 v12, v19;
	v57 =	vmul.f32 v22, v11  }
0x10b: {  	v13 =	vadd.f32 v21, v13;
	v18 =	vmul.f32 v18, v11  }
0x10c: {  	v17 =	vadd.f32 v20, v17;
	v58 =	vmul.f32 v23, v11;
	v12 =	vadd.f32 v57, v12  }
0x10d: {  	v11 =	vmul.f32 v16, v11;
	v13 =	vadd.f32 v18, v13  }
0x10e: {  	v59 =	vadd.f32 v58, v17;
	(xrf2) =	vadd.scan.msk.f32 $0xffff, v12  }
0x10f: {  	v11 =	vadd.f32 v11, v15;
	(xrf2) =	vadd.scan.msk.f32 $0xffff, v13  }
0x110: {  	(xrf2) =	vadd.scan.msk.f32 $0xffff, v59  }
0x111: {  	(xrf2) =	vadd.scan.msk.f32 $0xffff, v11;
	_ =	sdelay $0x6  }
0x112: {  	v11, _, _ =	vpop (xrf2)  }
0x113: {  	v60, _, _ =	vpop (xrf2);
	v11 =	vbroadcast v11, $0xF  }
0x114: {  	v61, _, _ =	vpop (xrf2);
	v12 =	vbroadcast v60, $0xF  }
0x115: {  	v11 =	vnsel vm0, $0x0, v11;
	v13 =	vbroadcast v61, $0xF;
	v62, _, _ =	vpop (xrf2)  }
0x116: {  	v11 =	vsel vm4, v11, v12;
	v63 =	vbroadcast v62, $0xF  }
0x117: {  	v11 =	vsel vm5, v11, v13  }
0x118: {  	v11 =	vsel vm1, v11, v63  }
0x119: {  	s31 =	simm.s32 $0x0;
	s0 =	simm.s32 $0xC600;
	[tilespmem:$0xC600] =	vst v11  }
0x11a: {  	[hbm4b:s21+s31] =	stream.linear.scatter [tilespmem:s0], [sflag:$0x1], $0x80, $0x38;
	[tilespmem:$0xCE80] =	vst v63  }
0x11b: {  	_ =	swait.ge [sflag:s14], $0x80  }
0x11c: {  	[sflag:s14] =	ssyncset.done $0x0  }
0x11d: {  	s3 =	simm.s32 $0xB800;
	[sflag:s14] =	ssyncadd.s32 $0xFFFFFF80  }
0x11e: {  	s10 =	simm.s32 $0x10;
	s12 =	sand.u32 $0x3F0, s31;
	[tilespmem:s3+$0x0] =	vst v3  }
.LBB2_14:
0x11f: {  	p2 =	seq.s32 s10, $0x270  }
0x120: {  	[tilespmem:s12+$0xBF80] =	vst v3;
	s3 =	sadd.s32 $0x10, s3;
	s17 =	smov.u32 s10;
	s10 =	sadd.s32 $0x10, s10  }
.Ltmp10:
0x121: {  	[tilespmem:s12+$0xBA80] =	vst v3;
	(pc) =	sbr.rel @!p2 .LBB2_14-.Ltmp10, $2  }
0x122: {  	[tilespmem:s12+$0xBD00] =	vst v3;
	_ =	sdelay $0x2  }
0x123: {  	s12 =	sand.u32 $0x3F0, s17;
	[tilespmem:s3+$0x0] =	vst v3  }
.Ltmp11:
0x124: {  	(pc) =	sbr.rel @p1 .LBB2_16-.Ltmp11, $4  }
0x125: {  	_ = 	snop  }
0x126: {  	[tilespmem:s12+$0xBF80] =	vst v3  }
0x127: {  	[tilespmem:s12+$0xBA80] =	vst v3  }
0x128: {  	[tilespmem:s12+$0xBD00] =	vst v3;
	s17 =	smov.u32 s2;
	s10 =	smov.u32 s4  }
.LBB2_21:
0x129: {  	[bflag:$0x0] =	sbarrier.arrive $0xFFFF  }
0x12a: {  	s17 =	simm.s32 $0x0;
	s3 =	simm.s32 $0xC680;
	s0 =	rddreg [dreg:$0x2]  }
0x12b: {  	[tilespmem:s3], [sflag:$0x1] =	stream.linear.gather [hbm4b:s0+s17], $0x800, $0x38;
	[tilespmem:$0xCE80] =	vst v63  }
0x12c: {  	_ =	swait.ge [sflag:s14], $0x800  }
0x12d: {  	[sflag:s14] =	ssyncset.done $0x0  }
0x12e: {  	[sflag:s14] =	ssyncadd.s32 $0xFFFFF800  }
0x12f: {  	v11 =	vld [tilespmem:$0xC680];
	_ =	sdelay $0x1  }
0x130: {  	v12 =	vld [tilespmem:$0xC700];
	_ =	sdelay $0x1  }
0x131: {  	v13 =	vld [tilespmem:$0xC780]  }
0x132: {  	v11 =	vadd.f32 $0.0e+00, v11  }
0x133: {  	v14 =	vld [tilespmem:$0xC800]  }
0x134: {  	v11 =	vadd.f32 v12, v11  }
0x135: {  	v12 =	vld [tilespmem:$0xC880]  }
0x136: {  	v11 =	vadd.f32 v13, v11  }
0x137: {  	v13 =	vld [tilespmem:$0xC900]  }
0x138: {  	v11 =	vadd.f32 v14, v11  }
0x139: {  	v14 =	vld [tilespmem:$0xC980]  }
0x13a: {  	v11 =	vadd.f32 v12, v11  }
0x13b: {  	v12 =	vld [tilespmem:$0xCA00]  }
0x13c: {  	v11 =	vadd.f32 v13, v11  }
0x13d: {  	v13 =	vld [tilespmem:$0xCA80]  }
0x13e: {  	v11 =	vadd.f32 v14, v11  }
0x13f: {  	v14 =	vld [tilespmem:$0xCB00]  }
0x140: {  	v11 =	vadd.f32 v12, v11  }
0x141: {  	v12 =	vld [tilespmem:$0xCB80]  }
0x142: {  	v11 =	vadd.f32 v13, v11  }
0x143: {  	v13 =	vld [tilespmem:$0xCC00]  }
0x144: {  	v11 =	vadd.f32 v14, v11  }
0x145: {  	v14 =	vld [tilespmem:$0xCC80]  }
0x146: {  	v11 =	vadd.f32 v12, v11  }
0x147: {  	v12 =	vld [tilespmem:$0xCD00]  }
0x148: {  	v11 =	vadd.f32 v13, v11  }
0x149: {  	v13 =	vld [tilespmem:$0xCD80]  }
0x14a: {  	v11 =	vadd.f32 v14, v11  }
0x14b: {  	v14 =	vld [tilespmem:$0xCE00]  }
0x14c: {  	v11 =	vadd.f32 v12, v11;
	_ =	sdelay $0x1  }
0x14d: {  	v11 =	vadd.f32 v13, v11;
	_ =	sdelay $0x1  }
0x14e: {  	v11 =	vadd.f32 v14, v11;
	_ =	sdelay $0x1  }
0x14f: {  	v12 =	vnsel vm0, $0x0, v11  }
0x150: {  	(xrf2) =	vadd.scan.msk.f32 $0xffff, v12;
	v12 =	vsel vm3, $0x0, v11  }
0x151: {  	(xrf2) =	vadd.scan.msk.f32 $0xffff, v12;
	v12 =	vsel vm2, $0x0, v11  }
0x152: {  	v11 =	vsel vm1, $0x0, v11;
	(xrf2) =	vadd.scan.msk.f32 $0xffff, v12  }
0x153: {  	(xrf2) =	vadd.scan.msk.f32 $0xffff, v11;
	_ =	sdelay $0x6  }
0x154: {  	s3 =	sand.u32 $0x3F0, s17;
	v11, _, _ =	vpop (xrf2)  }
0x155: {  	s10 =	simm.s32 $0xC200;
	v15 =	vld [tilespmem:s3+$0xBA80];
	v12, _, _ =	vpop (xrf2)  }
0x156: {  	s12 =	simm.s32 $0xB800;
	v16 =	vld [tilespmem:s10+$0x0];
	v13, _, _ =	vpop (xrf2)  }
0x157: {  	v17 =	vld [tilespmem:s12+$0x0];
	v11 =	vbroadcast v11, $0xF;
	v13 =	vbroadcast v13, $0xF;
	v14, _, _ =	vpop (xrf2)  }
0x158: {  	v19 =	vld [tilespmem:s3+$0xBD00];
	v18 =	vbroadcast v12, $0xF;
	v14 =	vbroadcast v14, $0xF  }
0x159: {  	v20 =	vld [tilespmem:s3+$0xBF80];
	v11 =	vmul.f32 v11, v6;
	v12 =	vmul.f32 v13, v6  }
0x15a: {  	v13 =	vmul.f32 v18, v6;
	v14 =	vmul.f32 v14, v6  }
0x15b: {  	v18 =	vmul.f32 v16, v11;
	v21 =	vmul.f32 v16, v12  }
0x15c: {  	v22 =	vmul.f32 v16, v13;
	v16 =	vmul.f32 v16, v14  }
0x15d: {  	v17 =	vadd.f32 v18, v17;
	v18 =	vadd.f32 v19, v21  }
0x15e: {  	v15 =	vadd.f32 v15, v22;
	v16 =	vadd.f32 v20, v16;
	_ =	sdelay $0x1  }
0x15f: {  	v19 =	vmax.f32 v17, v15;
	v20 =	vmax.f32 v18, v16  }
0x160: {  	v19 =	vmax.f32 v19, v20  }
0x161: {  	v17 =	vsub.f32 v17, v19  }
0x162: {  	v15 =	vsub.f32 v15, v19  }
0x163: {  	v18 =	vsub.f32 v18, v19;
	v17 =	vmul.f32 $1.442695020e+00, v17  }
0x164: {  	v16 =	vsub.f32 v16, v19;
	v15 =	vmul.f32 $1.442695020e+00, v15  }
0x165: {  	v18 =	vmul.f32 $1.442695020e+00, v18;
	(erf) = vpow2.f32 v17  }
0x166: {  	v16 =	vmul.f32 $1.442695020e+00, v16;
	(erf) = vpow2.f32 v15  }
0x167: {  	(erf) = vpow2.f32 v18  }
0x168: {  	(erf) = vpow2.f32 v16;
	_ =	sdelay $0x5  }
0x169: {  	v15 =	vpop (erf)  }
0x16a: {  	v16 =	vpop (erf)  }
0x16b: {  	v17 =	vpop (erf)  }
0x16c: {  	v18 =	vpop (erf)  }
0x16d: {  	v19 =	vadd.f32 v16, v15;
	v62 =	vadd.f32 v18, v17;
	_ =	sdelay $0x1  }
0x16e: {  	v19 =	vadd.f32 v62, v19;
	_ =	sdelay $0x1  }
0x16f: {  	(erf) = vrcp.f32 v19;
	_ =	sdelay $0x1  }
0x170: {  	s19 =	sadd.s32 $0x0, s5  }
0x171: {  	s20 =	sand.u32 $0x7F80, s19;
	s17 =	sand.u32 $0x70, s17  }
0x172: {  	s20 =	sor.u32 s17, s20  }
0x173: {  	v19 =	vld [tilespmem:s20+$0x0];
	_ =	sdelay $0x2  }
0x174: {  	v63 =	vmul.f32 $5.000000000e-01, v15  }
0x175: {  	v15 =	vpop (erf)  }
0x176: {  	v19 =	vmul.f32 $5.000000000e-01, v19;
	v20 =	vmul.f32 v15, v63;
	_ =	sdelay $0x1  }
0x177: {  	s30 =	sadd.s32 $0x2800, s19;
	v19 =	vadd.f32 v20, v19  }
0x178: {  	s20 =	sand.u32 $0xFF80, s30  }
0x179: {  	s20 =	sor.u32 s17, s20;
	[tilespmem:s12+$0x0] =	vst v19  }
0x17a: {  	v19 =	vld [tilespmem:s20+$0x0];
	_ =	sdelay $0x2  }
0x17b: {  	v16 =	vmul.f32 $5.000000000e-01, v16;
	_ =	sdelay $0x1  }
0x17c: {  	v16 =	vmul.f32 v15, v16;
	v19 =	vmul.f32 $5.000000000e-01, v19;
	_ =	sdelay $0x1  }
0x17d: {  	s31 =	sadd.s32 $0x5000, s19;
	v16 =	vadd.f32 v16, v19  }
0x17e: {  	s20 =	sand.u32 $0x1FF80, s31  }
0x17f: {  	s20 =	sor.u32 s17, s20;
	[tilespmem:s3+$0xBA80] =	vst v16  }
0x180: {  	v16 =	vld [tilespmem:s20+$0x0];
	_ =	sdelay $0x2  }
0x181: {  	v17 =	vmul.f32 $5.000000000e-01, v17;
	_ =	sdelay $0x1  }
0x182: {  	v17 =	vmul.f32 v15, v17;
	v16 =	vmul.f32 $5.000000000e-01, v16;
	_ =	sdelay $0x1  }
0x183: {  	s19 =	sadd.s32 $0x7800, s19;
	v16 =	vadd.f32 v17, v16  }
0x184: {  	s19 =	sand.u32 $0x1FF80, s19  }
0x185: {  	s19 =	sor.u32 s17, s19;
	[tilespmem:s3+$0xBD00] =	vst v16  }
0x186: {  	v16 =	vld [tilespmem:s19+$0x0];
	_ =	sdelay $0x1  }
0x187: {  	s17 =	simm.s32 $0x10;
	v17 =	vmul.f32 $5.000000000e-01, v18  }
.LBB2_22:
0x188: {  	p2 =	sne.s32 s17, $0x270;
	s10 =	sadd.s32 $0x10, s10;
	s12 =	sadd.s32 $0x10, s12  }
0x189: {  	s19 =	smov.u32 s17;
	s17 =	sadd.s32 $0x10, s17;
	v15 =	vmul.f32 v15, v17  }
0x18a: {  	v16 =	vmul.f32 $5.000000000e-01, v16;
	_ =	sdelay $0x1  }
0x18b: {  	v15 =	vadd.f32 v15, v16  }
0x18c: {  	s20 =	sand.u32 $0x3F0, s19  }
0x18d: {  	v16 =	vld [tilespmem:s20+$0xBA80];
	[tilespmem:s3+$0xBF80] =	vst v15;
	s3 =	smov.u32 s20  }
0x18e: {  	v15 =	vld [tilespmem:s10+$0x0]  }
0x18f: {  	v17 =	vld [tilespmem:s12+$0x0]  }
0x190: {  	v18 =	vld [tilespmem:s3+$0xBD00]  }
0x191: {  	v19 =	vld [tilespmem:s3+$0xBF80];
	_ =	sdelay $0x1  }
0x192: {  	v20 =	vmul.f32 v15, v11;
	v21 =	vmul.f32 v15, v12  }
0x193: {  	v22 =	vmul.f32 v15, v13;
	v15 =	vmul.f32 v15, v14  }
0x194: {  	v17 =	vadd.f32 v20, v17;
	v18 =	vadd.f32 v18, v21  }
0x195: {  	v16 =	vadd.f32 v16, v22;
	v15 =	vadd.f32 v19, v15;
	_ =	sdelay $0x1  }
0x196: {  	v19 =	vmax.f32 v17, v16;
	v20 =	vmax.f32 v18, v15  }
0x197: {  	v19 =	vmax.f32 v19, v20  }
0x198: {  	v17 =	vsub.f32 v17, v19;
	v16 =	vsub.f32 v16, v19  }
0x199: {  	v18 =	vsub.f32 v18, v19;
	v15 =	vsub.f32 v15, v19  }
0x19a: {  	v17 =	vmul.f32 $1.442695020e+00, v17;
	v16 =	vmul.f32 $1.442695020e+00, v16  }
0x19b: {  	v18 =	vmul.f32 $1.442695020e+00, v18;
	v15 =	vmul.f32 $1.442695020e+00, v15  }
0x19c: {  	(erf) = vpow2.f32 v17  }
0x19d: {  	(erf) = vpow2.f32 v16  }
0x19e: {  	(erf) = vpow2.f32 v18  }
0x19f: {  	(erf) = vpow2.f32 v15;
	_ =	sdelay $0x5  }
0x1a0: {  	v15 =	vpop (erf)  }
0x1a1: {  	v16 =	vpop (erf)  }
0x1a2: {  	v17 =	vadd.f32 v16, v15;
	v18 =	vpop (erf)  }
0x1a3: {  	v19 =	vpop (erf)  }
0x1a4: {  	v20 =	vadd.f32 v19, v18;
	_ =	sdelay $0x1  }
0x1a5: {  	v17 =	vadd.f32 v20, v17;
	_ =	sdelay $0x1  }
0x1a6: {  	(erf) = vrcp.f32 v17  }
0x1a7: {  	s20 =	sand.u32 $0x70, s19;
	s19 =	sadd.s32 s19, s5  }
0x1a8: {  	s30 =	sand.u32 $0x7F80, s19;
	s31 =	sadd.s32 $0x5000, s19;
	s0 =	sadd.s32 $0x7800, s19  }
0x1a9: {  	s19 =	sadd.s32 $0x2800, s19;
	s30 =	sor.u32 s20, s30;
	s0 =	sand.u32 $0x1FF80, s0  }
0x1aa: {  	s19 =	sand.u32 $0xFF80, s19;
	v17 =	vld [tilespmem:s30+$0x0];
	_ =	sdelay $0x2  }
0x1ab: {  	v20 =	vmul.f32 $5.000000000e-01, v15;
	_ =	sdelay $0x1  }
0x1ac: {  	v17 =	vmul.f32 $5.000000000e-01, v17;
	v15 =	vpop (erf)  }
0x1ad: {  	v20 =	vmul.f32 v15, v20;
	_ =	sdelay $0x1  }
0x1ae: {  	v17 =	vadd.f32 v20, v17;
	_ =	sdelay $0x1  }
0x1af: {  	s19 =	sor.u32 s20, s19;
	[tilespmem:s12+$0x0] =	vst v17  }
0x1b0: {  	v17 =	vld [tilespmem:s19+$0x0];
	_ =	sdelay $0x1  }
0x1b1: {  	v16 =	vmul.f32 $5.000000000e-01, v16;
	_ =	sdelay $0x1  }
0x1b2: {  	v16 =	vmul.f32 v15, v16  }
0x1b3: {  	v17 =	vmul.f32 $5.000000000e-01, v17;
	_ =	sdelay $0x1  }
0x1b4: {  	s19 =	sand.u32 $0x1FF80, s31;
	v16 =	vadd.f32 v16, v17  }
0x1b5: {  	s19 =	sor.u32 s20, s19  }
0x1b6: {  	[tilespmem:s3+$0xBA80] =	vst v16  }
0x1b7: {  	v16 =	vld [tilespmem:s19+$0x0];
	_ =	sdelay $0x1  }
0x1b8: {  	v17 =	vmul.f32 $5.000000000e-01, v18;
	_ =	sdelay $0x1  }
0x1b9: {  	v17 =	vmul.f32 v15, v17  }
0x1ba: {  	v16 =	vmul.f32 $5.000000000e-01, v16;
	_ =	sdelay $0x1  }
0x1bb: {  	v16 =	vadd.f32 v17, v16  }
.Ltmp12:
0x1bc: {  	(pc) =	sbr.rel @p2 .LBB2_22-.Ltmp12, $3  }
0x1bd: {  	s0 =	sor.u32 s20, s0;
	[tilespmem:s3+$0xBD00] =	vst v16  }
0x1be: {  	v16 =	vld [tilespmem:s0+$0x0];
	_ =	sdelay $0x1  }
0x1bf: {  	v17 =	vmul.f32 $5.000000000e-01, v19  }
0x1c0: {  	_ =	sdelay $0x1  }
0x1c1: {  	v11 =	vmul.f32 v15, v17;
	v12 =	vmul.f32 $5.000000000e-01, v16;
	_ =	sdelay $0x1  }
0x1c2: {  	v11 =	vadd.f32 v11, v12;
	_ =	sdelay $0x1  }
0x1c3: {  	[tilespmem:s3+$0xBF80] =	vst v11  }
0x1c4: {  	[hbm4b:s16+s13] =	stream.linear.scatter [tilespmem:s29], [sflag:$0x1], $0x280, $0x38;
	[tilespmem:$0xCE80] =	vst v63  }
0x1c5: {  	_ =	swait.ge [sflag:s14], $0x280  }
0x1c6: {  	[sflag:s14] =	ssyncset.done $0x0  }
0x1c7: {  	s0 =	simm.s32 $0xBA80;
	[sflag:s14] =	ssyncadd.s32 $0xFFFFFD80  }
0x1c8: {  	[hbm4b:s22+s13] =	stream.linear.scatter [tilespmem:s0], [sflag:$0x1], $0x280, $0x38;
	[tilespmem:$0xCE80] =	vst v63  }
0x1c9: {  	_ =	swait.ge [sflag:s14], $0x280  }
0x1ca: {  	[sflag:s14] =	ssyncset.done $0x0  }
0x1cb: {  	s30 =	simm.s32 $0xBD00;
	[sflag:s14] =	ssyncadd.s32 $0xFFFFFD80  }
0x1cc: {  	[hbm4b:s23+s13] =	stream.linear.scatter [tilespmem:s30], [sflag:$0x1], $0x280, $0x38;
	[tilespmem:$0xCE80] =	vst v63  }
0x1cd: {  	_ =	swait.ge [sflag:s14], $0x280  }
0x1ce: {  	[sflag:s14] =	ssyncset.done $0x0  }
0x1cf: {  	s31 =	simm.s32 $0xBF80;
	[sflag:s14] =	ssyncadd.s32 $0xFFFFFD80  }
0x1d0: {  	[hbm4b:s24+s13] =	stream.linear.scatter [tilespmem:s31], [sflag:$0x1], $0x280, $0x38;
	[tilespmem:$0xCE80] =	vst v63  }
0x1d1: {  	_ =	swait.ge [sflag:s14], $0x280  }
0x1d2: {  	[sflag:s14] =	ssyncset.done $0x0  }
0x1d3: {  	s1 =	sadd.s32 $0x1, s1;
	[sflag:s14] =	ssyncadd.s32 $0xFFFFFD80  }
0x1d4: {  	p2 =	seq.s32 s1, $0xA;
	[bflag:$0x0] =	sbarrier.arrive $0xFFFF  }
0x1d5: {  	[tilespmem:s13], [sflag:$0x1] =	stream.linear.gather [hbm4b:s15+s13], $0xA000, $0x38;
	[tilespmem:$0xCE80] =	vst v63  }
.Ltmp13:
0x1d6: {  	_ = 	snop;
	(pc) =	sbr.rel @!p2 .LBB2_11-.Ltmp13, $4  }
.Ltmp14:
0x1d7: {  	_ = 	snop;
	(pc) =	sbr.rel @p2 .LBB2_24-.Ltmp14, $4  }
0x1d8: {  	_ =	swait.ge [sflag:s14], $0xA000  }
0x1d9: {  	[sflag:s14] =	ssyncset.done $0x0  }
0x1da: {  	[sflag:s14] =	ssyncadd.s32 $0xFFFF6000  }
0x1db: {  	_ = 	snop  }
.LBB2_19:
0x1dc: {  	_ =	sdelay $0x2  }
0x1dd: {  	v12 =	vsub.f32 v12, v13;
	_ =	sdelay $0x1  }
0x1de: {  	[tilespmem:v11+s29+$0x0] =	vst.idx.add.f32.msk vm7, v12  }
.LBB2_20:
0x1df: {  	s10 =	sadd.s32 $0x1, s10  }
0x1e0: {  	p2 =	sne.s32 s10, s11  }
.Ltmp15:
0x1e1: {  	_ = 	snop;
	(pc) =	sbr.rel @!p2 .LBB2_21-.Ltmp15, $2  }
0x1e2: {  	_ =	sdelay $0x2  }
0x1e3: {  	s17 =	sadd.s32 $0x800, s17  }
.LBB2_16:
0x1e4: {  	s3 =	sshll.u32 s10, $0xB  }
0x1e5: {  	s12 =	sshrl.u32 s3, $0x3  }
0x1e6: {  	s19 =	sadd.s32 s18, s12  }
0x1e7: {  	[tilespmem:s25], [sflag:$0x1] =	stream.linear.gather [hbm4b:s19+s13], $0x800, $0x38;
	[tilespmem:$0xCE80] =	vst v63  }
0x1e8: {  	_ =	swait.ge [sflag:s14], $0x800  }
0x1e9: {  	[sflag:s14] =	ssyncset.done $0x0  }
0x1ea: {  	s31 =	sadd.s32 s7, s12;
	[sflag:s14] =	ssyncadd.s32 $0xFFFFF800  }
0x1eb: {  	[tilespmem:s26], [sflag:$0x1] =	stream.linear.gather [hbm4b:s31+s13], $0x800, $0x38;
	[tilespmem:$0xCE80] =	vst v63  }
0x1ec: {  	_ =	swait.ge [sflag:s14], $0x800  }
0x1ed: {  	[sflag:s14] =	ssyncset.done $0x0  }
0x1ee: {  	s12 =	sadd.s32 s8, s12;
	[sflag:s14] =	ssyncadd.s32 $0xFFFFF800  }
0x1ef: {  	[tilespmem:s28], [sflag:$0x1] =	stream.linear.gather [hbm4b:s12+s13], $0x800, $0x38;
	[tilespmem:$0xCE80] =	vst v63  }
0x1f0: {  	s12 =	sadd.s32 $0x800, s3  }
0x1f1: {  	p2 =	slt.s32 s9, s12  }
0x1f2: {  	s19 =	smov.u32 s3;
	s12 =	smov.u32 @p2 s9;
	p2 =	sgt.s32 s6, s3  }
0x1f3: {  	s19 =	smov.u32 @p2 s6;
	s12 =	ssub.s32 s12, s3  }
0x1f4: {  	s3 =	ssub.s32 s19, s3;
	s12 =	sadd.s32 $0xF, s12  }
0x1f5: {  	s20 =	sshra.s32 s3, $0x4;
	s30 =	sshra.s32 s12, $0x4  }
0x1f6: {  	p2 =	sle.s32 s30, s20  }
.Ltmp16:
0x1f7: {  	_ = 	snop;
	(pc) =	sbr.rel @p2 .LBB2_20-.Ltmp16, $4  }
0x1f8: {  	_ = 	snop  }
0x1f9: {  	_ =	swait.ge [sflag:s14], $0x800  }
0x1fa: {  	[sflag:s14] =	ssyncset.done $0x0  }
0x1fb: {  	[sflag:s14] =	ssyncadd.s32 $0xFFFFF800  }
0x1fc: {  	s3 =	sshll.u32 s20, $0x6  }
0x1fd: {  	s19 =	sshra.s32 s3, $0x2  }
0x1fe: {  	s3 =	sadd.s32 $0xB000, s19  }
0x1ff: {  	v11 =	vld [tilespmem:s3+$0x0];
	_ =	sdelay $0x4  }
0x200: {  	v11 =	vmul.f32 v11, v5;
	_ =	sdelay $0x1  }
0x201: {  	s12 =	sadd.s32 $0xA000, s19;
	v11 =	vmul.f32 $1.442695020e+00, v11  }
0x202: {  	v12 =	vld [tilespmem:s12+$0x0]  }
0x203: {  	(erf) = vpow2.f32 v11;
	_ =	sdelay $0x6  }
0x204: {  	v13 =	vld.idx.msk [tilespmem:v12+s13+$0x0], $0xffff;
	_ =	sdelay $0x1  }
0x205: {  	v11 =	vpop (erf)  }
0x206: {  	v11 =	vadd.f32 $-1.000000000e+00, v11;
	_ =	sdelay $0x1  }
0x207: {  	v13 =	vmul.f32 v13, v11;
	_ =	sdelay $0x1  }
0x208: {  	v13 =	vadd.f32 $1.000000000e+00, v13;
	_ =	sdelay $0x1  }
0x209: {  	v14 =	vand.u32 $0x7FFFFF, v13  }
0x20a: {  	v14 =	vor.u32 $0x3F800000, v14  }
0x20b: {  	v14 =	vadd.f32 $-1.000000000e+00, v14;
	_ =	sdelay $0x1  }
0x20c: {  	v15 =	vmul.f32 $6.151485720e-03, v14;
	_ =	sdelay $0x1  }
0x20d: {  	v15 =	vsub.f32 $3.484979640e-02, v15;
	_ =	sdelay $0x1  }
0x20e: {  	v15 =	vmul.f32 v15, v14;
	_ =	sdelay $0x1  }
0x20f: {  	v15 =	vadd.f32 $-9.325221920e-02, v15;
	_ =	sdelay $0x1  }
0x210: {  	v15 =	vmul.f32 v15, v14;
	_ =	sdelay $0x1  }
0x211: {  	v15 =	vadd.f32 $1.658229530e-01, v15;
	_ =	sdelay $0x1  }
0x212: {  	v15 =	vmul.f32 v15, v14;
	_ =	sdelay $0x1  }
0x213: {  	v15 =	vadd.f32 $-2.398262920e-01, v15;
	_ =	sdelay $0x1  }
0x214: {  	v15 =	vmul.f32 v15, v14;
	_ =	sdelay $0x1  }
0x215: {  	v15 =	vadd.f32 $3.315486610e-01, v15;
	_ =	sdelay $0x1  }
0x216: {  	v15 =	vmul.f32 v15, v14  }
0x217: {  	s19 =	sadd.s32 $0xA800, s19  }
0x218: {  	v16 =	vld [tilespmem:s19+$0x0];
	v15 =	vadd.f32 $-4.998385610e-01, v15;
	_ =	sdelay $0x1  }
0x219: {  	v13 =	vshra.s32 v13, $0x17;
	v15 =	vmul.f32 v15, v14  }
0x21a: {  	v13 =	vadd.s32 $0xFFFFFF81, v13  }
0x21b: {  	s31 =	sshll.u32 s20, $0x4;
	v13 =	vcvt.s32.f32 v13;
	v15 =	vadd.f32 $9.999942770e-01, v15  }
0x21c: {  	s31 =	sadd.s32 s31, s17;
	v17 =	vperm.xlane v16, v7  }
0x21d: {  	v18 =	vor.u32 s31, v8;
	v13 =	vmul.f32 $6.931471820e-01, v13;
	v14 =	vmul.f32 v15, v14  }
0x21e: {  	vm8 =	vlt.s32 v18, v1;
	vm7 =	veq.s32 v16, v17  }
0x21f: {  	v15 =	vsel vm7, $0x0, v9;
	vm7 =	vge.s32 v18, v0;
	v13 =	vadd.f32 v14, v13  }
0x220: {  	(xrf0) =	vmax.scan.msk.f32 $0xffff, v15;
	vm8 =	vmand vm7, vm8  }
0x221: {  	v13 =	vnsel vm8, $0x0, v13  }
0x222: {  	(xrf2) =	vadd.scan.msk.f32 $0xffff, v13;
	_ =	sdelay $0x3  }
0x223: {  	v13, _, _ =	vpop (xrf0)  }
0x224: {  	v13 =	vtrunc.f32 v13  }
0x225: {  	v14 =	vperm.xlane v16, v10;
	v13 =	vcvt.f32.s32 v13;
	_ =	sdelay $0x1  }
0x226: {  	vm7 =	vne.s32 v16, v14;
	v14 =	vadd.s32 $0xFFFFFFFF, v13  }
0x227: {  	vm7 =	vmor vm7, vm6;
	vm9 =	vgt.s32 v14, $0x0  }
0x228: {  	v15 =	vsub.s32 v16, v4;
	vm7 =	vmand vm8, vm7;
	v14 =	vnsel vm9, $0x0, v14;
	v53, _, _ =	vpop (xrf2)  }
0x229: {  	v15 =	vnsel vm7, $0x0, v15;
	v54 =	vperm.xlane v53, v14  }
0x22a: {  	vm15 =	vgt.s32 v13, $0x0;
	v13 =	vadd.s32 $0x2800, v12  }
0x22b: {  	v17 =	vnsel vm15, $0x0, v54  }
0x22c: {  	v16 =	vsub.f32 v53, v17;
	_ =	sdelay $0x1  }
0x22d: {  	[tilespmem:v15+s29+$0x0] =	vst.idx.add.f32.msk vm7, v16  }
0x22e: {  	v13 =	vld.idx.msk [tilespmem:v13+s13+$0x0], $0xffff;
	_ =	sdelay $0x4  }
0x22f: {  	v13 =	vmul.f32 v13, v11;
	_ =	sdelay $0x1  }
0x230: {  	v13 =	vadd.f32 $1.000000000e+00, v13;
	_ =	sdelay $0x1  }
0x231: {  	v55 =	vand.u32 $0x7FFFFF, v13  }
0x232: {  	v16 =	vor.u32 $0x3F800000, v55  }
0x233: {  	v16 =	vadd.f32 $-1.000000000e+00, v16;
	_ =	sdelay $0x1  }
0x234: {  	v56 =	vmul.f32 $6.151485720e-03, v16;
	_ =	sdelay $0x1  }
0x235: {  	v17 =	vsub.f32 $3.484979640e-02, v56;
	_ =	sdelay $0x1  }
0x236: {  	v17 =	vmul.f32 v17, v16;
	_ =	sdelay $0x1  }
0x237: {  	v17 =	vadd.f32 $-9.325221920e-02, v17;
	_ =	sdelay $0x1  }
0x238: {  	v17 =	vmul.f32 v17, v16;
	_ =	sdelay $0x1  }
0x239: {  	v17 =	vadd.f32 $1.658229530e-01, v17;
	_ =	sdelay $0x1  }
0x23a: {  	v17 =	vmul.f32 v17, v16;
	_ =	sdelay $0x1  }
0x23b: {  	v17 =	vadd.f32 $-2.398262920e-01, v17;
	_ =	sdelay $0x1  }
0x23c: {  	v17 =	vmul.f32 v17, v16;
	_ =	sdelay $0x1  }
0x23d: {  	v17 =	vadd.f32 $3.315486610e-01, v17;
	_ =	sdelay $0x1  }
0x23e: {  	v17 =	vmul.f32 v17, v16;
	_ =	sdelay $0x1  }
0x23f: {  	v17 =	vadd.f32 $-4.998385610e-01, v17;
	_ =	sdelay $0x1  }
0x240: {  	v13 =	vshra.s32 v13, $0x17;
	v17 =	vmul.f32 v17, v16  }
0x241: {  	v13 =	vadd.s32 $0xFFFFFF81, v13  }
0x242: {  	v13 =	vcvt.s32.f32 v13;
	v17 =	vadd.f32 $9.999942770e-01, v17;
	_ =	sdelay $0x1  }
0x243: {  	v13 =	vmul.f32 $6.931471820e-01, v13;
	v16 =	vmul.f32 v17, v16;
	_ =	sdelay $0x1  }
0x244: {  	v13 =	vadd.f32 v16, v13;
	_ =	sdelay $0x1  }
0x245: {  	v13 =	vnsel vm8, $0x0, v13  }
0x246: {  	(xrf2) =	vadd.scan.msk.f32 $0xffff, v13;
	_ =	sdelay $0x9  }
0x247: {  	v13, _, _ =	vpop (xrf2)  }
0x248: {  	v57 =	vadd.s32 $0x280, v15;
	v58 =	vperm.xlane v13, v14  }
0x249: {  	v59 =	vadd.s32 $0x5000, v12  }
0x24a: {  	v17 =	vnsel vm15, $0x0, v58  }
0x24b: {  	v13 =	vsub.f32 v13, v17;
	_ =	sdelay $0x1  }
0x24c: {  	[tilespmem:v57+s29+$0x0] =	vst.idx.add.f32.msk vm7, v13  }
0x24d: {  	v13 =	vld.idx.msk [tilespmem:v59+s13+$0x0], $0xffff;
	_ =	sdelay $0x4  }
0x24e: {  	v13 =	vmul.f32 v13, v11;
	_ =	sdelay $0x1  }
0x24f: {  	v13 =	vadd.f32 $1.000000000e+00, v13;
	_ =	sdelay $0x1  }
0x250: {  	v60 =	vand.u32 $0x7FFFFF, v13  }
0x251: {  	v16 =	vor.u32 $0x3F800000, v60  }
0x252: {  	v16 =	vadd.f32 $-1.000000000e+00, v16;
	_ =	sdelay $0x1  }
0x253: {  	v61 =	vmul.f32 $6.151485720e-03, v16;
	_ =	sdelay $0x1  }
0x254: {  	v17 =	vsub.f32 $3.484979640e-02, v61;
	_ =	sdelay $0x1  }
0x255: {  	v17 =	vmul.f32 v17, v16;
	_ =	sdelay $0x1  }
0x256: {  	v17 =	vadd.f32 $-9.325221920e-02, v17;
	_ =	sdelay $0x1  }
0x257: {  	v17 =	vmul.f32 v17, v16;
	_ =	sdelay $0x1  }
0x258: {  	v17 =	vadd.f32 $1.658229530e-01, v17;
	_ =	sdelay $0x1  }
0x259: {  	v17 =	vmul.f32 v17, v16;
	_ =	sdelay $0x1  }
0x25a: {  	v17 =	vadd.f32 $-2.398262920e-01, v17;
	_ =	sdelay $0x1  }
0x25b: {  	v17 =	vmul.f32 v17, v16;
	_ =	sdelay $0x1  }
0x25c: {  	v17 =	vadd.f32 $3.315486610e-01, v17;
	_ =	sdelay $0x1  }
0x25d: {  	v17 =	vmul.f32 v17, v16;
	_ =	sdelay $0x1  }
0x25e: {  	v17 =	vadd.f32 $-4.998385610e-01, v17;
	_ =	sdelay $0x1  }
0x25f: {  	v13 =	vshra.s32 v13, $0x17;
	v17 =	vmul.f32 v17, v16  }
0x260: {  	v13 =	vadd.s32 $0xFFFFFF81, v13  }
0x261: {  	v13 =	vcvt.s32.f32 v13;
	v17 =	vadd.f32 $9.999942770e-01, v17;
	_ =	sdelay $0x1  }
0x262: {  	v13 =	vmul.f32 $6.931471820e-01, v13;
	v16 =	vmul.f32 v17, v16;
	_ =	sdelay $0x1  }
0x263: {  	v13 =	vadd.f32 v16, v13;
	_ =	sdelay $0x1  }
0x264: {  	v13 =	vnsel vm8, $0x0, v13  }
0x265: {  	(xrf2) =	vadd.scan.msk.f32 $0xffff, v13;
	_ =	sdelay $0x9  }
0x266: {  	v13, _, _ =	vpop (xrf2)  }
0x267: {  	v62 =	vadd.s32 $0x500, v15;
	v63 =	vperm.xlane v13, v14  }
0x268: {  	v12 =	vadd.s32 $0x7800, v12  }
0x269: {  	v17 =	vnsel vm15, $0x0, v63  }
0x26a: {  	v13 =	vsub.f32 v13, v17;
	_ =	sdelay $0x1  }
0x26b: {  	[tilespmem:v62+s29+$0x0] =	vst.idx.add.f32.msk vm7, v13  }
0x26c: {  	v12 =	vld.idx.msk [tilespmem:v12+s13+$0x0], $0xffff;
	_ =	sdelay $0x4  }
0x26d: {  	v11 =	vmul.f32 v12, v11;
	_ =	sdelay $0x1  }
0x26e: {  	v11 =	vadd.f32 $1.000000000e+00, v11;
	_ =	sdelay $0x1  }
0x26f: {  	v12 =	vand.u32 $0x7FFFFF, v11  }
0x270: {  	v12 =	vor.u32 $0x3F800000, v12  }
0x271: {  	v12 =	vadd.f32 $-1.000000000e+00, v12;
	_ =	sdelay $0x1  }
0x272: {  	v13 =	vmul.f32 $6.151485720e-03, v12;
	_ =	sdelay $0x1  }
0x273: {  	v13 =	vsub.f32 $3.484979640e-02, v13;
	_ =	sdelay $0x1  }
0x274: {  	v13 =	vmul.f32 v13, v12;
	_ =	sdelay $0x1  }
0x275: {  	v13 =	vadd.f32 $-9.325221920e-02, v13;
	_ =	sdelay $0x1  }
0x276: {  	v13 =	vmul.f32 v13, v12;
	_ =	sdelay $0x1  }
0x277: {  	v13 =	vadd.f32 $1.658229530e-01, v13;
	_ =	sdelay $0x1  }
0x278: {  	v13 =	vmul.f32 v13, v12;
	_ =	sdelay $0x1  }
0x279: {  	v13 =	vadd.f32 $-2.398262920e-01, v13;
	_ =	sdelay $0x1  }
0x27a: {  	v13 =	vmul.f32 v13, v12;
	_ =	sdelay $0x1  }
0x27b: {  	v13 =	vadd.f32 $3.315486610e-01, v13;
	_ =	sdelay $0x1  }
0x27c: {  	v13 =	vmul.f32 v13, v12;
	_ =	sdelay $0x1  }
0x27d: {  	v13 =	vadd.f32 $-4.998385610e-01, v13;
	_ =	sdelay $0x1  }
0x27e: {  	v11 =	vshra.s32 v11, $0x17;
	v13 =	vmul.f32 v13, v12  }
0x27f: {  	v11 =	vadd.s32 $0xFFFFFF81, v11  }
0x280: {  	v11 =	vcvt.s32.f32 v11;
	v13 =	vadd.f32 $9.999942770e-01, v13;
	_ =	sdelay $0x1  }
0x281: {  	v11 =	vmul.f32 $6.931471820e-01, v11;
	v12 =	vmul.f32 v13, v12;
	_ =	sdelay $0x1  }
0x282: {  	v11 =	vadd.f32 v12, v11;
	_ =	sdelay $0x1  }
0x283: {  	v11 =	vnsel vm8, $0x0, v11  }
0x284: {  	(xrf2) =	vadd.scan.msk.f32 $0xffff, v11;
	_ =	sdelay $0x6  }
0x285: {  	s0 =	ssub.s32 s30, s20  }
0x286: {  	p2 =	sne.s32 s0, $0x1  }
.Ltmp17:
0x287: {  	_ = 	snop;
	(pc) =	sbr.rel @!p2 .LBB2_19-.Ltmp17, $3  }
0x288: {  	v12, _, _ =	vpop (xrf2)  }
0x289: {  	v11 =	vadd.s32 $0x780, v15;
	v13 =	vperm.xlane v12, v14;
	_ =	sdelay $0x1  }
0x28a: {  	s20 =	sadd.s32 $0xFFFFFFFF, s0;
	s30 =	sadd.s32 $0x10, s31;
	v13 =	vnsel vm15, $0x0, v13  }
.LBB2_18:
0x28b: {  	v12 =	vsub.f32 v12, v13;
	s19 =	sadd.s32 $0x10, s19;
	s3 =	sadd.s32 $0x10, s3;
	s12 =	sadd.s32 $0x10, s12  }
0x28c: {  	p2 =	sne.s32 s20, $0x1;
	s20 =	sadd.s32 $0xFFFFFFFF, s20  }
0x28d: {  	[tilespmem:v11+s29+$0x0] =	vst.idx.add.f32.msk vm7, v12  }
0x28e: {  	v12 =	vld [tilespmem:s3+$0x0];
	_ =	sdelay $0x4  }
0x28f: {  	v11 =	vld [tilespmem:s12+$0x0];
	v12 =	vmul.f32 v12, v5;
	_ =	sdelay $0x1  }
0x290: {  	v12 =	vmul.f32 $1.442695020e+00, v12;
	_ =	sdelay $0x1  }
0x291: {  	(erf) = vpow2.f32 v12;
	_ =	sdelay $0x3  }
0x292: {  	v13 =	vld.idx.msk [tilespmem:v11+s13+$0x0], $0xffff;
	_ =	sdelay $0x4  }
0x293: {  	v12 =	vpop (erf)  }
0x294: {  	v12 =	vadd.f32 $-1.000000000e+00, v12;
	_ =	sdelay $0x1  }
0x295: {  	v13 =	vmul.f32 v13, v12;
	_ =	sdelay $0x1  }
0x296: {  	v13 =	vadd.f32 $1.000000000e+00, v13;
	_ =	sdelay $0x1  }
0x297: {  	v14 =	vshra.s32 v13, $0x17;
	v13 =	vand.u32 $0x7FFFFF, v13  }
0x298: {  	v14 =	vadd.s32 $0xFFFFFF81, v14;
	v13 =	vor.u32 $0x3F800000, v13  }
0x299: {  	v13 =	vadd.f32 $-1.000000000e+00, v13;
	_ =	sdelay $0x1  }
0x29a: {  	v15 =	vmul.f32 $6.151485720e-03, v13;
	_ =	sdelay $0x1  }
0x29b: {  	v15 =	vsub.f32 $3.484979640e-02, v15;
	_ =	sdelay $0x1  }
0x29c: {  	v15 =	vmul.f32 v15, v13;
	_ =	sdelay $0x1  }
0x29d: {  	v15 =	vadd.f32 $-9.325221920e-02, v15;
	_ =	sdelay $0x1  }
0x29e: {  	v15 =	vmul.f32 v15, v13;
	_ =	sdelay $0x1  }
0x29f: {  	v15 =	vadd.f32 $1.658229530e-01, v15;
	_ =	sdelay $0x1  }
0x2a0: {  	v15 =	vmul.f32 v15, v13;
	_ =	sdelay $0x1  }
0x2a1: {  	v15 =	vadd.f32 $-2.398262920e-01, v15;
	_ =	sdelay $0x1  }
0x2a2: {  	v15 =	vmul.f32 v15, v13;
	_ =	sdelay $0x1  }
0x2a3: {  	v15 =	vadd.f32 $3.315486610e-01, v15;
	_ =	sdelay $0x1  }
0x2a4: {  	v16 =	vld [tilespmem:s19+$0x0];
	v15 =	vmul.f32 v15, v13;
	_ =	sdelay $0x1  }
0x2a5: {  	v15 =	vadd.f32 $-4.998385610e-01, v15;
	_ =	sdelay $0x1  }
0x2a6: {  	v14 =	vcvt.s32.f32 v14;
	v15 =	vmul.f32 v15, v13  }
0x2a7: {  	v17 =	vperm.xlane v16, v7;
	v18 =	vperm.xlane v16, v10;
	v19 =	vsub.s32 v16, v4  }
0x2a8: {  	v14 =	vmul.f32 $6.931471820e-01, v14;
	v15 =	vadd.f32 $9.999942770e-01, v15  }
0x2a9: {  	v20 =	vor.u32 s30, v8;
	vm7 =	veq.s32 v16, v17;
	vm9 =	vne.s32 v16, v18  }
0x2aa: {  	vm8 =	vlt.s32 v20, v1;
	v16 =	vsel vm7, $0x0, v9;
	v13 =	vmul.f32 v15, v13  }
0x2ab: {  	vm7 =	vge.s32 v20, v0;
	(xrf0) =	vmax.scan.msk.f32 $0xffff, v16  }
0x2ac: {  	vm8 =	vmand vm7, vm8;
	v13 =	vadd.f32 v13, v14;
	_ =	sdelay $0x1  }
0x2ad: {  	v13 =	vnsel vm8, $0x0, v13  }
0x2ae: {  	(xrf2) =	vadd.scan.msk.f32 $0xffff, v13;
	_ =	sdelay $0x1  }
0x2af: {  	v13, _, _ =	vpop (xrf0)  }
0x2b0: {  	v13 =	vtrunc.f32 v13  }
0x2b1: {  	v15 =	vcvt.f32.s32 v13;
	_ =	sdelay $0x1  }
0x2b2: {  	v13 =	vadd.s32 $0xFFFFFFFF, v15  }
0x2b3: {  	vm7 =	vmor vm9, vm6;
	vm9 =	vgt.s32 v13, $0x0  }
0x2b4: {  	vm7 =	vmand vm8, vm7;
	v13 =	vnsel vm9, $0x0, v13  }
0x2b5: {  	v14 =	vnsel vm7, $0x0, v19  }
0x2b6: {  	vm9 =	vgt.s32 v15, $0x0;
	v15 =	vadd.s32 $0x2800, v11;
	v16, _, _ =	vpop (xrf2)  }
0x2b7: {  	v17 =	vperm.xlane v16, v13;
	_ =	sdelay $0x1  }
0x2b8: {  	v17 =	vnsel vm9, $0x0, v17  }
0x2b9: {  	v16 =	vsub.f32 v16, v17;
	_ =	sdelay $0x1  }
0x2ba: {  	[tilespmem:v14+s29+$0x0] =	vst.idx.add.f32.msk vm7, v16  }
0x2bb: {  	v15 =	vld.idx.msk [tilespmem:v15+s13+$0x0], $0xffff;
	_ =	sdelay $0x5  }
0x2bc: {  	v15 =	vmul.f32 v15, v12;
	_ =	sdelay $0x1  }
0x2bd: {  	v15 =	vadd.f32 $1.000000000e+00, v15;
	_ =	sdelay $0x1  }
0x2be: {  	v16 =	vshra.s32 v15, $0x17;
	v15 =	vand.u32 $0x7FFFFF, v15  }
0x2bf: {  	v16 =	vadd.s32 $0xFFFFFF81, v16;
	v15 =	vor.u32 $0x3F800000, v15  }
0x2c0: {  	v15 =	vadd.f32 $-1.000000000e+00, v15;
	v16 =	vcvt.s32.f32 v16;
	_ =	sdelay $0x1  }
0x2c1: {  	v17 =	vmul.f32 $6.151485720e-03, v15;
	_ =	sdelay $0x1  }
0x2c2: {  	v17 =	vsub.f32 $3.484979640e-02, v17;
	_ =	sdelay $0x1  }
0x2c3: {  	v17 =	vmul.f32 v17, v15;
	_ =	sdelay $0x1  }
0x2c4: {  	v17 =	vadd.f32 $-9.325221920e-02, v17;
	_ =	sdelay $0x1  }
0x2c5: {  	v17 =	vmul.f32 v17, v15;
	_ =	sdelay $0x1  }
0x2c6: {  	v17 =	vadd.f32 $1.658229530e-01, v17;
	_ =	sdelay $0x1  }
0x2c7: {  	v17 =	vmul.f32 v17, v15;
	_ =	sdelay $0x1  }
0x2c8: {  	v17 =	vadd.f32 $-2.398262920e-01, v17;
	_ =	sdelay $0x1  }
0x2c9: {  	v17 =	vmul.f32 v17, v15;
	_ =	sdelay $0x1  }
0x2ca: {  	v17 =	vadd.f32 $3.315486610e-01, v17;
	_ =	sdelay $0x1  }
0x2cb: {  	v17 =	vmul.f32 v17, v15;
	_ =	sdelay $0x1  }
0x2cc: {  	v17 =	vadd.f32 $-4.998385610e-01, v17;
	_ =	sdelay $0x1  }
0x2cd: {  	v17 =	vmul.f32 v17, v15;
	_ =	sdelay $0x1  }
0x2ce: {  	v16 =	vmul.f32 $6.931471820e-01, v16;
	v17 =	vadd.f32 $9.999942770e-01, v17;
	_ =	sdelay $0x1  }
0x2cf: {  	v15 =	vmul.f32 v17, v15;
	_ =	sdelay $0x1  }
0x2d0: {  	v15 =	vadd.f32 v15, v16;
	_ =	sdelay $0x1  }
0x2d1: {  	v15 =	vnsel vm8, $0x0, v15  }
0x2d2: {  	(xrf2) =	vadd.scan.msk.f32 $0xffff, v15;
	_ =	sdelay $0x8  }
0x2d3: {  	v15 =	vadd.s32 $0x280, v14  }
0x2d4: {  	v16 =	vadd.s32 $0x5000, v11;
	v17, _, _ =	vpop (xrf2)  }
0x2d5: {  	v18 =	vperm.xlane v17, v13;
	_ =	sdelay $0x1  }
0x2d6: {  	v18 =	vnsel vm9, $0x0, v18  }
0x2d7: {  	v17 =	vsub.f32 v17, v18;
	_ =	sdelay $0x1  }
0x2d8: {  	[tilespmem:v15+s29+$0x0] =	vst.idx.add.f32.msk vm7, v17  }
0x2d9: {  	v15 =	vld.idx.msk [tilespmem:v16+s13+$0x0], $0xffff;
	_ =	sdelay $0x5  }
0x2da: {  	v15 =	vmul.f32 v15, v12;
	_ =	sdelay $0x1  }
0x2db: {  	v15 =	vadd.f32 $1.000000000e+00, v15;
	_ =	sdelay $0x1  }
0x2dc: {  	v16 =	vshra.s32 v15, $0x17;
	v15 =	vand.u32 $0x7FFFFF, v15  }
0x2dd: {  	v16 =	vadd.s32 $0xFFFFFF81, v16;
	v15 =	vor.u32 $0x3F800000, v15  }
0x2de: {  	v15 =	vadd.f32 $-1.000000000e+00, v15;
	v16 =	vcvt.s32.f32 v16;
	_ =	sdelay $0x1  }
0x2df: {  	v17 =	vmul.f32 $6.151485720e-03, v15;
	_ =	sdelay $0x1  }
0x2e0: {  	v17 =	vsub.f32 $3.484979640e-02, v17;
	_ =	sdelay $0x1  }
0x2e1: {  	v17 =	vmul.f32 v17, v15;
	_ =	sdelay $0x1  }
0x2e2: {  	v17 =	vadd.f32 $-9.325221920e-02, v17;
	_ =	sdelay $0x1  }
0x2e3: {  	v17 =	vmul.f32 v17, v15;
	_ =	sdelay $0x1  }
0x2e4: {  	v17 =	vadd.f32 $1.658229530e-01, v17;
	_ =	sdelay $0x1  }
0x2e5: {  	v17 =	vmul.f32 v17, v15;
	_ =	sdelay $0x1  }
0x2e6: {  	v17 =	vadd.f32 $-2.398262920e-01, v17;
	_ =	sdelay $0x1  }
0x2e7: {  	v17 =	vmul.f32 v17, v15;
	_ =	sdelay $0x1  }
0x2e8: {  	v17 =	vadd.f32 $3.315486610e-01, v17;
	_ =	sdelay $0x1  }
0x2e9: {  	v17 =	vmul.f32 v17, v15;
	_ =	sdelay $0x1  }
0x2ea: {  	v17 =	vadd.f32 $-4.998385610e-01, v17;
	_ =	sdelay $0x1  }
0x2eb: {  	v17 =	vmul.f32 v17, v15;
	_ =	sdelay $0x1  }
0x2ec: {  	v16 =	vmul.f32 $6.931471820e-01, v16;
	v17 =	vadd.f32 $9.999942770e-01, v17;
	_ =	sdelay $0x1  }
0x2ed: {  	v15 =	vmul.f32 v17, v15;
	_ =	sdelay $0x1  }
0x2ee: {  	v15 =	vadd.f32 v15, v16;
	_ =	sdelay $0x1  }
0x2ef: {  	v15 =	vnsel vm8, $0x0, v15  }
0x2f0: {  	(xrf2) =	vadd.scan.msk.f32 $0xffff, v15;
	_ =	sdelay $0x8  }
0x2f1: {  	v15 =	vadd.s32 $0x500, v14  }
0x2f2: {  	v11 =	vadd.s32 $0x7800, v11;
	v16, _, _ =	vpop (xrf2)  }
0x2f3: {  	v17 =	vperm.xlane v16, v13;
	_ =	sdelay $0x1  }
0x2f4: {  	v17 =	vnsel vm9, $0x0, v17  }
0x2f5: {  	v16 =	vsub.f32 v16, v17;
	_ =	sdelay $0x1  }
0x2f6: {  	[tilespmem:v15+s29+$0x0] =	vst.idx.add.f32.msk vm7, v16  }
0x2f7: {  	v11 =	vld.idx.msk [tilespmem:v11+s13+$0x0], $0xffff;
	_ =	sdelay $0x5  }
0x2f8: {  	v11 =	vmul.f32 v11, v12;
	_ =	sdelay $0x1  }
0x2f9: {  	v11 =	vadd.f32 $1.000000000e+00, v11;
	_ =	sdelay $0x1  }
0x2fa: {  	v12 =	vshra.s32 v11, $0x17;
	v11 =	vand.u32 $0x7FFFFF, v11  }
0x2fb: {  	v12 =	vadd.s32 $0xFFFFFF81, v12;
	v11 =	vor.u32 $0x3F800000, v11  }
0x2fc: {  	v11 =	vadd.f32 $-1.000000000e+00, v11;
	v12 =	vcvt.s32.f32 v12;
	_ =	sdelay $0x1  }
0x2fd: {  	v15 =	vmul.f32 $6.151485720e-03, v11;
	_ =	sdelay $0x1  }
0x2fe: {  	v15 =	vsub.f32 $3.484979640e-02, v15;
	_ =	sdelay $0x1  }
0x2ff: {  	v15 =	vmul.f32 v15, v11;
	_ =	sdelay $0x1  }
0x300: {  	v15 =	vadd.f32 $-9.325221920e-02, v15;
	_ =	sdelay $0x1  }
0x301: {  	v15 =	vmul.f32 v15, v11;
	_ =	sdelay $0x1  }
0x302: {  	v15 =	vadd.f32 $1.658229530e-01, v15;
	_ =	sdelay $0x1  }
0x303: {  	v15 =	vmul.f32 v15, v11;
	_ =	sdelay $0x1  }
0x304: {  	v15 =	vadd.f32 $-2.398262920e-01, v15;
	_ =	sdelay $0x1  }
0x305: {  	v15 =	vmul.f32 v15, v11;
	_ =	sdelay $0x1  }
0x306: {  	v15 =	vadd.f32 $3.315486610e-01, v15;
	_ =	sdelay $0x1  }
0x307: {  	v15 =	vmul.f32 v15, v11;
	_ =	sdelay $0x1  }
0x308: {  	v15 =	vadd.f32 $-4.998385610e-01, v15;
	_ =	sdelay $0x1  }
0x309: {  	v15 =	vmul.f32 v15, v11;
	_ =	sdelay $0x1  }
0x30a: {  	v12 =	vmul.f32 $6.931471820e-01, v12;
	v15 =	vadd.f32 $9.999942770e-01, v15;
	_ =	sdelay $0x1  }
0x30b: {  	v11 =	vmul.f32 v15, v11;
	_ =	sdelay $0x1  }
0x30c: {  	v11 =	vadd.f32 v11, v12;
	_ =	sdelay $0x1  }
0x30d: {  	v11 =	vnsel vm8, $0x0, v11  }
0x30e: {  	(xrf2) =	vadd.scan.msk.f32 $0xffff, v11;
	_ =	sdelay $0x8  }
.Ltmp18:
0x30f: {  	v11 =	vadd.s32 $0x780, v14;
	(pc) =	sbr.rel @p2 .LBB2_18-.Ltmp18, $3  }
0x310: {  	v12, _, _ =	vpop (xrf2)  }
0x311: {  	v13 =	vperm.xlane v12, v13;
	_ =	sdelay $0x1  }
0x312: {  	s30 =	sadd.s32 $0x10, s30;
	v13 =	vnsel vm9, $0x0, v13  }
.Ltmp19:
0x313: {  	_ = 	snop;
	(pc) =	sbr.rel .LBB2_19-.Ltmp19, $1  }
0x314: {  	_ =	sdelay $0x3  }
.LBB2_24:
.Ltmp20:
0x315: {  	(pc) =	sbr.rel @p0 .LBB2_37-.Ltmp20, $3  }
0x316: {  	_ =	sdelay $0x1  }
0x317: {  	s21 =	rddreg [dreg:$0x4]  }
0x318: {  	v3 =	vimm.f32 $0.0e+00;
	v4 =	vimm.f32 $0.0e+00;
	s22 =	rddreg [dreg:$0x5]  }
.Ltmp21:
0x319: {  	(pc) =	sbr.rel .LBB2_26-.Ltmp21, $3  }
0x31a: {  	_ =	sdelay $0x1  }
0x31b: {  	s0 =	sshll.u32 s4, $0xB;
	s1 =	simm.s32 $0x0;
	s2 =	simm.s32 $0xA000  }
0x31c: {  	v4 =	vimm.f32 $0.0e+00;
	s3 =	simm.s32 $0x1;
	s10 =	simm.s32 $0xA800;
	s12 =	simm.s32 $0xB000;
	v5 =	vlaneseq.u32  }
.LBB2_28:
0x31d: {  	s15 =	smov.u32 s13;
	s19 =	smov.u32 s14;
	v17 =	vmov v10;
	v15 =	vmov v9;
	v10 =	vmov v4  }
.LBB2_35:
0x31e: {  	_ =	sdelay $0x3  }
0x31f: {  	v13 =	vld.idx.msk @p0 [tilespmem:v14+s1+$0x0], $0xffff  }
0x320: {  	v14 =	vld.idx.msk @p0 [tilespmem:v18+s1+$0x0], $0xffff;
	v52 =	vadd.s32 $0x2800, v17  }
0x321: {  	v16 =	vld.idx.msk @p0 [tilespmem:v16+s1+$0x0], $0xffff;
	v20 =	vadd.s32 $0x2800, v15  }
0x322: {  	s16 =	sadd.s32 @p1 $0x10, s19;
	s17 =	smov.u32 s14;
	v22 =	vadd.s32 $0x5000, v17;
	v23 =	vld.idx.msk [tilespmem:v17+s1+$0x0], $0xffff  }
0x323: {  	v24 =	vadd.s32 $0x5000, v15;
	v53 =	vld.idx.msk [tilespmem:v15+s1+$0x0], $0xffff;
	s17 =	smov.u32 @p1 s16  }
0x324: {  	v8 =	vmul.f32 @p0 v12, v8;
	v54 =	vadd.s32 $0x7800, v17;
	v21 =	vld @p0 [tilespmem:s17+$0x0]  }
0x325: {  	v55 =	vadd.s32 $0x7800, v15;
	v18 =	vld.idx.msk [tilespmem:v52+s1+$0x0], $0xffff  }
0x326: {  	v7 =	vmul.f32 @p0 v11, v7;
	v8 =	vadd.f32 @p0 $0.0e+00, v8;
	v56 =	vld.idx.msk [tilespmem:v20+s1+$0x0], $0xffff  }
0x327: {  	v6 =	vmul.f32 @p1 v19, v6;
	v57 =	vld.idx.msk [tilespmem:v22+s1+$0x0], $0xffff  }
0x328: {  	v7 =	vadd.f32 @p0 v7, v8;
	v8 =	vmul.f32 @p0 v13, v9;
	v9 =	vor.u32 @p1 s15, v5;
	v58 =	vld.idx.msk [tilespmem:v24+s1+$0x0], $0xffff  }
0x329: {  	v12 =	vmul.f32 v53, v23;
	v59 =	vld.idx.msk [tilespmem:v54+s1+$0x0], $0xffff;
	vm4 =	vge.s32 @p1 v9, v0;
	vm5 =	vlt.s32 @p1 v9, v1  }
0x32a: {  	v60 =	vld.idx.msk [tilespmem:v55+s1+$0x0], $0xffff;
	vm4 =	vmand @p1 vm4, vm5;
	v7 =	vadd.f32 @p0 v8, v7;
	v8 =	vmul.f32 @p0 v16, v14  }
0x32b: {  	s16 =	smov.u32 s13;
	s15 =	sadd.s32 @p1 $0x10, s15;
	v12 =	vadd.f32 $0.0e+00, v12;
	v6 =	vnsel @p1 vm4, $0x0, v6;
	v11 =	vmul.f32 v56, v18  }
0x32c: {  	s16 =	smov.u32 @p1 s15;
	s15 =	sadd.s32 @p0 $0x10, s17;
	v6 =	vadd.f32 @p1 v6, v10;
	v7 =	vadd.f32 @p0 v8, v7;
	v8 =	vpsel p0, v21, v0  }
0x32d: {  	s14 =	smov.u32 @p0 s15;
	v10 =	vor.u32 @p0 s16, v5;
	v61 =	vmul.f32 v58, v57;
	v11 =	vadd.f32 v11, v12  }
0x32e: {  	v62 =	vld [tilespmem:s14+$0x0];
	vm4 =	vge.s32 @p0 v10, v0;
	vm5 =	vlt.s32 @p0 v10, v1;
	v7 =	vpsel p0, v7, v0  }
0x32f: {  	v9 =	vmul.f32 v60, v59;
	v7 =	vmul.f32 @p0 v7, v8;
	v63 =	vadd.f32 v61, v11  }
0x330: {  	s14 =	sadd.s32 @p0 $0x10, s16;
	vm4 =	vmand @p0 vm4, vm5  }
0x331: {  	s13 =	smov.u32 @p0 s14;
	v6 =	vpsel p1, v6, v4;
	v7 =	vnsel @p0 vm4, $0x0, v7;
	v8 =	vadd.f32 v9, v63  }
0x332: {  	v6 =	vadd.f32 @p0 v7, v6;
	v7 =	vor.u32 s13, v5  }
0x333: {  	vm4 =	vge.s32 v7, v0;
	vm5 =	vlt.s32 v7, v1;
	v7 =	vmul.f32 v8, v62  }
0x334: {  	vm4 =	vmand vm4, vm5  }
0x335: {  	v4 =	vpsel p0, v6, v4;
	v6 =	vnsel vm4, $0x0, v7  }
0x336: {  	v4 =	vadd.f32 v6, v4  }
.LBB2_36:
0x337: {  	s4 =	sadd.s32 $0x1, s4  }
0x338: {  	p0 =	seq.s32 s4, s11  }
.Ltmp22:
0x339: {  	_ = 	snop;
	(pc) =	sbr.rel @p0 .LBB2_37-.Ltmp22, $2  }
0x33a: {  	_ =	sdelay $0x2  }
0x33b: {  	s0 =	sadd.s32 $0x800, s0  }
.LBB2_26:
0x33c: {  	s13 =	sshll.u32 s4, $0xB  }
0x33d: {  	s14 =	sshrl.u32 s13, $0x3  }
0x33e: {  	s15 =	sadd.s32 s18, s14  }
0x33f: {  	[tilespmem:s2], [sflag:$0x1] =	stream.linear.gather [hbm4b:s15+s1], $0x800, $0x38;
	[tilespmem:$0xCE80] =	vst v63  }
0x340: {  	_ =	swait.ge [sflag:s3], $0x800  }
0x341: {  	[sflag:s3] =	ssyncset.done $0x0  }
0x342: {  	s31 =	sadd.s32 s7, s14;
	[sflag:s3] =	ssyncadd.s32 $0xFFFFF800  }
0x343: {  	[tilespmem:s10], [sflag:$0x1] =	stream.linear.gather [hbm4b:s31+s1], $0x800, $0x38;
	[tilespmem:$0xCE80] =	vst v63  }
0x344: {  	_ =	swait.ge [sflag:s3], $0x800  }
0x345: {  	[sflag:s3] =	ssyncset.done $0x0  }
0x346: {  	s14 =	sadd.s32 s8, s14;
	[sflag:s3] =	ssyncadd.s32 $0xFFFFF800  }
0x347: {  	[tilespmem:s12], [sflag:$0x1] =	stream.linear.gather [hbm4b:s14+s1], $0x800, $0x38;
	[tilespmem:$0xCE80] =	vst v63  }
0x348: {  	s14 =	sadd.s32 $0x800, s13  }
0x349: {  	p0 =	slt.s32 s9, s14  }
0x34a: {  	s15 =	smov.u32 s13;
	s14 =	smov.u32 @p0 s9;
	p0 =	sgt.s32 s6, s13  }
0x34b: {  	s15 =	smov.u32 @p0 s6;
	s14 =	ssub.s32 s14, s13  }
0x34c: {  	s13 =	ssub.s32 s15, s13;
	s14 =	sadd.s32 $0xF, s14  }
0x34d: {  	s13 =	sshra.s32 s13, $0x4;
	s14 =	sshra.s32 s14, $0x4  }
0x34e: {  	p0 =	sle.s32 s14, s13  }
.Ltmp23:
0x34f: {  	_ = 	snop;
	(pc) =	sbr.rel @p0 .LBB2_36-.Ltmp23, $4  }
0x350: {  	_ = 	snop  }
0x351: {  	_ =	swait.ge [sflag:s3], $0x800  }
0x352: {  	[sflag:s3] =	ssyncset.done $0x0  }
0x353: {  	[sflag:s3] =	ssyncadd.s32 $0xFFFFF800  }
0x354: {  	s15 =	sshll.u32 s13, $0x6  }
0x355: {  	s15 =	sshra.s32 s15, $0x2  }
0x356: {  	s19 =	ssub.s32 s14, s13;
	s16 =	sadd.s32 $0xA800, s15  }
0x357: {  	p2 =	sne.s32 s19, $0x1;
	s17 =	sadd.s32 $0xA000, s15;
	v9 =	vld [tilespmem:s16+$0x0]  }
.Ltmp24:
0x358: {  	v10 =	vld [tilespmem:s17+$0x0];
	(pc) =	sbr.rel @!p2 .LBB2_28-.Ltmp24, $3  }
0x359: {  	_ =	sdelay $0x1  }
0x35a: {  	s31 =	sshll.u32 s13, $0x4;
	p0 =	por $0x0, $0x0;
	p1 =	por $0x0, $0x0  }
0x35b: {  	s13 =	sadd.s32 s31, s0;
	s14 =	sadd.s32 $0xB000, s15;
	s15 =	sadd.s32 $0xFFFFFFFF, s19  }
0x35c: {  	_ =	sdelay $0x2  }
0x35d: {  	v6 =	vadd.s32 $0x2800, v10  }
0x35e: {  	v11 =	vadd.s32 $0x2800, v9;
	v8 =	vld.idx.msk [tilespmem:v10+s1+$0x0], $0xffff  }
0x35f: {  	s16 =	sadd.s32 $0x10, s16;
	v13 =	vadd.s32 $0x5000, v10;
	v12 =	vld.idx.msk [tilespmem:v9+s1+$0x0], $0xffff;
	p2 =	sne.s32 s15, $0x1  }
.Ltmp25:
0x360: {  	s17 =	sadd.s32 $0x10, s17;
	v15 =	vld [tilespmem:s16+$0x0];
	(pc) =	sbr.rel @!p2 .LBB2_30-.Ltmp25, $4  }
0x361: {  	v17 =	vld [tilespmem:s17+$0x0]  }
0x362: {  	v7 =	vld.idx.msk [tilespmem:v6+s1+$0x0], $0xffff  }
0x363: {  	v11 =	vld.idx.msk [tilespmem:v11+s1+$0x0], $0xffff  }
0x364: {  	v14 =	vadd.s32 $0x5000, v9;
	v18 =	vadd.s32 $0x7800, v10;
	v16 =	vadd.s32 $0x7800, v9;
	s15 =	sadd.s32 $0xFFFFFFFF, s15;
	p0 =	por $0x1, $0x1;
	v9 =	vld.idx.msk [tilespmem:v13+s1+$0x0], $0xffff  }
0x365: {  	_ =	sdelay $0x3  }
0x366: {  	v10 =	vld.idx.msk [tilespmem:v14+s1+$0x0], $0xffff  }
0x367: {  	v14 =	vld.idx.msk [tilespmem:v18+s1+$0x0], $0xffff;
	v8 =	vmul.f32 v12, v8  }
0x368: {  	v16 =	vld.idx.msk [tilespmem:v16+s1+$0x0], $0xffff  }
0x369: {  	v18 =	vadd.s32 $0x2800, v17;
	v12 =	vadd.f32 $0.0e+00, v8;
	v7 =	vmul.f32 v11, v7  }
0x36a: {  	s16 =	sadd.s32 $0x10, s16;
	v6 =	vld [tilespmem:s14+$0x0]  }
0x36b: {  	v19 =	vadd.s32 $0x2800, v15;
	s17 =	sadd.s32 $0x10, s17;
	v13 =	vld [tilespmem:s16+$0x0];
	v11 =	vadd.f32 v7, v12;
	v9 =	vmul.f32 v10, v9  }
0x36c: {  	p2 =	sne.s32 s15, $0x1;
	v20 =	vld [tilespmem:s17+$0x0];
	v21 =	vadd.s32 $0x5000, v17  }
.Ltmp26:
0x36d: {  	v8 =	vld.idx.msk [tilespmem:v17+s1+$0x0], $0xffff;
	v22 =	vmul.f32 v16, v14;
	v14 =	vadd.s32 $0x5000, v15;
	v10 =	vadd.f32 v9, v11;
	(pc) =	sbr.rel @!p2 .LBB2_32-.Ltmp26, $4  }
0x36e: {  	v7 =	vld.idx.msk [tilespmem:v18+s1+$0x0], $0xffff;
	v18 =	vadd.s32 $0x7800, v17  }
0x36f: {  	v12 =	vld.idx.msk [tilespmem:v15+s1+$0x0], $0xffff;
	v16 =	vadd.s32 $0x7800, v15  }
0x370: {  	s20 =	sadd.s32 $0xFFFFFFFF, s15;
	v11 =	vld.idx.msk [tilespmem:v19+s1+$0x0], $0xffff  }
0x371: {  	p1 =	por $0x1, $0x1;
	s15 =	smov.u32 s13;
	s19 =	smov.u32 s14;
	v9 =	vld.idx.msk [tilespmem:v21+s1+$0x0], $0xffff;
	v19 =	vadd.f32 v22, v10;
	v10 =	vmov v4  }
.LBB2_33:
0x372: {  	p2 =	sne.s32 s20, $0x1;
	v15 =	vld.idx.msk [tilespmem:v14+s1+$0x0], $0xffff;
	v14 =	vor.u32 s15, v5  }
0x373: {  	v17 =	vld.idx.msk [tilespmem:v18+s1+$0x0], $0xffff;
	vm4 =	vge.s32 v14, v0;
	vm5 =	vlt.s32 v14, v1;
	v14 =	vmul.f32 v19, v6  }
0x374: {  	s19 =	sadd.s32 $0x10, s19;
	v8 =	vmul.f32 v12, v8;
	v19 =	vld.idx.msk [tilespmem:v16+s1+$0x0], $0xffff;
	vm4 =	vmand vm4, vm5  }
0x375: {  	v21 =	vadd.s32 $0x2800, v13;
	s16 =	sadd.s32 $0x10, s16;
	v16 =	vadd.s32 $0x2800, v20;
	v6 =	vld [tilespmem:s19+$0x0];
	v12 =	vnsel vm4, $0x0, v14  }
0x376: {  	s17 =	sadd.s32 $0x10, s17;
	v18 =	vadd.f32 $0.0e+00, v8;
	v7 =	vmul.f32 v11, v7;
	v22 =	vld [tilespmem:s16+$0x0];
	v10 =	vadd.f32 v12, v10  }
0x377: {  	v24 =	vadd.s32 $0x5000, v20;
	v23 =	vld [tilespmem:s17+$0x0]  }
.Ltmp27:
0x378: {  	v14 =	vadd.s32 $0x5000, v13;
	v11 =	vadd.f32 v7, v18;
	v9 =	vmul.f32 v15, v9;
	v8 =	vld.idx.msk [tilespmem:v20+s1+$0x0], $0xffff;
	(pc) =	sbr.rel @p2 .LBB2_33-.Ltmp27, $4  }
0x379: {  	v18 =	vadd.s32 $0x7800, v20;
	v12 =	vld.idx.msk [tilespmem:v13+s1+$0x0], $0xffff  }
0x37a: {  	v15 =	vadd.f32 v9, v11;
	v17 =	vmul.f32 v19, v17;
	v7 =	vld.idx.msk [tilespmem:v16+s1+$0x0], $0xffff;
	v16 =	vadd.s32 $0x7800, v13  }
0x37b: {  	v11 =	vld.idx.msk [tilespmem:v21+s1+$0x0], $0xffff;
	v13 =	vmov v22  }
0x37c: {  	s20 =	sadd.s32 $0xFFFFFFFF, s20;
	s15 =	sadd.s32 $0x10, s15;
	v19 =	vadd.f32 v17, v15;
	v9 =	vld.idx.msk [tilespmem:v24+s1+$0x0], $0xffff;
	v20 =	vmov v23  }
.Ltmp28:
0x37d: {  	(pc) =	sbr.rel .LBB2_35-.Ltmp28, $2  }
0x37e: {  	_ =	sdelay $0x2  }
0x37f: {  	v17 =	vmov v20;
	v15 =	vmov v13  }
.LBB2_30:
.Ltmp29:
0x380: {  	(pc) =	sbr.rel .LBB2_35-.Ltmp29, $2  }
0x381: {  	_ =	sdelay $0x2  }
0x382: {  	s15 =	smov.u32 s13;
	s19 =	smov.u32 s14;
	v10 =	vmov v4  }
.LBB2_32:
.Ltmp30:
0x383: {  	(pc) =	sbr.rel .LBB2_35-.Ltmp30, $2  }
0x384: {  	_ =	sdelay $0x2  }
0x385: {  	s15 =	smov.u32 s13;
	s19 =	smov.u32 s14;
	v17 =	vmov v20;
	v15 =	vmov v13;
	v10 =	vmov v4  }
.LBB2_37:
0x386: {  	s2 =	sadd.s32 $0x0, s5  }
0x387: {  	s1 =	simm.s32 $0x0;
	s0 =	simm.s32 $0xC200;
	s3 =	sadd.s32 $0x7800, s2  }
0x388: {  	s4 =	sadd.s32 $0x2800, s2;
	s1 =	sand.u32 $0x70, s1;
	s3 =	sand.u32 $0x1FF80, s3  }
0x389: {  	s6 =	sadd.s32 $0x5000, s2;
	v1 =	vld [tilespmem:s0+$0x0];
	s19 =	sand.u32 $0xFF80, s4;
	s3 =	sor.u32 s1, s3  }
0x38a: {  	s20 =	sand.u32 $0x1FF80, s6;
	s0 =	sor.u32 s1, s19;
	v5 =	vld [tilespmem:s3+$0x0]  }
0x38b: {  	s23 =	sor.u32 s1, s20;
	v8 =	vld [tilespmem:s0+$0x0]  }
0x38c: {  	s24 =	simm.s32 $0x10;
	s25 =	sadd.s32 $0x10, s5;
	s2 =	sand.u32 $0x7F80, s2;
	v9 =	vld [tilespmem:s23+$0x0]  }
0x38d: {  	s26 =	sadd.s32 $0x2800, s25;
	s28 =	sadd.s32 $0x7800, s25;
	s1 =	sor.u32 s1, s2  }
0x38e: {  	s29 =	sand.u32 $0x70, s24;
	s30 =	sand.u32 $0x1FF80, s28;
	v6 =	vld [tilespmem:s1+$0x0];
	s0 =	simm.s32 $0xC210  }
0x38f: {  	s31 =	sadd.s32 $0x5000, s25;
	s2 =	sand.u32 $0xFF80, s26;
	s1 =	sor.u32 s29, s30;
	v0 =	vld [tilespmem:s0+$0x0];
	v5 =	vmul.f32 v5, v1  }
0x390: {  	v10 =	vimm.f32 $0.0e+00;
	s7 =	sand.u32 $0x7F80, s25;
	s4 =	sand.u32 $0x1FF80, s31;
	s8 =	sor.u32 s29, s2;
	v7 =	vld [tilespmem:s1+$0x0];
	v12 =	vmul.f32 v8, v1  }
0x391: {  	s3 =	sor.u32 s29, s4;
	s2 =	sor.u32 s29, s7;
	s1 =	simm.s32 $0x20;
	v11 =	vmul.f32 v9, v1;
	v9 =	vld [tilespmem:s8+$0x0];
	v8 =	vimm.f32 $0.0e+00;
	v5 =	vadd.f32 v5, v3  }
.LBB2_38:
0x392: {  	s4 =	sadd.s32 s1, s5;
	p0 =	sne.s32 s1, $0x270  }
0x393: {  	v13 =	vld [tilespmem:s3+$0x0];
	v14 =	vmul.f32 v6, v1;
	v3 =	vadd.f32 v12, v3;
	s3 =	smov.u32 s1;
	s1 =	sadd.s32 $0x10, s1;
	s6 =	sadd.s32 $0x2800, s4  }
.Ltmp31:
0x394: {  	s7 =	sadd.s32 $0x5000, s4;
	s8 =	sadd.s32 $0x7800, s4;
	v6 =	vld [tilespmem:s2+$0x0];
	v8 =	vadd.f32 v11, v8;
	(pc) =	sbr.rel @p0 .LBB2_38-.Ltmp31, $4  }
0x395: {  	s0 =	sadd.s32 $0x10, s0;
	s2 =	sand.u32 $0x70, s3;
	s3 =	sand.u32 $0x1FF80, s8;
	v10 =	vadd.f32 v14, v10;
	v1 =	vmov v0  }
0x396: {  	s6 =	sand.u32 $0xFF80, s6;
	s7 =	sand.u32 $0x1FF80, s7;
	v0 =	vld [tilespmem:s0+$0x0];
	s8 =	sor.u32 s2, s3;
	v14 =	vmul.f32 v7, v1  }
0x397: {  	s4 =	sand.u32 $0x7F80, s4;
	s6 =	sor.u32 s2, s6;
	s3 =	sor.u32 s2, s7;
	v7 =	vld [tilespmem:s8+$0x0];
	v12 =	vmul.f32 v9, v1  }
0x398: {  	s2 =	sor.u32 s2, s4;
	v9 =	vld [tilespmem:s6+$0x0];
	v11 =	vmul.f32 v13, v1;
	v5 =	vadd.f32 v14, v5  }
0x399: {  	v13 =	vld [tilespmem:s2+$0x0];
	_ =	sdelay $0x1  }
0x39a: {  	v14 =	vld [tilespmem:s3+$0x0]  }
0x39b: {  	v1 =	vmul.f32 v6, v1;
	_ =	sdelay $0x1  }
0x39c: {  	v1 =	vadd.f32 v1, v10;
	v60 =	vmul.f32 v13, v0  }
0x39d: {  	v3 =	vadd.f32 v12, v3;
	v9 =	vmul.f32 v9, v0  }
0x39e: {  	v8 =	vadd.f32 v11, v8;
	v61 =	vmul.f32 v14, v0;
	v1 =	vadd.f32 v60, v1  }
0x39f: {  	(xrf2) =	vadd.scan.msk.f32 $0xffff, v4;
	v0 =	vmul.f32 v7, v0;
	v3 =	vadd.f32 v9, v3  }
0x3a0: {  	v62 =	vadd.f32 v61, v8;
	(xrf2) =	vadd.scan.msk.f32 $0xffff, v1  }
0x3a1: {  	v0 =	vadd.f32 v0, v5;
	(xrf2) =	vadd.scan.msk.f32 $0xffff, v3  }
0x3a2: {  	(xrf2) =	vadd.scan.msk.f32 $0xffff, v62  }
0x3a3: {  	(xrf2) =	vadd.scan.msk.f32 $0xffff, v0;
	_ =	sdelay $0x5  }
0x3a4: {  	v0, _, _ =	vpop (xrf2)  }
0x3a5: {  	v0 =	vbroadcast v0, $0xF;
	v1, _, _ =	vpop (xrf2)  }
0x3a6: {  	v3, _, _ =	vpop (xrf2);
	v1 =	vbroadcast v1, $0xF  }
0x3a7: {  	vm4 =	vcmask $0x314;
	v0 =	vnsel vm0, $0x0, v0;
	v4, _, _ =	vpop (xrf2);
	v3 =	vbroadcast v3, $0xF  }
0x3a8: {  	v0 =	vsel vm4, v0, v1;
	vm4 =	vcmask $0x714;
	v1 =	vbroadcast v4, $0xF;
	v63, _, _ =	vpop (xrf2)  }
0x3a9: {  	v0 =	vsel vm4, v0, v3;
	vm4 =	vcmask $0xB14;
	v3 =	vbroadcast v63, $0xF  }
0x3aa: {  	v0 =	vsel vm4, v0, v1;
	vm4 =	vcmask $0xF14  }
0x3ab: {  	v0 =	vsel vm4, v0, v3  }
0x3ac: {  	s0 =	simm.s32 $0x0;
	s2 =	simm.s32 $0xC600;
	s1 =	simm.s32 $0x1;
	[tilespmem:$0xC600] =	vst v0  }
0x3ad: {  	[hbm4b:s22+s0] =	stream.linear.scatter [tilespmem:s2], [sflag:$0x1], $0x80, $0x38;
	[tilespmem:$0xCE80] =	vst v63  }
0x3ae: {  	_ =	swait.ge [sflag:s1], $0x80  }
0x3af: {  	[sflag:s1] =	ssyncset.done $0x0  }
0x3b0: {  	s31 =	stileid.u32;
	[sflag:s1] =	ssyncadd.s32 $0xFFFFFF80  }
0x3b1: {  	p0 =	sne.s32 s31, $0x0;
	[bflag:$0x0] =	sbarrier.arrive $0xFFFF  }
0x3b2: {  	_ =	sfence.sel @p0 $0x180000  }
0x3b3: {  	[bflag:$0x0] =	sbarrier.arrive @p0 $0xFFFF  }
0x3b4: {  	_ =	strace @p0 $0x90000050  }
0x3b5: {  	[bflag:$0x2] =	sbarrier.arrive @p0 $0xFFFF  }
0x3b6: {  	_ =	shalt @p0  }
.LBB2_40:
0x3b7: {  	s3 =	simm.s32 $0xC680  }
0x3b8: {  	[tilespmem:s3], [sflag:$0x1] =	stream.linear.gather [hbm4b:s21+s0], $0x800, $0x38;
	[tilespmem:$0xCE80] =	vst v63  }
0x3b9: {  	_ =	swait.ge [sflag:s1], $0x800  }
0x3ba: {  	[sflag:s1] =	ssyncset.done $0x0  }
0x3bb: {  	[sflag:s1] =	ssyncadd.s32 $0xFFFFF800  }
0x3bc: {  	v0 =	vld [tilespmem:$0xC680];
	_ =	sdelay $0x1  }
0x3bd: {  	v1 =	vld [tilespmem:$0xC700];
	_ =	sdelay $0x1  }
0x3be: {  	v3 =	vld [tilespmem:$0xC780]  }
0x3bf: {  	v0 =	vadd.f32 $0.0e+00, v0  }
0x3c0: {  	v4 =	vld [tilespmem:$0xC800]  }
0x3c1: {  	v0 =	vadd.f32 v1, v0  }
0x3c2: {  	v40 =	vld [tilespmem:$0xC880]  }
0x3c3: {  	v0 =	vadd.f32 v3, v0  }
0x3c4: {  	v41 =	vld [tilespmem:$0xC900]  }
0x3c5: {  	v0 =	vadd.f32 v4, v0  }
0x3c6: {  	v42 =	vld [tilespmem:$0xC980]  }
0x3c7: {  	v0 =	vadd.f32 v40, v0  }
0x3c8: {  	v43 =	vld [tilespmem:$0xCA00]  }
0x3c9: {  	v0 =	vadd.f32 v41, v0  }
0x3ca: {  	v44 =	vld [tilespmem:$0xCA80]  }
0x3cb: {  	v0 =	vadd.f32 v42, v0  }
0x3cc: {  	v45 =	vld [tilespmem:$0xCB00]  }
0x3cd: {  	v0 =	vadd.f32 v43, v0  }
0x3ce: {  	v46 =	vld [tilespmem:$0xCB80]  }
0x3cf: {  	v0 =	vadd.f32 v44, v0  }
0x3d0: {  	v47 =	vld [tilespmem:$0xCC00]  }
0x3d1: {  	v0 =	vadd.f32 v45, v0  }
0x3d2: {  	v48 =	vld [tilespmem:$0xCC80]  }
0x3d3: {  	v0 =	vadd.f32 v46, v0  }
0x3d4: {  	v49 =	vld [tilespmem:$0xCD00]  }
0x3d5: {  	v0 =	vadd.f32 v47, v0  }
0x3d6: {  	v50 =	vld [tilespmem:$0xCD80]  }
0x3d7: {  	v0 =	vadd.f32 v48, v0  }
0x3d8: {  	v51 =	vld [tilespmem:$0xCE00]  }
0x3d9: {  	v0 =	vadd.f32 v49, v0;
	_ =	sdelay $0x1  }
0x3da: {  	v0 =	vadd.f32 v50, v0;
	_ =	sdelay $0x1  }
0x3db: {  	v0 =	vadd.f32 v51, v0;
	_ =	sdelay $0x1  }
0x3dc: {  	v52 =	vnsel vm0, $0x0, v0  }
0x3dd: {  	v53 =	vsel vm3, $0x0, v0;
	(xrf2) =	vadd.scan.msk.f32 $0xffff, v52  }
0x3de: {  	(xrf2) =	vadd.scan.msk.f32 $0xffff, v53  }
0x3df: {  	v54 =	vsel vm2, $0x0, v0  }
0x3e0: {  	v55 =	vsel vm1, $0x0, v0;
	(xrf2) =	vadd.scan.msk.f32 $0xffff, v54  }
0x3e1: {  	(xrf2) =	vadd.scan.msk.f32 $0xffff, v55  }
0x3e2: {  	v0 =	vsel vm4, $0x0, v0  }
0x3e3: {  	(xrf2) =	vadd.scan.msk.f32 $0xffff, v0;
	_ =	sdelay $0x3  }
0x3e4: {  	v56, _, _ =	vpop (xrf2)  }
0x3e5: {  	v57, _, _ =	vpop (xrf2)  }
0x3e6: {  	v1 =	vbroadcast v57, $0xF  }
0x3e7: {  	v0 =	vbroadcast v56, $0xF;
	v58, _, _ =	vpop (xrf2)  }
0x3e8: {  	v3 =	vbroadcast v58, $0xF;
	v59, _, _ =	vpop (xrf2);
	v1 =	vmul.f32 v1, v2  }
0x3e9: {  	v0 =	vmul.f32 v0, v2;
	v4 =	vbroadcast v59, $0xF  }
0x3ea: {  	v5, _, _ =	vpop (xrf2);
	v3 =	vmul.f32 v3, v2;
	v1 =	vmul.f32 v1, v1  }
0x3eb: {  	v61 =	vbroadcast v5, $0xF  }
0x3ec: {  	v60 =	vmul.f32 v4, v2;
	v3 =	vmul.f32 v3, v3;
	v0 =	vsub.f32 v0, v1;
	_ =	sdelay $0x1  }
0x3ed: {  	v62 =	vmul.f32 v61, v2;
	v1 =	vmul.f32 v60, v60;
	v0 =	vsub.f32 v0, v3;
	_ =	sdelay $0x1  }
0x3ee: {  	v63 =	vmul.f32 v62, v62;
	v0 =	vsub.f32 v0, v1;
	_ =	sdelay $0x1  }
0x3ef: {  	v0 =	vsub.f32 v0, v63;
	_ =	sdelay $0x1  }
0x3f0: {  	s30 =	rddreg [dreg:$0x1];
	[tilespmem:$0xC600] =	vst v0  }
0x3f1: {  	[hbm4b:s30+s0] =	stream.linear.scatter [tilespmem:s2], [sflag:$0x1], $0x80, $0x38;
	[tilespmem:$0xCE80] =	vst v63  }
0x3f2: {  	_ =	swait.ge [sflag:s1], $0x80  }
0x3f3: {  	[sflag:s1] =	ssyncset.done $0x0  }
0x3f4: {  	[sflag:s1] =	ssyncadd.s32 $0xFFFFFF80  }
0x3f5: {  	_ =	sfence.sel $0x180000  }
0x3f6: {  	[bflag:$0x0] =	sbarrier.arrive $0xFFFF  }
0x3f7: {  	_ =	strace $0x90000050  }
0x3f8: {  	[bflag:$0x2] =	sbarrier.arrive $0xFFFF  }
0x3f9: {  	s31 =	rddreg [dreg:$0x3]  }
0x3fa: {  	s0 =	sadd.s32 $0x100000, s31  }
0x3fb: {  	[sflag:s0] =	ssyncadd.tile.s32 $0x1;
	_ =	shalt  }
.Lfunc_end2:
_tile_overlayer_lowered:
.L_overlay_start_2:
0x3fc: {  	(tag) =	ssettag $0x2  }
0x3fd: {  	s0 =	rddreg [dreg:$0x0];
	s2 =	stileid.u32  }
0x3fe: {  	s1 =	rddreg [dreg:$0x1];
	p0 =	sne.s32 s2, $0x0  }
0x3ff: {  	s3 =	rddreg [dreg:$0x2];
	[bflag:$0x3] =	sbarrier.arrive $0xFFFF;
	s2 =	simm.s32 @!p0 $0x1C01  }
0x400: {  	[timem:s3], [sflag:s2] =	dma.local @!p0 [hbm:s0], s1  }
0x401: {  	s0 =	simm.s32 @!p0 $0x1  }
0x402: {  	_ =	swait.ge @!p0 [sflag:s0], s1  }
0x403: {  	s1 =	ssub.s32 @!p0 $0x0, s1;
	[sflag:s0] =	ssyncset.done @!p0 $0x0  }
0x404: {  	[sflag:s0] =	ssyncadd.s32 @!p0 s1  }
0x405: {  	[bflag:$0x3] =	sbarrier.arrive $0xFFFF  }
0x406: {  	_ =	shalt  }

</sc_bundles>
